<compile_context>
chip_gen: v7x
topology: tpu7x:2x2x1
jax: 0.10.2.dev20260603
libtpu: 0.0.44.dev20260713+nightly
codegen_flags: <defaults>
</compile_context>

<pallas_src>
import functools

import jax
import jax.numpy as jnp
from jax import lax
from jax.experimental import pallas as pl
from jax.experimental.pallas import tpu as pltpu
from jax.experimental.pallas import tpu_sc as plsc

_IN_DIM = 1000000
_D = 64
_EPS = 1e-5
_L = 16
_W = 128
_NB = 4
_UNROLL = 4


def _rsqrt(v):
    bits = lax.bitcast_convert_type(v, jnp.int32)
    y = lax.bitcast_convert_type(jnp.int32(0x5F3759DF) - (bits >> 1),
                                 jnp.float32)
    vh = v * 0.5
    y = y * (1.5 - vh * y * y)
    y = y * (1.5 - vh * y * y)
    return y


def _ln_stats(v0, v1, v2, v3):
    s = (v0 + v1) + (v2 + v3)
    sq = (v0 * v0 + v1 * v1) + (v2 * v2 + v3 * v3)
    mean = jnp.sum(s) * (1.0 / _D)
    var = jnp.sum(sq) * (1.0 / _D) - mean * mean + _EPS
    inv = _rsqrt(jnp.full((_L,), var, jnp.float32))
    return jnp.full((_L,), mean, jnp.float32), inv


def kernel(x0, mask, table, ln_gamma, ln_beta):
    B, F = x0.shape
    N = B * F
    x0T = x0.astype(jnp.int32).T
    mT = mask.astype(jnp.int32).T
    gb = jnp.stack([ln_gamma, ln_beta]).astype(jnp.float32)

    info = plsc.get_sparse_core_info()
    nw = info.num_cores * info.num_subcores
    bw = B // nw
    rows_w = bw * F
    n_win = rows_w // _W

    mesh = plsc.VectorSubcoreMesh(core_axis_name="c", subcore_axis_name="s")

    @functools.partial(
        pl.kernel,
        out_type=jax.ShapeDtypeStruct((N, _D), jnp.float32),
        mesh=mesh,
        scratch_types=[
            pltpu.VMEM((F, bw), jnp.int32),
            pltpu.VMEM((F, bw), jnp.int32),
            pltpu.VMEM((n_win, _W), jnp.int32),
            pltpu.VMEM((rows_w,), jnp.int32),
            pltpu.VMEM((_NB, _W, _D), jnp.float32),
            pltpu.VMEM((_NB, _W, _D), jnp.float32),
            pltpu.VMEM((2, _D), jnp.float32),
            pltpu.VMEM((1, _D), jnp.float32),
            pltpu.SemaphoreType.DMA((_NB,)),
            pltpu.SemaphoreType.DMA((_NB,)),
        ],
        compiler_params=pltpu.CompilerParams(needs_layout_passes=False,
                                             use_tc_tiling_on_sc=False),
    )
    def run(x0_hbm, m_hbm, tab_hbm, gb_hbm, out_hbm,
            xs, ms, idx2, mf, rows, obuf, gb_v, pad_v, gsem, osem):
        wid = lax.axis_index("s") * info.num_cores + lax.axis_index("c")
        b0 = wid * bw
        base = wid * rows_w

        pltpu.sync_copy(gb_hbm, gb_v)
        pltpu.sync_copy(x0_hbm.at[:, pl.ds(b0, bw)], xs)
        pltpu.sync_copy(m_hbm.at[:, pl.ds(b0, bw)], ms)
        pltpu.sync_copy(tab_hbm.at[pl.ds(_IN_DIM, 1)], pad_v)

        gvec = [gb_v[0, pl.ds(j * _L, _L)] for j in range(4)]
        bvec = [gb_v[1, pl.ds(j * _L, _L)] for j in range(4)]
        pvec = [pad_v[0, pl.ds(j * _L, _L)] for j in range(4)]
        pmean, pinv = _ln_stats(*pvec)
        cvec = [(pvec[j] - pmean) * pinv * gvec[j] + bvec[j] for j in range(4)]

        ib = lax.iota(jnp.int32, _L)

        @pl.loop(0, F)
        def _(f):
            @pl.loop(0, bw, step=_L)
            def _(bb):
                p = (jnp.full((_L,), bb, jnp.int32) + ib) * F + f
                plsc.store_scatter(idx2, [p >> 7, p & 127],
                                   xs[f, pl.ds(bb, _L)])
                plsc.store_scatter(mf, [p], ms[f, pl.ds(bb, _L)])

        def fire_gather(w, b):
            pltpu.make_async_copy(tab_hbm.at[idx2.at[w]], rows.at[b],
                                  gsem.at[b]).start()

        def wait_gather(w, b):
            pltpu.make_async_copy(tab_hbm.at[idx2.at[w]], rows.at[b],
                                  gsem.at[b]).wait()

        def out_slice(w):
            return out_hbm.at[pl.ds(base + w * _W, _W)]

        def layer_norm(w, b):
            rb = rows.at[b]
            ob = obuf.at[b]

            @pl.loop(0, _W, step=_UNROLL)
            def _(r0):
                for u in range(_UNROLL):
                    r = r0 + u
                    v = [rb[r, pl.ds(j * _L, _L)] for j in range(4)]
                    mean, inv = _ln_stats(*v)
                    msp = plsc.load_gather(
                        mf, [jnp.full((_L,), w * _W + r, jnp.int32)])
                    keep = msp == 0
                    scale = jnp.where(keep, inv, 0.0)
                    for j in range(4):
                        bias = jnp.where(keep, bvec[j], cvec[j])
                        ob[r, pl.ds(j * _L, _L)] = (
                            (v[j] - mean) * (scale * gvec[j]) + bias)

        for b in range(_NB):
            fire_gather(b, b)

        @pl.loop(0, n_win // _NB)
        def _(i):
            for b in range(_NB):
                w = i * _NB + b
                wait_gather(w, b)

                @pl.when(i > 0)
                def _():
                    pltpu.make_async_copy(obuf.at[b], out_slice(w - _NB),
                                          osem.at[b]).wait()

                layer_norm(w, b)
                pltpu.make_async_copy(obuf.at[b], out_slice(w),
                                      osem.at[b]).start()

                @pl.when(i < n_win // _NB - 1)
                def _():
                    fire_gather(w + _NB, b)

        for b in range(_NB):
            pltpu.make_async_copy(obuf.at[b], out_slice(n_win - _NB + b),
                                  osem.at[b]).wait()

    out = run(x0T, mT, table, gb)
    return out.reshape(B, F, _D)

# --- scband reference (transcript-rebuilt; emitter-appended) ---
"""Pipeline reference for scband-masked-embed-46557445489509 (READ-ONLY COPY).

The authoritative reference and input builder live on the scoring server;
editing this copy changes nothing except your own understanding.
"""

import jax, jax.numpy as jnp
import numpy as np

IN_DIM = 1000000
OUT_DIM = 64
BATCH = 16384
FIELDS = 26
EPS = 1e-5


def setup_inputs(seed: int = 0) -> dict:
    key = jax.random.key(seed)
    k1, k2, k3 = jax.random.split(key, 3)
    x0 = jax.random.randint(k1, (BATCH, FIELDS), 0, IN_DIM)
    mask = jax.random.randint(k2, (BATCH, FIELDS), 0, 2).astype(jnp.bool_)
    # learned parameters
    table = jax.random.normal(k3, (IN_DIM + 1, OUT_DIM), dtype=jnp.float32) * 0.02
    ln_gamma = jnp.ones((OUT_DIM,), dtype=jnp.float32)
    ln_beta = jnp.zeros((OUT_DIM,), dtype=jnp.float32)
    return {"x0": x0, "mask": mask, "table": table, "ln_gamma": ln_gamma, "ln_beta": ln_beta}


def reference(x0, mask, table, ln_gamma, ln_beta):
    # categorical path (in_dim > 1): masked positions are replaced by the
    # padding index in_dim, then embedded, then LayerNorm (dropout is eval-mode identity)
    idx = jnp.where(mask, IN_DIM, x0)
    emb = jnp.take(table, idx, axis=0)  # [B, F, D] gather
    mean = jnp.mean(emb, axis=-1, keepdims=True)
    var = jnp.var(emb, axis=-1, keepdims=True)
    out = (emb - mean) / jnp.sqrt(var + EPS) * ln_gamma + ln_beta
    return out

if __name__ == "__main__":
    import jax
    _d = setup_inputs()
    print(jax.jit(kernel)(*tuple(_d.values())))

</pallas_src>

<mosaic_0001>
#map = affine_map<(d0, d1) -> (0, 0)>
module attributes {stable_mosaic.version = 14 : i64} {
  func.func @run(%arg0: i32, %arg1: i32, %arg2: memref<26x16384xi32, #tpu.memory_space<hbm>>, %arg3: memref<26x16384xi32, #tpu.memory_space<hbm>>, %arg4: memref<1000001x64xf32, #tpu.memory_space<hbm>>, %arg5: memref<2x64xf32, #tpu.memory_space<hbm>>, %arg6: memref<425984x64xf32, #tpu.memory_space<hbm>>, %arg7: memref<26x512xi32, #tpu.memory_space<vmem>>, %arg8: memref<26x512xi32, #tpu.memory_space<vmem>>, %arg9: memref<104x128xi32, #tpu.memory_space<vmem>>, %arg10: memref<13312xi32, #tpu.memory_space<vmem>>, %arg11: memref<4x128x64xf32, #tpu.memory_space<vmem>>, %arg12: memref<4x128x64xf32, #tpu.memory_space<vmem>>, %arg13: memref<2x64xf32, #tpu.memory_space<vmem>>, %arg14: memref<1x64xf32, #tpu.memory_space<vmem>>, %arg15: memref<4x!tpu.dma_semaphore, #tpu.memory_space<semaphore_mem>>, %arg16: memref<4x!tpu.dma_semaphore, #tpu.memory_space<semaphore_mem>>) attributes {dimension_semantics = [#tpu.dimension_semantics<core_parallel>, #tpu.dimension_semantics<subcore_parallel>], iteration_bounds = array<i64: 2, 16>, scalar_prefetch = 0 : i64, scratch_operands = 10 : i64, tpu.core_type = #tpu.core_type<sc_vector_subcore>, window_params = [{transform_indices = #map}, {transform_indices = #map}, {transform_indices = #map}, {transform_indices = #map}, {transform_indices = #map}]} {
    %mul3A = arith.constant 2 : i32
    %mul3A_0 = arith.muli %arg1, %mul3A : i32
    %add3A = arith.addi %mul3A_0, %arg0 : i32
    %mul3A_1 = arith.constant 512 : i32
    %mul3A_2 = arith.muli %add3A, %mul3A_1 : i32
    %mul3A_3 = arith.constant 13312 : i32
    %mul3A_4 = arith.muli %add3A, %mul3A_3 : i32
    "tpu.region"() ({
      %run_scoped3A = tpu.sem_alloc : memref<!tpu.dma_semaphore, #tpu.memory_space<semaphore_mem>>
      tpu.enqueue_dma source(%arg5 : memref<2x64xf32, #tpu.memory_space<hbm>>) target(%arg13 : memref<2x64xf32, #tpu.memory_space<vmem>>) target_semaphore(%run_scoped3A : memref<!tpu.dma_semaphore, #tpu.memory_space<semaphore_mem>>)
      tpu.wait_dma2 semaphore(%run_scoped3A : memref<!tpu.dma_semaphore, #tpu.memory_space<semaphore_mem>>) src(%arg5 : memref<2x64xf32, #tpu.memory_space<hbm>>) dst(%arg13 : memref<2x64xf32, #tpu.memory_space<vmem>>)
      tpu.yield
    }) : () -> ()
    "tpu.region"() ({
      %run_scoped3A = tpu.sem_alloc : memref<!tpu.dma_semaphore, #tpu.memory_space<semaphore_mem>>
      %dma_start3A_253 = arith.constant 0 : i32
      %dma_start3A_254 = tpu.memref_slice %arg2[%dma_start3A_253, %mul3A_2] : memref<26x16384xi32, #tpu.memory_space<hbm>> -> memref<26x512xi32, #tpu.memory_space<hbm>>
      %dma_start3A_255 = arith.constant 0 : i32
      %dma_start3A_256 = tpu.memref_slice %arg2[%dma_start3A_255, %mul3A_2] : memref<26x16384xi32, #tpu.memory_space<hbm>> -> memref<26x512xi32, #tpu.memory_space<hbm>>
      tpu.enqueue_dma source(%dma_start3A_256 : memref<26x512xi32, #tpu.memory_space<hbm>>) target(%arg7 : memref<26x512xi32, #tpu.memory_space<vmem>>) target_semaphore(%run_scoped3A : memref<!tpu.dma_semaphore, #tpu.memory_space<semaphore_mem>>)
      %dma_wait3A_257 = arith.constant 0 : i32
      %dma_wait3A_258 = tpu.memref_slice %arg2[%dma_wait3A_257, %mul3A_2] : memref<26x16384xi32, #tpu.memory_space<hbm>> -> memref<26x512xi32, #tpu.memory_space<hbm>>
      %dma_wait3A_259 = arith.constant 0 : i32
      %dma_wait3A_260 = tpu.memref_slice %arg2[%dma_wait3A_259, %mul3A_2] : memref<26x16384xi32, #tpu.memory_space<hbm>> -> memref<26x512xi32, #tpu.memory_space<hbm>>
      tpu.wait_dma2 semaphore(%run_scoped3A : memref<!tpu.dma_semaphore, #tpu.memory_space<semaphore_mem>>) src(%dma_wait3A_260 : memref<26x512xi32, #tpu.memory_space<hbm>>) dst(%arg7 : memref<26x512xi32, #tpu.memory_space<vmem>>)
      tpu.yield
    }) : () -> ()
    "tpu.region"() ({
      %run_scoped3A = tpu.sem_alloc : memref<!tpu.dma_semaphore, #tpu.memory_space<semaphore_mem>>
      %dma_start3A_253 = arith.constant 0 : i32
      %dma_start3A_254 = tpu.memref_slice %arg3[%dma_start3A_253, %mul3A_2] : memref<26x16384xi32, #tpu.memory_space<hbm>> -> memref<26x512xi32, #tpu.memory_space<hbm>>
      %dma_start3A_255 = arith.constant 0 : i32
      %dma_start3A_256 = tpu.memref_slice %arg3[%dma_start3A_255, %mul3A_2] : memref<26x16384xi32, #tpu.memory_space<hbm>> -> memref<26x512xi32, #tpu.memory_space<hbm>>
      tpu.enqueue_dma source(%dma_start3A_256 : memref<26x512xi32, #tpu.memory_space<hbm>>) target(%arg8 : memref<26x512xi32, #tpu.memory_space<vmem>>) target_semaphore(%run_scoped3A : memref<!tpu.dma_semaphore, #tpu.memory_space<semaphore_mem>>)
      %dma_wait3A_257 = arith.constant 0 : i32
      %dma_wait3A_258 = tpu.memref_slice %arg3[%dma_wait3A_257, %mul3A_2] : memref<26x16384xi32, #tpu.memory_space<hbm>> -> memref<26x512xi32, #tpu.memory_space<hbm>>
      %dma_wait3A_259 = arith.constant 0 : i32
      %dma_wait3A_260 = tpu.memref_slice %arg3[%dma_wait3A_259, %mul3A_2] : memref<26x16384xi32, #tpu.memory_space<hbm>> -> memref<26x512xi32, #tpu.memory_space<hbm>>
      tpu.wait_dma2 semaphore(%run_scoped3A : memref<!tpu.dma_semaphore, #tpu.memory_space<semaphore_mem>>) src(%dma_wait3A_260 : memref<26x512xi32, #tpu.memory_space<hbm>>) dst(%arg8 : memref<26x512xi32, #tpu.memory_space<vmem>>)
      tpu.yield
    }) : () -> ()
    "tpu.region"() ({
      %run_scoped3A = tpu.sem_alloc : memref<!tpu.dma_semaphore, #tpu.memory_space<semaphore_mem>>
      %dma_start3A_253 = arith.constant 1000000 : i32
      %dma_start3A_254 = arith.constant 0 : i32
      %dma_start3A_255 = tpu.memref_slice %arg4[%dma_start3A_253, %dma_start3A_254] : memref<1000001x64xf32, #tpu.memory_space<hbm>> -> memref<1x64xf32, #tpu.memory_space<hbm>>
      %dma_start3A_256 = arith.constant 1000000 : i32
      %dma_start3A_257 = arith.constant 0 : i32
      %dma_start3A_258 = tpu.memref_slice %arg4[%dma_start3A_256, %dma_start3A_257] : memref<1000001x64xf32, #tpu.memory_space<hbm>> -> memref<1x64xf32, #tpu.memory_space<hbm>>
      tpu.enqueue_dma source(%dma_start3A_258 : memref<1x64xf32, #tpu.memory_space<hbm>>) target(%arg14 : memref<1x64xf32, #tpu.memory_space<vmem>>) target_semaphore(%run_scoped3A : memref<!tpu.dma_semaphore, #tpu.memory_space<semaphore_mem>>)
      %dma_wait3A_259 = arith.constant 1000000 : i32
      %dma_wait3A_260 = arith.constant 0 : i32
      %dma_wait3A_261 = tpu.memref_slice %arg4[%dma_wait3A_259, %dma_wait3A_260] : memref<1000001x64xf32, #tpu.memory_space<hbm>> -> memref<1x64xf32, #tpu.memory_space<hbm>>
      %dma_wait3A_262 = arith.constant 1000000 : i32
      %dma_wait3A_263 = arith.constant 0 : i32
      %dma_wait3A_264 = tpu.memref_slice %arg4[%dma_wait3A_262, %dma_wait3A_263] : memref<1000001x64xf32, #tpu.memory_space<hbm>> -> memref<1x64xf32, #tpu.memory_space<hbm>>
      tpu.wait_dma2 semaphore(%run_scoped3A : memref<!tpu.dma_semaphore, #tpu.memory_space<semaphore_mem>>) src(%dma_wait3A_264 : memref<1x64xf32, #tpu.memory_space<hbm>>) dst(%arg14 : memref<1x64xf32, #tpu.memory_space<vmem>>)
      tpu.yield
    }) : () -> ()
    %get3A = arith.constant 0 : i32
    %get3A_5 = arith.index_cast %get3A : i32 to index
    %get3A_6 = arith.constant 0 : index
    %get3A_7 = tpu.vector_load %arg13[%get3A_5, %get3A_6] {strides = array<i32>} : memref<2x64xf32, #tpu.memory_space<vmem>>, vector<16xf32>,
    %get3A_8 = arith.constant 0 : i32
    %get3A_9 = arith.index_cast %get3A_8 : i32 to index
    %get3A_10 = arith.constant 16 : index
    %get3A_11 = tpu.vector_load %arg13[%get3A_9, %get3A_10] {strides = array<i32>} : memref<2x64xf32, #tpu.memory_space<vmem>>, vector<16xf32>,
    %get3A_12 = arith.constant 0 : i32
    %get3A_13 = arith.index_cast %get3A_12 : i32 to index
    %get3A_14 = arith.constant 32 : index
    %get3A_15 = tpu.vector_load %arg13[%get3A_13, %get3A_14] {strides = array<i32>} : memref<2x64xf32, #tpu.memory_space<vmem>>, vector<16xf32>,
    %get3A_16 = arith.constant 0 : i32
    %get3A_17 = arith.index_cast %get3A_16 : i32 to index
    %get3A_18 = arith.constant 48 : index
    %get3A_19 = tpu.vector_load %arg13[%get3A_17, %get3A_18] {strides = array<i32>} : memref<2x64xf32, #tpu.memory_space<vmem>>, vector<16xf32>,
    %get3A_20 = arith.constant 1 : i32
    %get3A_21 = arith.index_cast %get3A_20 : i32 to index
    %get3A_22 = arith.constant 0 : index
    %get3A_23 = tpu.vector_load %arg13[%get3A_21, %get3A_22] {strides = array<i32>} : memref<2x64xf32, #tpu.memory_space<vmem>>, vector<16xf32>,
    %get3A_24 = arith.constant 1 : i32
    %get3A_25 = arith.index_cast %get3A_24 : i32 to index
    %get3A_26 = arith.constant 16 : index
    %get3A_27 = tpu.vector_load %arg13[%get3A_25, %get3A_26] {strides = array<i32>} : memref<2x64xf32, #tpu.memory_space<vmem>>, vector<16xf32>,
    %get3A_28 = arith.constant 1 : i32
    %get3A_29 = arith.index_cast %get3A_28 : i32 to index
    %get3A_30 = arith.constant 32 : index
    %get3A_31 = tpu.vector_load %arg13[%get3A_29, %get3A_30] {strides = array<i32>} : memref<2x64xf32, #tpu.memory_space<vmem>>, vector<16xf32>,
    %get3A_32 = arith.constant 1 : i32
    %get3A_33 = arith.index_cast %get3A_32 : i32 to index
    %get3A_34 = arith.constant 48 : index
    %get3A_35 = tpu.vector_load %arg13[%get3A_33, %get3A_34] {strides = array<i32>} : memref<2x64xf32, #tpu.memory_space<vmem>>, vector<16xf32>,
    %get3A_36 = arith.constant 0 : i32
    %get3A_37 = arith.index_cast %get3A_36 : i32 to index
    %get3A_38 = arith.constant 0 : index
    %get3A_39 = tpu.vector_load %arg14[%get3A_37, %get3A_38] {strides = array<i32>} : memref<1x64xf32, #tpu.memory_space<vmem>>, vector<16xf32>,
    %get3A_40 = arith.constant 0 : i32
    %get3A_41 = arith.index_cast %get3A_40 : i32 to index
    %get3A_42 = arith.constant 16 : index
    %get3A_43 = tpu.vector_load %arg14[%get3A_41, %get3A_42] {strides = array<i32>} : memref<1x64xf32, #tpu.memory_space<vmem>>, vector<16xf32>,
    %get3A_44 = arith.constant 0 : i32
    %get3A_45 = arith.index_cast %get3A_44 : i32 to index
    %get3A_46 = arith.constant 32 : index
    %get3A_47 = tpu.vector_load %arg14[%get3A_45, %get3A_46] {strides = array<i32>} : memref<1x64xf32, #tpu.memory_space<vmem>>, vector<16xf32>,
    %get3A_48 = arith.constant 0 : i32
    %get3A_49 = arith.index_cast %get3A_48 : i32 to index
    %get3A_50 = arith.constant 48 : index
    %get3A_51 = tpu.vector_load %arg14[%get3A_49, %get3A_50] {strides = array<i32>} : memref<1x64xf32, #tpu.memory_space<vmem>>, vector<16xf32>,
    %add3A_52 = arith.addf %get3A_39, %get3A_43 : vector<16xf32>
    %add3A_53 = arith.addf %get3A_47, %get3A_51 : vector<16xf32>
    %add3A_54 = arith.addf %add3A_52, %add3A_53 : vector<16xf32>
    %mul3A_55 = arith.mulf %get3A_39, %get3A_39 : vector<16xf32>
    %mul3A_56 = arith.mulf %get3A_43, %get3A_43 : vector<16xf32>
    %add3A_57 = arith.addf %mul3A_55, %mul3A_56 : vector<16xf32>
    %mul3A_58 = arith.mulf %get3A_47, %get3A_47 : vector<16xf32>
    %mul3A_59 = arith.mulf %get3A_51, %get3A_51 : vector<16xf32>
    %add3A_60 = arith.addf %mul3A_58, %mul3A_59 : vector<16xf32>
    %add3A_61 = arith.addf %add3A_57, %add3A_60 : vector<16xf32>
    %reduce_sum3A = arith.constant true
    %reduce_sum3A_62 = vector.broadcast %reduce_sum3A : i1 to vector<16xi1>
    %reduce_sum3A_63 = tpu.scan <sum>, %add3A_54 masked %reduce_sum3A_62 : vector<16xf32>, vector<16xi1> -> vector<16xf32>
    %reduce_sum3A_64 = vector.extract %reduce_sum3A_63[15] : f32 from vector<16xf32>
    %mul3A_65 = arith.constant 1.562500e-02 : f32
    %mul3A_66 = arith.mulf %reduce_sum3A_64, %mul3A_65 : f32
    %reduce_sum3A_67 = arith.constant true
    %reduce_sum3A_68 = vector.broadcast %reduce_sum3A_67 : i1 to vector<16xi1>
    %reduce_sum3A_69 = tpu.scan <sum>, %add3A_61 masked %reduce_sum3A_68 : vector<16xf32>, vector<16xi1> -> vector<16xf32>
    %reduce_sum3A_70 = vector.extract %reduce_sum3A_69[15] : f32 from vector<16xf32>
    %mul3A_71 = arith.constant 1.562500e-02 : f32
    %mul3A_72 = arith.mulf %reduce_sum3A_70, %mul3A_71 : f32
    %mul3A_73 = arith.mulf %mul3A_66, %mul3A_66 : f32
    %sub3A = arith.subf %mul3A_72, %mul3A_73 : f32
    %add3A_74 = arith.constant 9.99999974E-6 : f32
    %add3A_75 = arith.addf %sub3A, %add3A_74 : f32
    %broadcast_in_dim3A = vector.broadcast %add3A_75 : f32 to vector<16xf32>
    %bitcast_convert_type3A = tpu.bitcast %broadcast_in_dim3A : vector<16xf32> -> vector<16xi32>
    %shift_right_arithmetic3A = arith.constant 1 : i32
    %shift_right_arithmetic3A_76 = vector.broadcast %shift_right_arithmetic3A : i32 to vector<16xi32>
    %shift_right_arithmetic3A_77 = arith.shrsi %bitcast_convert_type3A, %shift_right_arithmetic3A_76 : vector<16xi32>
    %sub3A_78 = arith.constant 1597463007 : i32
    %sub3A_79 = vector.broadcast %sub3A_78 : i32 to vector<16xi32>
    %sub3A_80 = arith.subi %sub3A_79, %shift_right_arithmetic3A_77 : vector<16xi32>
    %bitcast_convert_type3A_81 = tpu.bitcast %sub3A_80 : vector<16xi32> -> vector<16xf32>
    %mul3A_82 = arith.constant 5.000000e-01 : f32
    %mul3A_83 = vector.broadcast %mul3A_82 : f32 to vector<16xf32>
    %mul3A_84 = arith.mulf %broadcast_in_dim3A, %mul3A_83 : vector<16xf32>
    %mul3A_85 = arith.mulf %mul3A_84, %bitcast_convert_type3A_81 : vector<16xf32>
    %mul3A_86 = arith.mulf %mul3A_85, %bitcast_convert_type3A_81 : vector<16xf32>
    %sub3A_87 = arith.constant 1.500000e+00 : f32
    %sub3A_88 = vector.broadcast %sub3A_87 : f32 to vector<16xf32>
    %sub3A_89 = arith.subf %sub3A_88, %mul3A_86 : vector<16xf32>
    %mul3A_90 = arith.mulf %bitcast_convert_type3A_81, %sub3A_89 : vector<16xf32>
    %mul3A_91 = arith.mulf %mul3A_84, %mul3A_90 : vector<16xf32>
    %mul3A_92 = arith.mulf %mul3A_91, %mul3A_90 : vector<16xf32>
    %sub3A_93 = arith.constant 1.500000e+00 : f32
    %sub3A_94 = vector.broadcast %sub3A_93 : f32 to vector<16xf32>
    %sub3A_95 = arith.subf %sub3A_94, %mul3A_92 : vector<16xf32>
    %mul3A_96 = arith.mulf %mul3A_90, %sub3A_95 : vector<16xf32>
    %broadcast_in_dim3A_97 = vector.broadcast %mul3A_66 : f32 to vector<16xf32>
    %sub3A_98 = arith.subf %get3A_39, %broadcast_in_dim3A_97 : vector<16xf32>
    %mul3A_99 = arith.mulf %sub3A_98, %mul3A_96 : vector<16xf32>
    %mul3A_100 = arith.mulf %mul3A_99, %get3A_7 : vector<16xf32>
    %add3A_101 = arith.addf %mul3A_100, %get3A_23 : vector<16xf32>
    %sub3A_102 = arith.subf %get3A_43, %broadcast_in_dim3A_97 : vector<16xf32>
    %mul3A_103 = arith.mulf %sub3A_102, %mul3A_96 : vector<16xf32>
    %mul3A_104 = arith.mulf %mul3A_103, %get3A_11 : vector<16xf32>
    %add3A_105 = arith.addf %mul3A_104, %get3A_27 : vector<16xf32>
    %sub3A_106 = arith.subf %get3A_47, %broadcast_in_dim3A_97 : vector<16xf32>
    %mul3A_107 = arith.mulf %sub3A_106, %mul3A_96 : vector<16xf32>
    %mul3A_108 = arith.mulf %mul3A_107, %get3A_15 : vector<16xf32>
    %add3A_109 = arith.addf %mul3A_108, %get3A_31 : vector<16xf32>
    %sub3A_110 = arith.subf %get3A_51, %broadcast_in_dim3A_97 : vector<16xf32>
    %mul3A_111 = arith.mulf %sub3A_110, %mul3A_96 : vector<16xf32>
    %mul3A_112 = arith.mulf %mul3A_111, %get3A_19 : vector<16xf32>
    %add3A_113 = arith.addf %mul3A_112, %get3A_35 : vector<16xf32>
    %iota3A = tpu.iota {dimensions = array<i32: 0>} : vector<16xi32>
    %scan3A = arith.constant 0 : i32
    %scan3A_114 = arith.constant 26 : i32
    %scan3A_115 = arith.addi %scan3A, %scan3A_114 : i32
    %scan3A_116 = arith.constant 1 : i32
    scf.for %scan3A_253 = %scan3A to %scan3A_115 step %scan3A_116  : i32 {
      %mul3A_254 = arith.constant 1 : i32
      %mul3A_255 = arith.muli %scan3A_253, %mul3A_254 : i32
      %add3A_256 = arith.constant 0 : i32
      %add3A_257 = arith.addi %add3A_256, %mul3A_255 : i32
      %scan3A_258 = arith.constant 0 : i32
      %scan3A_259 = arith.constant 32 : i32
      %scan3A_260 = arith.addi %scan3A_258, %scan3A_259 : i32
      %scan3A_261 = arith.constant 1 : i32
      scf.for %scan3A_263 = %scan3A_258 to %scan3A_260 step %scan3A_261  : i32 {
        %mul3A_264 = arith.constant 16 : i32
        %mul3A_265 = arith.muli %scan3A_263, %mul3A_264 : i32
        %add3A_266 = arith.constant 0 : i32
        %add3A_267 = arith.addi %add3A_266, %mul3A_265 : i32
        %broadcast_in_dim3A_268 = vector.broadcast %add3A_267 : i32 to vector<16xi32>
        %add3A_269 = arith.addi %broadcast_in_dim3A_268, %iota3A : vector<16xi32>
        %mul3A_270 = arith.constant 26 : i32
        %mul3A_271 = vector.broadcast %mul3A_270 : i32 to vector<16xi32>
        %mul3A_272 = arith.muli %add3A_269, %mul3A_271 : vector<16xi32>
        %add3A_273 = vector.broadcast %add3A_257 : i32 to vector<16xi32>
        %add3A_274 = arith.addi %mul3A_272, %add3A_273 : vector<16xi32>
        %shift_right_arithmetic3A_275 = arith.constant 7 : i32
        %shift_right_arithmetic3A_276 = vector.broadcast %shift_right_arithmetic3A_275 : i32 to vector<16xi32>
        %shift_right_arithmetic3A_277 = arith.shrsi %add3A_274, %shift_right_arithmetic3A_276 : vector<16xi32>
        %and3A = arith.constant 127 : i32
        %and3A_278 = vector.broadcast %and3A : i32 to vector<16xi32>
        %and3A_279 = arith.andi %add3A_274, %and3A_278 : vector<16xi32>
        %get3A_280 = arith.index_cast %add3A_257 : i32 to index
        %get3A_281 = arith.index_cast %add3A_267 : i32 to index
        %get3A_282 = tpu.vector_load %arg7[%get3A_280, %get3A_281] {strides = array<i32>} : memref<26x512xi32, #tpu.memory_space<vmem>>, vector<16xi32>,
        tpu.vector_store_idx %arg9[%shift_right_arithmetic3A_277, %and3A_279], %get3A_282 : memref<104x128xi32, #tpu.memory_space<vmem>>[vector<16xi32>, vector<16xi32>], vector<16xi32>,
        %get3A_283 = arith.index_cast %add3A_257 : i32 to index
        %get3A_284 = arith.index_cast %add3A_267 : i32 to index
        %get3A_285 = tpu.vector_load %arg8[%get3A_283, %get3A_284] {strides = array<i32>} : memref<26x512xi32, #tpu.memory_space<vmem>>, vector<16xi32>,
        tpu.vector_store_idx %arg10[%add3A_274], %get3A_285 : memref<13312xi32, #tpu.memory_space<vmem>>[vector<16xi32>], vector<16xi32>,
      }
      %scan3A_262 = arith.constant 32 : i32
    }
    %scan3A_117 = arith.constant 26 : i32
    %dma_start3A = arith.constant 0 : i32
    %dma_start3A_118 = arith.constant 0 : i32
    %dma_start3A_119 = arith.constant 0 : i32
    %dma_start3A_120 = arith.constant 0 : i32
    %dma_start3A_121 = arith.constant 0 : i32
    %dma_start3A_122 = tpu.memref_slice %arg11[%dma_start3A_118, %dma_start3A_120, %dma_start3A_121] : memref<4x128x64xf32, #tpu.memory_space<vmem>> -> memref<1x128x64xf32, #tpu.memory_space<vmem>>
    %dma_start3A_123 = tpu.memref_squeeze %dma_start3A_122 : memref<1x128x64xf32, #tpu.memory_space<vmem>> -> memref<128x64xf32, #tpu.memory_space<vmem>>
    %dma_start3A_124 = arith.constant 0 : i32
    %dma_start3A_125 = tpu.memref_slice %arg9[%dma_start3A, %dma_start3A_124] : memref<104x128xi32, #tpu.memory_space<vmem>> -> memref<1x128xi32, #tpu.memory_space<vmem>>
    %dma_start3A_126 = tpu.memref_squeeze %dma_start3A_125 : memref<1x128xi32, #tpu.memory_space<vmem>> -> memref<128xi32, #tpu.memory_space<vmem>>
    %dma_start3A_127 = arith.constant 0 : i32
    %dma_start3A_128 = arith.constant 0 : i32
    %dma_start3A_129 = tpu.memref_slice %arg4[%dma_start3A_127, %dma_start3A_128] : memref<1000001x64xf32, #tpu.memory_space<hbm>> -> memref<1000001x64xf32, #tpu.memory_space<hbm>>
    %dma_start3A_130 = tpu.memref_slice %arg15[%dma_start3A_119] : memref<4x!tpu.dma_semaphore, #tpu.memory_space<semaphore_mem>> -> memref<1x!tpu.dma_semaphore, #tpu.memory_space<semaphore_mem>>
    %dma_start3A_131 = tpu.memref_squeeze %dma_start3A_130 : memref<1x!tpu.dma_semaphore, #tpu.memory_space<semaphore_mem>> -> memref<!tpu.dma_semaphore, #tpu.memory_space<semaphore_mem>>
    tpu.enqueue_indirect_dma source(%dma_start3A_129 : memref<1000001x64xf32, #tpu.memory_space<hbm>>) target(%dma_start3A_123 : memref<128x64xf32, #tpu.memory_space<vmem>>) offsets(%dma_start3A_126 : memref<128xi32, #tpu.memory_space<vmem>>) semaphore(%dma_start3A_131 : memref<!tpu.dma_semaphore, #tpu.memory_space<semaphore_mem>>)
    %dma_start3A_132 = arith.constant 1 : i32
    %dma_start3A_133 = arith.constant 1 : i32
    %dma_start3A_134 = arith.constant 1 : i32
    %dma_start3A_135 = arith.constant 0 : i32
    %dma_start3A_136 = arith.constant 0 : i32
    %dma_start3A_137 = tpu.memref_slice %arg11[%dma_start3A_133, %dma_start3A_135, %dma_start3A_136] : memref<4x128x64xf32, #tpu.memory_space<vmem>> -> memref<1x128x64xf32, #tpu.memory_space<vmem>>
    %dma_start3A_138 = tpu.memref_squeeze %dma_start3A_137 : memref<1x128x64xf32, #tpu.memory_space<vmem>> -> memref<128x64xf32, #tpu.memory_space<vmem>>
    %dma_start3A_139 = arith.constant 0 : i32
    %dma_start3A_140 = tpu.memref_slice %arg9[%dma_start3A_132, %dma_start3A_139] : memref<104x128xi32, #tpu.memory_space<vmem>> -> memref<1x128xi32, #tpu.memory_space<vmem>>
    %dma_start3A_141 = tpu.memref_squeeze %dma_start3A_140 : memref<1x128xi32, #tpu.memory_space<vmem>> -> memref<128xi32, #tpu.memory_space<vmem>>
    %dma_start3A_142 = arith.constant 0 : i32
    %dma_start3A_143 = arith.constant 0 : i32
    %dma_start3A_144 = tpu.memref_slice %arg4[%dma_start3A_142, %dma_start3A_143] : memref<1000001x64xf32, #tpu.memory_space<hbm>> -> memref<1000001x64xf32, #tpu.memory_space<hbm>>
    %dma_start3A_145 = tpu.memref_slice %arg15[%dma_start3A_134] : memref<4x!tpu.dma_semaphore, #tpu.memory_space<semaphore_mem>> -> memref<1x!tpu.dma_semaphore, #tpu.memory_space<semaphore_mem>>
    %dma_start3A_146 = tpu.memref_squeeze %dma_start3A_145 : memref<1x!tpu.dma_semaphore, #tpu.memory_space<semaphore_mem>> -> memref<!tpu.dma_semaphore, #tpu.memory_space<semaphore_mem>>
    tpu.enqueue_indirect_dma source(%dma_start3A_144 : memref<1000001x64xf32, #tpu.memory_space<hbm>>) target(%dma_start3A_138 : memref<128x64xf32, #tpu.memory_space<vmem>>) offsets(%dma_start3A_141 : memref<128xi32, #tpu.memory_space<vmem>>) semaphore(%dma_start3A_146 : memref<!tpu.dma_semaphore, #tpu.memory_space<semaphore_mem>>)
    %dma_start3A_147 = arith.constant 2 : i32
    %dma_start3A_148 = arith.constant 2 : i32
    %dma_start3A_149 = arith.constant 2 : i32
    %dma_start3A_150 = arith.constant 0 : i32
    %dma_start3A_151 = arith.constant 0 : i32
    %dma_start3A_152 = tpu.memref_slice %arg11[%dma_start3A_148, %dma_start3A_150, %dma_start3A_151] : memref<4x128x64xf32, #tpu.memory_space<vmem>> -> memref<1x128x64xf32, #tpu.memory_space<vmem>>
    %dma_start3A_153 = tpu.memref_squeeze %dma_start3A_152 : memref<1x128x64xf32, #tpu.memory_space<vmem>> -> memref<128x64xf32, #tpu.memory_space<vmem>>
    %dma_start3A_154 = arith.constant 0 : i32
    %dma_start3A_155 = tpu.memref_slice %arg9[%dma_start3A_147, %dma_start3A_154] : memref<104x128xi32, #tpu.memory_space<vmem>> -> memref<1x128xi32, #tpu.memory_space<vmem>>
    %dma_start3A_156 = tpu.memref_squeeze %dma_start3A_155 : memref<1x128xi32, #tpu.memory_space<vmem>> -> memref<128xi32, #tpu.memory_space<vmem>>
    %dma_start3A_157 = arith.constant 0 : i32
    %dma_start3A_158 = arith.constant 0 : i32
    %dma_start3A_159 = tpu.memref_slice %arg4[%dma_start3A_157, %dma_start3A_158] : memref<1000001x64xf32, #tpu.memory_space<hbm>> -> memref<1000001x64xf32, #tpu.memory_space<hbm>>
    %dma_start3A_160 = tpu.memref_slice %arg15[%dma_start3A_149] : memref<4x!tpu.dma_semaphore, #tpu.memory_space<semaphore_mem>> -> memref<1x!tpu.dma_semaphore, #tpu.memory_space<semaphore_mem>>
    %dma_start3A_161 = tpu.memref_squeeze %dma_start3A_160 : memref<1x!tpu.dma_semaphore, #tpu.memory_space<semaphore_mem>> -> memref<!tpu.dma_semaphore, #tpu.memory_space<semaphore_mem>>
    tpu.enqueue_indirect_dma source(%dma_start3A_159 : memref<1000001x64xf32, #tpu.memory_space<hbm>>) target(%dma_start3A_153 : memref<128x64xf32, #tpu.memory_space<vmem>>) offsets(%dma_start3A_156 : memref<128xi32, #tpu.memory_space<vmem>>) semaphore(%dma_start3A_161 : memref<!tpu.dma_semaphore, #tpu.memory_space<semaphore_mem>>)
    %dma_start3A_162 = arith.constant 3 : i32
    %dma_start3A_163 = arith.constant 3 : i32
    %dma_start3A_164 = arith.constant 3 : i32
    %dma_start3A_165 = arith.constant 0 : i32
    %dma_start3A_166 = arith.constant 0 : i32
    %dma_start3A_167 = tpu.memref_slice %arg11[%dma_start3A_163, %dma_start3A_165, %dma_start3A_166] : memref<4x128x64xf32, #tpu.memory_space<vmem>> -> memref<1x128x64xf32, #tpu.memory_space<vmem>>
    %dma_start3A_168 = tpu.memref_squeeze %dma_start3A_167 : memref<1x128x64xf32, #tpu.memory_space<vmem>> -> memref<128x64xf32, #tpu.memory_space<vmem>>
    %dma_start3A_169 = arith.constant 0 : i32
    %dma_start3A_170 = tpu.memref_slice %arg9[%dma_start3A_162, %dma_start3A_169] : memref<104x128xi32, #tpu.memory_space<vmem>> -> memref<1x128xi32, #tpu.memory_space<vmem>>
    %dma_start3A_171 = tpu.memref_squeeze %dma_start3A_170 : memref<1x128xi32, #tpu.memory_space<vmem>> -> memref<128xi32, #tpu.memory_space<vmem>>
    %dma_start3A_172 = arith.constant 0 : i32
    %dma_start3A_173 = arith.constant 0 : i32
    %dma_start3A_174 = tpu.memref_slice %arg4[%dma_start3A_172, %dma_start3A_173] : memref<1000001x64xf32, #tpu.memory_space<hbm>> -> memref<1000001x64xf32, #tpu.memory_space<hbm>>
    %dma_start3A_175 = tpu.memref_slice %arg15[%dma_start3A_164] : memref<4x!tpu.dma_semaphore, #tpu.memory_space<semaphore_mem>> -> memref<1x!tpu.dma_semaphore, #tpu.memory_space<semaphore_mem>>
    %dma_start3A_176 = tpu.memref_squeeze %dma_start3A_175 : memref<1x!tpu.dma_semaphore, #tpu.memory_space<semaphore_mem>> -> memref<!tpu.dma_semaphore, #tpu.memory_space<semaphore_mem>>
    tpu.enqueue_indirect_dma source(%dma_start3A_174 : memref<1000001x64xf32, #tpu.memory_space<hbm>>) target(%dma_start3A_168 : memref<128x64xf32, #tpu.memory_space<vmem>>) offsets(%dma_start3A_171 : memref<128xi32, #tpu.memory_space<vmem>>) semaphore(%dma_start3A_176 : memref<!tpu.dma_semaphore, #tpu.memory_space<semaphore_mem>>)
    %scan3A_177 = arith.constant 0 : i32
    %scan3A_178 = arith.constant 26 : i32
    %scan3A_179 = arith.addi %scan3A_177, %scan3A_178 : i32
    %scan3A_180 = arith.constant 1 : i32
    scf.for %scan3A_253 = %scan3A_177 to %scan3A_179 step %scan3A_180  : i32 {
      %mul3A_254 = arith.constant 1 : i32
      %mul3A_255 = arith.muli %scan3A_253, %mul3A_254 : i32
      %add3A_256 = arith.constant 0 : i32
      %add3A_257 = arith.addi %add3A_256, %mul3A_255 : i32
      %mul3A_258 = arith.constant 4 : i32
      %mul3A_259 = arith.muli %add3A_257, %mul3A_258 : i32
      %add3A_260 = arith.constant 0 : i32
      %add3A_261 = arith.addi %mul3A_259, %add3A_260 : i32
      %dma_wait3A_262 = arith.constant 0 : i32
      %dma_wait3A_263 = arith.constant 0 : i32
      %dma_wait3A_264 = arith.constant 0 : i32
      %dma_wait3A_265 = arith.constant 0 : i32
      %dma_wait3A_266 = tpu.memref_slice %arg11[%dma_wait3A_262, %dma_wait3A_264, %dma_wait3A_265] : memref<4x128x64xf32, #tpu.memory_space<vmem>> -> memref<1x128x64xf32, #tpu.memory_space<vmem>>
      %dma_wait3A_267 = tpu.memref_squeeze %dma_wait3A_266 : memref<1x128x64xf32, #tpu.memory_space<vmem>> -> memref<128x64xf32, #tpu.memory_space<vmem>>
      %dma_wait3A_268 = arith.constant 0 : i32
      %dma_wait3A_269 = tpu.memref_slice %arg9[%add3A_261, %dma_wait3A_268] : memref<104x128xi32, #tpu.memory_space<vmem>> -> memref<1x128xi32, #tpu.memory_space<vmem>>
      %dma_wait3A_270 = tpu.memref_squeeze %dma_wait3A_269 : memref<1x128xi32, #tpu.memory_space<vmem>> -> memref<128xi32, #tpu.memory_space<vmem>>
      %dma_wait3A_271 = arith.constant 0 : i32
      %dma_wait3A_272 = arith.constant 0 : i32
      %dma_wait3A_273 = tpu.memref_slice %arg4[%dma_wait3A_271, %dma_wait3A_272] : memref<1000001x64xf32, #tpu.memory_space<hbm>> -> memref<1000001x64xf32, #tpu.memory_space<hbm>>
      %dma_wait3A_274 = tpu.memref_slice %arg15[%dma_wait3A_263] : memref<4x!tpu.dma_semaphore, #tpu.memory_space<semaphore_mem>> -> memref<1x!tpu.dma_semaphore, #tpu.memory_space<semaphore_mem>>
      %dma_wait3A_275 = tpu.memref_squeeze %dma_wait3A_274 : memref<1x!tpu.dma_semaphore, #tpu.memory_space<semaphore_mem>> -> memref<!tpu.dma_semaphore, #tpu.memory_space<semaphore_mem>>
      tpu.wait_indirect_dma semaphore(%dma_wait3A_275 : memref<!tpu.dma_semaphore, #tpu.memory_space<semaphore_mem>>) src(%dma_wait3A_273 : memref<1000001x64xf32, #tpu.memory_space<hbm>>) dst(%dma_wait3A_267 : memref<128x64xf32, #tpu.memory_space<vmem>>)
      %gt3A = arith.constant 0 : i32
      %gt3A_276 = arith.cmpi sgt, %add3A_257, %gt3A : i32
      %convert_element_type3A = arith.extui %gt3A_276 : i1 to i32
      %cond3A = arith.constant 0 : i32
      %cond3A_277 = arith.cmpi ne, %convert_element_type3A, %cond3A : i32
      scf.if %cond3A_277 {
        %sub3A_470 = arith.constant 4 : i32
        %sub3A_471 = arith.subi %add3A_261, %sub3A_470 : i32
        %mul3A_472 = arith.constant 128 : i32
        %mul3A_473 = arith.muli %sub3A_471, %mul3A_472 : i32
        %add3A_474 = arith.addi %mul3A_4, %mul3A_473 : i32
        %dma_wait3A_475 = arith.constant 0 : i32
        %dma_wait3A_476 = arith.constant 0 : i32
        %dma_wait3A_477 = arith.constant 0 : i32
        %dma_wait3A_478 = arith.constant 0 : i32
        %dma_wait3A_479 = tpu.memref_slice %arg12[%dma_wait3A_475, %dma_wait3A_477, %dma_wait3A_478] : memref<4x128x64xf32, #tpu.memory_space<vmem>> -> memref<1x128x64xf32, #tpu.memory_space<vmem>>
        %dma_wait3A_480 = tpu.memref_squeeze %dma_wait3A_479 : memref<1x128x64xf32, #tpu.memory_space<vmem>> -> memref<128x64xf32, #tpu.memory_space<vmem>>
        %dma_wait3A_481 = arith.constant 0 : i32
        %dma_wait3A_482 = tpu.memref_slice %arg6[%add3A_474, %dma_wait3A_481] : memref<425984x64xf32, #tpu.memory_space<hbm>> -> memref<128x64xf32, #tpu.memory_space<hbm>>
        %dma_wait3A_483 = tpu.memref_slice %arg16[%dma_wait3A_476] : memref<4x!tpu.dma_semaphore, #tpu.memory_space<semaphore_mem>> -> memref<1x!tpu.dma_semaphore, #tpu.memory_space<semaphore_mem>>
        %dma_wait3A_484 = tpu.memref_squeeze %dma_wait3A_483 : memref<1x!tpu.dma_semaphore, #tpu.memory_space<semaphore_mem>> -> memref<!tpu.dma_semaphore, #tpu.memory_space<semaphore_mem>>
        %dma_wait3A_485 = arith.constant 0 : i32
        %dma_wait3A_486 = tpu.memref_slice %arg6[%add3A_474, %dma_wait3A_485] : memref<425984x64xf32, #tpu.memory_space<hbm>> -> memref<128x64xf32, #tpu.memory_space<hbm>>
        %dma_wait3A_487 = arith.constant 0 : i32
        %dma_wait3A_488 = arith.constant 0 : i32
        %dma_wait3A_489 = tpu.memref_slice %arg12[%dma_wait3A_475, %dma_wait3A_487, %dma_wait3A_488] : memref<4x128x64xf32, #tpu.memory_space<vmem>> -> memref<1x128x64xf32, #tpu.memory_space<vmem>>
        %dma_wait3A_490 = tpu.memref_squeeze %dma_wait3A_489 : memref<1x128x64xf32, #tpu.memory_space<vmem>> -> memref<128x64xf32, #tpu.memory_space<vmem>>
        tpu.wait_dma2 semaphore(%dma_wait3A_484 : memref<!tpu.dma_semaphore, #tpu.memory_space<semaphore_mem>>) src(%dma_wait3A_490 : memref<128x64xf32, #tpu.memory_space<vmem>>) dst(%dma_wait3A_486 : memref<128x64xf32, #tpu.memory_space<hbm>>)
      } else {
      }
      %scan3A_278 = arith.constant 0 : i32
      %scan3A_279 = arith.constant 0 : i32
      %scan3A_280 = arith.constant 0 : i32
      %scan3A_281 = arith.constant 32 : i32
      %scan3A_282 = arith.addi %scan3A_280, %scan3A_281 : i32
      %scan3A_283 = arith.constant 1 : i32
      scf.for %scan3A_470 = %scan3A_280 to %scan3A_282 step %scan3A_283  : i32 {
        %mul3A_471 = arith.constant 4 : i32
        %mul3A_472 = arith.muli %scan3A_470, %mul3A_471 : i32
        %add3A_473 = arith.constant 0 : i32
        %add3A_474 = arith.addi %add3A_473, %mul3A_472 : i32
        %add3A_475 = arith.constant 0 : i32
        %add3A_476 = arith.addi %add3A_474, %add3A_475 : i32
        %get3A_477 = arith.constant 0 : i32
        %get3A_478 = arith.constant 0 : i32
        %get3A_479 = tpu.memref_slice %arg11[%scan3A_278, %get3A_477, %get3A_478] : memref<4x128x64xf32, #tpu.memory_space<vmem>> -> memref<1x128x64xf32, #tpu.memory_space<vmem>>
        %get3A_480 = tpu.memref_squeeze %get3A_479 : memref<1x128x64xf32, #tpu.memory_space<vmem>> -> memref<128x64xf32, #tpu.memory_space<vmem>>
        %get3A_481 = arith.index_cast %add3A_476 : i32 to index
        %get3A_482 = arith.constant 0 : index
        %get3A_483 = tpu.vector_load %get3A_480[%get3A_481, %get3A_482] {strides = array<i32>} : memref<128x64xf32, #tpu.memory_space<vmem>>, vector<16xf32>,
        %get3A_484 = arith.constant 0 : i32
        %get3A_485 = arith.constant 0 : i32
        %get3A_486 = tpu.memref_slice %arg11[%scan3A_278, %get3A_484, %get3A_485] : memref<4x128x64xf32, #tpu.memory_space<vmem>> -> memref<1x128x64xf32, #tpu.memory_space<vmem>>
        %get3A_487 = tpu.memref_squeeze %get3A_486 : memref<1x128x64xf32, #tpu.memory_space<vmem>> -> memref<128x64xf32, #tpu.memory_space<vmem>>
        %get3A_488 = arith.index_cast %add3A_476 : i32 to index
        %get3A_489 = arith.constant 16 : index
        %get3A_490 = tpu.vector_load %get3A_487[%get3A_488, %get3A_489] {strides = array<i32>} : memref<128x64xf32, #tpu.memory_space<vmem>>, vector<16xf32>,
        %get3A_491 = arith.constant 0 : i32
        %get3A_492 = arith.constant 0 : i32
        %get3A_493 = tpu.memref_slice %arg11[%scan3A_278, %get3A_491, %get3A_492] : memref<4x128x64xf32, #tpu.memory_space<vmem>> -> memref<1x128x64xf32, #tpu.memory_space<vmem>>
        %get3A_494 = tpu.memref_squeeze %get3A_493 : memref<1x128x64xf32, #tpu.memory_space<vmem>> -> memref<128x64xf32, #tpu.memory_space<vmem>>
        %get3A_495 = arith.index_cast %add3A_476 : i32 to index
        %get3A_496 = arith.constant 32 : index
        %get3A_497 = tpu.vector_load %get3A_494[%get3A_495, %get3A_496] {strides = array<i32>} : memref<128x64xf32, #tpu.memory_space<vmem>>, vector<16xf32>,
        %get3A_498 = arith.constant 0 : i32
        %get3A_499 = arith.constant 0 : i32
        %get3A_500 = tpu.memref_slice %arg11[%scan3A_278, %get3A_498, %get3A_499] : memref<4x128x64xf32, #tpu.memory_space<vmem>> -> memref<1x128x64xf32, #tpu.memory_space<vmem>>
        %get3A_501 = tpu.memref_squeeze %get3A_500 : memref<1x128x64xf32, #tpu.memory_space<vmem>> -> memref<128x64xf32, #tpu.memory_space<vmem>>
        %get3A_502 = arith.index_cast %add3A_476 : i32 to index
        %get3A_503 = arith.constant 48 : index
        %get3A_504 = tpu.vector_load %get3A_501[%get3A_502, %get3A_503] {strides = array<i32>} : memref<128x64xf32, #tpu.memory_space<vmem>>, vector<16xf32>,
        %add3A_505 = arith.addf %get3A_483, %get3A_490 : vector<16xf32>
        %add3A_506 = arith.addf %get3A_497, %get3A_504 : vector<16xf32>
        %add3A_507 = arith.addf %add3A_505, %add3A_506 : vector<16xf32>
        %mul3A_508 = arith.mulf %get3A_483, %get3A_483 : vector<16xf32>
        %mul3A_509 = arith.mulf %get3A_490, %get3A_490 : vector<16xf32>
        %add3A_510 = arith.addf %mul3A_508, %mul3A_509 : vector<16xf32>
        %mul3A_511 = arith.mulf %get3A_497, %get3A_497 : vector<16xf32>
        %mul3A_512 = arith.mulf %get3A_504, %get3A_504 : vector<16xf32>
        %add3A_513 = arith.addf %mul3A_511, %mul3A_512 : vector<16xf32>
        %add3A_514 = arith.addf %add3A_510, %add3A_513 : vector<16xf32>
        %reduce_sum3A_515 = arith.constant true
        %reduce_sum3A_516 = vector.broadcast %reduce_sum3A_515 : i1 to vector<16xi1>
        %reduce_sum3A_517 = tpu.scan <sum>, %add3A_507 masked %reduce_sum3A_516 : vector<16xf32>, vector<16xi1> -> vector<16xf32>
        %reduce_sum3A_518 = vector.extract %reduce_sum3A_517[15] : f32 from vector<16xf32>
        %mul3A_519 = arith.constant 1.562500e-02 : f32
        %mul3A_520 = arith.mulf %reduce_sum3A_518, %mul3A_519 : f32
        %reduce_sum3A_521 = arith.constant true
        %reduce_sum3A_522 = vector.broadcast %reduce_sum3A_521 : i1 to vector<16xi1>
        %reduce_sum3A_523 = tpu.scan <sum>, %add3A_514 masked %reduce_sum3A_522 : vector<16xf32>, vector<16xi1> -> vector<16xf32>
        %reduce_sum3A_524 = vector.extract %reduce_sum3A_523[15] : f32 from vector<16xf32>
        %mul3A_525 = arith.constant 1.562500e-02 : f32
        %mul3A_526 = arith.mulf %reduce_sum3A_524, %mul3A_525 : f32
        %mul3A_527 = arith.mulf %mul3A_520, %mul3A_520 : f32
        %sub3A_528 = arith.subf %mul3A_526, %mul3A_527 : f32
        %add3A_529 = arith.constant 9.99999974E-6 : f32
        %add3A_530 = arith.addf %sub3A_528, %add3A_529 : f32
        %broadcast_in_dim3A_531 = vector.broadcast %add3A_530 : f32 to vector<16xf32>
        %bitcast_convert_type3A_532 = tpu.bitcast %broadcast_in_dim3A_531 : vector<16xf32> -> vector<16xi32>
        %shift_right_arithmetic3A_533 = arith.constant 1 : i32
        %shift_right_arithmetic3A_534 = vector.broadcast %shift_right_arithmetic3A_533 : i32 to vector<16xi32>
        %shift_right_arithmetic3A_535 = arith.shrsi %bitcast_convert_type3A_532, %shift_right_arithmetic3A_534 : vector<16xi32>
        %sub3A_536 = arith.constant 1597463007 : i32
        %sub3A_537 = vector.broadcast %sub3A_536 : i32 to vector<16xi32>
        %sub3A_538 = arith.subi %sub3A_537, %shift_right_arithmetic3A_535 : vector<16xi32>
        %bitcast_convert_type3A_539 = tpu.bitcast %sub3A_538 : vector<16xi32> -> vector<16xf32>
        %mul3A_540 = arith.constant 5.000000e-01 : f32
        %mul3A_541 = vector.broadcast %mul3A_540 : f32 to vector<16xf32>
        %mul3A_542 = arith.mulf %broadcast_in_dim3A_531, %mul3A_541 : vector<16xf32>
        %mul3A_543 = arith.mulf %mul3A_542, %bitcast_convert_type3A_539 : vector<16xf32>
        %mul3A_544 = arith.mulf %mul3A_543, %bitcast_convert_type3A_539 : vector<16xf32>
        %sub3A_545 = arith.constant 1.500000e+00 : f32
        %sub3A_546 = vector.broadcast %sub3A_545 : f32 to vector<16xf32>
        %sub3A_547 = arith.subf %sub3A_546, %mul3A_544 : vector<16xf32>
        %mul3A_548 = arith.mulf %bitcast_convert_type3A_539, %sub3A_547 : vector<16xf32>
        %mul3A_549 = arith.mulf %mul3A_542, %mul3A_548 : vector<16xf32>
        %mul3A_550 = arith.mulf %mul3A_549, %mul3A_548 : vector<16xf32>
        %sub3A_551 = arith.constant 1.500000e+00 : f32
        %sub3A_552 = vector.broadcast %sub3A_551 : f32 to vector<16xf32>
        %sub3A_553 = arith.subf %sub3A_552, %mul3A_550 : vector<16xf32>
        %mul3A_554 = arith.mulf %mul3A_548, %sub3A_553 : vector<16xf32>
        %broadcast_in_dim3A_555 = vector.broadcast %mul3A_520 : f32 to vector<16xf32>
        %mul3A_556 = arith.constant 128 : i32
        %mul3A_557 = arith.muli %add3A_261, %mul3A_556 : i32
        %add3A_558 = arith.addi %mul3A_557, %add3A_476 : i32
        %broadcast_in_dim3A_559 = vector.broadcast %add3A_558 : i32 to vector<16xi32>
        %gather3A = tpu.vector_load_idx %arg10[%broadcast_in_dim3A_559] : memref<13312xi32, #tpu.memory_space<vmem>>[vector<16xi32>], vector<16xi32>,
        %eq3A = arith.constant 0 : i32
        %eq3A_560 = vector.broadcast %eq3A : i32 to vector<16xi32>
        %eq3A_561 = arith.cmpi eq, %gather3A, %eq3A_560 : vector<16xi32>
        %jit3A = arith.constant 0.000000e+00 : f32
        %broadcast_in_dim3A_562 = vector.broadcast %jit3A : f32 to vector<16xf32>
        %select_n3A = arith.select %eq3A_561, %mul3A_554, %broadcast_in_dim3A_562 : vector<16xi1>, vector<16xf32>
        %select_n3A_563 = arith.select %eq3A_561, %get3A_23, %add3A_101 : vector<16xi1>, vector<16xf32>
        %sub3A_564 = arith.subf %get3A_483, %broadcast_in_dim3A_555 : vector<16xf32>
        %mul3A_565 = arith.mulf %select_n3A, %get3A_7 : vector<16xf32>
        %mul3A_566 = arith.mulf %sub3A_564, %mul3A_565 : vector<16xf32>
        %add3A_567 = arith.addf %mul3A_566, %select_n3A_563 : vector<16xf32>
        %swap3A = arith.constant 0 : i32
        %swap3A_568 = arith.constant 0 : i32
        %swap3A_569 = tpu.memref_slice %arg12[%scan3A_279, %swap3A, %swap3A_568] : memref<4x128x64xf32, #tpu.memory_space<vmem>> -> memref<1x128x64xf32, #tpu.memory_space<vmem>>
        %swap3A_570 = tpu.memref_squeeze %swap3A_569 : memref<1x128x64xf32, #tpu.memory_space<vmem>> -> memref<128x64xf32, #tpu.memory_space<vmem>>
        %swap3A_571 = arith.index_cast %add3A_476 : i32 to index
        %swap3A_572 = arith.constant 0 : index
        %swap3A_573 = tpu.vector_load %swap3A_570[%swap3A_571, %swap3A_572] {strides = array<i32>} : memref<128x64xf32, #tpu.memory_space<vmem>>, vector<16xf32>,
        tpu.vector_store %swap3A_570[%swap3A_571, %swap3A_572], %add3A_567 {strides = array<i32>} : memref<128x64xf32, #tpu.memory_space<vmem>>, vector<16xf32>,
        %select_n3A_574 = arith.select %eq3A_561, %get3A_27, %add3A_105 : vector<16xi1>, vector<16xf32>
        %sub3A_575 = arith.subf %get3A_490, %broadcast_in_dim3A_555 : vector<16xf32>
        %mul3A_576 = arith.mulf %select_n3A, %get3A_11 : vector<16xf32>
        %mul3A_577 = arith.mulf %sub3A_575, %mul3A_576 : vector<16xf32>
        %add3A_578 = arith.addf %mul3A_577, %select_n3A_574 : vector<16xf32>
        %swap3A_579 = arith.constant 0 : i32
        %swap3A_580 = arith.constant 0 : i32
        %swap3A_581 = tpu.memref_slice %arg12[%scan3A_279, %swap3A_579, %swap3A_580] : memref<4x128x64xf32, #tpu.memory_space<vmem>> -> memref<1x128x64xf32, #tpu.memory_space<vmem>>
        %swap3A_582 = tpu.memref_squeeze %swap3A_581 : memref<1x128x64xf32, #tpu.memory_space<vmem>> -> memref<128x64xf32, #tpu.memory_space<vmem>>
        %swap3A_583 = arith.index_cast %add3A_476 : i32 to index
        %swap3A_584 = arith.constant 16 : index
        %swap3A_585 = tpu.vector_load %swap3A_582[%swap3A_583, %swap3A_584] {strides = array<i32>} : memref<128x64xf32, #tpu.memory_space<vmem>>, vector<16xf32>,
        tpu.vector_store %swap3A_582[%swap3A_583, %swap3A_584], %add3A_578 {strides = array<i32>} : memref<128x64xf32, #tpu.memory_space<vmem>>, vector<16xf32>,
        %select_n3A_586 = arith.select %eq3A_561, %get3A_31, %add3A_109 : vector<16xi1>, vector<16xf32>
        %sub3A_587 = arith.subf %get3A_497, %broadcast_in_dim3A_555 : vector<16xf32>
        %mul3A_588 = arith.mulf %select_n3A, %get3A_15 : vector<16xf32>
        %mul3A_589 = arith.mulf %sub3A_587, %mul3A_588 : vector<16xf32>
        %add3A_590 = arith.addf %mul3A_589, %select_n3A_586 : vector<16xf32>
        %swap3A_591 = arith.constant 0 : i32
        %swap3A_592 = arith.constant 0 : i32
        %swap3A_593 = tpu.memref_slice %arg12[%scan3A_279, %swap3A_591, %swap3A_592] : memref<4x128x64xf32, #tpu.memory_space<vmem>> -> memref<1x128x64xf32, #tpu.memory_space<vmem>>
        %swap3A_594 = tpu.memref_squeeze %swap3A_593 : memref<1x128x64xf32, #tpu.memory_space<vmem>> -> memref<128x64xf32, #tpu.memory_space<vmem>>
        %swap3A_595 = arith.index_cast %add3A_476 : i32 to index
        %swap3A_596 = arith.constant 32 : index
        %swap3A_597 = tpu.vector_load %swap3A_594[%swap3A_595, %swap3A_596] {strides = array<i32>} : memref<128x64xf32, #tpu.memory_space<vmem>>, vector<16xf32>,
        tpu.vector_store %swap3A_594[%swap3A_595, %swap3A_596], %add3A_590 {strides = array<i32>} : memref<128x64xf32, #tpu.memory_space<vmem>>, vector<16xf32>,
        %select_n3A_598 = arith.select %eq3A_561, %get3A_35, %add3A_113 : vector<16xi1>, vector<16xf32>
        %sub3A_599 = arith.subf %get3A_504, %broadcast_in_dim3A_555 : vector<16xf32>
        %mul3A_600 = arith.mulf %select_n3A, %get3A_19 : vector<16xf32>
        %mul3A_601 = arith.mulf %sub3A_599, %mul3A_600 : vector<16xf32>
        %add3A_602 = arith.addf %mul3A_601, %select_n3A_598 : vector<16xf32>
        %swap3A_603 = arith.constant 0 : i32
        %swap3A_604 = arith.constant 0 : i32
        %swap3A_605 = tpu.memref_slice %arg12[%scan3A_279, %swap3A_603, %swap3A_604] : memref<4x128x64xf32, #tpu.memory_space<vmem>> -> memref<1x128x64xf32, #tpu.memory_space<vmem>>
        %swap3A_606 = tpu.memref_squeeze %swap3A_605 : memref<1x128x64xf32, #tpu.memory_space<vmem>> -> memref<128x64xf32, #tpu.memory_space<vmem>>
        %swap3A_607 = arith.index_cast %add3A_476 : i32 to index
        %swap3A_608 = arith.constant 48 : index
        %swap3A_609 = tpu.vector_load %swap3A_606[%swap3A_607, %swap3A_608] {strides = array<i32>} : memref<128x64xf32, #tpu.memory_space<vmem>>, vector<16xf32>,
        tpu.vector_store %swap3A_606[%swap3A_607, %swap3A_608], %add3A_602 {strides = array<i32>} : memref<128x64xf32, #tpu.memory_space<vmem>>, vector<16xf32>,
        %add3A_610 = arith.constant 1 : i32
        %add3A_611 = arith.addi %add3A_474, %add3A_610 : i32
        %get3A_612 = arith.constant 0 : i32
        %get3A_613 = arith.constant 0 : i32
        %get3A_614 = tpu.memref_slice %arg11[%scan3A_278, %get3A_612, %get3A_613] : memref<4x128x64xf32, #tpu.memory_space<vmem>> -> memref<1x128x64xf32, #tpu.memory_space<vmem>>
        %get3A_615 = tpu.memref_squeeze %get3A_614 : memref<1x128x64xf32, #tpu.memory_space<vmem>> -> memref<128x64xf32, #tpu.memory_space<vmem>>
        %get3A_616 = arith.index_cast %add3A_611 : i32 to index
        %get3A_617 = arith.constant 0 : index
        %get3A_618 = tpu.vector_load %get3A_615[%get3A_616, %get3A_617] {strides = array<i32>} : memref<128x64xf32, #tpu.memory_space<vmem>>, vector<16xf32>,
        %get3A_619 = arith.constant 0 : i32
        %get3A_620 = arith.constant 0 : i32
        %get3A_621 = tpu.memref_slice %arg11[%scan3A_278, %get3A_619, %get3A_620] : memref<4x128x64xf32, #tpu.memory_space<vmem>> -> memref<1x128x64xf32, #tpu.memory_space<vmem>>
        %get3A_622 = tpu.memref_squeeze %get3A_621 : memref<1x128x64xf32, #tpu.memory_space<vmem>> -> memref<128x64xf32, #tpu.memory_space<vmem>>
        %get3A_623 = arith.index_cast %add3A_611 : i32 to index
        %get3A_624 = arith.constant 16 : index
        %get3A_625 = tpu.vector_load %get3A_622[%get3A_623, %get3A_624] {strides = array<i32>} : memref<128x64xf32, #tpu.memory_space<vmem>>, vector<16xf32>,
        %get3A_626 = arith.constant 0 : i32
        %get3A_627 = arith.constant 0 : i32
        %get3A_628 = tpu.memref_slice %arg11[%scan3A_278, %get3A_626, %get3A_627] : memref<4x128x64xf32, #tpu.memory_space<vmem>> -> memref<1x128x64xf32, #tpu.memory_space<vmem>>
        %get3A_629 = tpu.memref_squeeze %get3A_628 : memref<1x128x64xf32, #tpu.memory_space<vmem>> -> memref<128x64xf32, #tpu.memory_space<vmem>>
        %get3A_630 = arith.index_cast %add3A_611 : i32 to index
        %get3A_631 = arith.constant 32 : index
        %get3A_632 = tpu.vector_load %get3A_629[%get3A_630, %get3A_631] {strides = array<i32>} : memref<128x64xf32, #tpu.memory_space<vmem>>, vector<16xf32>,
        %get3A_633 = arith.constant 0 : i32
        %get3A_634 = arith.constant 0 : i32
        %get3A_635 = tpu.memref_slice %arg11[%scan3A_278, %get3A_633, %get3A_634] : memref<4x128x64xf32, #tpu.memory_space<vmem>> -> memref<1x128x64xf32, #tpu.memory_space<vmem>>
        %get3A_636 = tpu.memref_squeeze %get3A_635 : memref<1x128x64xf32, #tpu.memory_space<vmem>> -> memref<128x64xf32, #tpu.memory_space<vmem>>
        %get3A_637 = arith.index_cast %add3A_611 : i32 to index
        %get3A_638 = arith.constant 48 : index
        %get3A_639 = tpu.vector_load %get3A_636[%get3A_637, %get3A_638] {strides = array<i32>} : memref<128x64xf32, #tpu.memory_space<vmem>>, vector<16xf32>,
        %add3A_640 = arith.addf %get3A_618, %get3A_625 : vector<16xf32>
        %add3A_641 = arith.addf %get3A_632, %get3A_639 : vector<16xf32>
        %add3A_642 = arith.addf %add3A_640, %add3A_641 : vector<16xf32>
        %mul3A_643 = arith.mulf %get3A_618, %get3A_618 : vector<16xf32>
        %mul3A_644 = arith.mulf %get3A_625, %get3A_625 : vector<16xf32>
        %add3A_645 = arith.addf %mul3A_643, %mul3A_644 : vector<16xf32>
        %mul3A_646 = arith.mulf %get3A_632, %get3A_632 : vector<16xf32>
        %mul3A_647 = arith.mulf %get3A_639, %get3A_639 : vector<16xf32>
        %add3A_648 = arith.addf %mul3A_646, %mul3A_647 : vector<16xf32>
        %add3A_649 = arith.addf %add3A_645, %add3A_648 : vector<16xf32>
        %reduce_sum3A_650 = arith.constant true
        %reduce_sum3A_651 = vector.broadcast %reduce_sum3A_650 : i1 to vector<16xi1>
        %reduce_sum3A_652 = tpu.scan <sum>, %add3A_642 masked %reduce_sum3A_651 : vector<16xf32>, vector<16xi1> -> vector<16xf32>
        %reduce_sum3A_653 = vector.extract %reduce_sum3A_652[15] : f32 from vector<16xf32>
        %mul3A_654 = arith.constant 1.562500e-02 : f32
        %mul3A_655 = arith.mulf %reduce_sum3A_653, %mul3A_654 : f32
        %reduce_sum3A_656 = arith.constant true
        %reduce_sum3A_657 = vector.broadcast %reduce_sum3A_656 : i1 to vector<16xi1>
        %reduce_sum3A_658 = tpu.scan <sum>, %add3A_649 masked %reduce_sum3A_657 : vector<16xf32>, vector<16xi1> -> vector<16xf32>
        %reduce_sum3A_659 = vector.extract %reduce_sum3A_658[15] : f32 from vector<16xf32>
        %mul3A_660 = arith.constant 1.562500e-02 : f32
        %mul3A_661 = arith.mulf %reduce_sum3A_659, %mul3A_660 : f32
        %mul3A_662 = arith.mulf %mul3A_655, %mul3A_655 : f32
        %sub3A_663 = arith.subf %mul3A_661, %mul3A_662 : f32
        %add3A_664 = arith.constant 9.99999974E-6 : f32
        %add3A_665 = arith.addf %sub3A_663, %add3A_664 : f32
        %broadcast_in_dim3A_666 = vector.broadcast %add3A_665 : f32 to vector<16xf32>
        %bitcast_convert_type3A_667 = tpu.bitcast %broadcast_in_dim3A_666 : vector<16xf32> -> vector<16xi32>
        %shift_right_arithmetic3A_668 = arith.constant 1 : i32
        %shift_right_arithmetic3A_669 = vector.broadcast %shift_right_arithmetic3A_668 : i32 to vector<16xi32>
        %shift_right_arithmetic3A_670 = arith.shrsi %bitcast_convert_type3A_667, %shift_right_arithmetic3A_669 : vector<16xi32>
        %sub3A_671 = arith.constant 1597463007 : i32
        %sub3A_672 = vector.broadcast %sub3A_671 : i32 to vector<16xi32>
        %sub3A_673 = arith.subi %sub3A_672, %shift_right_arithmetic3A_670 : vector<16xi32>
        %bitcast_convert_type3A_674 = tpu.bitcast %sub3A_673 : vector<16xi32> -> vector<16xf32>
        %mul3A_675 = arith.constant 5.000000e-01 : f32
        %mul3A_676 = vector.broadcast %mul3A_675 : f32 to vector<16xf32>
        %mul3A_677 = arith.mulf %broadcast_in_dim3A_666, %mul3A_676 : vector<16xf32>
        %mul3A_678 = arith.mulf %mul3A_677, %bitcast_convert_type3A_674 : vector<16xf32>
        %mul3A_679 = arith.mulf %mul3A_678, %bitcast_convert_type3A_674 : vector<16xf32>
        %sub3A_680 = arith.constant 1.500000e+00 : f32
        %sub3A_681 = vector.broadcast %sub3A_680 : f32 to vector<16xf32>
        %sub3A_682 = arith.subf %sub3A_681, %mul3A_679 : vector<16xf32>
        %mul3A_683 = arith.mulf %bitcast_convert_type3A_674, %sub3A_682 : vector<16xf32>
        %mul3A_684 = arith.mulf %mul3A_677, %mul3A_683 : vector<16xf32>
        %mul3A_685 = arith.mulf %mul3A_684, %mul3A_683 : vector<16xf32>
        %sub3A_686 = arith.constant 1.500000e+00 : f32
        %sub3A_687 = vector.broadcast %sub3A_686 : f32 to vector<16xf32>
        %sub3A_688 = arith.subf %sub3A_687, %mul3A_685 : vector<16xf32>
        %mul3A_689 = arith.mulf %mul3A_683, %sub3A_688 : vector<16xf32>
        %broadcast_in_dim3A_690 = vector.broadcast %mul3A_655 : f32 to vector<16xf32>
        %mul3A_691 = arith.constant 128 : i32
        %mul3A_692 = arith.muli %add3A_261, %mul3A_691 : i32
        %add3A_693 = arith.addi %mul3A_692, %add3A_611 : i32
        %broadcast_in_dim3A_694 = vector.broadcast %add3A_693 : i32 to vector<16xi32>
        %gather3A_695 = tpu.vector_load_idx %arg10[%broadcast_in_dim3A_694] : memref<13312xi32, #tpu.memory_space<vmem>>[vector<16xi32>], vector<16xi32>,
        %eq3A_696 = arith.constant 0 : i32
        %eq3A_697 = vector.broadcast %eq3A_696 : i32 to vector<16xi32>
        %eq3A_698 = arith.cmpi eq, %gather3A_695, %eq3A_697 : vector<16xi32>
        %jit3A_699 = arith.constant 0.000000e+00 : f32
        %broadcast_in_dim3A_700 = vector.broadcast %jit3A_699 : f32 to vector<16xf32>
        %select_n3A_701 = arith.select %eq3A_698, %mul3A_689, %broadcast_in_dim3A_700 : vector<16xi1>, vector<16xf32>
        %select_n3A_702 = arith.select %eq3A_698, %get3A_23, %add3A_101 : vector<16xi1>, vector<16xf32>
        %sub3A_703 = arith.subf %get3A_618, %broadcast_in_dim3A_690 : vector<16xf32>
        %mul3A_704 = arith.mulf %select_n3A_701, %get3A_7 : vector<16xf32>
        %mul3A_705 = arith.mulf %sub3A_703, %mul3A_704 : vector<16xf32>
        %add3A_706 = arith.addf %mul3A_705, %select_n3A_702 : vector<16xf32>
        %swap3A_707 = arith.constant 0 : i32
        %swap3A_708 = arith.constant 0 : i32
        %swap3A_709 = tpu.memref_slice %arg12[%scan3A_279, %swap3A_707, %swap3A_708] : memref<4x128x64xf32, #tpu.memory_space<vmem>> -> memref<1x128x64xf32, #tpu.memory_space<vmem>>
        %swap3A_710 = tpu.memref_squeeze %swap3A_709 : memref<1x128x64xf32, #tpu.memory_space<vmem>> -> memref<128x64xf32, #tpu.memory_space<vmem>>
        %swap3A_711 = arith.index_cast %add3A_611 : i32 to index
        %swap3A_712 = arith.constant 0 : index
        %swap3A_713 = tpu.vector_load %swap3A_710[%swap3A_711, %swap3A_712] {strides = array<i32>} : memref<128x64xf32, #tpu.memory_space<vmem>>, vector<16xf32>,
        tpu.vector_store %swap3A_710[%swap3A_711, %swap3A_712], %add3A_706 {strides = array<i32>} : memref<128x64xf32, #tpu.memory_space<vmem>>, vector<16xf32>,
        %select_n3A_714 = arith.select %eq3A_698, %get3A_27, %add3A_105 : vector<16xi1>, vector<16xf32>
        %sub3A_715 = arith.subf %get3A_625, %broadcast_in_dim3A_690 : vector<16xf32>
        %mul3A_716 = arith.mulf %select_n3A_701, %get3A_11 : vector<16xf32>
        %mul3A_717 = arith.mulf %sub3A_715, %mul3A_716 : vector<16xf32>
        %add3A_718 = arith.addf %mul3A_717, %select_n3A_714 : vector<16xf32>
        %swap3A_719 = arith.constant 0 : i32
        %swap3A_720 = arith.constant 0 : i32
        %swap3A_721 = tpu.memref_slice %arg12[%scan3A_279, %swap3A_719, %swap3A_720] : memref<4x128x64xf32, #tpu.memory_space<vmem>> -> memref<1x128x64xf32, #tpu.memory_space<vmem>>
        %swap3A_722 = tpu.memref_squeeze %swap3A_721 : memref<1x128x64xf32, #tpu.memory_space<vmem>> -> memref<128x64xf32, #tpu.memory_space<vmem>>
        %swap3A_723 = arith.index_cast %add3A_611 : i32 to index
        %swap3A_724 = arith.constant 16 : index
        %swap3A_725 = tpu.vector_load %swap3A_722[%swap3A_723, %swap3A_724] {strides = array<i32>} : memref<128x64xf32, #tpu.memory_space<vmem>>, vector<16xf32>,
        tpu.vector_store %swap3A_722[%swap3A_723, %swap3A_724], %add3A_718 {strides = array<i32>} : memref<128x64xf32, #tpu.memory_space<vmem>>, vector<16xf32>,
        %select_n3A_726 = arith.select %eq3A_698, %get3A_31, %add3A_109 : vector<16xi1>, vector<16xf32>
        %sub3A_727 = arith.subf %get3A_632, %broadcast_in_dim3A_690 : vector<16xf32>
        %mul3A_728 = arith.mulf %select_n3A_701, %get3A_15 : vector<16xf32>
        %mul3A_729 = arith.mulf %sub3A_727, %mul3A_728 : vector<16xf32>
        %add3A_730 = arith.addf %mul3A_729, %select_n3A_726 : vector<16xf32>
        %swap3A_731 = arith.constant 0 : i32
        %swap3A_732 = arith.constant 0 : i32
        %swap3A_733 = tpu.memref_slice %arg12[%scan3A_279, %swap3A_731, %swap3A_732] : memref<4x128x64xf32, #tpu.memory_space<vmem>> -> memref<1x128x64xf32, #tpu.memory_space<vmem>>
        %swap3A_734 = tpu.memref_squeeze %swap3A_733 : memref<1x128x64xf32, #tpu.memory_space<vmem>> -> memref<128x64xf32, #tpu.memory_space<vmem>>
        %swap3A_735 = arith.index_cast %add3A_611 : i32 to index
        %swap3A_736 = arith.constant 32 : index
        %swap3A_737 = tpu.vector_load %swap3A_734[%swap3A_735, %swap3A_736] {strides = array<i32>} : memref<128x64xf32, #tpu.memory_space<vmem>>, vector<16xf32>,
        tpu.vector_store %swap3A_734[%swap3A_735, %swap3A_736], %add3A_730 {strides = array<i32>} : memref<128x64xf32, #tpu.memory_space<vmem>>, vector<16xf32>,
        %select_n3A_738 = arith.select %eq3A_698, %get3A_35, %add3A_113 : vector<16xi1>, vector<16xf32>
        %sub3A_739 = arith.subf %get3A_639, %broadcast_in_dim3A_690 : vector<16xf32>
        %mul3A_740 = arith.mulf %select_n3A_701, %get3A_19 : vector<16xf32>
        %mul3A_741 = arith.mulf %sub3A_739, %mul3A_740 : vector<16xf32>
        %add3A_742 = arith.addf %mul3A_741, %select_n3A_738 : vector<16xf32>
        %swap3A_743 = arith.constant 0 : i32
        %swap3A_744 = arith.constant 0 : i32
        %swap3A_745 = tpu.memref_slice %arg12[%scan3A_279, %swap3A_743, %swap3A_744] : memref<4x128x64xf32, #tpu.memory_space<vmem>> -> memref<1x128x64xf32, #tpu.memory_space<vmem>>
        %swap3A_746 = tpu.memref_squeeze %swap3A_745 : memref<1x128x64xf32, #tpu.memory_space<vmem>> -> memref<128x64xf32, #tpu.memory_space<vmem>>
        %swap3A_747 = arith.index_cast %add3A_611 : i32 to index
        %swap3A_748 = arith.constant 48 : index
        %swap3A_749 = tpu.vector_load %swap3A_746[%swap3A_747, %swap3A_748] {strides = array<i32>} : memref<128x64xf32, #tpu.memory_space<vmem>>, vector<16xf32>,
        tpu.vector_store %swap3A_746[%swap3A_747, %swap3A_748], %add3A_742 {strides = array<i32>} : memref<128x64xf32, #tpu.memory_space<vmem>>, vector<16xf32>,
        %add3A_750 = arith.constant 2 : i32
        %add3A_751 = arith.addi %add3A_474, %add3A_750 : i32
        %get3A_752 = arith.constant 0 : i32
        %get3A_753 = arith.constant 0 : i32
        %get3A_754 = tpu.memref_slice %arg11[%scan3A_278, %get3A_752, %get3A_753] : memref<4x128x64xf32, #tpu.memory_space<vmem>> -> memref<1x128x64xf32, #tpu.memory_space<vmem>>
        %get3A_755 = tpu.memref_squeeze %get3A_754 : memref<1x128x64xf32, #tpu.memory_space<vmem>> -> memref<128x64xf32, #tpu.memory_space<vmem>>
        %get3A_756 = arith.index_cast %add3A_751 : i32 to index
        %get3A_757 = arith.constant 0 : index
        %get3A_758 = tpu.vector_load %get3A_755[%get3A_756, %get3A_757] {strides = array<i32>} : memref<128x64xf32, #tpu.memory_space<vmem>>, vector<16xf32>,
        %get3A_759 = arith.constant 0 : i32
        %get3A_760 = arith.constant 0 : i32
        %get3A_761 = tpu.memref_slice %arg11[%scan3A_278, %get3A_759, %get3A_760] : memref<4x128x64xf32, #tpu.memory_space<vmem>> -> memref<1x128x64xf32, #tpu.memory_space<vmem>>
        %get3A_762 = tpu.memref_squeeze %get3A_761 : memref<1x128x64xf32, #tpu.memory_space<vmem>> -> memref<128x64xf32, #tpu.memory_space<vmem>>
        %get3A_763 = arith.index_cast %add3A_751 : i32 to index
        %get3A_764 = arith.constant 16 : index
        %get3A_765 = tpu.vector_load %get3A_762[%get3A_763, %get3A_764] {strides = array<i32>} : memref<128x64xf32, #tpu.memory_space<vmem>>, vector<16xf32>,
        %get3A_766 = arith.constant 0 : i32
        %get3A_767 = arith.constant 0 : i32
        %get3A_768 = tpu.memref_slice %arg11[%scan3A_278, %get3A_766, %get3A_767] : memref<4x128x64xf32, #tpu.memory_space<vmem>> -> memref<1x128x64xf32, #tpu.memory_space<vmem>>
        %get3A_769 = tpu.memref_squeeze %get3A_768 : memref<1x128x64xf32, #tpu.memory_space<vmem>> -> memref<128x64xf32, #tpu.memory_space<vmem>>
        %get3A_770 = arith.index_cast %add3A_751 : i32 to index
        %get3A_771 = arith.constant 32 : index
        %get3A_772 = tpu.vector_load %get3A_769[%get3A_770, %get3A_771] {strides = array<i32>} : memref<128x64xf32, #tpu.memory_space<vmem>>, vector<16xf32>,
        %get3A_773 = arith.constant 0 : i32
        %get3A_774 = arith.constant 0 : i32
        %get3A_775 = tpu.memref_slice %arg11[%scan3A_278, %get3A_773, %get3A_774] : memref<4x128x64xf32, #tpu.memory_space<vmem>> -> memref<1x128x64xf32, #tpu.memory_space<vmem>>
        %get3A_776 = tpu.memref_squeeze %get3A_775 : memref<1x128x64xf32, #tpu.memory_space<vmem>> -> memref<128x64xf32, #tpu.memory_space<vmem>>
        %get3A_777 = arith.index_cast %add3A_751 : i32 to index
        %get3A_778 = arith.constant 48 : index
        %get3A_779 = tpu.vector_load %get3A_776[%get3A_777, %get3A_778] {strides = array<i32>} : memref<128x64xf32, #tpu.memory_space<vmem>>, vector<16xf32>,
        %add3A_780 = arith.addf %get3A_758, %get3A_765 : vector<16xf32>
        %add3A_781 = arith.addf %get3A_772, %get3A_779 : vector<16xf32>
        %add3A_782 = arith.addf %add3A_780, %add3A_781 : vector<16xf32>
        %mul3A_783 = arith.mulf %get3A_758, %get3A_758 : vector<16xf32>
        %mul3A_784 = arith.mulf %get3A_765, %get3A_765 : vector<16xf32>
        %add3A_785 = arith.addf %mul3A_783, %mul3A_784 : vector<16xf32>
        %mul3A_786 = arith.mulf %get3A_772, %get3A_772 : vector<16xf32>
        %mul3A_787 = arith.mulf %get3A_779, %get3A_779 : vector<16xf32>
        %add3A_788 = arith.addf %mul3A_786, %mul3A_787 : vector<16xf32>
        %add3A_789 = arith.addf %add3A_785, %add3A_788 : vector<16xf32>
        %reduce_sum3A_790 = arith.constant true
        %reduce_sum3A_791 = vector.broadcast %reduce_sum3A_790 : i1 to vector<16xi1>
        %reduce_sum3A_792 = tpu.scan <sum>, %add3A_782 masked %reduce_sum3A_791 : vector<16xf32>, vector<16xi1> -> vector<16xf32>
        %reduce_sum3A_793 = vector.extract %reduce_sum3A_792[15] : f32 from vector<16xf32>
        %mul3A_794 = arith.constant 1.562500e-02 : f32
        %mul3A_795 = arith.mulf %reduce_sum3A_793, %mul3A_794 : f32
        %reduce_sum3A_796 = arith.constant true
        %reduce_sum3A_797 = vector.broadcast %reduce_sum3A_796 : i1 to vector<16xi1>
        %reduce_sum3A_798 = tpu.scan <sum>, %add3A_789 masked %reduce_sum3A_797 : vector<16xf32>, vector<16xi1> -> vector<16xf32>
        %reduce_sum3A_799 = vector.extract %reduce_sum3A_798[15] : f32 from vector<16xf32>
        %mul3A_800 = arith.constant 1.562500e-02 : f32
        %mul3A_801 = arith.mulf %reduce_sum3A_799, %mul3A_800 : f32
        %mul3A_802 = arith.mulf %mul3A_795, %mul3A_795 : f32
        %sub3A_803 = arith.subf %mul3A_801, %mul3A_802 : f32
        %add3A_804 = arith.constant 9.99999974E-6 : f32
        %add3A_805 = arith.addf %sub3A_803, %add3A_804 : f32
        %broadcast_in_dim3A_806 = vector.broadcast %add3A_805 : f32 to vector<16xf32>
        %bitcast_convert_type3A_807 = tpu.bitcast %broadcast_in_dim3A_806 : vector<16xf32> -> vector<16xi32>
        %shift_right_arithmetic3A_808 = arith.constant 1 : i32
        %shift_right_arithmetic3A_809 = vector.broadcast %shift_right_arithmetic3A_808 : i32 to vector<16xi32>
        %shift_right_arithmetic3A_810 = arith.shrsi %bitcast_convert_type3A_807, %shift_right_arithmetic3A_809 : vector<16xi32>
        %sub3A_811 = arith.constant 1597463007 : i32
        %sub3A_812 = vector.broadcast %sub3A_811 : i32 to vector<16xi32>
        %sub3A_813 = arith.subi %sub3A_812, %shift_right_arithmetic3A_810 : vector<16xi32>
        %bitcast_convert_type3A_814 = tpu.bitcast %sub3A_813 : vector<16xi32> -> vector<16xf32>
        %mul3A_815 = arith.constant 5.000000e-01 : f32
        %mul3A_816 = vector.broadcast %mul3A_815 : f32 to vector<16xf32>
        %mul3A_817 = arith.mulf %broadcast_in_dim3A_806, %mul3A_816 : vector<16xf32>
        %mul3A_818 = arith.mulf %mul3A_817, %bitcast_convert_type3A_814 : vector<16xf32>
        %mul3A_819 = arith.mulf %mul3A_818, %bitcast_convert_type3A_814 : vector<16xf32>
        %sub3A_820 = arith.constant 1.500000e+00 : f32
        %sub3A_821 = vector.broadcast %sub3A_820 : f32 to vector<16xf32>
        %sub3A_822 = arith.subf %sub3A_821, %mul3A_819 : vector<16xf32>
        %mul3A_823 = arith.mulf %bitcast_convert_type3A_814, %sub3A_822 : vector<16xf32>
        %mul3A_824 = arith.mulf %mul3A_817, %mul3A_823 : vector<16xf32>
        %mul3A_825 = arith.mulf %mul3A_824, %mul3A_823 : vector<16xf32>
        %sub3A_826 = arith.constant 1.500000e+00 : f32
        %sub3A_827 = vector.broadcast %sub3A_826 : f32 to vector<16xf32>
        %sub3A_828 = arith.subf %sub3A_827, %mul3A_825 : vector<16xf32>
        %mul3A_829 = arith.mulf %mul3A_823, %sub3A_828 : vector<16xf32>
        %broadcast_in_dim3A_830 = vector.broadcast %mul3A_795 : f32 to vector<16xf32>
        %mul3A_831 = arith.constant 128 : i32
        %mul3A_832 = arith.muli %add3A_261, %mul3A_831 : i32
        %add3A_833 = arith.addi %mul3A_832, %add3A_751 : i32
        %broadcast_in_dim3A_834 = vector.broadcast %add3A_833 : i32 to vector<16xi32>
        %gather3A_835 = tpu.vector_load_idx %arg10[%broadcast_in_dim3A_834] : memref<13312xi32, #tpu.memory_space<vmem>>[vector<16xi32>], vector<16xi32>,
        %eq3A_836 = arith.constant 0 : i32
        %eq3A_837 = vector.broadcast %eq3A_836 : i32 to vector<16xi32>
        %eq3A_838 = arith.cmpi eq, %gather3A_835, %eq3A_837 : vector<16xi32>
        %jit3A_839 = arith.constant 0.000000e+00 : f32
        %broadcast_in_dim3A_840 = vector.broadcast %jit3A_839 : f32 to vector<16xf32>
        %select_n3A_841 = arith.select %eq3A_838, %mul3A_829, %broadcast_in_dim3A_840 : vector<16xi1>, vector<16xf32>
        %select_n3A_842 = arith.select %eq3A_838, %get3A_23, %add3A_101 : vector<16xi1>, vector<16xf32>
        %sub3A_843 = arith.subf %get3A_758, %broadcast_in_dim3A_830 : vector<16xf32>
        %mul3A_844 = arith.mulf %select_n3A_841, %get3A_7 : vector<16xf32>
        %mul3A_845 = arith.mulf %sub3A_843, %mul3A_844 : vector<16xf32>
        %add3A_846 = arith.addf %mul3A_845, %select_n3A_842 : vector<16xf32>
        %swap3A_847 = arith.constant 0 : i32
        %swap3A_848 = arith.constant 0 : i32
        %swap3A_849 = tpu.memref_slice %arg12[%scan3A_279, %swap3A_847, %swap3A_848] : memref<4x128x64xf32, #tpu.memory_space<vmem>> -> memref<1x128x64xf32, #tpu.memory_space<vmem>>
        %swap3A_850 = tpu.memref_squeeze %swap3A_849 : memref<1x128x64xf32, #tpu.memory_space<vmem>> -> memref<128x64xf32, #tpu.memory_space<vmem>>
        %swap3A_851 = arith.index_cast %add3A_751 : i32 to index
        %swap3A_852 = arith.constant 0 : index
        %swap3A_853 = tpu.vector_load %swap3A_850[%swap3A_851, %swap3A_852] {strides = array<i32>} : memref<128x64xf32, #tpu.memory_space<vmem>>, vector<16xf32>,
        tpu.vector_store %swap3A_850[%swap3A_851, %swap3A_852], %add3A_846 {strides = array<i32>} : memref<128x64xf32, #tpu.memory_space<vmem>>, vector<16xf32>,
        %select_n3A_854 = arith.select %eq3A_838, %get3A_27, %add3A_105 : vector<16xi1>, vector<16xf32>
        %sub3A_855 = arith.subf %get3A_765, %broadcast_in_dim3A_830 : vector<16xf32>
        %mul3A_856 = arith.mulf %select_n3A_841, %get3A_11 : vector<16xf32>
        %mul3A_857 = arith.mulf %sub3A_855, %mul3A_856 : vector<16xf32>
        %add3A_858 = arith.addf %mul3A_857, %select_n3A_854 : vector<16xf32>
        %swap3A_859 = arith.constant 0 : i32
        %swap3A_860 = arith.constant 0 : i32
        %swap3A_861 = tpu.memref_slice %arg12[%scan3A_279, %swap3A_859, %swap3A_860] : memref<4x128x64xf32, #tpu.memory_space<vmem>> -> memref<1x128x64xf32, #tpu.memory_space<vmem>>
        %swap3A_862 = tpu.memref_squeeze %swap3A_861 : memref<1x128x64xf32, #tpu.memory_space<vmem>> -> memref<128x64xf32, #tpu.memory_space<vmem>>
        %swap3A_863 = arith.index_cast %add3A_751 : i32 to index
        %swap3A_864 = arith.constant 16 : index
        %swap3A_865 = tpu.vector_load %swap3A_862[%swap3A_863, %swap3A_864] {strides = array<i32>} : memref<128x64xf32, #tpu.memory_space<vmem>>, vector<16xf32>,
        tpu.vector_store %swap3A_862[%swap3A_863, %swap3A_864], %add3A_858 {strides = array<i32>} : memref<128x64xf32, #tpu.memory_space<vmem>>, vector<16xf32>,
        %select_n3A_866 = arith.select %eq3A_838, %get3A_31, %add3A_109 : vector<16xi1>, vector<16xf32>
        %sub3A_867 = arith.subf %get3A_772, %broadcast_in_dim3A_830 : vector<16xf32>
        %mul3A_868 = arith.mulf %select_n3A_841, %get3A_15 : vector<16xf32>
        %mul3A_869 = arith.mulf %sub3A_867, %mul3A_868 : vector<16xf32>
        %add3A_870 = arith.addf %mul3A_869, %select_n3A_866 : vector<16xf32>
        %swap3A_871 = arith.constant 0 : i32
        %swap3A_872 = arith.constant 0 : i32
        %swap3A_873 = tpu.memref_slice %arg12[%scan3A_279, %swap3A_871, %swap3A_872] : memref<4x128x64xf32, #tpu.memory_space<vmem>> -> memref<1x128x64xf32, #tpu.memory_space<vmem>>
        %swap3A_874 = tpu.memref_squeeze %swap3A_873 : memref<1x128x64xf32, #tpu.memory_space<vmem>> -> memref<128x64xf32, #tpu.memory_space<vmem>>
        %swap3A_875 = arith.index_cast %add3A_751 : i32 to index
        %swap3A_876 = arith.constant 32 : index
        %swap3A_877 = tpu.vector_load %swap3A_874[%swap3A_875, %swap3A_876] {strides = array<i32>} : memref<128x64xf32, #tpu.memory_space<vmem>>, vector<16xf32>,
        tpu.vector_store %swap3A_874[%swap3A_875, %swap3A_876], %add3A_870 {strides = array<i32>} : memref<128x64xf32, #tpu.memory_space<vmem>>, vector<16xf32>,
        %select_n3A_878 = arith.select %eq3A_838, %get3A_35, %add3A_113 : vector<16xi1>, vector<16xf32>
        %sub3A_879 = arith.subf %get3A_779, %broadcast_in_dim3A_830 : vector<16xf32>
        %mul3A_880 = arith.mulf %select_n3A_841, %get3A_19 : vector<16xf32>
        %mul3A_881 = arith.mulf %sub3A_879, %mul3A_880 : vector<16xf32>
        %add3A_882 = arith.addf %mul3A_881, %select_n3A_878 : vector<16xf32>
        %swap3A_883 = arith.constant 0 : i32
        %swap3A_884 = arith.constant 0 : i32
        %swap3A_885 = tpu.memref_slice %arg12[%scan3A_279, %swap3A_883, %swap3A_884] : memref<4x128x64xf32, #tpu.memory_space<vmem>> -> memref<1x128x64xf32, #tpu.memory_space<vmem>>
        %swap3A_886 = tpu.memref_squeeze %swap3A_885 : memref<1x128x64xf32, #tpu.memory_space<vmem>> -> memref<128x64xf32, #tpu.memory_space<vmem>>
        %swap3A_887 = arith.index_cast %add3A_751 : i32 to index
        %swap3A_888 = arith.constant 48 : index
        %swap3A_889 = tpu.vector_load %swap3A_886[%swap3A_887, %swap3A_888] {strides = array<i32>} : memref<128x64xf32, #tpu.memory_space<vmem>>, vector<16xf32>,
        tpu.vector_store %swap3A_886[%swap3A_887, %swap3A_888], %add3A_882 {strides = array<i32>} : memref<128x64xf32, #tpu.memory_space<vmem>>, vector<16xf32>,
        %add3A_890 = arith.constant 3 : i32
        %add3A_891 = arith.addi %add3A_474, %add3A_890 : i32
        %get3A_892 = arith.constant 0 : i32
        %get3A_893 = arith.constant 0 : i32
        %get3A_894 = tpu.memref_slice %arg11[%scan3A_278, %get3A_892, %get3A_893] : memref<4x128x64xf32, #tpu.memory_space<vmem>> -> memref<1x128x64xf32, #tpu.memory_space<vmem>>
        %get3A_895 = tpu.memref_squeeze %get3A_894 : memref<1x128x64xf32, #tpu.memory_space<vmem>> -> memref<128x64xf32, #tpu.memory_space<vmem>>
        %get3A_896 = arith.index_cast %add3A_891 : i32 to index
        %get3A_897 = arith.constant 0 : index
        %get3A_898 = tpu.vector_load %get3A_895[%get3A_896, %get3A_897] {strides = array<i32>} : memref<128x64xf32, #tpu.memory_space<vmem>>, vector<16xf32>,
        %get3A_899 = arith.constant 0 : i32
        %get3A_900 = arith.constant 0 : i32
        %get3A_901 = tpu.memref_slice %arg11[%scan3A_278, %get3A_899, %get3A_900] : memref<4x128x64xf32, #tpu.memory_space<vmem>> -> memref<1x128x64xf32, #tpu.memory_space<vmem>>
        %get3A_902 = tpu.memref_squeeze %get3A_901 : memref<1x128x64xf32, #tpu.memory_space<vmem>> -> memref<128x64xf32, #tpu.memory_space<vmem>>
        %get3A_903 = arith.index_cast %add3A_891 : i32 to index
        %get3A_904 = arith.constant 16 : index
        %get3A_905 = tpu.vector_load %get3A_902[%get3A_903, %get3A_904] {strides = array<i32>} : memref<128x64xf32, #tpu.memory_space<vmem>>, vector<16xf32>,
        %get3A_906 = arith.constant 0 : i32
        %get3A_907 = arith.constant 0 : i32
        %get3A_908 = tpu.memref_slice %arg11[%scan3A_278, %get3A_906, %get3A_907] : memref<4x128x64xf32, #tpu.memory_space<vmem>> -> memref<1x128x64xf32, #tpu.memory_space<vmem>>
        %get3A_909 = tpu.memref_squeeze %get3A_908 : memref<1x128x64xf32, #tpu.memory_space<vmem>> -> memref<128x64xf32, #tpu.memory_space<vmem>>
        %get3A_910 = arith.index_cast %add3A_891 : i32 to index
        %get3A_911 = arith.constant 32 : index
        %get3A_912 = tpu.vector_load %get3A_909[%get3A_910, %get3A_911] {strides = array<i32>} : memref<128x64xf32, #tpu.memory_space<vmem>>, vector<16xf32>,
        %get3A_913 = arith.constant 0 : i32
        %get3A_914 = arith.constant 0 : i32
        %get3A_915 = tpu.memref_slice %arg11[%scan3A_278, %get3A_913, %get3A_914] : memref<4x128x64xf32, #tpu.memory_space<vmem>> -> memref<1x128x64xf32, #tpu.memory_space<vmem>>
        %get3A_916 = tpu.memref_squeeze %get3A_915 : memref<1x128x64xf32, #tpu.memory_space<vmem>> -> memref<128x64xf32, #tpu.memory_space<vmem>>
        %get3A_917 = arith.index_cast %add3A_891 : i32 to index
        %get3A_918 = arith.constant 48 : index
        %get3A_919 = tpu.vector_load %get3A_916[%get3A_917, %get3A_918] {strides = array<i32>} : memref<128x64xf32, #tpu.memory_space<vmem>>, vector<16xf32>,
        %add3A_920 = arith.addf %get3A_898, %get3A_905 : vector<16xf32>
        %add3A_921 = arith.addf %get3A_912, %get3A_919 : vector<16xf32>
        %add3A_922 = arith.addf %add3A_920, %add3A_921 : vector<16xf32>
        %mul3A_923 = arith.mulf %get3A_898, %get3A_898 : vector<16xf32>
        %mul3A_924 = arith.mulf %get3A_905, %get3A_905 : vector<16xf32>
        %add3A_925 = arith.addf %mul3A_923, %mul3A_924 : vector<16xf32>
        %mul3A_926 = arith.mulf %get3A_912, %get3A_912 : vector<16xf32>
        %mul3A_927 = arith.mulf %get3A_919, %get3A_919 : vector<16xf32>
        %add3A_928 = arith.addf %mul3A_926, %mul3A_927 : vector<16xf32>
        %add3A_929 = arith.addf %add3A_925, %add3A_928 : vector<16xf32>
        %reduce_sum3A_930 = arith.constant true
        %reduce_sum3A_931 = vector.broadcast %reduce_sum3A_930 : i1 to vector<16xi1>
        %reduce_sum3A_932 = tpu.scan <sum>, %add3A_922 masked %reduce_sum3A_931 : vector<16xf32>, vector<16xi1> -> vector<16xf32>
        %reduce_sum3A_933 = vector.extract %reduce_sum3A_932[15] : f32 from vector<16xf32>
        %mul3A_934 = arith.constant 1.562500e-02 : f32
        %mul3A_935 = arith.mulf %reduce_sum3A_933, %mul3A_934 : f32
        %reduce_sum3A_936 = arith.constant true
        %reduce_sum3A_937 = vector.broadcast %reduce_sum3A_936 : i1 to vector<16xi1>
        %reduce_sum3A_938 = tpu.scan <sum>, %add3A_929 masked %reduce_sum3A_937 : vector<16xf32>, vector<16xi1> -> vector<16xf32>
        %reduce_sum3A_939 = vector.extract %reduce_sum3A_938[15] : f32 from vector<16xf32>
        %mul3A_940 = arith.constant 1.562500e-02 : f32
        %mul3A_941 = arith.mulf %reduce_sum3A_939, %mul3A_940 : f32
        %mul3A_942 = arith.mulf %mul3A_935, %mul3A_935 : f32
        %sub3A_943 = arith.subf %mul3A_941, %mul3A_942 : f32
        %add3A_944 = arith.constant 9.99999974E-6 : f32
        %add3A_945 = arith.addf %sub3A_943, %add3A_944 : f32
        %broadcast_in_dim3A_946 = vector.broadcast %add3A_945 : f32 to vector<16xf32>
        %bitcast_convert_type3A_947 = tpu.bitcast %broadcast_in_dim3A_946 : vector<16xf32> -> vector<16xi32>
        %shift_right_arithmetic3A_948 = arith.constant 1 : i32
        %shift_right_arithmetic3A_949 = vector.broadcast %shift_right_arithmetic3A_948 : i32 to vector<16xi32>
        %shift_right_arithmetic3A_950 = arith.shrsi %bitcast_convert_type3A_947, %shift_right_arithmetic3A_949 : vector<16xi32>
        %sub3A_951 = arith.constant 1597463007 : i32
        %sub3A_952 = vector.broadcast %sub3A_951 : i32 to vector<16xi32>
        %sub3A_953 = arith.subi %sub3A_952, %shift_right_arithmetic3A_950 : vector<16xi32>
        %bitcast_convert_type3A_954 = tpu.bitcast %sub3A_953 : vector<16xi32> -> vector<16xf32>
        %mul3A_955 = arith.constant 5.000000e-01 : f32
        %mul3A_956 = vector.broadcast %mul3A_955 : f32 to vector<16xf32>
        %mul3A_957 = arith.mulf %broadcast_in_dim3A_946, %mul3A_956 : vector<16xf32>
        %mul3A_958 = arith.mulf %mul3A_957, %bitcast_convert_type3A_954 : vector<16xf32>
        %mul3A_959 = arith.mulf %mul3A_958, %bitcast_convert_type3A_954 : vector<16xf32>
        %sub3A_960 = arith.constant 1.500000e+00 : f32
        %sub3A_961 = vector.broadcast %sub3A_960 : f32 to vector<16xf32>
        %sub3A_962 = arith.subf %sub3A_961, %mul3A_959 : vector<16xf32>
        %mul3A_963 = arith.mulf %bitcast_convert_type3A_954, %sub3A_962 : vector<16xf32>
        %mul3A_964 = arith.mulf %mul3A_957, %mul3A_963 : vector<16xf32>
        %mul3A_965 = arith.mulf %mul3A_964, %mul3A_963 : vector<16xf32>
        %sub3A_966 = arith.constant 1.500000e+00 : f32
        %sub3A_967 = vector.broadcast %sub3A_966 : f32 to vector<16xf32>
        %sub3A_968 = arith.subf %sub3A_967, %mul3A_965 : vector<16xf32>
        %mul3A_969 = arith.mulf %mul3A_963, %sub3A_968 : vector<16xf32>
        %broadcast_in_dim3A_970 = vector.broadcast %mul3A_935 : f32 to vector<16xf32>
        %mul3A_971 = arith.constant 128 : i32
        %mul3A_972 = arith.muli %add3A_261, %mul3A_971 : i32
        %add3A_973 = arith.addi %mul3A_972, %add3A_891 : i32
        %broadcast_in_dim3A_974 = vector.broadcast %add3A_973 : i32 to vector<16xi32>
        %gather3A_975 = tpu.vector_load_idx %arg10[%broadcast_in_dim3A_974] : memref<13312xi32, #tpu.memory_space<vmem>>[vector<16xi32>], vector<16xi32>,
        %eq3A_976 = arith.constant 0 : i32
        %eq3A_977 = vector.broadcast %eq3A_976 : i32 to vector<16xi32>
        %eq3A_978 = arith.cmpi eq, %gather3A_975, %eq3A_977 : vector<16xi32>
        %jit3A_979 = arith.constant 0.000000e+00 : f32
        %broadcast_in_dim3A_980 = vector.broadcast %jit3A_979 : f32 to vector<16xf32>
        %select_n3A_981 = arith.select %eq3A_978, %mul3A_969, %broadcast_in_dim3A_980 : vector<16xi1>, vector<16xf32>
        %select_n3A_982 = arith.select %eq3A_978, %get3A_23, %add3A_101 : vector<16xi1>, vector<16xf32>
        %sub3A_983 = arith.subf %get3A_898, %broadcast_in_dim3A_970 : vector<16xf32>
        %mul3A_984 = arith.mulf %select_n3A_981, %get3A_7 : vector<16xf32>
        %mul3A_985 = arith.mulf %sub3A_983, %mul3A_984 : vector<16xf32>
        %add3A_986 = arith.addf %mul3A_985, %select_n3A_982 : vector<16xf32>
        %swap3A_987 = arith.constant 0 : i32
        %swap3A_988 = arith.constant 0 : i32
        %swap3A_989 = tpu.memref_slice %arg12[%scan3A_279, %swap3A_987, %swap3A_988] : memref<4x128x64xf32, #tpu.memory_space<vmem>> -> memref<1x128x64xf32, #tpu.memory_space<vmem>>
        %swap3A_990 = tpu.memref_squeeze %swap3A_989 : memref<1x128x64xf32, #tpu.memory_space<vmem>> -> memref<128x64xf32, #tpu.memory_space<vmem>>
        %swap3A_991 = arith.index_cast %add3A_891 : i32 to index
        %swap3A_992 = arith.constant 0 : index
        %swap3A_993 = tpu.vector_load %swap3A_990[%swap3A_991, %swap3A_992] {strides = array<i32>} : memref<128x64xf32, #tpu.memory_space<vmem>>, vector<16xf32>,
        tpu.vector_store %swap3A_990[%swap3A_991, %swap3A_992], %add3A_986 {strides = array<i32>} : memref<128x64xf32, #tpu.memory_space<vmem>>, vector<16xf32>,
        %select_n3A_994 = arith.select %eq3A_978, %get3A_27, %add3A_105 : vector<16xi1>, vector<16xf32>
        %sub3A_995 = arith.subf %get3A_905, %broadcast_in_dim3A_970 : vector<16xf32>
        %mul3A_996 = arith.mulf %select_n3A_981, %get3A_11 : vector<16xf32>
        %mul3A_997 = arith.mulf %sub3A_995, %mul3A_996 : vector<16xf32>
        %add3A_998 = arith.addf %mul3A_997, %select_n3A_994 : vector<16xf32>
        %swap3A_999 = arith.constant 0 : i32
        %swap3A_1000 = arith.constant 0 : i32
        %swap3A_1001 = tpu.memref_slice %arg12[%scan3A_279, %swap3A_999, %swap3A_1000] : memref<4x128x64xf32, #tpu.memory_space<vmem>> -> memref<1x128x64xf32, #tpu.memory_space<vmem>>
        %swap3A_1002 = tpu.memref_squeeze %swap3A_1001 : memref<1x128x64xf32, #tpu.memory_space<vmem>> -> memref<128x64xf32, #tpu.memory_space<vmem>>
        %swap3A_1003 = arith.index_cast %add3A_891 : i32 to index
        %swap3A_1004 = arith.constant 16 : index
        %swap3A_1005 = tpu.vector_load %swap3A_1002[%swap3A_1003, %swap3A_1004] {strides = array<i32>} : memref<128x64xf32, #tpu.memory_space<vmem>>, vector<16xf32>,
        tpu.vector_store %swap3A_1002[%swap3A_1003, %swap3A_1004], %add3A_998 {strides = array<i32>} : memref<128x64xf32, #tpu.memory_space<vmem>>, vector<16xf32>,
        %select_n3A_1006 = arith.select %eq3A_978, %get3A_31, %add3A_109 : vector<16xi1>, vector<16xf32>
        %sub3A_1007 = arith.subf %get3A_912, %broadcast_in_dim3A_970 : vector<16xf32>
        %mul3A_1008 = arith.mulf %select_n3A_981, %get3A_15 : vector<16xf32>
        %mul3A_1009 = arith.mulf %sub3A_1007, %mul3A_1008 : vector<16xf32>
        %add3A_1010 = arith.addf %mul3A_1009, %select_n3A_1006 : vector<16xf32>
        %swap3A_1011 = arith.constant 0 : i32
        %swap3A_1012 = arith.constant 0 : i32
        %swap3A_1013 = tpu.memref_slice %arg12[%scan3A_279, %swap3A_1011, %swap3A_1012] : memref<4x128x64xf32, #tpu.memory_space<vmem>> -> memref<1x128x64xf32, #tpu.memory_space<vmem>>
        %swap3A_1014 = tpu.memref_squeeze %swap3A_1013 : memref<1x128x64xf32, #tpu.memory_space<vmem>> -> memref<128x64xf32, #tpu.memory_space<vmem>>
        %swap3A_1015 = arith.index_cast %add3A_891 : i32 to index
        %swap3A_1016 = arith.constant 32 : index
        %swap3A_1017 = tpu.vector_load %swap3A_1014[%swap3A_1015, %swap3A_1016] {strides = array<i32>} : memref<128x64xf32, #tpu.memory_space<vmem>>, vector<16xf32>,
        tpu.vector_store %swap3A_1014[%swap3A_1015, %swap3A_1016], %add3A_1010 {strides = array<i32>} : memref<128x64xf32, #tpu.memory_space<vmem>>, vector<16xf32>,
        %select_n3A_1018 = arith.select %eq3A_978, %get3A_35, %add3A_113 : vector<16xi1>, vector<16xf32>
        %sub3A_1019 = arith.subf %get3A_919, %broadcast_in_dim3A_970 : vector<16xf32>
        %mul3A_1020 = arith.mulf %select_n3A_981, %get3A_19 : vector<16xf32>
        %mul3A_1021 = arith.mulf %sub3A_1019, %mul3A_1020 : vector<16xf32>
        %add3A_1022 = arith.addf %mul3A_1021, %select_n3A_1018 : vector<16xf32>
        %swap3A_1023 = arith.constant 0 : i32
        %swap3A_1024 = arith.constant 0 : i32
        %swap3A_1025 = tpu.memref_slice %arg12[%scan3A_279, %swap3A_1023, %swap3A_1024] : memref<4x128x64xf32, #tpu.memory_space<vmem>> -> memref<1x128x64xf32, #tpu.memory_space<vmem>>
        %swap3A_1026 = tpu.memref_squeeze %swap3A_1025 : memref<1x128x64xf32, #tpu.memory_space<vmem>> -> memref<128x64xf32, #tpu.memory_space<vmem>>
        %swap3A_1027 = arith.index_cast %add3A_891 : i32 to index
        %swap3A_1028 = arith.constant 48 : index
        %swap3A_1029 = tpu.vector_load %swap3A_1026[%swap3A_1027, %swap3A_1028] {strides = array<i32>} : memref<128x64xf32, #tpu.memory_space<vmem>>, vector<16xf32>,
        tpu.vector_store %swap3A_1026[%swap3A_1027, %swap3A_1028], %add3A_1022 {strides = array<i32>} : memref<128x64xf32, #tpu.memory_space<vmem>>, vector<16xf32>,
      }
      %scan3A_284 = arith.constant 32 : i32
      %mul3A_285 = arith.constant 128 : i32
      %mul3A_286 = arith.muli %add3A_261, %mul3A_285 : i32
      %add3A_287 = arith.addi %mul3A_4, %mul3A_286 : i32
      %dma_start3A_288 = arith.constant 0 : i32
      %dma_start3A_289 = arith.constant 0 : i32
      %dma_start3A_290 = arith.constant 0 : i32
      %dma_start3A_291 = arith.constant 0 : i32
      %dma_start3A_292 = tpu.memref_slice %arg12[%dma_start3A_288, %dma_start3A_290, %dma_start3A_291] : memref<4x128x64xf32, #tpu.memory_space<vmem>> -> memref<1x128x64xf32, #tpu.memory_space<vmem>>
      %dma_start3A_293 = tpu.memref_squeeze %dma_start3A_292 : memref<1x128x64xf32, #tpu.memory_space<vmem>> -> memref<128x64xf32, #tpu.memory_space<vmem>>
      %dma_start3A_294 = arith.constant 0 : i32
      %dma_start3A_295 = tpu.memref_slice %arg6[%add3A_287, %dma_start3A_294] : memref<425984x64xf32, #tpu.memory_space<hbm>> -> memref<128x64xf32, #tpu.memory_space<hbm>>
      %dma_start3A_296 = tpu.memref_slice %arg16[%dma_start3A_289] : memref<4x!tpu.dma_semaphore, #tpu.memory_space<semaphore_mem>> -> memref<1x!tpu.dma_semaphore, #tpu.memory_space<semaphore_mem>>
      %dma_start3A_297 = tpu.memref_squeeze %dma_start3A_296 : memref<1x!tpu.dma_semaphore, #tpu.memory_space<semaphore_mem>> -> memref<!tpu.dma_semaphore, #tpu.memory_space<semaphore_mem>>
      %dma_start3A_298 = arith.constant 0 : i32
      %dma_start3A_299 = tpu.memref_slice %arg6[%add3A_287, %dma_start3A_298] : memref<425984x64xf32, #tpu.memory_space<hbm>> -> memref<128x64xf32, #tpu.memory_space<hbm>>
      %dma_start3A_300 = arith.constant 0 : i32
      %dma_start3A_301 = arith.constant 0 : i32
      %dma_start3A_302 = tpu.memref_slice %arg12[%dma_start3A_288, %dma_start3A_300, %dma_start3A_301] : memref<4x128x64xf32, #tpu.memory_space<vmem>> -> memref<1x128x64xf32, #tpu.memory_space<vmem>>
      %dma_start3A_303 = tpu.memref_squeeze %dma_start3A_302 : memref<1x128x64xf32, #tpu.memory_space<vmem>> -> memref<128x64xf32, #tpu.memory_space<vmem>>
      tpu.enqueue_dma source(%dma_start3A_303 : memref<128x64xf32, #tpu.memory_space<vmem>>) target(%dma_start3A_299 : memref<128x64xf32, #tpu.memory_space<hbm>>) target_semaphore(%dma_start3A_297 : memref<!tpu.dma_semaphore, #tpu.memory_space<semaphore_mem>>)
      %lt3A = arith.constant 25 : i32
      %lt3A_304 = arith.cmpi slt, %add3A_257, %lt3A : i32
      %convert_element_type3A_305 = arith.extui %lt3A_304 : i1 to i32
      %cond3A_306 = arith.constant 0 : i32
      %cond3A_307 = arith.cmpi ne, %convert_element_type3A_305, %cond3A_306 : i32
      scf.if %cond3A_307 {
        %add3A_470 = arith.constant 4 : i32
        %add3A_471 = arith.addi %add3A_261, %add3A_470 : i32
        %dma_start3A_472 = arith.constant 0 : i32
        %dma_start3A_473 = arith.constant 0 : i32
        %dma_start3A_474 = arith.constant 0 : i32
        %dma_start3A_475 = arith.constant 0 : i32
        %dma_start3A_476 = tpu.memref_slice %arg11[%dma_start3A_472, %dma_start3A_474, %dma_start3A_475] : memref<4x128x64xf32, #tpu.memory_space<vmem>> -> memref<1x128x64xf32, #tpu.memory_space<vmem>>
        %dma_start3A_477 = tpu.memref_squeeze %dma_start3A_476 : memref<1x128x64xf32, #tpu.memory_space<vmem>> -> memref<128x64xf32, #tpu.memory_space<vmem>>
        %dma_start3A_478 = arith.constant 0 : i32
        %dma_start3A_479 = tpu.memref_slice %arg9[%add3A_471, %dma_start3A_478] : memref<104x128xi32, #tpu.memory_space<vmem>> -> memref<1x128xi32, #tpu.memory_space<vmem>>
        %dma_start3A_480 = tpu.memref_squeeze %dma_start3A_479 : memref<1x128xi32, #tpu.memory_space<vmem>> -> memref<128xi32, #tpu.memory_space<vmem>>
        %dma_start3A_481 = arith.constant 0 : i32
        %dma_start3A_482 = arith.constant 0 : i32
        %dma_start3A_483 = tpu.memref_slice %arg4[%dma_start3A_481, %dma_start3A_482] : memref<1000001x64xf32, #tpu.memory_space<hbm>> -> memref<1000001x64xf32, #tpu.memory_space<hbm>>
        %dma_start3A_484 = tpu.memref_slice %arg15[%dma_start3A_473] : memref<4x!tpu.dma_semaphore, #tpu.memory_space<semaphore_mem>> -> memref<1x!tpu.dma_semaphore, #tpu.memory_space<semaphore_mem>>
        %dma_start3A_485 = tpu.memref_squeeze %dma_start3A_484 : memref<1x!tpu.dma_semaphore, #tpu.memory_space<semaphore_mem>> -> memref<!tpu.dma_semaphore, #tpu.memory_space<semaphore_mem>>
        tpu.enqueue_indirect_dma source(%dma_start3A_483 : memref<1000001x64xf32, #tpu.memory_space<hbm>>) target(%dma_start3A_477 : memref<128x64xf32, #tpu.memory_space<vmem>>) offsets(%dma_start3A_480 : memref<128xi32, #tpu.memory_space<vmem>>) semaphore(%dma_start3A_485 : memref<!tpu.dma_semaphore, #tpu.memory_space<semaphore_mem>>)
      } else {
      }
      %mul3A_308 = arith.constant 4 : i32
      %mul3A_309 = arith.muli %add3A_257, %mul3A_308 : i32
      %add3A_310 = arith.constant 1 : i32
      %add3A_311 = arith.addi %mul3A_309, %add3A_310 : i32
      %dma_wait3A_312 = arith.constant 1 : i32
      %dma_wait3A_313 = arith.constant 1 : i32
      %dma_wait3A_314 = arith.constant 0 : i32
      %dma_wait3A_315 = arith.constant 0 : i32
      %dma_wait3A_316 = tpu.memref_slice %arg11[%dma_wait3A_312, %dma_wait3A_314, %dma_wait3A_315] : memref<4x128x64xf32, #tpu.memory_space<vmem>> -> memref<1x128x64xf32, #tpu.memory_space<vmem>>
      %dma_wait3A_317 = tpu.memref_squeeze %dma_wait3A_316 : memref<1x128x64xf32, #tpu.memory_space<vmem>> -> memref<128x64xf32, #tpu.memory_space<vmem>>
      %dma_wait3A_318 = arith.constant 0 : i32
      %dma_wait3A_319 = tpu.memref_slice %arg9[%add3A_311, %dma_wait3A_318] : memref<104x128xi32, #tpu.memory_space<vmem>> -> memref<1x128xi32, #tpu.memory_space<vmem>>
      %dma_wait3A_320 = tpu.memref_squeeze %dma_wait3A_319 : memref<1x128xi32, #tpu.memory_space<vmem>> -> memref<128xi32, #tpu.memory_space<vmem>>
      %dma_wait3A_321 = arith.constant 0 : i32
      %dma_wait3A_322 = arith.constant 0 : i32
      %dma_wait3A_323 = tpu.memref_slice %arg4[%dma_wait3A_321, %dma_wait3A_322] : memref<1000001x64xf32, #tpu.memory_space<hbm>> -> memref<1000001x64xf32, #tpu.memory_space<hbm>>
      %dma_wait3A_324 = tpu.memref_slice %arg15[%dma_wait3A_313] : memref<4x!tpu.dma_semaphore, #tpu.memory_space<semaphore_mem>> -> memref<1x!tpu.dma_semaphore, #tpu.memory_space<semaphore_mem>>
      %dma_wait3A_325 = tpu.memref_squeeze %dma_wait3A_324 : memref<1x!tpu.dma_semaphore, #tpu.memory_space<semaphore_mem>> -> memref<!tpu.dma_semaphore, #tpu.memory_space<semaphore_mem>>
      tpu.wait_indirect_dma semaphore(%dma_wait3A_325 : memref<!tpu.dma_semaphore, #tpu.memory_space<semaphore_mem>>) src(%dma_wait3A_323 : memref<1000001x64xf32, #tpu.memory_space<hbm>>) dst(%dma_wait3A_317 : memref<128x64xf32, #tpu.memory_space<vmem>>)
      %gt3A_326 = arith.constant 0 : i32
      %gt3A_327 = arith.cmpi sgt, %add3A_257, %gt3A_326 : i32
      %convert_element_type3A_328 = arith.extui %gt3A_327 : i1 to i32
      %cond3A_329 = arith.constant 0 : i32
      %cond3A_330 = arith.cmpi ne, %convert_element_type3A_328, %cond3A_329 : i32
      scf.if %cond3A_330 {
        %sub3A_470 = arith.constant 4 : i32
        %sub3A_471 = arith.subi %add3A_311, %sub3A_470 : i32
        %mul3A_472 = arith.constant 128 : i32
        %mul3A_473 = arith.muli %sub3A_471, %mul3A_472 : i32
        %add3A_474 = arith.addi %mul3A_4, %mul3A_473 : i32
        %dma_wait3A_475 = arith.constant 1 : i32
        %dma_wait3A_476 = arith.constant 1 : i32
        %dma_wait3A_477 = arith.constant 0 : i32
        %dma_wait3A_478 = arith.constant 0 : i32
        %dma_wait3A_479 = tpu.memref_slice %arg12[%dma_wait3A_475, %dma_wait3A_477, %dma_wait3A_478] : memref<4x128x64xf32, #tpu.memory_space<vmem>> -> memref<1x128x64xf32, #tpu.memory_space<vmem>>
        %dma_wait3A_480 = tpu.memref_squeeze %dma_wait3A_479 : memref<1x128x64xf32, #tpu.memory_space<vmem>> -> memref<128x64xf32, #tpu.memory_space<vmem>>
        %dma_wait3A_481 = arith.constant 0 : i32
        %dma_wait3A_482 = tpu.memref_slice %arg6[%add3A_474, %dma_wait3A_481] : memref<425984x64xf32, #tpu.memory_space<hbm>> -> memref<128x64xf32, #tpu.memory_space<hbm>>
        %dma_wait3A_483 = tpu.memref_slice %arg16[%dma_wait3A_476] : memref<4x!tpu.dma_semaphore, #tpu.memory_space<semaphore_mem>> -> memref<1x!tpu.dma_semaphore, #tpu.memory_space<semaphore_mem>>
        %dma_wait3A_484 = tpu.memref_squeeze %dma_wait3A_483 : memref<1x!tpu.dma_semaphore, #tpu.memory_space<semaphore_mem>> -> memref<!tpu.dma_semaphore, #tpu.memory_space<semaphore_mem>>
        %dma_wait3A_485 = arith.constant 0 : i32
        %dma_wait3A_486 = tpu.memref_slice %arg6[%add3A_474, %dma_wait3A_485] : memref<425984x64xf32, #tpu.memory_space<hbm>> -> memref<128x64xf32, #tpu.memory_space<hbm>>
        %dma_wait3A_487 = arith.constant 0 : i32
        %dma_wait3A_488 = arith.constant 0 : i32
        %dma_wait3A_489 = tpu.memref_slice %arg12[%dma_wait3A_475, %dma_wait3A_487, %dma_wait3A_488] : memref<4x128x64xf32, #tpu.memory_space<vmem>> -> memref<1x128x64xf32, #tpu.memory_space<vmem>>
        %dma_wait3A_490 = tpu.memref_squeeze %dma_wait3A_489 : memref<1x128x64xf32, #tpu.memory_space<vmem>> -> memref<128x64xf32, #tpu.memory_space<vmem>>
        tpu.wait_dma2 semaphore(%dma_wait3A_484 : memref<!tpu.dma_semaphore, #tpu.memory_space<semaphore_mem>>) src(%dma_wait3A_490 : memref<128x64xf32, #tpu.memory_space<vmem>>) dst(%dma_wait3A_486 : memref<128x64xf32, #tpu.memory_space<hbm>>)
      } else {
      }
      %scan3A_331 = arith.constant 1 : i32
      %scan3A_332 = arith.constant 1 : i32
      %scan3A_333 = arith.constant 0 : i32
      %scan3A_334 = arith.constant 32 : i32
      %scan3A_335 = arith.addi %scan3A_333, %scan3A_334 : i32
      %scan3A_336 = arith.constant 1 : i32
      scf.for %scan3A_470 = %scan3A_333 to %scan3A_335 step %scan3A_336  : i32 {
        %mul3A_471 = arith.constant 4 : i32
        %mul3A_472 = arith.muli %scan3A_470, %mul3A_471 : i32
        %add3A_473 = arith.constant 0 : i32
        %add3A_474 = arith.addi %add3A_473, %mul3A_472 : i32
        %add3A_475 = arith.constant 0 : i32
        %add3A_476 = arith.addi %add3A_474, %add3A_475 : i32
        %get3A_477 = arith.constant 0 : i32
        %get3A_478 = arith.constant 0 : i32
        %get3A_479 = tpu.memref_slice %arg11[%scan3A_331, %get3A_477, %get3A_478] : memref<4x128x64xf32, #tpu.memory_space<vmem>> -> memref<1x128x64xf32, #tpu.memory_space<vmem>>
        %get3A_480 = tpu.memref_squeeze %get3A_479 : memref<1x128x64xf32, #tpu.memory_space<vmem>> -> memref<128x64xf32, #tpu.memory_space<vmem>>
        %get3A_481 = arith.index_cast %add3A_476 : i32 to index
        %get3A_482 = arith.constant 0 : index
        %get3A_483 = tpu.vector_load %get3A_480[%get3A_481, %get3A_482] {strides = array<i32>} : memref<128x64xf32, #tpu.memory_space<vmem>>, vector<16xf32>,
        %get3A_484 = arith.constant 0 : i32
        %get3A_485 = arith.constant 0 : i32
        %get3A_486 = tpu.memref_slice %arg11[%scan3A_331, %get3A_484, %get3A_485] : memref<4x128x64xf32, #tpu.memory_space<vmem>> -> memref<1x128x64xf32, #tpu.memory_space<vmem>>
        %get3A_487 = tpu.memref_squeeze %get3A_486 : memref<1x128x64xf32, #tpu.memory_space<vmem>> -> memref<128x64xf32, #tpu.memory_space<vmem>>
        %get3A_488 = arith.index_cast %add3A_476 : i32 to index
        %get3A_489 = arith.constant 16 : index
        %get3A_490 = tpu.vector_load %get3A_487[%get3A_488, %get3A_489] {strides = array<i32>} : memref<128x64xf32, #tpu.memory_space<vmem>>, vector<16xf32>,
        %get3A_491 = arith.constant 0 : i32
        %get3A_492 = arith.constant 0 : i32
        %get3A_493 = tpu.memref_slice %arg11[%scan3A_331, %get3A_491, %get3A_492] : memref<4x128x64xf32, #tpu.memory_space<vmem>> -> memref<1x128x64xf32, #tpu.memory_space<vmem>>
        %get3A_494 = tpu.memref_squeeze %get3A_493 : memref<1x128x64xf32, #tpu.memory_space<vmem>> -> memref<128x64xf32, #tpu.memory_space<vmem>>
        %get3A_495 = arith.index_cast %add3A_476 : i32 to index
        %get3A_496 = arith.constant 32 : index
        %get3A_497 = tpu.vector_load %get3A_494[%get3A_495, %get3A_496] {strides = array<i32>} : memref<128x64xf32, #tpu.memory_space<vmem>>, vector<16xf32>,
        %get3A_498 = arith.constant 0 : i32
        %get3A_499 = arith.constant 0 : i32
        %get3A_500 = tpu.memref_slice %arg11[%scan3A_331, %get3A_498, %get3A_499] : memref<4x128x64xf32, #tpu.memory_space<vmem>> -> memref<1x128x64xf32, #tpu.memory_space<vmem>>
        %get3A_501 = tpu.memref_squeeze %get3A_500 : memref<1x128x64xf32, #tpu.memory_space<vmem>> -> memref<128x64xf32, #tpu.memory_space<vmem>>
        %get3A_502 = arith.index_cast %add3A_476 : i32 to index
        %get3A_503 = arith.constant 48 : index
        %get3A_504 = tpu.vector_load %get3A_501[%get3A_502, %get3A_503] {strides = array<i32>} : memref<128x64xf32, #tpu.memory_space<vmem>>, vector<16xf32>,
        %add3A_505 = arith.addf %get3A_483, %get3A_490 : vector<16xf32>
        %add3A_506 = arith.addf %get3A_497, %get3A_504 : vector<16xf32>
        %add3A_507 = arith.addf %add3A_505, %add3A_506 : vector<16xf32>
        %mul3A_508 = arith.mulf %get3A_483, %get3A_483 : vector<16xf32>
        %mul3A_509 = arith.mulf %get3A_490, %get3A_490 : vector<16xf32>
        %add3A_510 = arith.addf %mul3A_508, %mul3A_509 : vector<16xf32>
        %mul3A_511 = arith.mulf %get3A_497, %get3A_497 : vector<16xf32>
        %mul3A_512 = arith.mulf %get3A_504, %get3A_504 : vector<16xf32>
        %add3A_513 = arith.addf %mul3A_511, %mul3A_512 : vector<16xf32>
        %add3A_514 = arith.addf %add3A_510, %add3A_513 : vector<16xf32>
        %reduce_sum3A_515 = arith.constant true
        %reduce_sum3A_516 = vector.broadcast %reduce_sum3A_515 : i1 to vector<16xi1>
        %reduce_sum3A_517 = tpu.scan <sum>, %add3A_507 masked %reduce_sum3A_516 : vector<16xf32>, vector<16xi1> -> vector<16xf32>
        %reduce_sum3A_518 = vector.extract %reduce_sum3A_517[15] : f32 from vector<16xf32>
        %mul3A_519 = arith.constant 1.562500e-02 : f32
        %mul3A_520 = arith.mulf %reduce_sum3A_518, %mul3A_519 : f32
        %reduce_sum3A_521 = arith.constant true
        %reduce_sum3A_522 = vector.broadcast %reduce_sum3A_521 : i1 to vector<16xi1>
        %reduce_sum3A_523 = tpu.scan <sum>, %add3A_514 masked %reduce_sum3A_522 : vector<16xf32>, vector<16xi1> -> vector<16xf32>
        %reduce_sum3A_524 = vector.extract %reduce_sum3A_523[15] : f32 from vector<16xf32>
        %mul3A_525 = arith.constant 1.562500e-02 : f32
        %mul3A_526 = arith.mulf %reduce_sum3A_524, %mul3A_525 : f32
        %mul3A_527 = arith.mulf %mul3A_520, %mul3A_520 : f32
        %sub3A_528 = arith.subf %mul3A_526, %mul3A_527 : f32
        %add3A_529 = arith.constant 9.99999974E-6 : f32
        %add3A_530 = arith.addf %sub3A_528, %add3A_529 : f32
        %broadcast_in_dim3A_531 = vector.broadcast %add3A_530 : f32 to vector<16xf32>
        %bitcast_convert_type3A_532 = tpu.bitcast %broadcast_in_dim3A_531 : vector<16xf32> -> vector<16xi32>
        %shift_right_arithmetic3A_533 = arith.constant 1 : i32
        %shift_right_arithmetic3A_534 = vector.broadcast %shift_right_arithmetic3A_533 : i32 to vector<16xi32>
        %shift_right_arithmetic3A_535 = arith.shrsi %bitcast_convert_type3A_532, %shift_right_arithmetic3A_534 : vector<16xi32>
        %sub3A_536 = arith.constant 1597463007 : i32
        %sub3A_537 = vector.broadcast %sub3A_536 : i32 to vector<16xi32>
        %sub3A_538 = arith.subi %sub3A_537, %shift_right_arithmetic3A_535 : vector<16xi32>
        %bitcast_convert_type3A_539 = tpu.bitcast %sub3A_538 : vector<16xi32> -> vector<16xf32>
        %mul3A_540 = arith.constant 5.000000e-01 : f32
        %mul3A_541 = vector.broadcast %mul3A_540 : f32 to vector<16xf32>
        %mul3A_542 = arith.mulf %broadcast_in_dim3A_531, %mul3A_541 : vector<16xf32>
        %mul3A_543 = arith.mulf %mul3A_542, %bitcast_convert_type3A_539 : vector<16xf32>
        %mul3A_544 = arith.mulf %mul3A_543, %bitcast_convert_type3A_539 : vector<16xf32>
        %sub3A_545 = arith.constant 1.500000e+00 : f32
        %sub3A_546 = vector.broadcast %sub3A_545 : f32 to vector<16xf32>
        %sub3A_547 = arith.subf %sub3A_546, %mul3A_544 : vector<16xf32>
        %mul3A_548 = arith.mulf %bitcast_convert_type3A_539, %sub3A_547 : vector<16xf32>
        %mul3A_549 = arith.mulf %mul3A_542, %mul3A_548 : vector<16xf32>
        %mul3A_550 = arith.mulf %mul3A_549, %mul3A_548 : vector<16xf32>
        %sub3A_551 = arith.constant 1.500000e+00 : f32
        %sub3A_552 = vector.broadcast %sub3A_551 : f32 to vector<16xf32>
        %sub3A_553 = arith.subf %sub3A_552, %mul3A_550 : vector<16xf32>
        %mul3A_554 = arith.mulf %mul3A_548, %sub3A_553 : vector<16xf32>
        %broadcast_in_dim3A_555 = vector.broadcast %mul3A_520 : f32 to vector<16xf32>
        %mul3A_556 = arith.constant 128 : i32
        %mul3A_557 = arith.muli %add3A_311, %mul3A_556 : i32
        %add3A_558 = arith.addi %mul3A_557, %add3A_476 : i32
        %broadcast_in_dim3A_559 = vector.broadcast %add3A_558 : i32 to vector<16xi32>
        %gather3A = tpu.vector_load_idx %arg10[%broadcast_in_dim3A_559] : memref<13312xi32, #tpu.memory_space<vmem>>[vector<16xi32>], vector<16xi32>,
        %eq3A = arith.constant 0 : i32
        %eq3A_560 = vector.broadcast %eq3A : i32 to vector<16xi32>
        %eq3A_561 = arith.cmpi eq, %gather3A, %eq3A_560 : vector<16xi32>
        %jit3A = arith.constant 0.000000e+00 : f32
        %broadcast_in_dim3A_562 = vector.broadcast %jit3A : f32 to vector<16xf32>
        %select_n3A = arith.select %eq3A_561, %mul3A_554, %broadcast_in_dim3A_562 : vector<16xi1>, vector<16xf32>
        %select_n3A_563 = arith.select %eq3A_561, %get3A_23, %add3A_101 : vector<16xi1>, vector<16xf32>
        %sub3A_564 = arith.subf %get3A_483, %broadcast_in_dim3A_555 : vector<16xf32>
        %mul3A_565 = arith.mulf %select_n3A, %get3A_7 : vector<16xf32>
        %mul3A_566 = arith.mulf %sub3A_564, %mul3A_565 : vector<16xf32>
        %add3A_567 = arith.addf %mul3A_566, %select_n3A_563 : vector<16xf32>
        %swap3A = arith.constant 0 : i32
        %swap3A_568 = arith.constant 0 : i32
        %swap3A_569 = tpu.memref_slice %arg12[%scan3A_332, %swap3A, %swap3A_568] : memref<4x128x64xf32, #tpu.memory_space<vmem>> -> memref<1x128x64xf32, #tpu.memory_space<vmem>>
        %swap3A_570 = tpu.memref_squeeze %swap3A_569 : memref<1x128x64xf32, #tpu.memory_space<vmem>> -> memref<128x64xf32, #tpu.memory_space<vmem>>
        %swap3A_571 = arith.index_cast %add3A_476 : i32 to index
        %swap3A_572 = arith.constant 0 : index
        %swap3A_573 = tpu.vector_load %swap3A_570[%swap3A_571, %swap3A_572] {strides = array<i32>} : memref<128x64xf32, #tpu.memory_space<vmem>>, vector<16xf32>,
        tpu.vector_store %swap3A_570[%swap3A_571, %swap3A_572], %add3A_567 {strides = array<i32>} : memref<128x64xf32, #tpu.memory_space<vmem>>, vector<16xf32>,
        %select_n3A_574 = arith.select %eq3A_561, %get3A_27, %add3A_105 : vector<16xi1>, vector<16xf32>
        %sub3A_575 = arith.subf %get3A_490, %broadcast_in_dim3A_555 : vector<16xf32>
        %mul3A_576 = arith.mulf %select_n3A, %get3A_11 : vector<16xf32>
        %mul3A_577 = arith.mulf %sub3A_575, %mul3A_576 : vector<16xf32>
        %add3A_578 = arith.addf %mul3A_577, %select_n3A_574 : vector<16xf32>
        %swap3A_579 = arith.constant 0 : i32
        %swap3A_580 = arith.constant 0 : i32
        %swap3A_581 = tpu.memref_slice %arg12[%scan3A_332, %swap3A_579, %swap3A_580] : memref<4x128x64xf32, #tpu.memory_space<vmem>> -> memref<1x128x64xf32, #tpu.memory_space<vmem>>
        %swap3A_582 = tpu.memref_squeeze %swap3A_581 : memref<1x128x64xf32, #tpu.memory_space<vmem>> -> memref<128x64xf32, #tpu.memory_space<vmem>>
        %swap3A_583 = arith.index_cast %add3A_476 : i32 to index
        %swap3A_584 = arith.constant 16 : index
        %swap3A_585 = tpu.vector_load %swap3A_582[%swap3A_583, %swap3A_584] {strides = array<i32>} : memref<128x64xf32, #tpu.memory_space<vmem>>, vector<16xf32>,
        tpu.vector_store %swap3A_582[%swap3A_583, %swap3A_584], %add3A_578 {strides = array<i32>} : memref<128x64xf32, #tpu.memory_space<vmem>>, vector<16xf32>,
        %select_n3A_586 = arith.select %eq3A_561, %get3A_31, %add3A_109 : vector<16xi1>, vector<16xf32>
        %sub3A_587 = arith.subf %get3A_497, %broadcast_in_dim3A_555 : vector<16xf32>
        %mul3A_588 = arith.mulf %select_n3A, %get3A_15 : vector<16xf32>
        %mul3A_589 = arith.mulf %sub3A_587, %mul3A_588 : vector<16xf32>
        %add3A_590 = arith.addf %mul3A_589, %select_n3A_586 : vector<16xf32>
        %swap3A_591 = arith.constant 0 : i32
        %swap3A_592 = arith.constant 0 : i32
        %swap3A_593 = tpu.memref_slice %arg12[%scan3A_332, %swap3A_591, %swap3A_592] : memref<4x128x64xf32, #tpu.memory_space<vmem>> -> memref<1x128x64xf32, #tpu.memory_space<vmem>>
        %swap3A_594 = tpu.memref_squeeze %swap3A_593 : memref<1x128x64xf32, #tpu.memory_space<vmem>> -> memref<128x64xf32, #tpu.memory_space<vmem>>
        %swap3A_595 = arith.index_cast %add3A_476 : i32 to index
        %swap3A_596 = arith.constant 32 : index
        %swap3A_597 = tpu.vector_load %swap3A_594[%swap3A_595, %swap3A_596] {strides = array<i32>} : memref<128x64xf32, #tpu.memory_space<vmem>>, vector<16xf32>,
        tpu.vector_store %swap3A_594[%swap3A_595, %swap3A_596], %add3A_590 {strides = array<i32>} : memref<128x64xf32, #tpu.memory_space<vmem>>, vector<16xf32>,
        %select_n3A_598 = arith.select %eq3A_561, %get3A_35, %add3A_113 : vector<16xi1>, vector<16xf32>
        %sub3A_599 = arith.subf %get3A_504, %broadcast_in_dim3A_555 : vector<16xf32>
        %mul3A_600 = arith.mulf %select_n3A, %get3A_19 : vector<16xf32>
        %mul3A_601 = arith.mulf %sub3A_599, %mul3A_600 : vector<16xf32>
        %add3A_602 = arith.addf %mul3A_601, %select_n3A_598 : vector<16xf32>
        %swap3A_603 = arith.constant 0 : i32
        %swap3A_604 = arith.constant 0 : i32
        %swap3A_605 = tpu.memref_slice %arg12[%scan3A_332, %swap3A_603, %swap3A_604] : memref<4x128x64xf32, #tpu.memory_space<vmem>> -> memref<1x128x64xf32, #tpu.memory_space<vmem>>
        %swap3A_606 = tpu.memref_squeeze %swap3A_605 : memref<1x128x64xf32, #tpu.memory_space<vmem>> -> memref<128x64xf32, #tpu.memory_space<vmem>>
        %swap3A_607 = arith.index_cast %add3A_476 : i32 to index
        %swap3A_608 = arith.constant 48 : index
        %swap3A_609 = tpu.vector_load %swap3A_606[%swap3A_607, %swap3A_608] {strides = array<i32>} : memref<128x64xf32, #tpu.memory_space<vmem>>, vector<16xf32>,
        tpu.vector_store %swap3A_606[%swap3A_607, %swap3A_608], %add3A_602 {strides = array<i32>} : memref<128x64xf32, #tpu.memory_space<vmem>>, vector<16xf32>,
        %add3A_610 = arith.constant 1 : i32
        %add3A_611 = arith.addi %add3A_474, %add3A_610 : i32
        %get3A_612 = arith.constant 0 : i32
        %get3A_613 = arith.constant 0 : i32
        %get3A_614 = tpu.memref_slice %arg11[%scan3A_331, %get3A_612, %get3A_613] : memref<4x128x64xf32, #tpu.memory_space<vmem>> -> memref<1x128x64xf32, #tpu.memory_space<vmem>>
        %get3A_615 = tpu.memref_squeeze %get3A_614 : memref<1x128x64xf32, #tpu.memory_space<vmem>> -> memref<128x64xf32, #tpu.memory_space<vmem>>
        %get3A_616 = arith.index_cast %add3A_611 : i32 to index
        %get3A_617 = arith.constant 0 : index
        %get3A_618 = tpu.vector_load %get3A_615[%get3A_616, %get3A_617] {strides = array<i32>} : memref<128x64xf32, #tpu.memory_space<vmem>>, vector<16xf32>,
        %get3A_619 = arith.constant 0 : i32
        %get3A_620 = arith.constant 0 : i32
        %get3A_621 = tpu.memref_slice %arg11[%scan3A_331, %get3A_619, %get3A_620] : memref<4x128x64xf32, #tpu.memory_space<vmem>> -> memref<1x128x64xf32, #tpu.memory_space<vmem>>
        %get3A_622 = tpu.memref_squeeze %get3A_621 : memref<1x128x64xf32, #tpu.memory_space<vmem>> -> memref<128x64xf32, #tpu.memory_space<vmem>>
        %get3A_623 = arith.index_cast %add3A_611 : i32 to index
        %get3A_624 = arith.constant 16 : index
        %get3A_625 = tpu.vector_load %get3A_622[%get3A_623, %get3A_624] {strides = array<i32>} : memref<128x64xf32, #tpu.memory_space<vmem>>, vector<16xf32>,
        %get3A_626 = arith.constant 0 : i32
        %get3A_627 = arith.constant 0 : i32
        %get3A_628 = tpu.memref_slice %arg11[%scan3A_331, %get3A_626, %get3A_627] : memref<4x128x64xf32, #tpu.memory_space<vmem>> -> memref<1x128x64xf32, #tpu.memory_space<vmem>>
        %get3A_629 = tpu.memref_squeeze %get3A_628 : memref<1x128x64xf32, #tpu.memory_space<vmem>> -> memref<128x64xf32, #tpu.memory_space<vmem>>
        %get3A_630 = arith.index_cast %add3A_611 : i32 to index
        %get3A_631 = arith.constant 32 : index
        %get3A_632 = tpu.vector_load %get3A_629[%get3A_630, %get3A_631] {strides = array<i32>} : memref<128x64xf32, #tpu.memory_space<vmem>>, vector<16xf32>,
        %get3A_633 = arith.constant 0 : i32
        %get3A_634 = arith.constant 0 : i32
        %get3A_635 = tpu.memref_slice %arg11[%scan3A_331, %get3A_633, %get3A_634] : memref<4x128x64xf32, #tpu.memory_space<vmem>> -> memref<1x128x64xf32, #tpu.memory_space<vmem>>
        %get3A_636 = tpu.memref_squeeze %get3A_635 : memref<1x128x64xf32, #tpu.memory_space<vmem>> -> memref<128x64xf32, #tpu.memory_space<vmem>>
        %get3A_637 = arith.index_cast %add3A_611 : i32 to index
        %get3A_638 = arith.constant 48 : index
        %get3A_639 = tpu.vector_load %get3A_636[%get3A_637, %get3A_638] {strides = array<i32>} : memref<128x64xf32, #tpu.memory_space<vmem>>, vector<16xf32>,
        %add3A_640 = arith.addf %get3A_618, %get3A_625 : vector<16xf32>
        %add3A_641 = arith.addf %get3A_632, %get3A_639 : vector<16xf32>
        %add3A_642 = arith.addf %add3A_640, %add3A_641 : vector<16xf32>
        %mul3A_643 = arith.mulf %get3A_618, %get3A_618 : vector<16xf32>
        %mul3A_644 = arith.mulf %get3A_625, %get3A_625 : vector<16xf32>
        %add3A_645 = arith.addf %mul3A_643, %mul3A_644 : vector<16xf32>
        %mul3A_646 = arith.mulf %get3A_632, %get3A_632 : vector<16xf32>
        %mul3A_647 = arith.mulf %get3A_639, %get3A_639 : vector<16xf32>
        %add3A_648 = arith.addf %mul3A_646, %mul3A_647 : vector<16xf32>
        %add3A_649 = arith.addf %add3A_645, %add3A_648 : vector<16xf32>
        %reduce_sum3A_650 = arith.constant true
        %reduce_sum3A_651 = vector.broadcast %reduce_sum3A_650 : i1 to vector<16xi1>
        %reduce_sum3A_652 = tpu.scan <sum>, %add3A_642 masked %reduce_sum3A_651 : vector<16xf32>, vector<16xi1> -> vector<16xf32>
        %reduce_sum3A_653 = vector.extract %reduce_sum3A_652[15] : f32 from vector<16xf32>
        %mul3A_654 = arith.constant 1.562500e-02 : f32
        %mul3A_655 = arith.mulf %reduce_sum3A_653, %mul3A_654 : f32
        %reduce_sum3A_656 = arith.constant true
        %reduce_sum3A_657 = vector.broadcast %reduce_sum3A_656 : i1 to vector<16xi1>
        %reduce_sum3A_658 = tpu.scan <sum>, %add3A_649 masked %reduce_sum3A_657 : vector<16xf32>, vector<16xi1> -> vector<16xf32>
        %reduce_sum3A_659 = vector.extract %reduce_sum3A_658[15] : f32 from vector<16xf32>
        %mul3A_660 = arith.constant 1.562500e-02 : f32
        %mul3A_661 = arith.mulf %reduce_sum3A_659, %mul3A_660 : f32
        %mul3A_662 = arith.mulf %mul3A_655, %mul3A_655 : f32
        %sub3A_663 = arith.subf %mul3A_661, %mul3A_662 : f32
        %add3A_664 = arith.constant 9.99999974E-6 : f32
        %add3A_665 = arith.addf %sub3A_663, %add3A_664 : f32
        %broadcast_in_dim3A_666 = vector.broadcast %add3A_665 : f32 to vector<16xf32>
        %bitcast_convert_type3A_667 = tpu.bitcast %broadcast_in_dim3A_666 : vector<16xf32> -> vector<16xi32>
        %shift_right_arithmetic3A_668 = arith.constant 1 : i32
        %shift_right_arithmetic3A_669 = vector.broadcast %shift_right_arithmetic3A_668 : i32 to vector<16xi32>
        %shift_right_arithmetic3A_670 = arith.shrsi %bitcast_convert_type3A_667, %shift_right_arithmetic3A_669 : vector<16xi32>
        %sub3A_671 = arith.constant 1597463007 : i32
        %sub3A_672 = vector.broadcast %sub3A_671 : i32 to vector<16xi32>
        %sub3A_673 = arith.subi %sub3A_672, %shift_right_arithmetic3A_670 : vector<16xi32>
        %bitcast_convert_type3A_674 = tpu.bitcast %sub3A_673 : vector<16xi32> -> vector<16xf32>
        %mul3A_675 = arith.constant 5.000000e-01 : f32
        %mul3A_676 = vector.broadcast %mul3A_675 : f32 to vector<16xf32>
        %mul3A_677 = arith.mulf %broadcast_in_dim3A_666, %mul3A_676 : vector<16xf32>
        %mul3A_678 = arith.mulf %mul3A_677, %bitcast_convert_type3A_674 : vector<16xf32>
        %mul3A_679 = arith.mulf %mul3A_678, %bitcast_convert_type3A_674 : vector<16xf32>
        %sub3A_680 = arith.constant 1.500000e+00 : f32
        %sub3A_681 = vector.broadcast %sub3A_680 : f32 to vector<16xf32>
        %sub3A_682 = arith.subf %sub3A_681, %mul3A_679 : vector<16xf32>
        %mul3A_683 = arith.mulf %bitcast_convert_type3A_674, %sub3A_682 : vector<16xf32>
        %mul3A_684 = arith.mulf %mul3A_677, %mul3A_683 : vector<16xf32>
        %mul3A_685 = arith.mulf %mul3A_684, %mul3A_683 : vector<16xf32>
        %sub3A_686 = arith.constant 1.500000e+00 : f32
        %sub3A_687 = vector.broadcast %sub3A_686 : f32 to vector<16xf32>
        %sub3A_688 = arith.subf %sub3A_687, %mul3A_685 : vector<16xf32>
        %mul3A_689 = arith.mulf %mul3A_683, %sub3A_688 : vector<16xf32>
        %broadcast_in_dim3A_690 = vector.broadcast %mul3A_655 : f32 to vector<16xf32>
        %mul3A_691 = arith.constant 128 : i32
        %mul3A_692 = arith.muli %add3A_311, %mul3A_691 : i32
        %add3A_693 = arith.addi %mul3A_692, %add3A_611 : i32
        %broadcast_in_dim3A_694 = vector.broadcast %add3A_693 : i32 to vector<16xi32>
        %gather3A_695 = tpu.vector_load_idx %arg10[%broadcast_in_dim3A_694] : memref<13312xi32, #tpu.memory_space<vmem>>[vector<16xi32>], vector<16xi32>,
        %eq3A_696 = arith.constant 0 : i32
        %eq3A_697 = vector.broadcast %eq3A_696 : i32 to vector<16xi32>
        %eq3A_698 = arith.cmpi eq, %gather3A_695, %eq3A_697 : vector<16xi32>
        %jit3A_699 = arith.constant 0.000000e+00 : f32
        %broadcast_in_dim3A_700 = vector.broadcast %jit3A_699 : f32 to vector<16xf32>
        %select_n3A_701 = arith.select %eq3A_698, %mul3A_689, %broadcast_in_dim3A_700 : vector<16xi1>, vector<16xf32>
        %select_n3A_702 = arith.select %eq3A_698, %get3A_23, %add3A_101 : vector<16xi1>, vector<16xf32>
        %sub3A_703 = arith.subf %get3A_618, %broadcast_in_dim3A_690 : vector<16xf32>
        %mul3A_704 = arith.mulf %select_n3A_701, %get3A_7 : vector<16xf32>
        %mul3A_705 = arith.mulf %sub3A_703, %mul3A_704 : vector<16xf32>
        %add3A_706 = arith.addf %mul3A_705, %select_n3A_702 : vector<16xf32>
        %swap3A_707 = arith.constant 0 : i32
        %swap3A_708 = arith.constant 0 : i32
        %swap3A_709 = tpu.memref_slice %arg12[%scan3A_332, %swap3A_707, %swap3A_708] : memref<4x128x64xf32, #tpu.memory_space<vmem>> -> memref<1x128x64xf32, #tpu.memory_space<vmem>>
        %swap3A_710 = tpu.memref_squeeze %swap3A_709 : memref<1x128x64xf32, #tpu.memory_space<vmem>> -> memref<128x64xf32, #tpu.memory_space<vmem>>
        %swap3A_711 = arith.index_cast %add3A_611 : i32 to index
        %swap3A_712 = arith.constant 0 : index
        %swap3A_713 = tpu.vector_load %swap3A_710[%swap3A_711, %swap3A_712] {strides = array<i32>} : memref<128x64xf32, #tpu.memory_space<vmem>>, vector<16xf32>,
        tpu.vector_store %swap3A_710[%swap3A_711, %swap3A_712], %add3A_706 {strides = array<i32>} : memref<128x64xf32, #tpu.memory_space<vmem>>, vector<16xf32>,
        %select_n3A_714 = arith.select %eq3A_698, %get3A_27, %add3A_105 : vector<16xi1>, vector<16xf32>
        %sub3A_715 = arith.subf %get3A_625, %broadcast_in_dim3A_690 : vector<16xf32>
        %mul3A_716 = arith.mulf %select_n3A_701, %get3A_11 : vector<16xf32>
        %mul3A_717 = arith.mulf %sub3A_715, %mul3A_716 : vector<16xf32>
        %add3A_718 = arith.addf %mul3A_717, %select_n3A_714 : vector<16xf32>
        %swap3A_719 = arith.constant 0 : i32
        %swap3A_720 = arith.constant 0 : i32
        %swap3A_721 = tpu.memref_slice %arg12[%scan3A_332, %swap3A_719, %swap3A_720] : memref<4x128x64xf32, #tpu.memory_space<vmem>> -> memref<1x128x64xf32, #tpu.memory_space<vmem>>
        %swap3A_722 = tpu.memref_squeeze %swap3A_721 : memref<1x128x64xf32, #tpu.memory_space<vmem>> -> memref<128x64xf32, #tpu.memory_space<vmem>>
        %swap3A_723 = arith.index_cast %add3A_611 : i32 to index
        %swap3A_724 = arith.constant 16 : index
        %swap3A_725 = tpu.vector_load %swap3A_722[%swap3A_723, %swap3A_724] {strides = array<i32>} : memref<128x64xf32, #tpu.memory_space<vmem>>, vector<16xf32>,
        tpu.vector_store %swap3A_722[%swap3A_723, %swap3A_724], %add3A_718 {strides = array<i32>} : memref<128x64xf32, #tpu.memory_space<vmem>>, vector<16xf32>,
        %select_n3A_726 = arith.select %eq3A_698, %get3A_31, %add3A_109 : vector<16xi1>, vector<16xf32>
        %sub3A_727 = arith.subf %get3A_632, %broadcast_in_dim3A_690 : vector<16xf32>
        %mul3A_728 = arith.mulf %select_n3A_701, %get3A_15 : vector<16xf32>
        %mul3A_729 = arith.mulf %sub3A_727, %mul3A_728 : vector<16xf32>
        %add3A_730 = arith.addf %mul3A_729, %select_n3A_726 : vector<16xf32>
        %swap3A_731 = arith.constant 0 : i32
        %swap3A_732 = arith.constant 0 : i32
        %swap3A_733 = tpu.memref_slice %arg12[%scan3A_332, %swap3A_731, %swap3A_732] : memref<4x128x64xf32, #tpu.memory_space<vmem>> -> memref<1x128x64xf32, #tpu.memory_space<vmem>>
        %swap3A_734 = tpu.memref_squeeze %swap3A_733 : memref<1x128x64xf32, #tpu.memory_space<vmem>> -> memref<128x64xf32, #tpu.memory_space<vmem>>
        %swap3A_735 = arith.index_cast %add3A_611 : i32 to index
        %swap3A_736 = arith.constant 32 : index
        %swap3A_737 = tpu.vector_load %swap3A_734[%swap3A_735, %swap3A_736] {strides = array<i32>} : memref<128x64xf32, #tpu.memory_space<vmem>>, vector<16xf32>,
        tpu.vector_store %swap3A_734[%swap3A_735, %swap3A_736], %add3A_730 {strides = array<i32>} : memref<128x64xf32, #tpu.memory_space<vmem>>, vector<16xf32>,
        %select_n3A_738 = arith.select %eq3A_698, %get3A_35, %add3A_113 : vector<16xi1>, vector<16xf32>
        %sub3A_739 = arith.subf %get3A_639, %broadcast_in_dim3A_690 : vector<16xf32>
        %mul3A_740 = arith.mulf %select_n3A_701, %get3A_19 : vector<16xf32>
        %mul3A_741 = arith.mulf %sub3A_739, %mul3A_740 : vector<16xf32>
        %add3A_742 = arith.addf %mul3A_741, %select_n3A_738 : vector<16xf32>
        %swap3A_743 = arith.constant 0 : i32
        %swap3A_744 = arith.constant 0 : i32
        %swap3A_745 = tpu.memref_slice %arg12[%scan3A_332, %swap3A_743, %swap3A_744] : memref<4x128x64xf32, #tpu.memory_space<vmem>> -> memref<1x128x64xf32, #tpu.memory_space<vmem>>
        %swap3A_746 = tpu.memref_squeeze %swap3A_745 : memref<1x128x64xf32, #tpu.memory_space<vmem>> -> memref<128x64xf32, #tpu.memory_space<vmem>>
        %swap3A_747 = arith.index_cast %add3A_611 : i32 to index
        %swap3A_748 = arith.constant 48 : index
        %swap3A_749 = tpu.vector_load %swap3A_746[%swap3A_747, %swap3A_748] {strides = array<i32>} : memref<128x64xf32, #tpu.memory_space<vmem>>, vector<16xf32>,
        tpu.vector_store %swap3A_746[%swap3A_747, %swap3A_748], %add3A_742 {strides = array<i32>} : memref<128x64xf32, #tpu.memory_space<vmem>>, vector<16xf32>,
        %add3A_750 = arith.constant 2 : i32
        %add3A_751 = arith.addi %add3A_474, %add3A_750 : i32
        %get3A_752 = arith.constant 0 : i32
        %get3A_753 = arith.constant 0 : i32
        %get3A_754 = tpu.memref_slice %arg11[%scan3A_331, %get3A_752, %get3A_753] : memref<4x128x64xf32, #tpu.memory_space<vmem>> -> memref<1x128x64xf32, #tpu.memory_space<vmem>>
        %get3A_755 = tpu.memref_squeeze %get3A_754 : memref<1x128x64xf32, #tpu.memory_space<vmem>> -> memref<128x64xf32, #tpu.memory_space<vmem>>
        %get3A_756 = arith.index_cast %add3A_751 : i32 to index
        %get3A_757 = arith.constant 0 : index
        %get3A_758 = tpu.vector_load %get3A_755[%get3A_756, %get3A_757] {strides = array<i32>} : memref<128x64xf32, #tpu.memory_space<vmem>>, vector<16xf32>,
        %get3A_759 = arith.constant 0 : i32
        %get3A_760 = arith.constant 0 : i32
        %get3A_761 = tpu.memref_slice %arg11[%scan3A_331, %get3A_759, %get3A_760] : memref<4x128x64xf32, #tpu.memory_space<vmem>> -> memref<1x128x64xf32, #tpu.memory_space<vmem>>
        %get3A_762 = tpu.memref_squeeze %get3A_761 : memref<1x128x64xf32, #tpu.memory_space<vmem>> -> memref<128x64xf32, #tpu.memory_space<vmem>>
        %get3A_763 = arith.index_cast %add3A_751 : i32 to index
        %get3A_764 = arith.constant 16 : index
        %get3A_765 = tpu.vector_load %get3A_762[%get3A_763, %get3A_764] {strides = array<i32>} : memref<128x64xf32, #tpu.memory_space<vmem>>, vector<16xf32>,
        %get3A_766 = arith.constant 0 : i32
        %get3A_767 = arith.constant 0 : i32
        %get3A_768 = tpu.memref_slice %arg11[%scan3A_331, %get3A_766, %get3A_767] : memref<4x128x64xf32, #tpu.memory_space<vmem>> -> memref<1x128x64xf32, #tpu.memory_space<vmem>>
        %get3A_769 = tpu.memref_squeeze %get3A_768 : memref<1x128x64xf32, #tpu.memory_space<vmem>> -> memref<128x64xf32, #tpu.memory_space<vmem>>
        %get3A_770 = arith.index_cast %add3A_751 : i32 to index
        %get3A_771 = arith.constant 32 : index
        %get3A_772 = tpu.vector_load %get3A_769[%get3A_770, %get3A_771] {strides = array<i32>} : memref<128x64xf32, #tpu.memory_space<vmem>>, vector<16xf32>,
        %get3A_773 = arith.constant 0 : i32
        %get3A_774 = arith.constant 0 : i32
        %get3A_775 = tpu.memref_slice %arg11[%scan3A_331, %get3A_773, %get3A_774] : memref<4x128x64xf32, #tpu.memory_space<vmem>> -> memref<1x128x64xf32, #tpu.memory_space<vmem>>
        %get3A_776 = tpu.memref_squeeze %get3A_775 : memref<1x128x64xf32, #tpu.memory_space<vmem>> -> memref<128x64xf32, #tpu.memory_space<vmem>>
        %get3A_777 = arith.index_cast %add3A_751 : i32 to index
        %get3A_778 = arith.constant 48 : index
        %get3A_779 = tpu.vector_load %get3A_776[%get3A_777, %get3A_778] {strides = array<i32>} : memref<128x64xf32, #tpu.memory_space<vmem>>, vector<16xf32>,
        %add3A_780 = arith.addf %get3A_758, %get3A_765 : vector<16xf32>
        %add3A_781 = arith.addf %get3A_772, %get3A_779 : vector<16xf32>
        %add3A_782 = arith.addf %add3A_780, %add3A_781 : vector<16xf32>
        %mul3A_783 = arith.mulf %get3A_758, %get3A_758 : vector<16xf32>
        %mul3A_784 = arith.mulf %get3A_765, %get3A_765 : vector<16xf32>
        %add3A_785 = arith.addf %mul3A_783, %mul3A_784 : vector<16xf32>
        %mul3A_786 = arith.mulf %get3A_772, %get3A_772 : vector<16xf32>
        %mul3A_787 = arith.mulf %get3A_779, %get3A_779 : vector<16xf32>
        %add3A_788 = arith.addf %mul3A_786, %mul3A_787 : vector<16xf32>
        %add3A_789 = arith.addf %add3A_785, %add3A_788 : vector<16xf32>
        %reduce_sum3A_790 = arith.constant true
        %reduce_sum3A_791 = vector.broadcast %reduce_sum3A_790 : i1 to vector<16xi1>
        %reduce_sum3A_792 = tpu.scan <sum>, %add3A_782 masked %reduce_sum3A_791 : vector<16xf32>, vector<16xi1> -> vector<16xf32>
        %reduce_sum3A_793 = vector.extract %reduce_sum3A_792[15] : f32 from vector<16xf32>
        %mul3A_794 = arith.constant 1.562500e-02 : f32
        %mul3A_795 = arith.mulf %reduce_sum3A_793, %mul3A_794 : f32
        %reduce_sum3A_796 = arith.constant true
        %reduce_sum3A_797 = vector.broadcast %reduce_sum3A_796 : i1 to vector<16xi1>
        %reduce_sum3A_798 = tpu.scan <sum>, %add3A_789 masked %reduce_sum3A_797 : vector<16xf32>, vector<16xi1> -> vector<16xf32>
        %reduce_sum3A_799 = vector.extract %reduce_sum3A_798[15] : f32 from vector<16xf32>
        %mul3A_800 = arith.constant 1.562500e-02 : f32
        %mul3A_801 = arith.mulf %reduce_sum3A_799, %mul3A_800 : f32
        %mul3A_802 = arith.mulf %mul3A_795, %mul3A_795 : f32
        %sub3A_803 = arith.subf %mul3A_801, %mul3A_802 : f32
        %add3A_804 = arith.constant 9.99999974E-6 : f32
        %add3A_805 = arith.addf %sub3A_803, %add3A_804 : f32
        %broadcast_in_dim3A_806 = vector.broadcast %add3A_805 : f32 to vector<16xf32>
        %bitcast_convert_type3A_807 = tpu.bitcast %broadcast_in_dim3A_806 : vector<16xf32> -> vector<16xi32>
        %shift_right_arithmetic3A_808 = arith.constant 1 : i32
        %shift_right_arithmetic3A_809 = vector.broadcast %shift_right_arithmetic3A_808 : i32 to vector<16xi32>
        %shift_right_arithmetic3A_810 = arith.shrsi %bitcast_convert_type3A_807, %shift_right_arithmetic3A_809 : vector<16xi32>
        %sub3A_811 = arith.constant 1597463007 : i32
        %sub3A_812 = vector.broadcast %sub3A_811 : i32 to vector<16xi32>
        %sub3A_813 = arith.subi %sub3A_812, %shift_right_arithmetic3A_810 : vector<16xi32>
        %bitcast_convert_type3A_814 = tpu.bitcast %sub3A_813 : vector<16xi32> -> vector<16xf32>
        %mul3A_815 = arith.constant 5.000000e-01 : f32
        %mul3A_816 = vector.broadcast %mul3A_815 : f32 to vector<16xf32>
        %mul3A_817 = arith.mulf %broadcast_in_dim3A_806, %mul3A_816 : vector<16xf32>
        %mul3A_818 = arith.mulf %mul3A_817, %bitcast_convert_type3A_814 : vector<16xf32>
        %mul3A_819 = arith.mulf %mul3A_818, %bitcast_convert_type3A_814 : vector<16xf32>
        %sub3A_820 = arith.constant 1.500000e+00 : f32
        %sub3A_821 = vector.broadcast %sub3A_820 : f32 to vector<16xf32>
        %sub3A_822 = arith.subf %sub3A_821, %mul3A_819 : vector<16xf32>
        %mul3A_823 = arith.mulf %bitcast_convert_type3A_814, %sub3A_822 : vector<16xf32>
        %mul3A_824 = arith.mulf %mul3A_817, %mul3A_823 : vector<16xf32>
        %mul3A_825 = arith.mulf %mul3A_824, %mul3A_823 : vector<16xf32>
        %sub3A_826 = arith.constant 1.500000e+00 : f32
        %sub3A_827 = vector.broadcast %sub3A_826 : f32 to vector<16xf32>
        %sub3A_828 = arith.subf %sub3A_827, %mul3A_825 : vector<16xf32>
        %mul3A_829 = arith.mulf %mul3A_823, %sub3A_828 : vector<16xf32>
        %broadcast_in_dim3A_830 = vector.broadcast %mul3A_795 : f32 to vector<16xf32>
        %mul3A_831 = arith.constant 128 : i32
        %mul3A_832 = arith.muli %add3A_311, %mul3A_831 : i32
        %add3A_833 = arith.addi %mul3A_832, %add3A_751 : i32
        %broadcast_in_dim3A_834 = vector.broadcast %add3A_833 : i32 to vector<16xi32>
        %gather3A_835 = tpu.vector_load_idx %arg10[%broadcast_in_dim3A_834] : memref<13312xi32, #tpu.memory_space<vmem>>[vector<16xi32>], vector<16xi32>,
        %eq3A_836 = arith.constant 0 : i32
        %eq3A_837 = vector.broadcast %eq3A_836 : i32 to vector<16xi32>
        %eq3A_838 = arith.cmpi eq, %gather3A_835, %eq3A_837 : vector<16xi32>
        %jit3A_839 = arith.constant 0.000000e+00 : f32
        %broadcast_in_dim3A_840 = vector.broadcast %jit3A_839 : f32 to vector<16xf32>
        %select_n3A_841 = arith.select %eq3A_838, %mul3A_829, %broadcast_in_dim3A_840 : vector<16xi1>, vector<16xf32>
        %select_n3A_842 = arith.select %eq3A_838, %get3A_23, %add3A_101 : vector<16xi1>, vector<16xf32>
        %sub3A_843 = arith.subf %get3A_758, %broadcast_in_dim3A_830 : vector<16xf32>
        %mul3A_844 = arith.mulf %select_n3A_841, %get3A_7 : vector<16xf32>
        %mul3A_845 = arith.mulf %sub3A_843, %mul3A_844 : vector<16xf32>
        %add3A_846 = arith.addf %mul3A_845, %select_n3A_842 : vector<16xf32>
        %swap3A_847 = arith.constant 0 : i32
        %swap3A_848 = arith.constant 0 : i32
        %swap3A_849 = tpu.memref_slice %arg12[%scan3A_332, %swap3A_847, %swap3A_848] : memref<4x128x64xf32, #tpu.memory_space<vmem>> -> memref<1x128x64xf32, #tpu.memory_space<vmem>>
        %swap3A_850 = tpu.memref_squeeze %swap3A_849 : memref<1x128x64xf32, #tpu.memory_space<vmem>> -> memref<128x64xf32, #tpu.memory_space<vmem>>
        %swap3A_851 = arith.index_cast %add3A_751 : i32 to index
        %swap3A_852 = arith.constant 0 : index
        %swap3A_853 = tpu.vector_load %swap3A_850[%swap3A_851, %swap3A_852] {strides = array<i32>} : memref<128x64xf32, #tpu.memory_space<vmem>>, vector<16xf32>,
        tpu.vector_store %swap3A_850[%swap3A_851, %swap3A_852], %add3A_846 {strides = array<i32>} : memref<128x64xf32, #tpu.memory_space<vmem>>, vector<16xf32>,
        %select_n3A_854 = arith.select %eq3A_838, %get3A_27, %add3A_105 : vector<16xi1>, vector<16xf32>
        %sub3A_855 = arith.subf %get3A_765, %broadcast_in_dim3A_830 : vector<16xf32>
        %mul3A_856 = arith.mulf %select_n3A_841, %get3A_11 : vector<16xf32>
        %mul3A_857 = arith.mulf %sub3A_855, %mul3A_856 : vector<16xf32>
        %add3A_858 = arith.addf %mul3A_857, %select_n3A_854 : vector<16xf32>
        %swap3A_859 = arith.constant 0 : i32
        %swap3A_860 = arith.constant 0 : i32
        %swap3A_861 = tpu.memref_slice %arg12[%scan3A_332, %swap3A_859, %swap3A_860] : memref<4x128x64xf32, #tpu.memory_space<vmem>> -> memref<1x128x64xf32, #tpu.memory_space<vmem>>
        %swap3A_862 = tpu.memref_squeeze %swap3A_861 : memref<1x128x64xf32, #tpu.memory_space<vmem>> -> memref<128x64xf32, #tpu.memory_space<vmem>>
        %swap3A_863 = arith.index_cast %add3A_751 : i32 to index
        %swap3A_864 = arith.constant 16 : index
        %swap3A_865 = tpu.vector_load %swap3A_862[%swap3A_863, %swap3A_864] {strides = array<i32>} : memref<128x64xf32, #tpu.memory_space<vmem>>, vector<16xf32>,
        tpu.vector_store %swap3A_862[%swap3A_863, %swap3A_864], %add3A_858 {strides = array<i32>} : memref<128x64xf32, #tpu.memory_space<vmem>>, vector<16xf32>,
        %select_n3A_866 = arith.select %eq3A_838, %get3A_31, %add3A_109 : vector<16xi1>, vector<16xf32>
        %sub3A_867 = arith.subf %get3A_772, %broadcast_in_dim3A_830 : vector<16xf32>
        %mul3A_868 = arith.mulf %select_n3A_841, %get3A_15 : vector<16xf32>
        %mul3A_869 = arith.mulf %sub3A_867, %mul3A_868 : vector<16xf32>
        %add3A_870 = arith.addf %mul3A_869, %select_n3A_866 : vector<16xf32>
        %swap3A_871 = arith.constant 0 : i32
        %swap3A_872 = arith.constant 0 : i32
        %swap3A_873 = tpu.memref_slice %arg12[%scan3A_332, %swap3A_871, %swap3A_872] : memref<4x128x64xf32, #tpu.memory_space<vmem>> -> memref<1x128x64xf32, #tpu.memory_space<vmem>>
        %swap3A_874 = tpu.memref_squeeze %swap3A_873 : memref<1x128x64xf32, #tpu.memory_space<vmem>> -> memref<128x64xf32, #tpu.memory_space<vmem>>
        %swap3A_875 = arith.index_cast %add3A_751 : i32 to index
        %swap3A_876 = arith.constant 32 : index
        %swap3A_877 = tpu.vector_load %swap3A_874[%swap3A_875, %swap3A_876] {strides = array<i32>} : memref<128x64xf32, #tpu.memory_space<vmem>>, vector<16xf32>,
        tpu.vector_store %swap3A_874[%swap3A_875, %swap3A_876], %add3A_870 {strides = array<i32>} : memref<128x64xf32, #tpu.memory_space<vmem>>, vector<16xf32>,
        %select_n3A_878 = arith.select %eq3A_838, %get3A_35, %add3A_113 : vector<16xi1>, vector<16xf32>
        %sub3A_879 = arith.subf %get3A_779, %broadcast_in_dim3A_830 : vector<16xf32>
        %mul3A_880 = arith.mulf %select_n3A_841, %get3A_19 : vector<16xf32>
        %mul3A_881 = arith.mulf %sub3A_879, %mul3A_880 : vector<16xf32>
        %add3A_882 = arith.addf %mul3A_881, %select_n3A_878 : vector<16xf32>
        %swap3A_883 = arith.constant 0 : i32
        %swap3A_884 = arith.constant 0 : i32
        %swap3A_885 = tpu.memref_slice %arg12[%scan3A_332, %swap3A_883, %swap3A_884] : memref<4x128x64xf32, #tpu.memory_space<vmem>> -> memref<1x128x64xf32, #tpu.memory_space<vmem>>
        %swap3A_886 = tpu.memref_squeeze %swap3A_885 : memref<1x128x64xf32, #tpu.memory_space<vmem>> -> memref<128x64xf32, #tpu.memory_space<vmem>>
        %swap3A_887 = arith.index_cast %add3A_751 : i32 to index
        %swap3A_888 = arith.constant 48 : index
        %swap3A_889 = tpu.vector_load %swap3A_886[%swap3A_887, %swap3A_888] {strides = array<i32>} : memref<128x64xf32, #tpu.memory_space<vmem>>, vector<16xf32>,
        tpu.vector_store %swap3A_886[%swap3A_887, %swap3A_888], %add3A_882 {strides = array<i32>} : memref<128x64xf32, #tpu.memory_space<vmem>>, vector<16xf32>,
        %add3A_890 = arith.constant 3 : i32
        %add3A_891 = arith.addi %add3A_474, %add3A_890 : i32
        %get3A_892 = arith.constant 0 : i32
        %get3A_893 = arith.constant 0 : i32
        %get3A_894 = tpu.memref_slice %arg11[%scan3A_331, %get3A_892, %get3A_893] : memref<4x128x64xf32, #tpu.memory_space<vmem>> -> memref<1x128x64xf32, #tpu.memory_space<vmem>>
        %get3A_895 = tpu.memref_squeeze %get3A_894 : memref<1x128x64xf32, #tpu.memory_space<vmem>> -> memref<128x64xf32, #tpu.memory_space<vmem>>
        %get3A_896 = arith.index_cast %add3A_891 : i32 to index
        %get3A_897 = arith.constant 0 : index
        %get3A_898 = tpu.vector_load %get3A_895[%get3A_896, %get3A_897] {strides = array<i32>} : memref<128x64xf32, #tpu.memory_space<vmem>>, vector<16xf32>,
        %get3A_899 = arith.constant 0 : i32
        %get3A_900 = arith.constant 0 : i32
        %get3A_901 = tpu.memref_slice %arg11[%scan3A_331, %get3A_899, %get3A_900] : memref<4x128x64xf32, #tpu.memory_space<vmem>> -> memref<1x128x64xf32, #tpu.memory_space<vmem>>
        %get3A_902 = tpu.memref_squeeze %get3A_901 : memref<1x128x64xf32, #tpu.memory_space<vmem>> -> memref<128x64xf32, #tpu.memory_space<vmem>>
        %get3A_903 = arith.index_cast %add3A_891 : i32 to index
        %get3A_904 = arith.constant 16 : index
        %get3A_905 = tpu.vector_load %get3A_902[%get3A_903, %get3A_904] {strides = array<i32>} : memref<128x64xf32, #tpu.memory_space<vmem>>, vector<16xf32>,
        %get3A_906 = arith.constant 0 : i32
        %get3A_907 = arith.constant 0 : i32
        %get3A_908 = tpu.memref_slice %arg11[%scan3A_331, %get3A_906, %get3A_907] : memref<4x128x64xf32, #tpu.memory_space<vmem>> -> memref<1x128x64xf32, #tpu.memory_space<vmem>>
        %get3A_909 = tpu.memref_squeeze %get3A_908 : memref<1x128x64xf32, #tpu.memory_space<vmem>> -> memref<128x64xf32, #tpu.memory_space<vmem>>
        %get3A_910 = arith.index_cast %add3A_891 : i32 to index
        %get3A_911 = arith.constant 32 : index
        %get3A_912 = tpu.vector_load %get3A_909[%get3A_910, %get3A_911] {strides = array<i32>} : memref<128x64xf32, #tpu.memory_space<vmem>>, vector<16xf32>,
        %get3A_913 = arith.constant 0 : i32
        %get3A_914 = arith.constant 0 : i32
        %get3A_915 = tpu.memref_slice %arg11[%scan3A_331, %get3A_913, %get3A_914] : memref<4x128x64xf32, #tpu.memory_space<vmem>> -> memref<1x128x64xf32, #tpu.memory_space<vmem>>
        %get3A_916 = tpu.memref_squeeze %get3A_915 : memref<1x128x64xf32, #tpu.memory_space<vmem>> -> memref<128x64xf32, #tpu.memory_space<vmem>>
        %get3A_917 = arith.index_cast %add3A_891 : i32 to index
        %get3A_918 = arith.constant 48 : index
        %get3A_919 = tpu.vector_load %get3A_916[%get3A_917, %get3A_918] {strides = array<i32>} : memref<128x64xf32, #tpu.memory_space<vmem>>, vector<16xf32>,
        %add3A_920 = arith.addf %get3A_898, %get3A_905 : vector<16xf32>
        %add3A_921 = arith.addf %get3A_912, %get3A_919 : vector<16xf32>
        %add3A_922 = arith.addf %add3A_920, %add3A_921 : vector<16xf32>
        %mul3A_923 = arith.mulf %get3A_898, %get3A_898 : vector<16xf32>
        %mul3A_924 = arith.mulf %get3A_905, %get3A_905 : vector<16xf32>
        %add3A_925 = arith.addf %mul3A_923, %mul3A_924 : vector<16xf32>
        %mul3A_926 = arith.mulf %get3A_912, %get3A_912 : vector<16xf32>
        %mul3A_927 = arith.mulf %get3A_919, %get3A_919 : vector<16xf32>
        %add3A_928 = arith.addf %mul3A_926, %mul3A_927 : vector<16xf32>
        %add3A_929 = arith.addf %add3A_925, %add3A_928 : vector<16xf32>
        %reduce_sum3A_930 = arith.constant true
        %reduce_sum3A_931 = vector.broadcast %reduce_sum3A_930 : i1 to vector<16xi1>
        %reduce_sum3A_932 = tpu.scan <sum>, %add3A_922 masked %reduce_sum3A_931 : vector<16xf32>, vector<16xi1> -> vector<16xf32>
        %reduce_sum3A_933 = vector.extract %reduce_sum3A_932[15] : f32 from vector<16xf32>
        %mul3A_934 = arith.constant 1.562500e-02 : f32
        %mul3A_935 = arith.mulf %reduce_sum3A_933, %mul3A_934 : f32
        %reduce_sum3A_936 = arith.constant true
        %reduce_sum3A_937 = vector.broadcast %reduce_sum3A_936 : i1 to vector<16xi1>
        %reduce_sum3A_938 = tpu.scan <sum>, %add3A_929 masked %reduce_sum3A_937 : vector<16xf32>, vector<16xi1> -> vector<16xf32>
        %reduce_sum3A_939 = vector.extract %reduce_sum3A_938[15] : f32 from vector<16xf32>
        %mul3A_940 = arith.constant 1.562500e-02 : f32
        %mul3A_941 = arith.mulf %reduce_sum3A_939, %mul3A_940 : f32
        %mul3A_942 = arith.mulf %mul3A_935, %mul3A_935 : f32
        %sub3A_943 = arith.subf %mul3A_941, %mul3A_942 : f32
        %add3A_944 = arith.constant 9.99999974E-6 : f32
        %add3A_945 = arith.addf %sub3A_943, %add3A_944 : f32
        %broadcast_in_dim3A_946 = vector.broadcast %add3A_945 : f32 to vector<16xf32>
        %bitcast_convert_type3A_947 = tpu.bitcast %broadcast_in_dim3A_946 : vector<16xf32> -> vector<16xi32>
        %shift_right_arithmetic3A_948 = arith.constant 1 : i32
        %shift_right_arithmetic3A_949 = vector.broadcast %shift_right_arithmetic3A_948 : i32 to vector<16xi32>
        %shift_right_arithmetic3A_950 = arith.shrsi %bitcast_convert_type3A_947, %shift_right_arithmetic3A_949 : vector<16xi32>
        %sub3A_951 = arith.constant 1597463007 : i32
        %sub3A_952 = vector.broadcast %sub3A_951 : i32 to vector<16xi32>
        %sub3A_953 = arith.subi %sub3A_952, %shift_right_arithmetic3A_950 : vector<16xi32>
        %bitcast_convert_type3A_954 = tpu.bitcast %sub3A_953 : vector<16xi32> -> vector<16xf32>
        %mul3A_955 = arith.constant 5.000000e-01 : f32
        %mul3A_956 = vector.broadcast %mul3A_955 : f32 to vector<16xf32>
        %mul3A_957 = arith.mulf %broadcast_in_dim3A_946, %mul3A_956 : vector<16xf32>
        %mul3A_958 = arith.mulf %mul3A_957, %bitcast_convert_type3A_954 : vector<16xf32>
        %mul3A_959 = arith.mulf %mul3A_958, %bitcast_convert_type3A_954 : vector<16xf32>
        %sub3A_960 = arith.constant 1.500000e+00 : f32
        %sub3A_961 = vector.broadcast %sub3A_960 : f32 to vector<16xf32>
        %sub3A_962 = arith.subf %sub3A_961, %mul3A_959 : vector<16xf32>
        %mul3A_963 = arith.mulf %bitcast_convert_type3A_954, %sub3A_962 : vector<16xf32>
        %mul3A_964 = arith.mulf %mul3A_957, %mul3A_963 : vector<16xf32>
        %mul3A_965 = arith.mulf %mul3A_964, %mul3A_963 : vector<16xf32>
        %sub3A_966 = arith.constant 1.500000e+00 : f32
        %sub3A_967 = vector.broadcast %sub3A_966 : f32 to vector<16xf32>
        %sub3A_968 = arith.subf %sub3A_967, %mul3A_965 : vector<16xf32>
        %mul3A_969 = arith.mulf %mul3A_963, %sub3A_968 : vector<16xf32>
        %broadcast_in_dim3A_970 = vector.broadcast %mul3A_935 : f32 to vector<16xf32>
        %mul3A_971 = arith.constant 128 : i32
        %mul3A_972 = arith.muli %add3A_311, %mul3A_971 : i32
        %add3A_973 = arith.addi %mul3A_972, %add3A_891 : i32
        %broadcast_in_dim3A_974 = vector.broadcast %add3A_973 : i32 to vector<16xi32>
        %gather3A_975 = tpu.vector_load_idx %arg10[%broadcast_in_dim3A_974] : memref<13312xi32, #tpu.memory_space<vmem>>[vector<16xi32>], vector<16xi32>,
        %eq3A_976 = arith.constant 0 : i32
        %eq3A_977 = vector.broadcast %eq3A_976 : i32 to vector<16xi32>
        %eq3A_978 = arith.cmpi eq, %gather3A_975, %eq3A_977 : vector<16xi32>
        %jit3A_979 = arith.constant 0.000000e+00 : f32
        %broadcast_in_dim3A_980 = vector.broadcast %jit3A_979 : f32 to vector<16xf32>
        %select_n3A_981 = arith.select %eq3A_978, %mul3A_969, %broadcast_in_dim3A_980 : vector<16xi1>, vector<16xf32>
        %select_n3A_982 = arith.select %eq3A_978, %get3A_23, %add3A_101 : vector<16xi1>, vector<16xf32>
        %sub3A_983 = arith.subf %get3A_898, %broadcast_in_dim3A_970 : vector<16xf32>
        %mul3A_984 = arith.mulf %select_n3A_981, %get3A_7 : vector<16xf32>
        %mul3A_985 = arith.mulf %sub3A_983, %mul3A_984 : vector<16xf32>
        %add3A_986 = arith.addf %mul3A_985, %select_n3A_982 : vector<16xf32>
        %swap3A_987 = arith.constant 0 : i32
        %swap3A_988 = arith.constant 0 : i32
        %swap3A_989 = tpu.memref_slice %arg12[%scan3A_332, %swap3A_987, %swap3A_988] : memref<4x128x64xf32, #tpu.memory_space<vmem>> -> memref<1x128x64xf32, #tpu.memory_space<vmem>>
        %swap3A_990 = tpu.memref_squeeze %swap3A_989 : memref<1x128x64xf32, #tpu.memory_space<vmem>> -> memref<128x64xf32, #tpu.memory_space<vmem>>
        %swap3A_991 = arith.index_cast %add3A_891 : i32 to index
        %swap3A_992 = arith.constant 0 : index
        %swap3A_993 = tpu.vector_load %swap3A_990[%swap3A_991, %swap3A_992] {strides = array<i32>} : memref<128x64xf32, #tpu.memory_space<vmem>>, vector<16xf32>,
        tpu.vector_store %swap3A_990[%swap3A_991, %swap3A_992], %add3A_986 {strides = array<i32>} : memref<128x64xf32, #tpu.memory_space<vmem>>, vector<16xf32>,
        %select_n3A_994 = arith.select %eq3A_978, %get3A_27, %add3A_105 : vector<16xi1>, vector<16xf32>
        %sub3A_995 = arith.subf %get3A_905, %broadcast_in_dim3A_970 : vector<16xf32>
        %mul3A_996 = arith.mulf %select_n3A_981, %get3A_11 : vector<16xf32>
        %mul3A_997 = arith.mulf %sub3A_995, %mul3A_996 : vector<16xf32>
        %add3A_998 = arith.addf %mul3A_997, %select_n3A_994 : vector<16xf32>
        %swap3A_999 = arith.constant 0 : i32
        %swap3A_1000 = arith.constant 0 : i32
        %swap3A_1001 = tpu.memref_slice %arg12[%scan3A_332, %swap3A_999, %swap3A_1000] : memref<4x128x64xf32, #tpu.memory_space<vmem>> -> memref<1x128x64xf32, #tpu.memory_space<vmem>>
        %swap3A_1002 = tpu.memref_squeeze %swap3A_1001 : memref<1x128x64xf32, #tpu.memory_space<vmem>> -> memref<128x64xf32, #tpu.memory_space<vmem>>
        %swap3A_1003 = arith.index_cast %add3A_891 : i32 to index
        %swap3A_1004 = arith.constant 16 : index
        %swap3A_1005 = tpu.vector_load %swap3A_1002[%swap3A_1003, %swap3A_1004] {strides = array<i32>} : memref<128x64xf32, #tpu.memory_space<vmem>>, vector<16xf32>,
        tpu.vector_store %swap3A_1002[%swap3A_1003, %swap3A_1004], %add3A_998 {strides = array<i32>} : memref<128x64xf32, #tpu.memory_space<vmem>>, vector<16xf32>,
        %select_n3A_1006 = arith.select %eq3A_978, %get3A_31, %add3A_109 : vector<16xi1>, vector<16xf32>
        %sub3A_1007 = arith.subf %get3A_912, %broadcast_in_dim3A_970 : vector<16xf32>
        %mul3A_1008 = arith.mulf %select_n3A_981, %get3A_15 : vector<16xf32>
        %mul3A_1009 = arith.mulf %sub3A_1007, %mul3A_1008 : vector<16xf32>
        %add3A_1010 = arith.addf %mul3A_1009, %select_n3A_1006 : vector<16xf32>
        %swap3A_1011 = arith.constant 0 : i32
        %swap3A_1012 = arith.constant 0 : i32
        %swap3A_1013 = tpu.memref_slice %arg12[%scan3A_332, %swap3A_1011, %swap3A_1012] : memref<4x128x64xf32, #tpu.memory_space<vmem>> -> memref<1x128x64xf32, #tpu.memory_space<vmem>>
        %swap3A_1014 = tpu.memref_squeeze %swap3A_1013 : memref<1x128x64xf32, #tpu.memory_space<vmem>> -> memref<128x64xf32, #tpu.memory_space<vmem>>
        %swap3A_1015 = arith.index_cast %add3A_891 : i32 to index
        %swap3A_1016 = arith.constant 32 : index
        %swap3A_1017 = tpu.vector_load %swap3A_1014[%swap3A_1015, %swap3A_1016] {strides = array<i32>} : memref<128x64xf32, #tpu.memory_space<vmem>>, vector<16xf32>,
        tpu.vector_store %swap3A_1014[%swap3A_1015, %swap3A_1016], %add3A_1010 {strides = array<i32>} : memref<128x64xf32, #tpu.memory_space<vmem>>, vector<16xf32>,
        %select_n3A_1018 = arith.select %eq3A_978, %get3A_35, %add3A_113 : vector<16xi1>, vector<16xf32>
        %sub3A_1019 = arith.subf %get3A_919, %broadcast_in_dim3A_970 : vector<16xf32>
        %mul3A_1020 = arith.mulf %select_n3A_981, %get3A_19 : vector<16xf32>
        %mul3A_1021 = arith.mulf %sub3A_1019, %mul3A_1020 : vector<16xf32>
        %add3A_1022 = arith.addf %mul3A_1021, %select_n3A_1018 : vector<16xf32>
        %swap3A_1023 = arith.constant 0 : i32
        %swap3A_1024 = arith.constant 0 : i32
        %swap3A_1025 = tpu.memref_slice %arg12[%scan3A_332, %swap3A_1023, %swap3A_1024] : memref<4x128x64xf32, #tpu.memory_space<vmem>> -> memref<1x128x64xf32, #tpu.memory_space<vmem>>
        %swap3A_1026 = tpu.memref_squeeze %swap3A_1025 : memref<1x128x64xf32, #tpu.memory_space<vmem>> -> memref<128x64xf32, #tpu.memory_space<vmem>>
        %swap3A_1027 = arith.index_cast %add3A_891 : i32 to index
        %swap3A_1028 = arith.constant 48 : index
        %swap3A_1029 = tpu.vector_load %swap3A_1026[%swap3A_1027, %swap3A_1028] {strides = array<i32>} : memref<128x64xf32, #tpu.memory_space<vmem>>, vector<16xf32>,
        tpu.vector_store %swap3A_1026[%swap3A_1027, %swap3A_1028], %add3A_1022 {strides = array<i32>} : memref<128x64xf32, #tpu.memory_space<vmem>>, vector<16xf32>,
      }
      %scan3A_337 = arith.constant 32 : i32
      %mul3A_338 = arith.constant 128 : i32
      %mul3A_339 = arith.muli %add3A_311, %mul3A_338 : i32
      %add3A_340 = arith.addi %mul3A_4, %mul3A_339 : i32
      %dma_start3A_341 = arith.constant 1 : i32
      %dma_start3A_342 = arith.constant 1 : i32
      %dma_start3A_343 = arith.constant 0 : i32
      %dma_start3A_344 = arith.constant 0 : i32
      %dma_start3A_345 = tpu.memref_slice %arg12[%dma_start3A_341, %dma_start3A_343, %dma_start3A_344] : memref<4x128x64xf32, #tpu.memory_space<vmem>> -> memref<1x128x64xf32, #tpu.memory_space<vmem>>
      %dma_start3A_346 = tpu.memref_squeeze %dma_start3A_345 : memref<1x128x64xf32, #tpu.memory_space<vmem>> -> memref<128x64xf32, #tpu.memory_space<vmem>>
      %dma_start3A_347 = arith.constant 0 : i32
      %dma_start3A_348 = tpu.memref_slice %arg6[%add3A_340, %dma_start3A_347] : memref<425984x64xf32, #tpu.memory_space<hbm>> -> memref<128x64xf32, #tpu.memory_space<hbm>>
      %dma_start3A_349 = tpu.memref_slice %arg16[%dma_start3A_342] : memref<4x!tpu.dma_semaphore, #tpu.memory_space<semaphore_mem>> -> memref<1x!tpu.dma_semaphore, #tpu.memory_space<semaphore_mem>>
      %dma_start3A_350 = tpu.memref_squeeze %dma_start3A_349 : memref<1x!tpu.dma_semaphore, #tpu.memory_space<semaphore_mem>> -> memref<!tpu.dma_semaphore, #tpu.memory_space<semaphore_mem>>
      %dma_start3A_351 = arith.constant 0 : i32
      %dma_start3A_352 = tpu.memref_slice %arg6[%add3A_340, %dma_start3A_351] : memref<425984x64xf32, #tpu.memory_space<hbm>> -> memref<128x64xf32, #tpu.memory_space<hbm>>
      %dma_start3A_353 = arith.constant 0 : i32
      %dma_start3A_354 = arith.constant 0 : i32
      %dma_start3A_355 = tpu.memref_slice %arg12[%dma_start3A_341, %dma_start3A_353, %dma_start3A_354] : memref<4x128x64xf32, #tpu.memory_space<vmem>> -> memref<1x128x64xf32, #tpu.memory_space<vmem>>
      %dma_start3A_356 = tpu.memref_squeeze %dma_start3A_355 : memref<1x128x64xf32, #tpu.memory_space<vmem>> -> memref<128x64xf32, #tpu.memory_space<vmem>>
      tpu.enqueue_dma source(%dma_start3A_356 : memref<128x64xf32, #tpu.memory_space<vmem>>) target(%dma_start3A_352 : memref<128x64xf32, #tpu.memory_space<hbm>>) target_semaphore(%dma_start3A_350 : memref<!tpu.dma_semaphore, #tpu.memory_space<semaphore_mem>>)
      %lt3A_357 = arith.constant 25 : i32
      %lt3A_358 = arith.cmpi slt, %add3A_257, %lt3A_357 : i32
      %convert_element_type3A_359 = arith.extui %lt3A_358 : i1 to i32
      %cond3A_360 = arith.constant 0 : i32
      %cond3A_361 = arith.cmpi ne, %convert_element_type3A_359, %cond3A_360 : i32
      scf.if %cond3A_361 {
        %add3A_470 = arith.constant 4 : i32
        %add3A_471 = arith.addi %add3A_311, %add3A_470 : i32
        %dma_start3A_472 = arith.constant 1 : i32
        %dma_start3A_473 = arith.constant 1 : i32
        %dma_start3A_474 = arith.constant 0 : i32
        %dma_start3A_475 = arith.constant 0 : i32
        %dma_start3A_476 = tpu.memref_slice %arg11[%dma_start3A_472, %dma_start3A_474, %dma_start3A_475] : memref<4x128x64xf32, #tpu.memory_space<vmem>> -> memref<1x128x64xf32, #tpu.memory_space<vmem>>
        %dma_start3A_477 = tpu.memref_squeeze %dma_start3A_476 : memref<1x128x64xf32, #tpu.memory_space<vmem>> -> memref<128x64xf32, #tpu.memory_space<vmem>>
        %dma_start3A_478 = arith.constant 0 : i32
        %dma_start3A_479 = tpu.memref_slice %arg9[%add3A_471, %dma_start3A_478] : memref<104x128xi32, #tpu.memory_space<vmem>> -> memref<1x128xi32, #tpu.memory_space<vmem>>
        %dma_start3A_480 = tpu.memref_squeeze %dma_start3A_479 : memref<1x128xi32, #tpu.memory_space<vmem>> -> memref<128xi32, #tpu.memory_space<vmem>>
        %dma_start3A_481 = arith.constant 0 : i32
        %dma_start3A_482 = arith.constant 0 : i32
        %dma_start3A_483 = tpu.memref_slice %arg4[%dma_start3A_481, %dma_start3A_482] : memref<1000001x64xf32, #tpu.memory_space<hbm>> -> memref<1000001x64xf32, #tpu.memory_space<hbm>>
        %dma_start3A_484 = tpu.memref_slice %arg15[%dma_start3A_473] : memref<4x!tpu.dma_semaphore, #tpu.memory_space<semaphore_mem>> -> memref<1x!tpu.dma_semaphore, #tpu.memory_space<semaphore_mem>>
        %dma_start3A_485 = tpu.memref_squeeze %dma_start3A_484 : memref<1x!tpu.dma_semaphore, #tpu.memory_space<semaphore_mem>> -> memref<!tpu.dma_semaphore, #tpu.memory_space<semaphore_mem>>
        tpu.enqueue_indirect_dma source(%dma_start3A_483 : memref<1000001x64xf32, #tpu.memory_space<hbm>>) target(%dma_start3A_477 : memref<128x64xf32, #tpu.memory_space<vmem>>) offsets(%dma_start3A_480 : memref<128xi32, #tpu.memory_space<vmem>>) semaphore(%dma_start3A_485 : memref<!tpu.dma_semaphore, #tpu.memory_space<semaphore_mem>>)
      } else {
      }
      %mul3A_362 = arith.constant 4 : i32
      %mul3A_363 = arith.muli %add3A_257, %mul3A_362 : i32
      %add3A_364 = arith.constant 2 : i32
      %add3A_365 = arith.addi %mul3A_363, %add3A_364 : i32
      %dma_wait3A_366 = arith.constant 2 : i32
      %dma_wait3A_367 = arith.constant 2 : i32
      %dma_wait3A_368 = arith.constant 0 : i32
      %dma_wait3A_369 = arith.constant 0 : i32
      %dma_wait3A_370 = tpu.memref_slice %arg11[%dma_wait3A_366, %dma_wait3A_368, %dma_wait3A_369] : memref<4x128x64xf32, #tpu.memory_space<vmem>> -> memref<1x128x64xf32, #tpu.memory_space<vmem>>
      %dma_wait3A_371 = tpu.memref_squeeze %dma_wait3A_370 : memref<1x128x64xf32, #tpu.memory_space<vmem>> -> memref<128x64xf32, #tpu.memory_space<vmem>>
      %dma_wait3A_372 = arith.constant 0 : i32
      %dma_wait3A_373 = tpu.memref_slice %arg9[%add3A_365, %dma_wait3A_372] : memref<104x128xi32, #tpu.memory_space<vmem>> -> memref<1x128xi32, #tpu.memory_space<vmem>>
      %dma_wait3A_374 = tpu.memref_squeeze %dma_wait3A_373 : memref<1x128xi32, #tpu.memory_space<vmem>> -> memref<128xi32, #tpu.memory_space<vmem>>
      %dma_wait3A_375 = arith.constant 0 : i32
      %dma_wait3A_376 = arith.constant 0 : i32
      %dma_wait3A_377 = tpu.memref_slice %arg4[%dma_wait3A_375, %dma_wait3A_376] : memref<1000001x64xf32, #tpu.memory_space<hbm>> -> memref<1000001x64xf32, #tpu.memory_space<hbm>>
      %dma_wait3A_378 = tpu.memref_slice %arg15[%dma_wait3A_367] : memref<4x!tpu.dma_semaphore, #tpu.memory_space<semaphore_mem>> -> memref<1x!tpu.dma_semaphore, #tpu.memory_space<semaphore_mem>>
      %dma_wait3A_379 = tpu.memref_squeeze %dma_wait3A_378 : memref<1x!tpu.dma_semaphore, #tpu.memory_space<semaphore_mem>> -> memref<!tpu.dma_semaphore, #tpu.memory_space<semaphore_mem>>
      tpu.wait_indirect_dma semaphore(%dma_wait3A_379 : memref<!tpu.dma_semaphore, #tpu.memory_space<semaphore_mem>>) src(%dma_wait3A_377 : memref<1000001x64xf32, #tpu.memory_space<hbm>>) dst(%dma_wait3A_371 : memref<128x64xf32, #tpu.memory_space<vmem>>)
      %gt3A_380 = arith.constant 0 : i32
      %gt3A_381 = arith.cmpi sgt, %add3A_257, %gt3A_380 : i32
      %convert_element_type3A_382 = arith.extui %gt3A_381 : i1 to i32
      %cond3A_383 = arith.constant 0 : i32
      %cond3A_384 = arith.cmpi ne, %convert_element_type3A_382, %cond3A_383 : i32
      scf.if %cond3A_384 {
        %sub3A_470 = arith.constant 4 : i32
        %sub3A_471 = arith.subi %add3A_365, %sub3A_470 : i32
        %mul3A_472 = arith.constant 128 : i32
        %mul3A_473 = arith.muli %sub3A_471, %mul3A_472 : i32
        %add3A_474 = arith.addi %mul3A_4, %mul3A_473 : i32
        %dma_wait3A_475 = arith.constant 2 : i32
        %dma_wait3A_476 = arith.constant 2 : i32
        %dma_wait3A_477 = arith.constant 0 : i32
        %dma_wait3A_478 = arith.constant 0 : i32
        %dma_wait3A_479 = tpu.memref_slice %arg12[%dma_wait3A_475, %dma_wait3A_477, %dma_wait3A_478] : memref<4x128x64xf32, #tpu.memory_space<vmem>> -> memref<1x128x64xf32, #tpu.memory_space<vmem>>
        %dma_wait3A_480 = tpu.memref_squeeze %dma_wait3A_479 : memref<1x128x64xf32, #tpu.memory_space<vmem>> -> memref<128x64xf32, #tpu.memory_space<vmem>>
        %dma_wait3A_481 = arith.constant 0 : i32
        %dma_wait3A_482 = tpu.memref_slice %arg6[%add3A_474, %dma_wait3A_481] : memref<425984x64xf32, #tpu.memory_space<hbm>> -> memref<128x64xf32, #tpu.memory_space<hbm>>
        %dma_wait3A_483 = tpu.memref_slice %arg16[%dma_wait3A_476] : memref<4x!tpu.dma_semaphore, #tpu.memory_space<semaphore_mem>> -> memref<1x!tpu.dma_semaphore, #tpu.memory_space<semaphore_mem>>
        %dma_wait3A_484 = tpu.memref_squeeze %dma_wait3A_483 : memref<1x!tpu.dma_semaphore, #tpu.memory_space<semaphore_mem>> -> memref<!tpu.dma_semaphore, #tpu.memory_space<semaphore_mem>>
        %dma_wait3A_485 = arith.constant 0 : i32
        %dma_wait3A_486 = tpu.memref_slice %arg6[%add3A_474, %dma_wait3A_485] : memref<425984x64xf32, #tpu.memory_space<hbm>> -> memref<128x64xf32, #tpu.memory_space<hbm>>
        %dma_wait3A_487 = arith.constant 0 : i32
        %dma_wait3A_488 = arith.constant 0 : i32
        %dma_wait3A_489 = tpu.memref_slice %arg12[%dma_wait3A_475, %dma_wait3A_487, %dma_wait3A_488] : memref<4x128x64xf32, #tpu.memory_space<vmem>> -> memref<1x128x64xf32, #tpu.memory_space<vmem>>
        %dma_wait3A_490 = tpu.memref_squeeze %dma_wait3A_489 : memref<1x128x64xf32, #tpu.memory_space<vmem>> -> memref<128x64xf32, #tpu.memory_space<vmem>>
        tpu.wait_dma2 semaphore(%dma_wait3A_484 : memref<!tpu.dma_semaphore, #tpu.memory_space<semaphore_mem>>) src(%dma_wait3A_490 : memref<128x64xf32, #tpu.memory_space<vmem>>) dst(%dma_wait3A_486 : memref<128x64xf32, #tpu.memory_space<hbm>>)
      } else {
      }
      %scan3A_385 = arith.constant 2 : i32
      %scan3A_386 = arith.constant 2 : i32
      %scan3A_387 = arith.constant 0 : i32
      %scan3A_388 = arith.constant 32 : i32
      %scan3A_389 = arith.addi %scan3A_387, %scan3A_388 : i32
      %scan3A_390 = arith.constant 1 : i32
      scf.for %scan3A_470 = %scan3A_387 to %scan3A_389 step %scan3A_390  : i32 {
        %mul3A_471 = arith.constant 4 : i32
        %mul3A_472 = arith.muli %scan3A_470, %mul3A_471 : i32
        %add3A_473 = arith.constant 0 : i32
        %add3A_474 = arith.addi %add3A_473, %mul3A_472 : i32
        %add3A_475 = arith.constant 0 : i32
        %add3A_476 = arith.addi %add3A_474, %add3A_475 : i32
        %get3A_477 = arith.constant 0 : i32
        %get3A_478 = arith.constant 0 : i32
        %get3A_479 = tpu.memref_slice %arg11[%scan3A_385, %get3A_477, %get3A_478] : memref<4x128x64xf32, #tpu.memory_space<vmem>> -> memref<1x128x64xf32, #tpu.memory_space<vmem>>
        %get3A_480 = tpu.memref_squeeze %get3A_479 : memref<1x128x64xf32, #tpu.memory_space<vmem>> -> memref<128x64xf32, #tpu.memory_space<vmem>>
        %get3A_481 = arith.index_cast %add3A_476 : i32 to index
        %get3A_482 = arith.constant 0 : index
        %get3A_483 = tpu.vector_load %get3A_480[%get3A_481, %get3A_482] {strides = array<i32>} : memref<128x64xf32, #tpu.memory_space<vmem>>, vector<16xf32>,
        %get3A_484 = arith.constant 0 : i32
        %get3A_485 = arith.constant 0 : i32
        %get3A_486 = tpu.memref_slice %arg11[%scan3A_385, %get3A_484, %get3A_485] : memref<4x128x64xf32, #tpu.memory_space<vmem>> -> memref<1x128x64xf32, #tpu.memory_space<vmem>>
        %get3A_487 = tpu.memref_squeeze %get3A_486 : memref<1x128x64xf32, #tpu.memory_space<vmem>> -> memref<128x64xf32, #tpu.memory_space<vmem>>
        %get3A_488 = arith.index_cast %add3A_476 : i32 to index
        %get3A_489 = arith.constant 16 : index
        %get3A_490 = tpu.vector_load %get3A_487[%get3A_488, %get3A_489] {strides = array<i32>} : memref<128x64xf32, #tpu.memory_space<vmem>>, vector<16xf32>,
        %get3A_491 = arith.constant 0 : i32
        %get3A_492 = arith.constant 0 : i32
        %get3A_493 = tpu.memref_slice %arg11[%scan3A_385, %get3A_491, %get3A_492] : memref<4x128x64xf32, #tpu.memory_space<vmem>> -> memref<1x128x64xf32, #tpu.memory_space<vmem>>
        %get3A_494 = tpu.memref_squeeze %get3A_493 : memref<1x128x64xf32, #tpu.memory_space<vmem>> -> memref<128x64xf32, #tpu.memory_space<vmem>>
        %get3A_495 = arith.index_cast %add3A_476 : i32 to index
        %get3A_496 = arith.constant 32 : index
        %get3A_497 = tpu.vector_load %get3A_494[%get3A_495, %get3A_496] {strides = array<i32>} : memref<128x64xf32, #tpu.memory_space<vmem>>, vector<16xf32>,
        %get3A_498 = arith.constant 0 : i32
        %get3A_499 = arith.constant 0 : i32
        %get3A_500 = tpu.memref_slice %arg11[%scan3A_385, %get3A_498, %get3A_499] : memref<4x128x64xf32, #tpu.memory_space<vmem>> -> memref<1x128x64xf32, #tpu.memory_space<vmem>>
        %get3A_501 = tpu.memref_squeeze %get3A_500 : memref<1x128x64xf32, #tpu.memory_space<vmem>> -> memref<128x64xf32, #tpu.memory_space<vmem>>
        %get3A_502 = arith.index_cast %add3A_476 : i32 to index
        %get3A_503 = arith.constant 48 : index
        %get3A_504 = tpu.vector_load %get3A_501[%get3A_502, %get3A_503] {strides = array<i32>} : memref<128x64xf32, #tpu.memory_space<vmem>>, vector<16xf32>,
        %add3A_505 = arith.addf %get3A_483, %get3A_490 : vector<16xf32>
        %add3A_506 = arith.addf %get3A_497, %get3A_504 : vector<16xf32>
        %add3A_507 = arith.addf %add3A_505, %add3A_506 : vector<16xf32>
        %mul3A_508 = arith.mulf %get3A_483, %get3A_483 : vector<16xf32>
        %mul3A_509 = arith.mulf %get3A_490, %get3A_490 : vector<16xf32>
        %add3A_510 = arith.addf %mul3A_508, %mul3A_509 : vector<16xf32>
        %mul3A_511 = arith.mulf %get3A_497, %get3A_497 : vector<16xf32>
        %mul3A_512 = arith.mulf %get3A_504, %get3A_504 : vector<16xf32>
        %add3A_513 = arith.addf %mul3A_511, %mul3A_512 : vector<16xf32>
        %add3A_514 = arith.addf %add3A_510, %add3A_513 : vector<16xf32>
        %reduce_sum3A_515 = arith.constant true
        %reduce_sum3A_516 = vector.broadcast %reduce_sum3A_515 : i1 to vector<16xi1>
        %reduce_sum3A_517 = tpu.scan <sum>, %add3A_507 masked %reduce_sum3A_516 : vector<16xf32>, vector<16xi1> -> vector<16xf32>
        %reduce_sum3A_518 = vector.extract %reduce_sum3A_517[15] : f32 from vector<16xf32>
        %mul3A_519 = arith.constant 1.562500e-02 : f32
        %mul3A_520 = arith.mulf %reduce_sum3A_518, %mul3A_519 : f32
        %reduce_sum3A_521 = arith.constant true
        %reduce_sum3A_522 = vector.broadcast %reduce_sum3A_521 : i1 to vector<16xi1>
        %reduce_sum3A_523 = tpu.scan <sum>, %add3A_514 masked %reduce_sum3A_522 : vector<16xf32>, vector<16xi1> -> vector<16xf32>
        %reduce_sum3A_524 = vector.extract %reduce_sum3A_523[15] : f32 from vector<16xf32>
        %mul3A_525 = arith.constant 1.562500e-02 : f32
        %mul3A_526 = arith.mulf %reduce_sum3A_524, %mul3A_525 : f32
        %mul3A_527 = arith.mulf %mul3A_520, %mul3A_520 : f32
        %sub3A_528 = arith.subf %mul3A_526, %mul3A_527 : f32
        %add3A_529 = arith.constant 9.99999974E-6 : f32
        %add3A_530 = arith.addf %sub3A_528, %add3A_529 : f32
        %broadcast_in_dim3A_531 = vector.broadcast %add3A_530 : f32 to vector<16xf32>
        %bitcast_convert_type3A_532 = tpu.bitcast %broadcast_in_dim3A_531 : vector<16xf32> -> vector<16xi32>
        %shift_right_arithmetic3A_533 = arith.constant 1 : i32
        %shift_right_arithmetic3A_534 = vector.broadcast %shift_right_arithmetic3A_533 : i32 to vector<16xi32>
        %shift_right_arithmetic3A_535 = arith.shrsi %bitcast_convert_type3A_532, %shift_right_arithmetic3A_534 : vector<16xi32>
        %sub3A_536 = arith.constant 1597463007 : i32
        %sub3A_537 = vector.broadcast %sub3A_536 : i32 to vector<16xi32>
        %sub3A_538 = arith.subi %sub3A_537, %shift_right_arithmetic3A_535 : vector<16xi32>
        %bitcast_convert_type3A_539 = tpu.bitcast %sub3A_538 : vector<16xi32> -> vector<16xf32>
        %mul3A_540 = arith.constant 5.000000e-01 : f32
        %mul3A_541 = vector.broadcast %mul3A_540 : f32 to vector<16xf32>
        %mul3A_542 = arith.mulf %broadcast_in_dim3A_531, %mul3A_541 : vector<16xf32>
        %mul3A_543 = arith.mulf %mul3A_542, %bitcast_convert_type3A_539 : vector<16xf32>
        %mul3A_544 = arith.mulf %mul3A_543, %bitcast_convert_type3A_539 : vector<16xf32>
        %sub3A_545 = arith.constant 1.500000e+00 : f32
        %sub3A_546 = vector.broadcast %sub3A_545 : f32 to vector<16xf32>
        %sub3A_547 = arith.subf %sub3A_546, %mul3A_544 : vector<16xf32>
        %mul3A_548 = arith.mulf %bitcast_convert_type3A_539, %sub3A_547 : vector<16xf32>
        %mul3A_549 = arith.mulf %mul3A_542, %mul3A_548 : vector<16xf32>
        %mul3A_550 = arith.mulf %mul3A_549, %mul3A_548 : vector<16xf32>
        %sub3A_551 = arith.constant 1.500000e+00 : f32
        %sub3A_552 = vector.broadcast %sub3A_551 : f32 to vector<16xf32>
        %sub3A_553 = arith.subf %sub3A_552, %mul3A_550 : vector<16xf32>
        %mul3A_554 = arith.mulf %mul3A_548, %sub3A_553 : vector<16xf32>
        %broadcast_in_dim3A_555 = vector.broadcast %mul3A_520 : f32 to vector<16xf32>
        %mul3A_556 = arith.constant 128 : i32
        %mul3A_557 = arith.muli %add3A_365, %mul3A_556 : i32
        %add3A_558 = arith.addi %mul3A_557, %add3A_476 : i32
        %broadcast_in_dim3A_559 = vector.broadcast %add3A_558 : i32 to vector<16xi32>
        %gather3A = tpu.vector_load_idx %arg10[%broadcast_in_dim3A_559] : memref<13312xi32, #tpu.memory_space<vmem>>[vector<16xi32>], vector<16xi32>,
        %eq3A = arith.constant 0 : i32
        %eq3A_560 = vector.broadcast %eq3A : i32 to vector<16xi32>
        %eq3A_561 = arith.cmpi eq, %gather3A, %eq3A_560 : vector<16xi32>
        %jit3A = arith.constant 0.000000e+00 : f32
        %broadcast_in_dim3A_562 = vector.broadcast %jit3A : f32 to vector<16xf32>
        %select_n3A = arith.select %eq3A_561, %mul3A_554, %broadcast_in_dim3A_562 : vector<16xi1>, vector<16xf32>
        %select_n3A_563 = arith.select %eq3A_561, %get3A_23, %add3A_101 : vector<16xi1>, vector<16xf32>
        %sub3A_564 = arith.subf %get3A_483, %broadcast_in_dim3A_555 : vector<16xf32>
        %mul3A_565 = arith.mulf %select_n3A, %get3A_7 : vector<16xf32>
        %mul3A_566 = arith.mulf %sub3A_564, %mul3A_565 : vector<16xf32>
        %add3A_567 = arith.addf %mul3A_566, %select_n3A_563 : vector<16xf32>
        %swap3A = arith.constant 0 : i32
        %swap3A_568 = arith.constant 0 : i32
        %swap3A_569 = tpu.memref_slice %arg12[%scan3A_386, %swap3A, %swap3A_568] : memref<4x128x64xf32, #tpu.memory_space<vmem>> -> memref<1x128x64xf32, #tpu.memory_space<vmem>>
        %swap3A_570 = tpu.memref_squeeze %swap3A_569 : memref<1x128x64xf32, #tpu.memory_space<vmem>> -> memref<128x64xf32, #tpu.memory_space<vmem>>
        %swap3A_571 = arith.index_cast %add3A_476 : i32 to index
        %swap3A_572 = arith.constant 0 : index
        %swap3A_573 = tpu.vector_load %swap3A_570[%swap3A_571, %swap3A_572] {strides = array<i32>} : memref<128x64xf32, #tpu.memory_space<vmem>>, vector<16xf32>,
        tpu.vector_store %swap3A_570[%swap3A_571, %swap3A_572], %add3A_567 {strides = array<i32>} : memref<128x64xf32, #tpu.memory_space<vmem>>, vector<16xf32>,
        %select_n3A_574 = arith.select %eq3A_561, %get3A_27, %add3A_105 : vector<16xi1>, vector<16xf32>
        %sub3A_575 = arith.subf %get3A_490, %broadcast_in_dim3A_555 : vector<16xf32>
        %mul3A_576 = arith.mulf %select_n3A, %get3A_11 : vector<16xf32>
        %mul3A_577 = arith.mulf %sub3A_575, %mul3A_576 : vector<16xf32>
        %add3A_578 = arith.addf %mul3A_577, %select_n3A_574 : vector<16xf32>
        %swap3A_579 = arith.constant 0 : i32
        %swap3A_580 = arith.constant 0 : i32
        %swap3A_581 = tpu.memref_slice %arg12[%scan3A_386, %swap3A_579, %swap3A_580] : memref<4x128x64xf32, #tpu.memory_space<vmem>> -> memref<1x128x64xf32, #tpu.memory_space<vmem>>
        %swap3A_582 = tpu.memref_squeeze %swap3A_581 : memref<1x128x64xf32, #tpu.memory_space<vmem>> -> memref<128x64xf32, #tpu.memory_space<vmem>>
        %swap3A_583 = arith.index_cast %add3A_476 : i32 to index
        %swap3A_584 = arith.constant 16 : index
        %swap3A_585 = tpu.vector_load %swap3A_582[%swap3A_583, %swap3A_584] {strides = array<i32>} : memref<128x64xf32, #tpu.memory_space<vmem>>, vector<16xf32>,
        tpu.vector_store %swap3A_582[%swap3A_583, %swap3A_584], %add3A_578 {strides = array<i32>} : memref<128x64xf32, #tpu.memory_space<vmem>>, vector<16xf32>,
        %select_n3A_586 = arith.select %eq3A_561, %get3A_31, %add3A_109 : vector<16xi1>, vector<16xf32>
        %sub3A_587 = arith.subf %get3A_497, %broadcast_in_dim3A_555 : vector<16xf32>
        %mul3A_588 = arith.mulf %select_n3A, %get3A_15 : vector<16xf32>
        %mul3A_589 = arith.mulf %sub3A_587, %mul3A_588 : vector<16xf32>
        %add3A_590 = arith.addf %mul3A_589, %select_n3A_586 : vector<16xf32>
        %swap3A_591 = arith.constant 0 : i32
        %swap3A_592 = arith.constant 0 : i32
        %swap3A_593 = tpu.memref_slice %arg12[%scan3A_386, %swap3A_591, %swap3A_592] : memref<4x128x64xf32, #tpu.memory_space<vmem>> -> memref<1x128x64xf32, #tpu.memory_space<vmem>>
        %swap3A_594 = tpu.memref_squeeze %swap3A_593 : memref<1x128x64xf32, #tpu.memory_space<vmem>> -> memref<128x64xf32, #tpu.memory_space<vmem>>
        %swap3A_595 = arith.index_cast %add3A_476 : i32 to index
        %swap3A_596 = arith.constant 32 : index
        %swap3A_597 = tpu.vector_load %swap3A_594[%swap3A_595, %swap3A_596] {strides = array<i32>} : memref<128x64xf32, #tpu.memory_space<vmem>>, vector<16xf32>,
        tpu.vector_store %swap3A_594[%swap3A_595, %swap3A_596], %add3A_590 {strides = array<i32>} : memref<128x64xf32, #tpu.memory_space<vmem>>, vector<16xf32>,
        %select_n3A_598 = arith.select %eq3A_561, %get3A_35, %add3A_113 : vector<16xi1>, vector<16xf32>
        %sub3A_599 = arith.subf %get3A_504, %broadcast_in_dim3A_555 : vector<16xf32>
        %mul3A_600 = arith.mulf %select_n3A, %get3A_19 : vector<16xf32>
        %mul3A_601 = arith.mulf %sub3A_599, %mul3A_600 : vector<16xf32>
        %add3A_602 = arith.addf %mul3A_601, %select_n3A_598 : vector<16xf32>
        %swap3A_603 = arith.constant 0 : i32
        %swap3A_604 = arith.constant 0 : i32
        %swap3A_605 = tpu.memref_slice %arg12[%scan3A_386, %swap3A_603, %swap3A_604] : memref<4x128x64xf32, #tpu.memory_space<vmem>> -> memref<1x128x64xf32, #tpu.memory_space<vmem>>
        %swap3A_606 = tpu.memref_squeeze %swap3A_605 : memref<1x128x64xf32, #tpu.memory_space<vmem>> -> memref<128x64xf32, #tpu.memory_space<vmem>>
        %swap3A_607 = arith.index_cast %add3A_476 : i32 to index
        %swap3A_608 = arith.constant 48 : index
        %swap3A_609 = tpu.vector_load %swap3A_606[%swap3A_607, %swap3A_608] {strides = array<i32>} : memref<128x64xf32, #tpu.memory_space<vmem>>, vector<16xf32>,
        tpu.vector_store %swap3A_606[%swap3A_607, %swap3A_608], %add3A_602 {strides = array<i32>} : memref<128x64xf32, #tpu.memory_space<vmem>>, vector<16xf32>,
        %add3A_610 = arith.constant 1 : i32
        %add3A_611 = arith.addi %add3A_474, %add3A_610 : i32
        %get3A_612 = arith.constant 0 : i32
        %get3A_613 = arith.constant 0 : i32
        %get3A_614 = tpu.memref_slice %arg11[%scan3A_385, %get3A_612, %get3A_613] : memref<4x128x64xf32, #tpu.memory_space<vmem>> -> memref<1x128x64xf32, #tpu.memory_space<vmem>>
        %get3A_615 = tpu.memref_squeeze %get3A_614 : memref<1x128x64xf32, #tpu.memory_space<vmem>> -> memref<128x64xf32, #tpu.memory_space<vmem>>
        %get3A_616 = arith.index_cast %add3A_611 : i32 to index
        %get3A_617 = arith.constant 0 : index
        %get3A_618 = tpu.vector_load %get3A_615[%get3A_616, %get3A_617] {strides = array<i32>} : memref<128x64xf32, #tpu.memory_space<vmem>>, vector<16xf32>,
        %get3A_619 = arith.constant 0 : i32
        %get3A_620 = arith.constant 0 : i32
        %get3A_621 = tpu.memref_slice %arg11[%scan3A_385, %get3A_619, %get3A_620] : memref<4x128x64xf32, #tpu.memory_space<vmem>> -> memref<1x128x64xf32, #tpu.memory_space<vmem>>
        %get3A_622 = tpu.memref_squeeze %get3A_621 : memref<1x128x64xf32, #tpu.memory_space<vmem>> -> memref<128x64xf32, #tpu.memory_space<vmem>>
        %get3A_623 = arith.index_cast %add3A_611 : i32 to index
        %get3A_624 = arith.constant 16 : index
        %get3A_625 = tpu.vector_load %get3A_622[%get3A_623, %get3A_624] {strides = array<i32>} : memref<128x64xf32, #tpu.memory_space<vmem>>, vector<16xf32>,
        %get3A_626 = arith.constant 0 : i32
        %get3A_627 = arith.constant 0 : i32
        %get3A_628 = tpu.memref_slice %arg11[%scan3A_385, %get3A_626, %get3A_627] : memref<4x128x64xf32, #tpu.memory_space<vmem>> -> memref<1x128x64xf32, #tpu.memory_space<vmem>>
        %get3A_629 = tpu.memref_squeeze %get3A_628 : memref<1x128x64xf32, #tpu.memory_space<vmem>> -> memref<128x64xf32, #tpu.memory_space<vmem>>
        %get3A_630 = arith.index_cast %add3A_611 : i32 to index
        %get3A_631 = arith.constant 32 : index
        %get3A_632 = tpu.vector_load %get3A_629[%get3A_630, %get3A_631] {strides = array<i32>} : memref<128x64xf32, #tpu.memory_space<vmem>>, vector<16xf32>,
        %get3A_633 = arith.constant 0 : i32
        %get3A_634 = arith.constant 0 : i32
        %get3A_635 = tpu.memref_slice %arg11[%scan3A_385, %get3A_633, %get3A_634] : memref<4x128x64xf32, #tpu.memory_space<vmem>> -> memref<1x128x64xf32, #tpu.memory_space<vmem>>
        %get3A_636 = tpu.memref_squeeze %get3A_635 : memref<1x128x64xf32, #tpu.memory_space<vmem>> -> memref<128x64xf32, #tpu.memory_space<vmem>>
        %get3A_637 = arith.index_cast %add3A_611 : i32 to index
        %get3A_638 = arith.constant 48 : index
        %get3A_639 = tpu.vector_load %get3A_636[%get3A_637, %get3A_638] {strides = array<i32>} : memref<128x64xf32, #tpu.memory_space<vmem>>, vector<16xf32>,
        %add3A_640 = arith.addf %get3A_618, %get3A_625 : vector<16xf32>
        %add3A_641 = arith.addf %get3A_632, %get3A_639 : vector<16xf32>
        %add3A_642 = arith.addf %add3A_640, %add3A_641 : vector<16xf32>
        %mul3A_643 = arith.mulf %get3A_618, %get3A_618 : vector<16xf32>
        %mul3A_644 = arith.mulf %get3A_625, %get3A_625 : vector<16xf32>
        %add3A_645 = arith.addf %mul3A_643, %mul3A_644 : vector<16xf32>
        %mul3A_646 = arith.mulf %get3A_632, %get3A_632 : vector<16xf32>
        %mul3A_647 = arith.mulf %get3A_639, %get3A_639 : vector<16xf32>
        %add3A_648 = arith.addf %mul3A_646, %mul3A_647 : vector<16xf32>
        %add3A_649 = arith.addf %add3A_645, %add3A_648 : vector<16xf32>
        %reduce_sum3A_650 = arith.constant true
        %reduce_sum3A_651 = vector.broadcast %reduce_sum3A_650 : i1 to vector<16xi1>
        %reduce_sum3A_652 = tpu.scan <sum>, %add3A_642 masked %reduce_sum3A_651 : vector<16xf32>, vector<16xi1> -> vector<16xf32>
        %reduce_sum3A_653 = vector.extract %reduce_sum3A_652[15] : f32 from vector<16xf32>
        %mul3A_654 = arith.constant 1.562500e-02 : f32
        %mul3A_655 = arith.mulf %reduce_sum3A_653, %mul3A_654 : f32
        %reduce_sum3A_656 = arith.constant true
        %reduce_sum3A_657 = vector.broadcast %reduce_sum3A_656 : i1 to vector<16xi1>
        %reduce_sum3A_658 = tpu.scan <sum>, %add3A_649 masked %reduce_sum3A_657 : vector<16xf32>, vector<16xi1> -> vector<16xf32>
        %reduce_sum3A_659 = vector.extract %reduce_sum3A_658[15] : f32 from vector<16xf32>
        %mul3A_660 = arith.constant 1.562500e-02 : f32
        %mul3A_661 = arith.mulf %reduce_sum3A_659, %mul3A_660 : f32
        %mul3A_662 = arith.mulf %mul3A_655, %mul3A_655 : f32
        %sub3A_663 = arith.subf %mul3A_661, %mul3A_662 : f32
        %add3A_664 = arith.constant 9.99999974E-6 : f32
        %add3A_665 = arith.addf %sub3A_663, %add3A_664 : f32
        %broadcast_in_dim3A_666 = vector.broadcast %add3A_665 : f32 to vector<16xf32>
        %bitcast_convert_type3A_667 = tpu.bitcast %broadcast_in_dim3A_666 : vector<16xf32> -> vector<16xi32>
        %shift_right_arithmetic3A_668 = arith.constant 1 : i32
        %shift_right_arithmetic3A_669 = vector.broadcast %shift_right_arithmetic3A_668 : i32 to vector<16xi32>
        %shift_right_arithmetic3A_670 = arith.shrsi %bitcast_convert_type3A_667, %shift_right_arithmetic3A_669 : vector<16xi32>
        %sub3A_671 = arith.constant 1597463007 : i32
        %sub3A_672 = vector.broadcast %sub3A_671 : i32 to vector<16xi32>
        %sub3A_673 = arith.subi %sub3A_672, %shift_right_arithmetic3A_670 : vector<16xi32>
        %bitcast_convert_type3A_674 = tpu.bitcast %sub3A_673 : vector<16xi32> -> vector<16xf32>
        %mul3A_675 = arith.constant 5.000000e-01 : f32
        %mul3A_676 = vector.broadcast %mul3A_675 : f32 to vector<16xf32>
        %mul3A_677 = arith.mulf %broadcast_in_dim3A_666, %mul3A_676 : vector<16xf32>
        %mul3A_678 = arith.mulf %mul3A_677, %bitcast_convert_type3A_674 : vector<16xf32>
        %mul3A_679 = arith.mulf %mul3A_678, %bitcast_convert_type3A_674 : vector<16xf32>
        %sub3A_680 = arith.constant 1.500000e+00 : f32
        %sub3A_681 = vector.broadcast %sub3A_680 : f32 to vector<16xf32>
        %sub3A_682 = arith.subf %sub3A_681, %mul3A_679 : vector<16xf32>
        %mul3A_683 = arith.mulf %bitcast_convert_type3A_674, %sub3A_682 : vector<16xf32>
        %mul3A_684 = arith.mulf %mul3A_677, %mul3A_683 : vector<16xf32>
        %mul3A_685 = arith.mulf %mul3A_684, %mul3A_683 : vector<16xf32>
        %sub3A_686 = arith.constant 1.500000e+00 : f32
        %sub3A_687 = vector.broadcast %sub3A_686 : f32 to vector<16xf32>
        %sub3A_688 = arith.subf %sub3A_687, %mul3A_685 : vector<16xf32>
        %mul3A_689 = arith.mulf %mul3A_683, %sub3A_688 : vector<16xf32>
        %broadcast_in_dim3A_690 = vector.broadcast %mul3A_655 : f32 to vector<16xf32>
        %mul3A_691 = arith.constant 128 : i32
        %mul3A_692 = arith.muli %add3A_365, %mul3A_691 : i32
        %add3A_693 = arith.addi %mul3A_692, %add3A_611 : i32
        %broadcast_in_dim3A_694 = vector.broadcast %add3A_693 : i32 to vector<16xi32>
        %gather3A_695 = tpu.vector_load_idx %arg10[%broadcast_in_dim3A_694] : memref<13312xi32, #tpu.memory_space<vmem>>[vector<16xi32>], vector<16xi32>,
        %eq3A_696 = arith.constant 0 : i32
        %eq3A_697 = vector.broadcast %eq3A_696 : i32 to vector<16xi32>
        %eq3A_698 = arith.cmpi eq, %gather3A_695, %eq3A_697 : vector<16xi32>
        %jit3A_699 = arith.constant 0.000000e+00 : f32
        %broadcast_in_dim3A_700 = vector.broadcast %jit3A_699 : f32 to vector<16xf32>
        %select_n3A_701 = arith.select %eq3A_698, %mul3A_689, %broadcast_in_dim3A_700 : vector<16xi1>, vector<16xf32>
        %select_n3A_702 = arith.select %eq3A_698, %get3A_23, %add3A_101 : vector<16xi1>, vector<16xf32>
        %sub3A_703 = arith.subf %get3A_618, %broadcast_in_dim3A_690 : vector<16xf32>
        %mul3A_704 = arith.mulf %select_n3A_701, %get3A_7 : vector<16xf32>
        %mul3A_705 = arith.mulf %sub3A_703, %mul3A_704 : vector<16xf32>
        %add3A_706 = arith.addf %mul3A_705, %select_n3A_702 : vector<16xf32>
        %swap3A_707 = arith.constant 0 : i32
        %swap3A_708 = arith.constant 0 : i32
        %swap3A_709 = tpu.memref_slice %arg12[%scan3A_386, %swap3A_707, %swap3A_708] : memref<4x128x64xf32, #tpu.memory_space<vmem>> -> memref<1x128x64xf32, #tpu.memory_space<vmem>>
        %swap3A_710 = tpu.memref_squeeze %swap3A_709 : memref<1x128x64xf32, #tpu.memory_space<vmem>> -> memref<128x64xf32, #tpu.memory_space<vmem>>
        %swap3A_711 = arith.index_cast %add3A_611 : i32 to index
        %swap3A_712 = arith.constant 0 : index
        %swap3A_713 = tpu.vector_load %swap3A_710[%swap3A_711, %swap3A_712] {strides = array<i32>} : memref<128x64xf32, #tpu.memory_space<vmem>>, vector<16xf32>,
        tpu.vector_store %swap3A_710[%swap3A_711, %swap3A_712], %add3A_706 {strides = array<i32>} : memref<128x64xf32, #tpu.memory_space<vmem>>, vector<16xf32>,
        %select_n3A_714 = arith.select %eq3A_698, %get3A_27, %add3A_105 : vector<16xi1>, vector<16xf32>
        %sub3A_715 = arith.subf %get3A_625, %broadcast_in_dim3A_690 : vector<16xf32>
        %mul3A_716 = arith.mulf %select_n3A_701, %get3A_11 : vector<16xf32>
        %mul3A_717 = arith.mulf %sub3A_715, %mul3A_716 : vector<16xf32>
        %add3A_718 = arith.addf %mul3A_717, %select_n3A_714 : vector<16xf32>
        %swap3A_719 = arith.constant 0 : i32
        %swap3A_720 = arith.constant 0 : i32
        %swap3A_721 = tpu.memref_slice %arg12[%scan3A_386, %swap3A_719, %swap3A_720] : memref<4x128x64xf32, #tpu.memory_space<vmem>> -> memref<1x128x64xf32, #tpu.memory_space<vmem>>
        %swap3A_722 = tpu.memref_squeeze %swap3A_721 : memref<1x128x64xf32, #tpu.memory_space<vmem>> -> memref<128x64xf32, #tpu.memory_space<vmem>>
        %swap3A_723 = arith.index_cast %add3A_611 : i32 to index
        %swap3A_724 = arith.constant 16 : index
        %swap3A_725 = tpu.vector_load %swap3A_722[%swap3A_723, %swap3A_724] {strides = array<i32>} : memref<128x64xf32, #tpu.memory_space<vmem>>, vector<16xf32>,
        tpu.vector_store %swap3A_722[%swap3A_723, %swap3A_724], %add3A_718 {strides = array<i32>} : memref<128x64xf32, #tpu.memory_space<vmem>>, vector<16xf32>,
        %select_n3A_726 = arith.select %eq3A_698, %get3A_31, %add3A_109 : vector<16xi1>, vector<16xf32>
        %sub3A_727 = arith.subf %get3A_632, %broadcast_in_dim3A_690 : vector<16xf32>
        %mul3A_728 = arith.mulf %select_n3A_701, %get3A_15 : vector<16xf32>
        %mul3A_729 = arith.mulf %sub3A_727, %mul3A_728 : vector<16xf32>
        %add3A_730 = arith.addf %mul3A_729, %select_n3A_726 : vector<16xf32>
        %swap3A_731 = arith.constant 0 : i32
        %swap3A_732 = arith.constant 0 : i32
        %swap3A_733 = tpu.memref_slice %arg12[%scan3A_386, %swap3A_731, %swap3A_732] : memref<4x128x64xf32, #tpu.memory_space<vmem>> -> memref<1x128x64xf32, #tpu.memory_space<vmem>>
        %swap3A_734 = tpu.memref_squeeze %swap3A_733 : memref<1x128x64xf32, #tpu.memory_space<vmem>> -> memref<128x64xf32, #tpu.memory_space<vmem>>
        %swap3A_735 = arith.index_cast %add3A_611 : i32 to index
        %swap3A_736 = arith.constant 32 : index
        %swap3A_737 = tpu.vector_load %swap3A_734[%swap3A_735, %swap3A_736] {strides = array<i32>} : memref<128x64xf32, #tpu.memory_space<vmem>>, vector<16xf32>,
        tpu.vector_store %swap3A_734[%swap3A_735, %swap3A_736], %add3A_730 {strides = array<i32>} : memref<128x64xf32, #tpu.memory_space<vmem>>, vector<16xf32>,
        %select_n3A_738 = arith.select %eq3A_698, %get3A_35, %add3A_113 : vector<16xi1>, vector<16xf32>
        %sub3A_739 = arith.subf %get3A_639, %broadcast_in_dim3A_690 : vector<16xf32>
        %mul3A_740 = arith.mulf %select_n3A_701, %get3A_19 : vector<16xf32>
        %mul3A_741 = arith.mulf %sub3A_739, %mul3A_740 : vector<16xf32>
        %add3A_742 = arith.addf %mul3A_741, %select_n3A_738 : vector<16xf32>
        %swap3A_743 = arith.constant 0 : i32
        %swap3A_744 = arith.constant 0 : i32
        %swap3A_745 = tpu.memref_slice %arg12[%scan3A_386, %swap3A_743, %swap3A_744] : memref<4x128x64xf32, #tpu.memory_space<vmem>> -> memref<1x128x64xf32, #tpu.memory_space<vmem>>
        %swap3A_746 = tpu.memref_squeeze %swap3A_745 : memref<1x128x64xf32, #tpu.memory_space<vmem>> -> memref<128x64xf32, #tpu.memory_space<vmem>>
        %swap3A_747 = arith.index_cast %add3A_611 : i32 to index
        %swap3A_748 = arith.constant 48 : index
        %swap3A_749 = tpu.vector_load %swap3A_746[%swap3A_747, %swap3A_748] {strides = array<i32>} : memref<128x64xf32, #tpu.memory_space<vmem>>, vector<16xf32>,
        tpu.vector_store %swap3A_746[%swap3A_747, %swap3A_748], %add3A_742 {strides = array<i32>} : memref<128x64xf32, #tpu.memory_space<vmem>>, vector<16xf32>,
        %add3A_750 = arith.constant 2 : i32
        %add3A_751 = arith.addi %add3A_474, %add3A_750 : i32
        %get3A_752 = arith.constant 0 : i32
        %get3A_753 = arith.constant 0 : i32
        %get3A_754 = tpu.memref_slice %arg11[%scan3A_385, %get3A_752, %get3A_753] : memref<4x128x64xf32, #tpu.memory_space<vmem>> -> memref<1x128x64xf32, #tpu.memory_space<vmem>>
        %get3A_755 = tpu.memref_squeeze %get3A_754 : memref<1x128x64xf32, #tpu.memory_space<vmem>> -> memref<128x64xf32, #tpu.memory_space<vmem>>
        %get3A_756 = arith.index_cast %add3A_751 : i32 to index
        %get3A_757 = arith.constant 0 : index
        %get3A_758 = tpu.vector_load %get3A_755[%get3A_756, %get3A_757] {strides = array<i32>} : memref<128x64xf32, #tpu.memory_space<vmem>>, vector<16xf32>,
        %get3A_759 = arith.constant 0 : i32
        %get3A_760 = arith.constant 0 : i32
        %get3A_761 = tpu.memref_slice %arg11[%scan3A_385, %get3A_759, %get3A_760] : memref<4x128x64xf32, #tpu.memory_space<vmem>> -> memref<1x128x64xf32, #tpu.memory_space<vmem>>
        %get3A_762 = tpu.memref_squeeze %get3A_761 : memref<1x128x64xf32, #tpu.memory_space<vmem>> -> memref<128x64xf32, #tpu.memory_space<vmem>>
        %get3A_763 = arith.index_cast %add3A_751 : i32 to index
        %get3A_764 = arith.constant 16 : index
        %get3A_765 = tpu.vector_load %get3A_762[%get3A_763, %get3A_764] {strides = array<i32>} : memref<128x64xf32, #tpu.memory_space<vmem>>, vector<16xf32>,
        %get3A_766 = arith.constant 0 : i32
        %get3A_767 = arith.constant 0 : i32
        %get3A_768 = tpu.memref_slice %arg11[%scan3A_385, %get3A_766, %get3A_767] : memref<4x128x64xf32, #tpu.memory_space<vmem>> -> memref<1x128x64xf32, #tpu.memory_space<vmem>>
        %get3A_769 = tpu.memref_squeeze %get3A_768 : memref<1x128x64xf32, #tpu.memory_space<vmem>> -> memref<128x64xf32, #tpu.memory_space<vmem>>
        %get3A_770 = arith.index_cast %add3A_751 : i32 to index
        %get3A_771 = arith.constant 32 : index
        %get3A_772 = tpu.vector_load %get3A_769[%get3A_770, %get3A_771] {strides = array<i32>} : memref<128x64xf32, #tpu.memory_space<vmem>>, vector<16xf32>,
        %get3A_773 = arith.constant 0 : i32
        %get3A_774 = arith.constant 0 : i32
        %get3A_775 = tpu.memref_slice %arg11[%scan3A_385, %get3A_773, %get3A_774] : memref<4x128x64xf32, #tpu.memory_space<vmem>> -> memref<1x128x64xf32, #tpu.memory_space<vmem>>
        %get3A_776 = tpu.memref_squeeze %get3A_775 : memref<1x128x64xf32, #tpu.memory_space<vmem>> -> memref<128x64xf32, #tpu.memory_space<vmem>>
        %get3A_777 = arith.index_cast %add3A_751 : i32 to index
        %get3A_778 = arith.constant 48 : index
        %get3A_779 = tpu.vector_load %get3A_776[%get3A_777, %get3A_778] {strides = array<i32>} : memref<128x64xf32, #tpu.memory_space<vmem>>, vector<16xf32>,
        %add3A_780 = arith.addf %get3A_758, %get3A_765 : vector<16xf32>
        %add3A_781 = arith.addf %get3A_772, %get3A_779 : vector<16xf32>
        %add3A_782 = arith.addf %add3A_780, %add3A_781 : vector<16xf32>
        %mul3A_783 = arith.mulf %get3A_758, %get3A_758 : vector<16xf32>
        %mul3A_784 = arith.mulf %get3A_765, %get3A_765 : vector<16xf32>
        %add3A_785 = arith.addf %mul3A_783, %mul3A_784 : vector<16xf32>
        %mul3A_786 = arith.mulf %get3A_772, %get3A_772 : vector<16xf32>
        %mul3A_787 = arith.mulf %get3A_779, %get3A_779 : vector<16xf32>
        %add3A_788 = arith.addf %mul3A_786, %mul3A_787 : vector<16xf32>
        %add3A_789 = arith.addf %add3A_785, %add3A_788 : vector<16xf32>
        %reduce_sum3A_790 = arith.constant true
        %reduce_sum3A_791 = vector.broadcast %reduce_sum3A_790 : i1 to vector<16xi1>
        %reduce_sum3A_792 = tpu.scan <sum>, %add3A_782 masked %reduce_sum3A_791 : vector<16xf32>, vector<16xi1> -> vector<16xf32>
        %reduce_sum3A_793 = vector.extract %reduce_sum3A_792[15] : f32 from vector<16xf32>
        %mul3A_794 = arith.constant 1.562500e-02 : f32
        %mul3A_795 = arith.mulf %reduce_sum3A_793, %mul3A_794 : f32
        %reduce_sum3A_796 = arith.constant true
        %reduce_sum3A_797 = vector.broadcast %reduce_sum3A_796 : i1 to vector<16xi1>
        %reduce_sum3A_798 = tpu.scan <sum>, %add3A_789 masked %reduce_sum3A_797 : vector<16xf32>, vector<16xi1> -> vector<16xf32>
        %reduce_sum3A_799 = vector.extract %reduce_sum3A_798[15] : f32 from vector<16xf32>
        %mul3A_800 = arith.constant 1.562500e-02 : f32
        %mul3A_801 = arith.mulf %reduce_sum3A_799, %mul3A_800 : f32
        %mul3A_802 = arith.mulf %mul3A_795, %mul3A_795 : f32
        %sub3A_803 = arith.subf %mul3A_801, %mul3A_802 : f32
        %add3A_804 = arith.constant 9.99999974E-6 : f32
        %add3A_805 = arith.addf %sub3A_803, %add3A_804 : f32
        %broadcast_in_dim3A_806 = vector.broadcast %add3A_805 : f32 to vector<16xf32>
        %bitcast_convert_type3A_807 = tpu.bitcast %broadcast_in_dim3A_806 : vector<16xf32> -> vector<16xi32>
        %shift_right_arithmetic3A_808 = arith.constant 1 : i32
        %shift_right_arithmetic3A_809 = vector.broadcast %shift_right_arithmetic3A_808 : i32 to vector<16xi32>
        %shift_right_arithmetic3A_810 = arith.shrsi %bitcast_convert_type3A_807, %shift_right_arithmetic3A_809 : vector<16xi32>
        %sub3A_811 = arith.constant 1597463007 : i32
        %sub3A_812 = vector.broadcast %sub3A_811 : i32 to vector<16xi32>
        %sub3A_813 = arith.subi %sub3A_812, %shift_right_arithmetic3A_810 : vector<16xi32>
        %bitcast_convert_type3A_814 = tpu.bitcast %sub3A_813 : vector<16xi32> -> vector<16xf32>
        %mul3A_815 = arith.constant 5.000000e-01 : f32
        %mul3A_816 = vector.broadcast %mul3A_815 : f32 to vector<16xf32>
        %mul3A_817 = arith.mulf %broadcast_in_dim3A_806, %mul3A_816 : vector<16xf32>
        %mul3A_818 = arith.mulf %mul3A_817, %bitcast_convert_type3A_814 : vector<16xf32>
        %mul3A_819 = arith.mulf %mul3A_818, %bitcast_convert_type3A_814 : vector<16xf32>
        %sub3A_820 = arith.constant 1.500000e+00 : f32
        %sub3A_821 = vector.broadcast %sub3A_820 : f32 to vector<16xf32>
        %sub3A_822 = arith.subf %sub3A_821, %mul3A_819 : vector<16xf32>
        %mul3A_823 = arith.mulf %bitcast_convert_type3A_814, %sub3A_822 : vector<16xf32>
        %mul3A_824 = arith.mulf %mul3A_817, %mul3A_823 : vector<16xf32>
        %mul3A_825 = arith.mulf %mul3A_824, %mul3A_823 : vector<16xf32>
        %sub3A_826 = arith.constant 1.500000e+00 : f32
        %sub3A_827 = vector.broadcast %sub3A_826 : f32 to vector<16xf32>
        %sub3A_828 = arith.subf %sub3A_827, %mul3A_825 : vector<16xf32>
        %mul3A_829 = arith.mulf %mul3A_823, %sub3A_828 : vector<16xf32>
        %broadcast_in_dim3A_830 = vector.broadcast %mul3A_795 : f32 to vector<16xf32>
        %mul3A_831 = arith.constant 128 : i32
        %mul3A_832 = arith.muli %add3A_365, %mul3A_831 : i32
        %add3A_833 = arith.addi %mul3A_832, %add3A_751 : i32
        %broadcast_in_dim3A_834 = vector.broadcast %add3A_833 : i32 to vector<16xi32>
        %gather3A_835 = tpu.vector_load_idx %arg10[%broadcast_in_dim3A_834] : memref<13312xi32, #tpu.memory_space<vmem>>[vector<16xi32>], vector<16xi32>,
        %eq3A_836 = arith.constant 0 : i32
        %eq3A_837 = vector.broadcast %eq3A_836 : i32 to vector<16xi32>
        %eq3A_838 = arith.cmpi eq, %gather3A_835, %eq3A_837 : vector<16xi32>
        %jit3A_839 = arith.constant 0.000000e+00 : f32
        %broadcast_in_dim3A_840 = vector.broadcast %jit3A_839 : f32 to vector<16xf32>
        %select_n3A_841 = arith.select %eq3A_838, %mul3A_829, %broadcast_in_dim3A_840 : vector<16xi1>, vector<16xf32>
        %select_n3A_842 = arith.select %eq3A_838, %get3A_23, %add3A_101 : vector<16xi1>, vector<16xf32>
        %sub3A_843 = arith.subf %get3A_758, %broadcast_in_dim3A_830 : vector<16xf32>
        %mul3A_844 = arith.mulf %select_n3A_841, %get3A_7 : vector<16xf32>
        %mul3A_845 = arith.mulf %sub3A_843, %mul3A_844 : vector<16xf32>
        %add3A_846 = arith.addf %mul3A_845, %select_n3A_842 : vector<16xf32>
        %swap3A_847 = arith.constant 0 : i32
        %swap3A_848 = arith.constant 0 : i32
        %swap3A_849 = tpu.memref_slice %arg12[%scan3A_386, %swap3A_847, %swap3A_848] : memref<4x128x64xf32, #tpu.memory_space<vmem>> -> memref<1x128x64xf32, #tpu.memory_space<vmem>>
        %swap3A_850 = tpu.memref_squeeze %swap3A_849 : memref<1x128x64xf32, #tpu.memory_space<vmem>> -> memref<128x64xf32, #tpu.memory_space<vmem>>
        %swap3A_851 = arith.index_cast %add3A_751 : i32 to index
        %swap3A_852 = arith.constant 0 : index
        %swap3A_853 = tpu.vector_load %swap3A_850[%swap3A_851, %swap3A_852] {strides = array<i32>} : memref<128x64xf32, #tpu.memory_space<vmem>>, vector<16xf32>,
        tpu.vector_store %swap3A_850[%swap3A_851, %swap3A_852], %add3A_846 {strides = array<i32>} : memref<128x64xf32, #tpu.memory_space<vmem>>, vector<16xf32>,
        %select_n3A_854 = arith.select %eq3A_838, %get3A_27, %add3A_105 : vector<16xi1>, vector<16xf32>
        %sub3A_855 = arith.subf %get3A_765, %broadcast_in_dim3A_830 : vector<16xf32>
        %mul3A_856 = arith.mulf %select_n3A_841, %get3A_11 : vector<16xf32>
        %mul3A_857 = arith.mulf %sub3A_855, %mul3A_856 : vector<16xf32>
        %add3A_858 = arith.addf %mul3A_857, %select_n3A_854 : vector<16xf32>
        %swap3A_859 = arith.constant 0 : i32
        %swap3A_860 = arith.constant 0 : i32
        %swap3A_861 = tpu.memref_slice %arg12[%scan3A_386, %swap3A_859, %swap3A_860] : memref<4x128x64xf32, #tpu.memory_space<vmem>> -> memref<1x128x64xf32, #tpu.memory_space<vmem>>
        %swap3A_862 = tpu.memref_squeeze %swap3A_861 : memref<1x128x64xf32, #tpu.memory_space<vmem>> -> memref<128x64xf32, #tpu.memory_space<vmem>>
        %swap3A_863 = arith.index_cast %add3A_751 : i32 to index
        %swap3A_864 = arith.constant 16 : index
        %swap3A_865 = tpu.vector_load %swap3A_862[%swap3A_863, %swap3A_864] {strides = array<i32>} : memref<128x64xf32, #tpu.memory_space<vmem>>, vector<16xf32>,
        tpu.vector_store %swap3A_862[%swap3A_863, %swap3A_864], %add3A_858 {strides = array<i32>} : memref<128x64xf32, #tpu.memory_space<vmem>>, vector<16xf32>,
        %select_n3A_866 = arith.select %eq3A_838, %get3A_31, %add3A_109 : vector<16xi1>, vector<16xf32>
        %sub3A_867 = arith.subf %get3A_772, %broadcast_in_dim3A_830 : vector<16xf32>
        %mul3A_868 = arith.mulf %select_n3A_841, %get3A_15 : vector<16xf32>
        %mul3A_869 = arith.mulf %sub3A_867, %mul3A_868 : vector<16xf32>
        %add3A_870 = arith.addf %mul3A_869, %select_n3A_866 : vector<16xf32>
        %swap3A_871 = arith.constant 0 : i32
        %swap3A_872 = arith.constant 0 : i32
        %swap3A_873 = tpu.memref_slice %arg12[%scan3A_386, %swap3A_871, %swap3A_872] : memref<4x128x64xf32, #tpu.memory_space<vmem>> -> memref<1x128x64xf32, #tpu.memory_space<vmem>>
        %swap3A_874 = tpu.memref_squeeze %swap3A_873 : memref<1x128x64xf32, #tpu.memory_space<vmem>> -> memref<128x64xf32, #tpu.memory_space<vmem>>
        %swap3A_875 = arith.index_cast %add3A_751 : i32 to index
        %swap3A_876 = arith.constant 32 : index
        %swap3A_877 = tpu.vector_load %swap3A_874[%swap3A_875, %swap3A_876] {strides = array<i32>} : memref<128x64xf32, #tpu.memory_space<vmem>>, vector<16xf32>,
        tpu.vector_store %swap3A_874[%swap3A_875, %swap3A_876], %add3A_870 {strides = array<i32>} : memref<128x64xf32, #tpu.memory_space<vmem>>, vector<16xf32>,
        %select_n3A_878 = arith.select %eq3A_838, %get3A_35, %add3A_113 : vector<16xi1>, vector<16xf32>
        %sub3A_879 = arith.subf %get3A_779, %broadcast_in_dim3A_830 : vector<16xf32>
        %mul3A_880 = arith.mulf %select_n3A_841, %get3A_19 : vector<16xf32>
        %mul3A_881 = arith.mulf %sub3A_879, %mul3A_880 : vector<16xf32>
        %add3A_882 = arith.addf %mul3A_881, %select_n3A_878 : vector<16xf32>
        %swap3A_883 = arith.constant 0 : i32
        %swap3A_884 = arith.constant 0 : i32
        %swap3A_885 = tpu.memref_slice %arg12[%scan3A_386, %swap3A_883, %swap3A_884] : memref<4x128x64xf32, #tpu.memory_space<vmem>> -> memref<1x128x64xf32, #tpu.memory_space<vmem>>
        %swap3A_886 = tpu.memref_squeeze %swap3A_885 : memref<1x128x64xf32, #tpu.memory_space<vmem>> -> memref<128x64xf32, #tpu.memory_space<vmem>>
        %swap3A_887 = arith.index_cast %add3A_751 : i32 to index
        %swap3A_888 = arith.constant 48 : index
        %swap3A_889 = tpu.vector_load %swap3A_886[%swap3A_887, %swap3A_888] {strides = array<i32>} : memref<128x64xf32, #tpu.memory_space<vmem>>, vector<16xf32>,
        tpu.vector_store %swap3A_886[%swap3A_887, %swap3A_888], %add3A_882 {strides = array<i32>} : memref<128x64xf32, #tpu.memory_space<vmem>>, vector<16xf32>,
        %add3A_890 = arith.constant 3 : i32
        %add3A_891 = arith.addi %add3A_474, %add3A_890 : i32
        %get3A_892 = arith.constant 0 : i32
        %get3A_893 = arith.constant 0 : i32
        %get3A_894 = tpu.memref_slice %arg11[%scan3A_385, %get3A_892, %get3A_893] : memref<4x128x64xf32, #tpu.memory_space<vmem>> -> memref<1x128x64xf32, #tpu.memory_space<vmem>>
        %get3A_895 = tpu.memref_squeeze %get3A_894 : memref<1x128x64xf32, #tpu.memory_space<vmem>> -> memref<128x64xf32, #tpu.memory_space<vmem>>
        %get3A_896 = arith.index_cast %add3A_891 : i32 to index
        %get3A_897 = arith.constant 0 : index
        %get3A_898 = tpu.vector_load %get3A_895[%get3A_896, %get3A_897] {strides = array<i32>} : memref<128x64xf32, #tpu.memory_space<vmem>>, vector<16xf32>,
        %get3A_899 = arith.constant 0 : i32
        %get3A_900 = arith.constant 0 : i32
        %get3A_901 = tpu.memref_slice %arg11[%scan3A_385, %get3A_899, %get3A_900] : memref<4x128x64xf32, #tpu.memory_space<vmem>> -> memref<1x128x64xf32, #tpu.memory_space<vmem>>
        %get3A_902 = tpu.memref_squeeze %get3A_901 : memref<1x128x64xf32, #tpu.memory_space<vmem>> -> memref<128x64xf32, #tpu.memory_space<vmem>>
        %get3A_903 = arith.index_cast %add3A_891 : i32 to index
        %get3A_904 = arith.constant 16 : index
        %get3A_905 = tpu.vector_load %get3A_902[%get3A_903, %get3A_904] {strides = array<i32>} : memref<128x64xf32, #tpu.memory_space<vmem>>, vector<16xf32>,
        %get3A_906 = arith.constant 0 : i32
        %get3A_907 = arith.constant 0 : i32
        %get3A_908 = tpu.memref_slice %arg11[%scan3A_385, %get3A_906, %get3A_907] : memref<4x128x64xf32, #tpu.memory_space<vmem>> -> memref<1x128x64xf32, #tpu.memory_space<vmem>>
        %get3A_909 = tpu.memref_squeeze %get3A_908 : memref<1x128x64xf32, #tpu.memory_space<vmem>> -> memref<128x64xf32, #tpu.memory_space<vmem>>
        %get3A_910 = arith.index_cast %add3A_891 : i32 to index
        %get3A_911 = arith.constant 32 : index
        %get3A_912 = tpu.vector_load %get3A_909[%get3A_910, %get3A_911] {strides = array<i32>} : memref<128x64xf32, #tpu.memory_space<vmem>>, vector<16xf32>,
        %get3A_913 = arith.constant 0 : i32
        %get3A_914 = arith.constant 0 : i32
        %get3A_915 = tpu.memref_slice %arg11[%scan3A_385, %get3A_913, %get3A_914] : memref<4x128x64xf32, #tpu.memory_space<vmem>> -> memref<1x128x64xf32, #tpu.memory_space<vmem>>
        %get3A_916 = tpu.memref_squeeze %get3A_915 : memref<1x128x64xf32, #tpu.memory_space<vmem>> -> memref<128x64xf32, #tpu.memory_space<vmem>>
        %get3A_917 = arith.index_cast %add3A_891 : i32 to index
        %get3A_918 = arith.constant 48 : index
        %get3A_919 = tpu.vector_load %get3A_916[%get3A_917, %get3A_918] {strides = array<i32>} : memref<128x64xf32, #tpu.memory_space<vmem>>, vector<16xf32>,
        %add3A_920 = arith.addf %get3A_898, %get3A_905 : vector<16xf32>
        %add3A_921 = arith.addf %get3A_912, %get3A_919 : vector<16xf32>
        %add3A_922 = arith.addf %add3A_920, %add3A_921 : vector<16xf32>
        %mul3A_923 = arith.mulf %get3A_898, %get3A_898 : vector<16xf32>
        %mul3A_924 = arith.mulf %get3A_905, %get3A_905 : vector<16xf32>
        %add3A_925 = arith.addf %mul3A_923, %mul3A_924 : vector<16xf32>
        %mul3A_926 = arith.mulf %get3A_912, %get3A_912 : vector<16xf32>
        %mul3A_927 = arith.mulf %get3A_919, %get3A_919 : vector<16xf32>
        %add3A_928 = arith.addf %mul3A_926, %mul3A_927 : vector<16xf32>
        %add3A_929 = arith.addf %add3A_925, %add3A_928 : vector<16xf32>
        %reduce_sum3A_930 = arith.constant true
        %reduce_sum3A_931 = vector.broadcast %reduce_sum3A_930 : i1 to vector<16xi1>
        %reduce_sum3A_932 = tpu.scan <sum>, %add3A_922 masked %reduce_sum3A_931 : vector<16xf32>, vector<16xi1> -> vector<16xf32>
        %reduce_sum3A_933 = vector.extract %reduce_sum3A_932[15] : f32 from vector<16xf32>
        %mul3A_934 = arith.constant 1.562500e-02 : f32
        %mul3A_935 = arith.mulf %reduce_sum3A_933, %mul3A_934 : f32
        %reduce_sum3A_936 = arith.constant true
        %reduce_sum3A_937 = vector.broadcast %reduce_sum3A_936 : i1 to vector<16xi1>
        %reduce_sum3A_938 = tpu.scan <sum>, %add3A_929 masked %reduce_sum3A_937 : vector<16xf32>, vector<16xi1> -> vector<16xf32>
        %reduce_sum3A_939 = vector.extract %reduce_sum3A_938[15] : f32 from vector<16xf32>
        %mul3A_940 = arith.constant 1.562500e-02 : f32
        %mul3A_941 = arith.mulf %reduce_sum3A_939, %mul3A_940 : f32
        %mul3A_942 = arith.mulf %mul3A_935, %mul3A_935 : f32
        %sub3A_943 = arith.subf %mul3A_941, %mul3A_942 : f32
        %add3A_944 = arith.constant 9.99999974E-6 : f32
        %add3A_945 = arith.addf %sub3A_943, %add3A_944 : f32
        %broadcast_in_dim3A_946 = vector.broadcast %add3A_945 : f32 to vector<16xf32>
        %bitcast_convert_type3A_947 = tpu.bitcast %broadcast_in_dim3A_946 : vector<16xf32> -> vector<16xi32>
        %shift_right_arithmetic3A_948 = arith.constant 1 : i32
        %shift_right_arithmetic3A_949 = vector.broadcast %shift_right_arithmetic3A_948 : i32 to vector<16xi32>
        %shift_right_arithmetic3A_950 = arith.shrsi %bitcast_convert_type3A_947, %shift_right_arithmetic3A_949 : vector<16xi32>
        %sub3A_951 = arith.constant 1597463007 : i32
        %sub3A_952 = vector.broadcast %sub3A_951 : i32 to vector<16xi32>
        %sub3A_953 = arith.subi %sub3A_952, %shift_right_arithmetic3A_950 : vector<16xi32>
        %bitcast_convert_type3A_954 = tpu.bitcast %sub3A_953 : vector<16xi32> -> vector<16xf32>
        %mul3A_955 = arith.constant 5.000000e-01 : f32
        %mul3A_956 = vector.broadcast %mul3A_955 : f32 to vector<16xf32>
        %mul3A_957 = arith.mulf %broadcast_in_dim3A_946, %mul3A_956 : vector<16xf32>
        %mul3A_958 = arith.mulf %mul3A_957, %bitcast_convert_type3A_954 : vector<16xf32>
        %mul3A_959 = arith.mulf %mul3A_958, %bitcast_convert_type3A_954 : vector<16xf32>
        %sub3A_960 = arith.constant 1.500000e+00 : f32
        %sub3A_961 = vector.broadcast %sub3A_960 : f32 to vector<16xf32>
        %sub3A_962 = arith.subf %sub3A_961, %mul3A_959 : vector<16xf32>
        %mul3A_963 = arith.mulf %bitcast_convert_type3A_954, %sub3A_962 : vector<16xf32>
        %mul3A_964 = arith.mulf %mul3A_957, %mul3A_963 : vector<16xf32>
        %mul3A_965 = arith.mulf %mul3A_964, %mul3A_963 : vector<16xf32>
        %sub3A_966 = arith.constant 1.500000e+00 : f32
        %sub3A_967 = vector.broadcast %sub3A_966 : f32 to vector<16xf32>
        %sub3A_968 = arith.subf %sub3A_967, %mul3A_965 : vector<16xf32>
        %mul3A_969 = arith.mulf %mul3A_963, %sub3A_968 : vector<16xf32>
        %broadcast_in_dim3A_970 = vector.broadcast %mul3A_935 : f32 to vector<16xf32>
        %mul3A_971 = arith.constant 128 : i32
        %mul3A_972 = arith.muli %add3A_365, %mul3A_971 : i32
        %add3A_973 = arith.addi %mul3A_972, %add3A_891 : i32
        %broadcast_in_dim3A_974 = vector.broadcast %add3A_973 : i32 to vector<16xi32>
        %gather3A_975 = tpu.vector_load_idx %arg10[%broadcast_in_dim3A_974] : memref<13312xi32, #tpu.memory_space<vmem>>[vector<16xi32>], vector<16xi32>,
        %eq3A_976 = arith.constant 0 : i32
        %eq3A_977 = vector.broadcast %eq3A_976 : i32 to vector<16xi32>
        %eq3A_978 = arith.cmpi eq, %gather3A_975, %eq3A_977 : vector<16xi32>
        %jit3A_979 = arith.constant 0.000000e+00 : f32
        %broadcast_in_dim3A_980 = vector.broadcast %jit3A_979 : f32 to vector<16xf32>
        %select_n3A_981 = arith.select %eq3A_978, %mul3A_969, %broadcast_in_dim3A_980 : vector<16xi1>, vector<16xf32>
        %select_n3A_982 = arith.select %eq3A_978, %get3A_23, %add3A_101 : vector<16xi1>, vector<16xf32>
        %sub3A_983 = arith.subf %get3A_898, %broadcast_in_dim3A_970 : vector<16xf32>
        %mul3A_984 = arith.mulf %select_n3A_981, %get3A_7 : vector<16xf32>
        %mul3A_985 = arith.mulf %sub3A_983, %mul3A_984 : vector<16xf32>
        %add3A_986 = arith.addf %mul3A_985, %select_n3A_982 : vector<16xf32>
        %swap3A_987 = arith.constant 0 : i32
        %swap3A_988 = arith.constant 0 : i32
        %swap3A_989 = tpu.memref_slice %arg12[%scan3A_386, %swap3A_987, %swap3A_988] : memref<4x128x64xf32, #tpu.memory_space<vmem>> -> memref<1x128x64xf32, #tpu.memory_space<vmem>>
        %swap3A_990 = tpu.memref_squeeze %swap3A_989 : memref<1x128x64xf32, #tpu.memory_space<vmem>> -> memref<128x64xf32, #tpu.memory_space<vmem>>
        %swap3A_991 = arith.index_cast %add3A_891 : i32 to index
        %swap3A_992 = arith.constant 0 : index
        %swap3A_993 = tpu.vector_load %swap3A_990[%swap3A_991, %swap3A_992] {strides = array<i32>} : memref<128x64xf32, #tpu.memory_space<vmem>>, vector<16xf32>,
        tpu.vector_store %swap3A_990[%swap3A_991, %swap3A_992], %add3A_986 {strides = array<i32>} : memref<128x64xf32, #tpu.memory_space<vmem>>, vector<16xf32>,
        %select_n3A_994 = arith.select %eq3A_978, %get3A_27, %add3A_105 : vector<16xi1>, vector<16xf32>
        %sub3A_995 = arith.subf %get3A_905, %broadcast_in_dim3A_970 : vector<16xf32>
        %mul3A_996 = arith.mulf %select_n3A_981, %get3A_11 : vector<16xf32>
        %mul3A_997 = arith.mulf %sub3A_995, %mul3A_996 : vector<16xf32>
        %add3A_998 = arith.addf %mul3A_997, %select_n3A_994 : vector<16xf32>
        %swap3A_999 = arith.constant 0 : i32
        %swap3A_1000 = arith.constant 0 : i32
        %swap3A_1001 = tpu.memref_slice %arg12[%scan3A_386, %swap3A_999, %swap3A_1000] : memref<4x128x64xf32, #tpu.memory_space<vmem>> -> memref<1x128x64xf32, #tpu.memory_space<vmem>>
        %swap3A_1002 = tpu.memref_squeeze %swap3A_1001 : memref<1x128x64xf32, #tpu.memory_space<vmem>> -> memref<128x64xf32, #tpu.memory_space<vmem>>
        %swap3A_1003 = arith.index_cast %add3A_891 : i32 to index
        %swap3A_1004 = arith.constant 16 : index
        %swap3A_1005 = tpu.vector_load %swap3A_1002[%swap3A_1003, %swap3A_1004] {strides = array<i32>} : memref<128x64xf32, #tpu.memory_space<vmem>>, vector<16xf32>,
        tpu.vector_store %swap3A_1002[%swap3A_1003, %swap3A_1004], %add3A_998 {strides = array<i32>} : memref<128x64xf32, #tpu.memory_space<vmem>>, vector<16xf32>,
        %select_n3A_1006 = arith.select %eq3A_978, %get3A_31, %add3A_109 : vector<16xi1>, vector<16xf32>
        %sub3A_1007 = arith.subf %get3A_912, %broadcast_in_dim3A_970 : vector<16xf32>
        %mul3A_1008 = arith.mulf %select_n3A_981, %get3A_15 : vector<16xf32>
        %mul3A_1009 = arith.mulf %sub3A_1007, %mul3A_1008 : vector<16xf32>
        %add3A_1010 = arith.addf %mul3A_1009, %select_n3A_1006 : vector<16xf32>
        %swap3A_1011 = arith.constant 0 : i32
        %swap3A_1012 = arith.constant 0 : i32
        %swap3A_1013 = tpu.memref_slice %arg12[%scan3A_386, %swap3A_1011, %swap3A_1012] : memref<4x128x64xf32, #tpu.memory_space<vmem>> -> memref<1x128x64xf32, #tpu.memory_space<vmem>>
        %swap3A_1014 = tpu.memref_squeeze %swap3A_1013 : memref<1x128x64xf32, #tpu.memory_space<vmem>> -> memref<128x64xf32, #tpu.memory_space<vmem>>
        %swap3A_1015 = arith.index_cast %add3A_891 : i32 to index
        %swap3A_1016 = arith.constant 32 : index
        %swap3A_1017 = tpu.vector_load %swap3A_1014[%swap3A_1015, %swap3A_1016] {strides = array<i32>} : memref<128x64xf32, #tpu.memory_space<vmem>>, vector<16xf32>,
        tpu.vector_store %swap3A_1014[%swap3A_1015, %swap3A_1016], %add3A_1010 {strides = array<i32>} : memref<128x64xf32, #tpu.memory_space<vmem>>, vector<16xf32>,
        %select_n3A_1018 = arith.select %eq3A_978, %get3A_35, %add3A_113 : vector<16xi1>, vector<16xf32>
        %sub3A_1019 = arith.subf %get3A_919, %broadcast_in_dim3A_970 : vector<16xf32>
        %mul3A_1020 = arith.mulf %select_n3A_981, %get3A_19 : vector<16xf32>
        %mul3A_1021 = arith.mulf %sub3A_1019, %mul3A_1020 : vector<16xf32>
        %add3A_1022 = arith.addf %mul3A_1021, %select_n3A_1018 : vector<16xf32>
        %swap3A_1023 = arith.constant 0 : i32
        %swap3A_1024 = arith.constant 0 : i32
        %swap3A_1025 = tpu.memref_slice %arg12[%scan3A_386, %swap3A_1023, %swap3A_1024] : memref<4x128x64xf32, #tpu.memory_space<vmem>> -> memref<1x128x64xf32, #tpu.memory_space<vmem>>
        %swap3A_1026 = tpu.memref_squeeze %swap3A_1025 : memref<1x128x64xf32, #tpu.memory_space<vmem>> -> memref<128x64xf32, #tpu.memory_space<vmem>>
        %swap3A_1027 = arith.index_cast %add3A_891 : i32 to index
        %swap3A_1028 = arith.constant 48 : index
        %swap3A_1029 = tpu.vector_load %swap3A_1026[%swap3A_1027, %swap3A_1028] {strides = array<i32>} : memref<128x64xf32, #tpu.memory_space<vmem>>, vector<16xf32>,
        tpu.vector_store %swap3A_1026[%swap3A_1027, %swap3A_1028], %add3A_1022 {strides = array<i32>} : memref<128x64xf32, #tpu.memory_space<vmem>>, vector<16xf32>,
      }
      %scan3A_391 = arith.constant 32 : i32
      %mul3A_392 = arith.constant 128 : i32
      %mul3A_393 = arith.muli %add3A_365, %mul3A_392 : i32
      %add3A_394 = arith.addi %mul3A_4, %mul3A_393 : i32
      %dma_start3A_395 = arith.constant 2 : i32
      %dma_start3A_396 = arith.constant 2 : i32
      %dma_start3A_397 = arith.constant 0 : i32
      %dma_start3A_398 = arith.constant 0 : i32
      %dma_start3A_399 = tpu.memref_slice %arg12[%dma_start3A_395, %dma_start3A_397, %dma_start3A_398] : memref<4x128x64xf32, #tpu.memory_space<vmem>> -> memref<1x128x64xf32, #tpu.memory_space<vmem>>
      %dma_start3A_400 = tpu.memref_squeeze %dma_start3A_399 : memref<1x128x64xf32, #tpu.memory_space<vmem>> -> memref<128x64xf32, #tpu.memory_space<vmem>>
      %dma_start3A_401 = arith.constant 0 : i32
      %dma_start3A_402 = tpu.memref_slice %arg6[%add3A_394, %dma_start3A_401] : memref<425984x64xf32, #tpu.memory_space<hbm>> -> memref<128x64xf32, #tpu.memory_space<hbm>>
      %dma_start3A_403 = tpu.memref_slice %arg16[%dma_start3A_396] : memref<4x!tpu.dma_semaphore, #tpu.memory_space<semaphore_mem>> -> memref<1x!tpu.dma_semaphore, #tpu.memory_space<semaphore_mem>>
      %dma_start3A_404 = tpu.memref_squeeze %dma_start3A_403 : memref<1x!tpu.dma_semaphore, #tpu.memory_space<semaphore_mem>> -> memref<!tpu.dma_semaphore, #tpu.memory_space<semaphore_mem>>
      %dma_start3A_405 = arith.constant 0 : i32
      %dma_start3A_406 = tpu.memref_slice %arg6[%add3A_394, %dma_start3A_405] : memref<425984x64xf32, #tpu.memory_space<hbm>> -> memref<128x64xf32, #tpu.memory_space<hbm>>
      %dma_start3A_407 = arith.constant 0 : i32
      %dma_start3A_408 = arith.constant 0 : i32
      %dma_start3A_409 = tpu.memref_slice %arg12[%dma_start3A_395, %dma_start3A_407, %dma_start3A_408] : memref<4x128x64xf32, #tpu.memory_space<vmem>> -> memref<1x128x64xf32, #tpu.memory_space<vmem>>
      %dma_start3A_410 = tpu.memref_squeeze %dma_start3A_409 : memref<1x128x64xf32, #tpu.memory_space<vmem>> -> memref<128x64xf32, #tpu.memory_space<vmem>>
      tpu.enqueue_dma source(%dma_start3A_410 : memref<128x64xf32, #tpu.memory_space<vmem>>) target(%dma_start3A_406 : memref<128x64xf32, #tpu.memory_space<hbm>>) target_semaphore(%dma_start3A_404 : memref<!tpu.dma_semaphore, #tpu.memory_space<semaphore_mem>>)
      %lt3A_411 = arith.constant 25 : i32
      %lt3A_412 = arith.cmpi slt, %add3A_257, %lt3A_411 : i32
      %convert_element_type3A_413 = arith.extui %lt3A_412 : i1 to i32
      %cond3A_414 = arith.constant 0 : i32
      %cond3A_415 = arith.cmpi ne, %convert_element_type3A_413, %cond3A_414 : i32
      scf.if %cond3A_415 {
        %add3A_470 = arith.constant 4 : i32
        %add3A_471 = arith.addi %add3A_365, %add3A_470 : i32
        %dma_start3A_472 = arith.constant 2 : i32
        %dma_start3A_473 = arith.constant 2 : i32
        %dma_start3A_474 = arith.constant 0 : i32
        %dma_start3A_475 = arith.constant 0 : i32
        %dma_start3A_476 = tpu.memref_slice %arg11[%dma_start3A_472, %dma_start3A_474, %dma_start3A_475] : memref<4x128x64xf32, #tpu.memory_space<vmem>> -> memref<1x128x64xf32, #tpu.memory_space<vmem>>
        %dma_start3A_477 = tpu.memref_squeeze %dma_start3A_476 : memref<1x128x64xf32, #tpu.memory_space<vmem>> -> memref<128x64xf32, #tpu.memory_space<vmem>>
        %dma_start3A_478 = arith.constant 0 : i32
        %dma_start3A_479 = tpu.memref_slice %arg9[%add3A_471, %dma_start3A_478] : memref<104x128xi32, #tpu.memory_space<vmem>> -> memref<1x128xi32, #tpu.memory_space<vmem>>
        %dma_start3A_480 = tpu.memref_squeeze %dma_start3A_479 : memref<1x128xi32, #tpu.memory_space<vmem>> -> memref<128xi32, #tpu.memory_space<vmem>>
        %dma_start3A_481 = arith.constant 0 : i32
        %dma_start3A_482 = arith.constant 0 : i32
        %dma_start3A_483 = tpu.memref_slice %arg4[%dma_start3A_481, %dma_start3A_482] : memref<1000001x64xf32, #tpu.memory_space<hbm>> -> memref<1000001x64xf32, #tpu.memory_space<hbm>>
        %dma_start3A_484 = tpu.memref_slice %arg15[%dma_start3A_473] : memref<4x!tpu.dma_semaphore, #tpu.memory_space<semaphore_mem>> -> memref<1x!tpu.dma_semaphore, #tpu.memory_space<semaphore_mem>>
        %dma_start3A_485 = tpu.memref_squeeze %dma_start3A_484 : memref<1x!tpu.dma_semaphore, #tpu.memory_space<semaphore_mem>> -> memref<!tpu.dma_semaphore, #tpu.memory_space<semaphore_mem>>
        tpu.enqueue_indirect_dma source(%dma_start3A_483 : memref<1000001x64xf32, #tpu.memory_space<hbm>>) target(%dma_start3A_477 : memref<128x64xf32, #tpu.memory_space<vmem>>) offsets(%dma_start3A_480 : memref<128xi32, #tpu.memory_space<vmem>>) semaphore(%dma_start3A_485 : memref<!tpu.dma_semaphore, #tpu.memory_space<semaphore_mem>>)
      } else {
      }
      %mul3A_416 = arith.constant 4 : i32
      %mul3A_417 = arith.muli %add3A_257, %mul3A_416 : i32
      %add3A_418 = arith.constant 3 : i32
      %add3A_419 = arith.addi %mul3A_417, %add3A_418 : i32
      %dma_wait3A_420 = arith.constant 3 : i32
      %dma_wait3A_421 = arith.constant 3 : i32
      %dma_wait3A_422 = arith.constant 0 : i32
      %dma_wait3A_423 = arith.constant 0 : i32
      %dma_wait3A_424 = tpu.memref_slice %arg11[%dma_wait3A_420, %dma_wait3A_422, %dma_wait3A_423] : memref<4x128x64xf32, #tpu.memory_space<vmem>> -> memref<1x128x64xf32, #tpu.memory_space<vmem>>
      %dma_wait3A_425 = tpu.memref_squeeze %dma_wait3A_424 : memref<1x128x64xf32, #tpu.memory_space<vmem>> -> memref<128x64xf32, #tpu.memory_space<vmem>>
      %dma_wait3A_426 = arith.constant 0 : i32
      %dma_wait3A_427 = tpu.memref_slice %arg9[%add3A_419, %dma_wait3A_426] : memref<104x128xi32, #tpu.memory_space<vmem>> -> memref<1x128xi32, #tpu.memory_space<vmem>>
      %dma_wait3A_428 = tpu.memref_squeeze %dma_wait3A_427 : memref<1x128xi32, #tpu.memory_space<vmem>> -> memref<128xi32, #tpu.memory_space<vmem>>
      %dma_wait3A_429 = arith.constant 0 : i32
      %dma_wait3A_430 = arith.constant 0 : i32
      %dma_wait3A_431 = tpu.memref_slice %arg4[%dma_wait3A_429, %dma_wait3A_430] : memref<1000001x64xf32, #tpu.memory_space<hbm>> -> memref<1000001x64xf32, #tpu.memory_space<hbm>>
      %dma_wait3A_432 = tpu.memref_slice %arg15[%dma_wait3A_421] : memref<4x!tpu.dma_semaphore, #tpu.memory_space<semaphore_mem>> -> memref<1x!tpu.dma_semaphore, #tpu.memory_space<semaphore_mem>>
      %dma_wait3A_433 = tpu.memref_squeeze %dma_wait3A_432 : memref<1x!tpu.dma_semaphore, #tpu.memory_space<semaphore_mem>> -> memref<!tpu.dma_semaphore, #tpu.memory_space<semaphore_mem>>
      tpu.wait_indirect_dma semaphore(%dma_wait3A_433 : memref<!tpu.dma_semaphore, #tpu.memory_space<semaphore_mem>>) src(%dma_wait3A_431 : memref<1000001x64xf32, #tpu.memory_space<hbm>>) dst(%dma_wait3A_425 : memref<128x64xf32, #tpu.memory_space<vmem>>)
      %gt3A_434 = arith.constant 0 : i32
      %gt3A_435 = arith.cmpi sgt, %add3A_257, %gt3A_434 : i32
      %convert_element_type3A_436 = arith.extui %gt3A_435 : i1 to i32
      %cond3A_437 = arith.constant 0 : i32
      %cond3A_438 = arith.cmpi ne, %convert_element_type3A_436, %cond3A_437 : i32
      scf.if %cond3A_438 {
        %sub3A_470 = arith.constant 4 : i32
        %sub3A_471 = arith.subi %add3A_419, %sub3A_470 : i32
        %mul3A_472 = arith.constant 128 : i32
        %mul3A_473 = arith.muli %sub3A_471, %mul3A_472 : i32
        %add3A_474 = arith.addi %mul3A_4, %mul3A_473 : i32
        %dma_wait3A_475 = arith.constant 3 : i32
        %dma_wait3A_476 = arith.constant 3 : i32
        %dma_wait3A_477 = arith.constant 0 : i32
        %dma_wait3A_478 = arith.constant 0 : i32
        %dma_wait3A_479 = tpu.memref_slice %arg12[%dma_wait3A_475, %dma_wait3A_477, %dma_wait3A_478] : memref<4x128x64xf32, #tpu.memory_space<vmem>> -> memref<1x128x64xf32, #tpu.memory_space<vmem>>
        %dma_wait3A_480 = tpu.memref_squeeze %dma_wait3A_479 : memref<1x128x64xf32, #tpu.memory_space<vmem>> -> memref<128x64xf32, #tpu.memory_space<vmem>>
        %dma_wait3A_481 = arith.constant 0 : i32
        %dma_wait3A_482 = tpu.memref_slice %arg6[%add3A_474, %dma_wait3A_481] : memref<425984x64xf32, #tpu.memory_space<hbm>> -> memref<128x64xf32, #tpu.memory_space<hbm>>
        %dma_wait3A_483 = tpu.memref_slice %arg16[%dma_wait3A_476] : memref<4x!tpu.dma_semaphore, #tpu.memory_space<semaphore_mem>> -> memref<1x!tpu.dma_semaphore, #tpu.memory_space<semaphore_mem>>
        %dma_wait3A_484 = tpu.memref_squeeze %dma_wait3A_483 : memref<1x!tpu.dma_semaphore, #tpu.memory_space<semaphore_mem>> -> memref<!tpu.dma_semaphore, #tpu.memory_space<semaphore_mem>>
        %dma_wait3A_485 = arith.constant 0 : i32
        %dma_wait3A_486 = tpu.memref_slice %arg6[%add3A_474, %dma_wait3A_485] : memref<425984x64xf32, #tpu.memory_space<hbm>> -> memref<128x64xf32, #tpu.memory_space<hbm>>
        %dma_wait3A_487 = arith.constant 0 : i32
        %dma_wait3A_488 = arith.constant 0 : i32
        %dma_wait3A_489 = tpu.memref_slice %arg12[%dma_wait3A_475, %dma_wait3A_487, %dma_wait3A_488] : memref<4x128x64xf32, #tpu.memory_space<vmem>> -> memref<1x128x64xf32, #tpu.memory_space<vmem>>
        %dma_wait3A_490 = tpu.memref_squeeze %dma_wait3A_489 : memref<1x128x64xf32, #tpu.memory_space<vmem>> -> memref<128x64xf32, #tpu.memory_space<vmem>>
        tpu.wait_dma2 semaphore(%dma_wait3A_484 : memref<!tpu.dma_semaphore, #tpu.memory_space<semaphore_mem>>) src(%dma_wait3A_490 : memref<128x64xf32, #tpu.memory_space<vmem>>) dst(%dma_wait3A_486 : memref<128x64xf32, #tpu.memory_space<hbm>>)
      } else {
      }
      %scan3A_439 = arith.constant 3 : i32
      %scan3A_440 = arith.constant 3 : i32
      %scan3A_441 = arith.constant 0 : i32
      %scan3A_442 = arith.constant 32 : i32
      %scan3A_443 = arith.addi %scan3A_441, %scan3A_442 : i32
      %scan3A_444 = arith.constant 1 : i32
      scf.for %scan3A_470 = %scan3A_441 to %scan3A_443 step %scan3A_444  : i32 {
        %mul3A_471 = arith.constant 4 : i32
        %mul3A_472 = arith.muli %scan3A_470, %mul3A_471 : i32
        %add3A_473 = arith.constant 0 : i32
        %add3A_474 = arith.addi %add3A_473, %mul3A_472 : i32
        %add3A_475 = arith.constant 0 : i32
        %add3A_476 = arith.addi %add3A_474, %add3A_475 : i32
        %get3A_477 = arith.constant 0 : i32
        %get3A_478 = arith.constant 0 : i32
        %get3A_479 = tpu.memref_slice %arg11[%scan3A_439, %get3A_477, %get3A_478] : memref<4x128x64xf32, #tpu.memory_space<vmem>> -> memref<1x128x64xf32, #tpu.memory_space<vmem>>
        %get3A_480 = tpu.memref_squeeze %get3A_479 : memref<1x128x64xf32, #tpu.memory_space<vmem>> -> memref<128x64xf32, #tpu.memory_space<vmem>>
        %get3A_481 = arith.index_cast %add3A_476 : i32 to index
        %get3A_482 = arith.constant 0 : index
        %get3A_483 = tpu.vector_load %get3A_480[%get3A_481, %get3A_482] {strides = array<i32>} : memref<128x64xf32, #tpu.memory_space<vmem>>, vector<16xf32>,
        %get3A_484 = arith.constant 0 : i32
        %get3A_485 = arith.constant 0 : i32
        %get3A_486 = tpu.memref_slice %arg11[%scan3A_439, %get3A_484, %get3A_485] : memref<4x128x64xf32, #tpu.memory_space<vmem>> -> memref<1x128x64xf32, #tpu.memory_space<vmem>>
        %get3A_487 = tpu.memref_squeeze %get3A_486 : memref<1x128x64xf32, #tpu.memory_space<vmem>> -> memref<128x64xf32, #tpu.memory_space<vmem>>
        %get3A_488 = arith.index_cast %add3A_476 : i32 to index
        %get3A_489 = arith.constant 16 : index
        %get3A_490 = tpu.vector_load %get3A_487[%get3A_488, %get3A_489] {strides = array<i32>} : memref<128x64xf32, #tpu.memory_space<vmem>>, vector<16xf32>,
        %get3A_491 = arith.constant 0 : i32
        %get3A_492 = arith.constant 0 : i32
        %get3A_493 = tpu.memref_slice %arg11[%scan3A_439, %get3A_491, %get3A_492] : memref<4x128x64xf32, #tpu.memory_space<vmem>> -> memref<1x128x64xf32, #tpu.memory_space<vmem>>
        %get3A_494 = tpu.memref_squeeze %get3A_493 : memref<1x128x64xf32, #tpu.memory_space<vmem>> -> memref<128x64xf32, #tpu.memory_space<vmem>>
        %get3A_495 = arith.index_cast %add3A_476 : i32 to index
        %get3A_496 = arith.constant 32 : index
        %get3A_497 = tpu.vector_load %get3A_494[%get3A_495, %get3A_496] {strides = array<i32>} : memref<128x64xf32, #tpu.memory_space<vmem>>, vector<16xf32>,
        %get3A_498 = arith.constant 0 : i32
        %get3A_499 = arith.constant 0 : i32
        %get3A_500 = tpu.memref_slice %arg11[%scan3A_439, %get3A_498, %get3A_499] : memref<4x128x64xf32, #tpu.memory_space<vmem>> -> memref<1x128x64xf32, #tpu.memory_space<vmem>>
        %get3A_501 = tpu.memref_squeeze %get3A_500 : memref<1x128x64xf32, #tpu.memory_space<vmem>> -> memref<128x64xf32, #tpu.memory_space<vmem>>
        %get3A_502 = arith.index_cast %add3A_476 : i32 to index
        %get3A_503 = arith.constant 48 : index
        %get3A_504 = tpu.vector_load %get3A_501[%get3A_502, %get3A_503] {strides = array<i32>} : memref<128x64xf32, #tpu.memory_space<vmem>>, vector<16xf32>,
        %add3A_505 = arith.addf %get3A_483, %get3A_490 : vector<16xf32>
        %add3A_506 = arith.addf %get3A_497, %get3A_504 : vector<16xf32>
        %add3A_507 = arith.addf %add3A_505, %add3A_506 : vector<16xf32>
        %mul3A_508 = arith.mulf %get3A_483, %get3A_483 : vector<16xf32>
        %mul3A_509 = arith.mulf %get3A_490, %get3A_490 : vector<16xf32>
        %add3A_510 = arith.addf %mul3A_508, %mul3A_509 : vector<16xf32>
        %mul3A_511 = arith.mulf %get3A_497, %get3A_497 : vector<16xf32>
        %mul3A_512 = arith.mulf %get3A_504, %get3A_504 : vector<16xf32>
        %add3A_513 = arith.addf %mul3A_511, %mul3A_512 : vector<16xf32>
        %add3A_514 = arith.addf %add3A_510, %add3A_513 : vector<16xf32>
        %reduce_sum3A_515 = arith.constant true
        %reduce_sum3A_516 = vector.broadcast %reduce_sum3A_515 : i1 to vector<16xi1>
        %reduce_sum3A_517 = tpu.scan <sum>, %add3A_507 masked %reduce_sum3A_516 : vector<16xf32>, vector<16xi1> -> vector<16xf32>
        %reduce_sum3A_518 = vector.extract %reduce_sum3A_517[15] : f32 from vector<16xf32>
        %mul3A_519 = arith.constant 1.562500e-02 : f32
        %mul3A_520 = arith.mulf %reduce_sum3A_518, %mul3A_519 : f32
        %reduce_sum3A_521 = arith.constant true
        %reduce_sum3A_522 = vector.broadcast %reduce_sum3A_521 : i1 to vector<16xi1>
        %reduce_sum3A_523 = tpu.scan <sum>, %add3A_514 masked %reduce_sum3A_522 : vector<16xf32>, vector<16xi1> -> vector<16xf32>
        %reduce_sum3A_524 = vector.extract %reduce_sum3A_523[15] : f32 from vector<16xf32>
        %mul3A_525 = arith.constant 1.562500e-02 : f32
        %mul3A_526 = arith.mulf %reduce_sum3A_524, %mul3A_525 : f32
        %mul3A_527 = arith.mulf %mul3A_520, %mul3A_520 : f32
        %sub3A_528 = arith.subf %mul3A_526, %mul3A_527 : f32
        %add3A_529 = arith.constant 9.99999974E-6 : f32
        %add3A_530 = arith.addf %sub3A_528, %add3A_529 : f32
        %broadcast_in_dim3A_531 = vector.broadcast %add3A_530 : f32 to vector<16xf32>
        %bitcast_convert_type3A_532 = tpu.bitcast %broadcast_in_dim3A_531 : vector<16xf32> -> vector<16xi32>
        %shift_right_arithmetic3A_533 = arith.constant 1 : i32
        %shift_right_arithmetic3A_534 = vector.broadcast %shift_right_arithmetic3A_533 : i32 to vector<16xi32>
        %shift_right_arithmetic3A_535 = arith.shrsi %bitcast_convert_type3A_532, %shift_right_arithmetic3A_534 : vector<16xi32>
        %sub3A_536 = arith.constant 1597463007 : i32
        %sub3A_537 = vector.broadcast %sub3A_536 : i32 to vector<16xi32>
        %sub3A_538 = arith.subi %sub3A_537, %shift_right_arithmetic3A_535 : vector<16xi32>
        %bitcast_convert_type3A_539 = tpu.bitcast %sub3A_538 : vector<16xi32> -> vector<16xf32>
        %mul3A_540 = arith.constant 5.000000e-01 : f32
        %mul3A_541 = vector.broadcast %mul3A_540 : f32 to vector<16xf32>
        %mul3A_542 = arith.mulf %broadcast_in_dim3A_531, %mul3A_541 : vector<16xf32>
        %mul3A_543 = arith.mulf %mul3A_542, %bitcast_convert_type3A_539 : vector<16xf32>
        %mul3A_544 = arith.mulf %mul3A_543, %bitcast_convert_type3A_539 : vector<16xf32>
        %sub3A_545 = arith.constant 1.500000e+00 : f32
        %sub3A_546 = vector.broadcast %sub3A_545 : f32 to vector<16xf32>
        %sub3A_547 = arith.subf %sub3A_546, %mul3A_544 : vector<16xf32>
        %mul3A_548 = arith.mulf %bitcast_convert_type3A_539, %sub3A_547 : vector<16xf32>
        %mul3A_549 = arith.mulf %mul3A_542, %mul3A_548 : vector<16xf32>
        %mul3A_550 = arith.mulf %mul3A_549, %mul3A_548 : vector<16xf32>
        %sub3A_551 = arith.constant 1.500000e+00 : f32
        %sub3A_552 = vector.broadcast %sub3A_551 : f32 to vector<16xf32>
        %sub3A_553 = arith.subf %sub3A_552, %mul3A_550 : vector<16xf32>
        %mul3A_554 = arith.mulf %mul3A_548, %sub3A_553 : vector<16xf32>
        %broadcast_in_dim3A_555 = vector.broadcast %mul3A_520 : f32 to vector<16xf32>
        %mul3A_556 = arith.constant 128 : i32
        %mul3A_557 = arith.muli %add3A_419, %mul3A_556 : i32
        %add3A_558 = arith.addi %mul3A_557, %add3A_476 : i32
        %broadcast_in_dim3A_559 = vector.broadcast %add3A_558 : i32 to vector<16xi32>
        %gather3A = tpu.vector_load_idx %arg10[%broadcast_in_dim3A_559] : memref<13312xi32, #tpu.memory_space<vmem>>[vector<16xi32>], vector<16xi32>,
        %eq3A = arith.constant 0 : i32
        %eq3A_560 = vector.broadcast %eq3A : i32 to vector<16xi32>
        %eq3A_561 = arith.cmpi eq, %gather3A, %eq3A_560 : vector<16xi32>
        %jit3A = arith.constant 0.000000e+00 : f32
        %broadcast_in_dim3A_562 = vector.broadcast %jit3A : f32 to vector<16xf32>
        %select_n3A = arith.select %eq3A_561, %mul3A_554, %broadcast_in_dim3A_562 : vector<16xi1>, vector<16xf32>
        %select_n3A_563 = arith.select %eq3A_561, %get3A_23, %add3A_101 : vector<16xi1>, vector<16xf32>
        %sub3A_564 = arith.subf %get3A_483, %broadcast_in_dim3A_555 : vector<16xf32>
        %mul3A_565 = arith.mulf %select_n3A, %get3A_7 : vector<16xf32>
        %mul3A_566 = arith.mulf %sub3A_564, %mul3A_565 : vector<16xf32>
        %add3A_567 = arith.addf %mul3A_566, %select_n3A_563 : vector<16xf32>
        %swap3A = arith.constant 0 : i32
        %swap3A_568 = arith.constant 0 : i32
        %swap3A_569 = tpu.memref_slice %arg12[%scan3A_440, %swap3A, %swap3A_568] : memref<4x128x64xf32, #tpu.memory_space<vmem>> -> memref<1x128x64xf32, #tpu.memory_space<vmem>>
        %swap3A_570 = tpu.memref_squeeze %swap3A_569 : memref<1x128x64xf32, #tpu.memory_space<vmem>> -> memref<128x64xf32, #tpu.memory_space<vmem>>
        %swap3A_571 = arith.index_cast %add3A_476 : i32 to index
        %swap3A_572 = arith.constant 0 : index
        %swap3A_573 = tpu.vector_load %swap3A_570[%swap3A_571, %swap3A_572] {strides = array<i32>} : memref<128x64xf32, #tpu.memory_space<vmem>>, vector<16xf32>,
        tpu.vector_store %swap3A_570[%swap3A_571, %swap3A_572], %add3A_567 {strides = array<i32>} : memref<128x64xf32, #tpu.memory_space<vmem>>, vector<16xf32>,
        %select_n3A_574 = arith.select %eq3A_561, %get3A_27, %add3A_105 : vector<16xi1>, vector<16xf32>
        %sub3A_575 = arith.subf %get3A_490, %broadcast_in_dim3A_555 : vector<16xf32>
        %mul3A_576 = arith.mulf %select_n3A, %get3A_11 : vector<16xf32>
        %mul3A_577 = arith.mulf %sub3A_575, %mul3A_576 : vector<16xf32>
        %add3A_578 = arith.addf %mul3A_577, %select_n3A_574 : vector<16xf32>
        %swap3A_579 = arith.constant 0 : i32
        %swap3A_580 = arith.constant 0 : i32
        %swap3A_581 = tpu.memref_slice %arg12[%scan3A_440, %swap3A_579, %swap3A_580] : memref<4x128x64xf32, #tpu.memory_space<vmem>> -> memref<1x128x64xf32, #tpu.memory_space<vmem>>
        %swap3A_582 = tpu.memref_squeeze %swap3A_581 : memref<1x128x64xf32, #tpu.memory_space<vmem>> -> memref<128x64xf32, #tpu.memory_space<vmem>>
        %swap3A_583 = arith.index_cast %add3A_476 : i32 to index
        %swap3A_584 = arith.constant 16 : index
        %swap3A_585 = tpu.vector_load %swap3A_582[%swap3A_583, %swap3A_584] {strides = array<i32>} : memref<128x64xf32, #tpu.memory_space<vmem>>, vector<16xf32>,
        tpu.vector_store %swap3A_582[%swap3A_583, %swap3A_584], %add3A_578 {strides = array<i32>} : memref<128x64xf32, #tpu.memory_space<vmem>>, vector<16xf32>,
        %select_n3A_586 = arith.select %eq3A_561, %get3A_31, %add3A_109 : vector<16xi1>, vector<16xf32>
        %sub3A_587 = arith.subf %get3A_497, %broadcast_in_dim3A_555 : vector<16xf32>
        %mul3A_588 = arith.mulf %select_n3A, %get3A_15 : vector<16xf32>
        %mul3A_589 = arith.mulf %sub3A_587, %mul3A_588 : vector<16xf32>
        %add3A_590 = arith.addf %mul3A_589, %select_n3A_586 : vector<16xf32>
        %swap3A_591 = arith.constant 0 : i32
        %swap3A_592 = arith.constant 0 : i32
        %swap3A_593 = tpu.memref_slice %arg12[%scan3A_440, %swap3A_591, %swap3A_592] : memref<4x128x64xf32, #tpu.memory_space<vmem>> -> memref<1x128x64xf32, #tpu.memory_space<vmem>>
        %swap3A_594 = tpu.memref_squeeze %swap3A_593 : memref<1x128x64xf32, #tpu.memory_space<vmem>> -> memref<128x64xf32, #tpu.memory_space<vmem>>
        %swap3A_595 = arith.index_cast %add3A_476 : i32 to index
        %swap3A_596 = arith.constant 32 : index
        %swap3A_597 = tpu.vector_load %swap3A_594[%swap3A_595, %swap3A_596] {strides = array<i32>} : memref<128x64xf32, #tpu.memory_space<vmem>>, vector<16xf32>,
        tpu.vector_store %swap3A_594[%swap3A_595, %swap3A_596], %add3A_590 {strides = array<i32>} : memref<128x64xf32, #tpu.memory_space<vmem>>, vector<16xf32>,
        %select_n3A_598 = arith.select %eq3A_561, %get3A_35, %add3A_113 : vector<16xi1>, vector<16xf32>
        %sub3A_599 = arith.subf %get3A_504, %broadcast_in_dim3A_555 : vector<16xf32>
        %mul3A_600 = arith.mulf %select_n3A, %get3A_19 : vector<16xf32>
        %mul3A_601 = arith.mulf %sub3A_599, %mul3A_600 : vector<16xf32>
        %add3A_602 = arith.addf %mul3A_601, %select_n3A_598 : vector<16xf32>
        %swap3A_603 = arith.constant 0 : i32
        %swap3A_604 = arith.constant 0 : i32
        %swap3A_605 = tpu.memref_slice %arg12[%scan3A_440, %swap3A_603, %swap3A_604] : memref<4x128x64xf32, #tpu.memory_space<vmem>> -> memref<1x128x64xf32, #tpu.memory_space<vmem>>
        %swap3A_606 = tpu.memref_squeeze %swap3A_605 : memref<1x128x64xf32, #tpu.memory_space<vmem>> -> memref<128x64xf32, #tpu.memory_space<vmem>>
        %swap3A_607 = arith.index_cast %add3A_476 : i32 to index
        %swap3A_608 = arith.constant 48 : index
        %swap3A_609 = tpu.vector_load %swap3A_606[%swap3A_607, %swap3A_608] {strides = array<i32>} : memref<128x64xf32, #tpu.memory_space<vmem>>, vector<16xf32>,
        tpu.vector_store %swap3A_606[%swap3A_607, %swap3A_608], %add3A_602 {strides = array<i32>} : memref<128x64xf32, #tpu.memory_space<vmem>>, vector<16xf32>,
        %add3A_610 = arith.constant 1 : i32
        %add3A_611 = arith.addi %add3A_474, %add3A_610 : i32
        %get3A_612 = arith.constant 0 : i32
        %get3A_613 = arith.constant 0 : i32
        %get3A_614 = tpu.memref_slice %arg11[%scan3A_439, %get3A_612, %get3A_613] : memref<4x128x64xf32, #tpu.memory_space<vmem>> -> memref<1x128x64xf32, #tpu.memory_space<vmem>>
        %get3A_615 = tpu.memref_squeeze %get3A_614 : memref<1x128x64xf32, #tpu.memory_space<vmem>> -> memref<128x64xf32, #tpu.memory_space<vmem>>
        %get3A_616 = arith.index_cast %add3A_611 : i32 to index
        %get3A_617 = arith.constant 0 : index
        %get3A_618 = tpu.vector_load %get3A_615[%get3A_616, %get3A_617] {strides = array<i32>} : memref<128x64xf32, #tpu.memory_space<vmem>>, vector<16xf32>,
        %get3A_619 = arith.constant 0 : i32
        %get3A_620 = arith.constant 0 : i32
        %get3A_621 = tpu.memref_slice %arg11[%scan3A_439, %get3A_619, %get3A_620] : memref<4x128x64xf32, #tpu.memory_space<vmem>> -> memref<1x128x64xf32, #tpu.memory_space<vmem>>
        %get3A_622 = tpu.memref_squeeze %get3A_621 : memref<1x128x64xf32, #tpu.memory_space<vmem>> -> memref<128x64xf32, #tpu.memory_space<vmem>>
        %get3A_623 = arith.index_cast %add3A_611 : i32 to index
        %get3A_624 = arith.constant 16 : index
        %get3A_625 = tpu.vector_load %get3A_622[%get3A_623, %get3A_624] {strides = array<i32>} : memref<128x64xf32, #tpu.memory_space<vmem>>, vector<16xf32>,
        %get3A_626 = arith.constant 0 : i32
        %get3A_627 = arith.constant 0 : i32
        %get3A_628 = tpu.memref_slice %arg11[%scan3A_439, %get3A_626, %get3A_627] : memref<4x128x64xf32, #tpu.memory_space<vmem>> -> memref<1x128x64xf32, #tpu.memory_space<vmem>>
        %get3A_629 = tpu.memref_squeeze %get3A_628 : memref<1x128x64xf32, #tpu.memory_space<vmem>> -> memref<128x64xf32, #tpu.memory_space<vmem>>
        %get3A_630 = arith.index_cast %add3A_611 : i32 to index
        %get3A_631 = arith.constant 32 : index
        %get3A_632 = tpu.vector_load %get3A_629[%get3A_630, %get3A_631] {strides = array<i32>} : memref<128x64xf32, #tpu.memory_space<vmem>>, vector<16xf32>,
        %get3A_633 = arith.constant 0 : i32
        %get3A_634 = arith.constant 0 : i32
        %get3A_635 = tpu.memref_slice %arg11[%scan3A_439, %get3A_633, %get3A_634] : memref<4x128x64xf32, #tpu.memory_space<vmem>> -> memref<1x128x64xf32, #tpu.memory_space<vmem>>
        %get3A_636 = tpu.memref_squeeze %get3A_635 : memref<1x128x64xf32, #tpu.memory_space<vmem>> -> memref<128x64xf32, #tpu.memory_space<vmem>>
        %get3A_637 = arith.index_cast %add3A_611 : i32 to index
        %get3A_638 = arith.constant 48 : index
        %get3A_639 = tpu.vector_load %get3A_636[%get3A_637, %get3A_638] {strides = array<i32>} : memref<128x64xf32, #tpu.memory_space<vmem>>, vector<16xf32>,
        %add3A_640 = arith.addf %get3A_618, %get3A_625 : vector<16xf32>
        %add3A_641 = arith.addf %get3A_632, %get3A_639 : vector<16xf32>
        %add3A_642 = arith.addf %add3A_640, %add3A_641 : vector<16xf32>
        %mul3A_643 = arith.mulf %get3A_618, %get3A_618 : vector<16xf32>
        %mul3A_644 = arith.mulf %get3A_625, %get3A_625 : vector<16xf32>
        %add3A_645 = arith.addf %mul3A_643, %mul3A_644 : vector<16xf32>
        %mul3A_646 = arith.mulf %get3A_632, %get3A_632 : vector<16xf32>
        %mul3A_647 = arith.mulf %get3A_639, %get3A_639 : vector<16xf32>
        %add3A_648 = arith.addf %mul3A_646, %mul3A_647 : vector<16xf32>
        %add3A_649 = arith.addf %add3A_645, %add3A_648 : vector<16xf32>
        %reduce_sum3A_650 = arith.constant true
        %reduce_sum3A_651 = vector.broadcast %reduce_sum3A_650 : i1 to vector<16xi1>
        %reduce_sum3A_652 = tpu.scan <sum>, %add3A_642 masked %reduce_sum3A_651 : vector<16xf32>, vector<16xi1> -> vector<16xf32>
        %reduce_sum3A_653 = vector.extract %reduce_sum3A_652[15] : f32 from vector<16xf32>
        %mul3A_654 = arith.constant 1.562500e-02 : f32
        %mul3A_655 = arith.mulf %reduce_sum3A_653, %mul3A_654 : f32
        %reduce_sum3A_656 = arith.constant true
        %reduce_sum3A_657 = vector.broadcast %reduce_sum3A_656 : i1 to vector<16xi1>
        %reduce_sum3A_658 = tpu.scan <sum>, %add3A_649 masked %reduce_sum3A_657 : vector<16xf32>, vector<16xi1> -> vector<16xf32>
        %reduce_sum3A_659 = vector.extract %reduce_sum3A_658[15] : f32 from vector<16xf32>
        %mul3A_660 = arith.constant 1.562500e-02 : f32
        %mul3A_661 = arith.mulf %reduce_sum3A_659, %mul3A_660 : f32
        %mul3A_662 = arith.mulf %mul3A_655, %mul3A_655 : f32
        %sub3A_663 = arith.subf %mul3A_661, %mul3A_662 : f32
        %add3A_664 = arith.constant 9.99999974E-6 : f32
        %add3A_665 = arith.addf %sub3A_663, %add3A_664 : f32
        %broadcast_in_dim3A_666 = vector.broadcast %add3A_665 : f32 to vector<16xf32>
        %bitcast_convert_type3A_667 = tpu.bitcast %broadcast_in_dim3A_666 : vector<16xf32> -> vector<16xi32>
        %shift_right_arithmetic3A_668 = arith.constant 1 : i32
        %shift_right_arithmetic3A_669 = vector.broadcast %shift_right_arithmetic3A_668 : i32 to vector<16xi32>
        %shift_right_arithmetic3A_670 = arith.shrsi %bitcast_convert_type3A_667, %shift_right_arithmetic3A_669 : vector<16xi32>
        %sub3A_671 = arith.constant 1597463007 : i32
        %sub3A_672 = vector.broadcast %sub3A_671 : i32 to vector<16xi32>
        %sub3A_673 = arith.subi %sub3A_672, %shift_right_arithmetic3A_670 : vector<16xi32>
        %bitcast_convert_type3A_674 = tpu.bitcast %sub3A_673 : vector<16xi32> -> vector<16xf32>
        %mul3A_675 = arith.constant 5.000000e-01 : f32
        %mul3A_676 = vector.broadcast %mul3A_675 : f32 to vector<16xf32>
        %mul3A_677 = arith.mulf %broadcast_in_dim3A_666, %mul3A_676 : vector<16xf32>
        %mul3A_678 = arith.mulf %mul3A_677, %bitcast_convert_type3A_674 : vector<16xf32>
        %mul3A_679 = arith.mulf %mul3A_678, %bitcast_convert_type3A_674 : vector<16xf32>
        %sub3A_680 = arith.constant 1.500000e+00 : f32
        %sub3A_681 = vector.broadcast %sub3A_680 : f32 to vector<16xf32>
        %sub3A_682 = arith.subf %sub3A_681, %mul3A_679 : vector<16xf32>
        %mul3A_683 = arith.mulf %bitcast_convert_type3A_674, %sub3A_682 : vector<16xf32>
        %mul3A_684 = arith.mulf %mul3A_677, %mul3A_683 : vector<16xf32>
        %mul3A_685 = arith.mulf %mul3A_684, %mul3A_683 : vector<16xf32>
        %sub3A_686 = arith.constant 1.500000e+00 : f32
        %sub3A_687 = vector.broadcast %sub3A_686 : f32 to vector<16xf32>
        %sub3A_688 = arith.subf %sub3A_687, %mul3A_685 : vector<16xf32>
        %mul3A_689 = arith.mulf %mul3A_683, %sub3A_688 : vector<16xf32>
        %broadcast_in_dim3A_690 = vector.broadcast %mul3A_655 : f32 to vector<16xf32>
        %mul3A_691 = arith.constant 128 : i32
        %mul3A_692 = arith.muli %add3A_419, %mul3A_691 : i32
        %add3A_693 = arith.addi %mul3A_692, %add3A_611 : i32
        %broadcast_in_dim3A_694 = vector.broadcast %add3A_693 : i32 to vector<16xi32>
        %gather3A_695 = tpu.vector_load_idx %arg10[%broadcast_in_dim3A_694] : memref<13312xi32, #tpu.memory_space<vmem>>[vector<16xi32>], vector<16xi32>,
        %eq3A_696 = arith.constant 0 : i32
        %eq3A_697 = vector.broadcast %eq3A_696 : i32 to vector<16xi32>
        %eq3A_698 = arith.cmpi eq, %gather3A_695, %eq3A_697 : vector<16xi32>
        %jit3A_699 = arith.constant 0.000000e+00 : f32
        %broadcast_in_dim3A_700 = vector.broadcast %jit3A_699 : f32 to vector<16xf32>
        %select_n3A_701 = arith.select %eq3A_698, %mul3A_689, %broadcast_in_dim3A_700 : vector<16xi1>, vector<16xf32>
        %select_n3A_702 = arith.select %eq3A_698, %get3A_23, %add3A_101 : vector<16xi1>, vector<16xf32>
        %sub3A_703 = arith.subf %get3A_618, %broadcast_in_dim3A_690 : vector<16xf32>
        %mul3A_704 = arith.mulf %select_n3A_701, %get3A_7 : vector<16xf32>
        %mul3A_705 = arith.mulf %sub3A_703, %mul3A_704 : vector<16xf32>
        %add3A_706 = arith.addf %mul3A_705, %select_n3A_702 : vector<16xf32>
        %swap3A_707 = arith.constant 0 : i32
        %swap3A_708 = arith.constant 0 : i32
        %swap3A_709 = tpu.memref_slice %arg12[%scan3A_440, %swap3A_707, %swap3A_708] : memref<4x128x64xf32, #tpu.memory_space<vmem>> -> memref<1x128x64xf32, #tpu.memory_space<vmem>>
        %swap3A_710 = tpu.memref_squeeze %swap3A_709 : memref<1x128x64xf32, #tpu.memory_space<vmem>> -> memref<128x64xf32, #tpu.memory_space<vmem>>
        %swap3A_711 = arith.index_cast %add3A_611 : i32 to index
        %swap3A_712 = arith.constant 0 : index
        %swap3A_713 = tpu.vector_load %swap3A_710[%swap3A_711, %swap3A_712] {strides = array<i32>} : memref<128x64xf32, #tpu.memory_space<vmem>>, vector<16xf32>,
        tpu.vector_store %swap3A_710[%swap3A_711, %swap3A_712], %add3A_706 {strides = array<i32>} : memref<128x64xf32, #tpu.memory_space<vmem>>, vector<16xf32>,
        %select_n3A_714 = arith.select %eq3A_698, %get3A_27, %add3A_105 : vector<16xi1>, vector<16xf32>
        %sub3A_715 = arith.subf %get3A_625, %broadcast_in_dim3A_690 : vector<16xf32>
        %mul3A_716 = arith.mulf %select_n3A_701, %get3A_11 : vector<16xf32>
        %mul3A_717 = arith.mulf %sub3A_715, %mul3A_716 : vector<16xf32>
        %add3A_718 = arith.addf %mul3A_717, %select_n3A_714 : vector<16xf32>
        %swap3A_719 = arith.constant 0 : i32
        %swap3A_720 = arith.constant 0 : i32
        %swap3A_721 = tpu.memref_slice %arg12[%scan3A_440, %swap3A_719, %swap3A_720] : memref<4x128x64xf32, #tpu.memory_space<vmem>> -> memref<1x128x64xf32, #tpu.memory_space<vmem>>
        %swap3A_722 = tpu.memref_squeeze %swap3A_721 : memref<1x128x64xf32, #tpu.memory_space<vmem>> -> memref<128x64xf32, #tpu.memory_space<vmem>>
        %swap3A_723 = arith.index_cast %add3A_611 : i32 to index
        %swap3A_724 = arith.constant 16 : index
        %swap3A_725 = tpu.vector_load %swap3A_722[%swap3A_723, %swap3A_724] {strides = array<i32>} : memref<128x64xf32, #tpu.memory_space<vmem>>, vector<16xf32>,
        tpu.vector_store %swap3A_722[%swap3A_723, %swap3A_724], %add3A_718 {strides = array<i32>} : memref<128x64xf32, #tpu.memory_space<vmem>>, vector<16xf32>,
        %select_n3A_726 = arith.select %eq3A_698, %get3A_31, %add3A_109 : vector<16xi1>, vector<16xf32>
        %sub3A_727 = arith.subf %get3A_632, %broadcast_in_dim3A_690 : vector<16xf32>
        %mul3A_728 = arith.mulf %select_n3A_701, %get3A_15 : vector<16xf32>
        %mul3A_729 = arith.mulf %sub3A_727, %mul3A_728 : vector<16xf32>
        %add3A_730 = arith.addf %mul3A_729, %select_n3A_726 : vector<16xf32>
        %swap3A_731 = arith.constant 0 : i32
        %swap3A_732 = arith.constant 0 : i32
        %swap3A_733 = tpu.memref_slice %arg12[%scan3A_440, %swap3A_731, %swap3A_732] : memref<4x128x64xf32, #tpu.memory_space<vmem>> -> memref<1x128x64xf32, #tpu.memory_space<vmem>>
        %swap3A_734 = tpu.memref_squeeze %swap3A_733 : memref<1x128x64xf32, #tpu.memory_space<vmem>> -> memref<128x64xf32, #tpu.memory_space<vmem>>
        %swap3A_735 = arith.index_cast %add3A_611 : i32 to index
        %swap3A_736 = arith.constant 32 : index
        %swap3A_737 = tpu.vector_load %swap3A_734[%swap3A_735, %swap3A_736] {strides = array<i32>} : memref<128x64xf32, #tpu.memory_space<vmem>>, vector<16xf32>,
        tpu.vector_store %swap3A_734[%swap3A_735, %swap3A_736], %add3A_730 {strides = array<i32>} : memref<128x64xf32, #tpu.memory_space<vmem>>, vector<16xf32>,
        %select_n3A_738 = arith.select %eq3A_698, %get3A_35, %add3A_113 : vector<16xi1>, vector<16xf32>
        %sub3A_739 = arith.subf %get3A_639, %broadcast_in_dim3A_690 : vector<16xf32>
        %mul3A_740 = arith.mulf %select_n3A_701, %get3A_19 : vector<16xf32>
        %mul3A_741 = arith.mulf %sub3A_739, %mul3A_740 : vector<16xf32>
        %add3A_742 = arith.addf %mul3A_741, %select_n3A_738 : vector<16xf32>
        %swap3A_743 = arith.constant 0 : i32
        %swap3A_744 = arith.constant 0 : i32
        %swap3A_745 = tpu.memref_slice %arg12[%scan3A_440, %swap3A_743, %swap3A_744] : memref<4x128x64xf32, #tpu.memory_space<vmem>> -> memref<1x128x64xf32, #tpu.memory_space<vmem>>
        %swap3A_746 = tpu.memref_squeeze %swap3A_745 : memref<1x128x64xf32, #tpu.memory_space<vmem>> -> memref<128x64xf32, #tpu.memory_space<vmem>>
        %swap3A_747 = arith.index_cast %add3A_611 : i32 to index
        %swap3A_748 = arith.constant 48 : index
        %swap3A_749 = tpu.vector_load %swap3A_746[%swap3A_747, %swap3A_748] {strides = array<i32>} : memref<128x64xf32, #tpu.memory_space<vmem>>, vector<16xf32>,
        tpu.vector_store %swap3A_746[%swap3A_747, %swap3A_748], %add3A_742 {strides = array<i32>} : memref<128x64xf32, #tpu.memory_space<vmem>>, vector<16xf32>,
        %add3A_750 = arith.constant 2 : i32
        %add3A_751 = arith.addi %add3A_474, %add3A_750 : i32
        %get3A_752 = arith.constant 0 : i32
        %get3A_753 = arith.constant 0 : i32
        %get3A_754 = tpu.memref_slice %arg11[%scan3A_439, %get3A_752, %get3A_753] : memref<4x128x64xf32, #tpu.memory_space<vmem>> -> memref<1x128x64xf32, #tpu.memory_space<vmem>>
        %get3A_755 = tpu.memref_squeeze %get3A_754 : memref<1x128x64xf32, #tpu.memory_space<vmem>> -> memref<128x64xf32, #tpu.memory_space<vmem>>
        %get3A_756 = arith.index_cast %add3A_751 : i32 to index
        %get3A_757 = arith.constant 0 : index
        %get3A_758 = tpu.vector_load %get3A_755[%get3A_756, %get3A_757] {strides = array<i32>} : memref<128x64xf32, #tpu.memory_space<vmem>>, vector<16xf32>,
        %get3A_759 = arith.constant 0 : i32
        %get3A_760 = arith.constant 0 : i32
        %get3A_761 = tpu.memref_slice %arg11[%scan3A_439, %get3A_759, %get3A_760] : memref<4x128x64xf32, #tpu.memory_space<vmem>> -> memref<1x128x64xf32, #tpu.memory_space<vmem>>
        %get3A_762 = tpu.memref_squeeze %get3A_761 : memref<1x128x64xf32, #tpu.memory_space<vmem>> -> memref<128x64xf32, #tpu.memory_space<vmem>>
        %get3A_763 = arith.index_cast %add3A_751 : i32 to index
        %get3A_764 = arith.constant 16 : index
        %get3A_765 = tpu.vector_load %get3A_762[%get3A_763, %get3A_764] {strides = array<i32>} : memref<128x64xf32, #tpu.memory_space<vmem>>, vector<16xf32>,
        %get3A_766 = arith.constant 0 : i32
        %get3A_767 = arith.constant 0 : i32
        %get3A_768 = tpu.memref_slice %arg11[%scan3A_439, %get3A_766, %get3A_767] : memref<4x128x64xf32, #tpu.memory_space<vmem>> -> memref<1x128x64xf32, #tpu.memory_space<vmem>>
        %get3A_769 = tpu.memref_squeeze %get3A_768 : memref<1x128x64xf32, #tpu.memory_space<vmem>> -> memref<128x64xf32, #tpu.memory_space<vmem>>
        %get3A_770 = arith.index_cast %add3A_751 : i32 to index
        %get3A_771 = arith.constant 32 : index
        %get3A_772 = tpu.vector_load %get3A_769[%get3A_770, %get3A_771] {strides = array<i32>} : memref<128x64xf32, #tpu.memory_space<vmem>>, vector<16xf32>,
        %get3A_773 = arith.constant 0 : i32
        %get3A_774 = arith.constant 0 : i32
        %get3A_775 = tpu.memref_slice %arg11[%scan3A_439, %get3A_773, %get3A_774] : memref<4x128x64xf32, #tpu.memory_space<vmem>> -> memref<1x128x64xf32, #tpu.memory_space<vmem>>
        %get3A_776 = tpu.memref_squeeze %get3A_775 : memref<1x128x64xf32, #tpu.memory_space<vmem>> -> memref<128x64xf32, #tpu.memory_space<vmem>>
        %get3A_777 = arith.index_cast %add3A_751 : i32 to index
        %get3A_778 = arith.constant 48 : index
        %get3A_779 = tpu.vector_load %get3A_776[%get3A_777, %get3A_778] {strides = array<i32>} : memref<128x64xf32, #tpu.memory_space<vmem>>, vector<16xf32>,
        %add3A_780 = arith.addf %get3A_758, %get3A_765 : vector<16xf32>
        %add3A_781 = arith.addf %get3A_772, %get3A_779 : vector<16xf32>
        %add3A_782 = arith.addf %add3A_780, %add3A_781 : vector<16xf32>
        %mul3A_783 = arith.mulf %get3A_758, %get3A_758 : vector<16xf32>
        %mul3A_784 = arith.mulf %get3A_765, %get3A_765 : vector<16xf32>
        %add3A_785 = arith.addf %mul3A_783, %mul3A_784 : vector<16xf32>
        %mul3A_786 = arith.mulf %get3A_772, %get3A_772 : vector<16xf32>
        %mul3A_787 = arith.mulf %get3A_779, %get3A_779 : vector<16xf32>
        %add3A_788 = arith.addf %mul3A_786, %mul3A_787 : vector<16xf32>
        %add3A_789 = arith.addf %add3A_785, %add3A_788 : vector<16xf32>
        %reduce_sum3A_790 = arith.constant true
        %reduce_sum3A_791 = vector.broadcast %reduce_sum3A_790 : i1 to vector<16xi1>
        %reduce_sum3A_792 = tpu.scan <sum>, %add3A_782 masked %reduce_sum3A_791 : vector<16xf32>, vector<16xi1> -> vector<16xf32>
        %reduce_sum3A_793 = vector.extract %reduce_sum3A_792[15] : f32 from vector<16xf32>
        %mul3A_794 = arith.constant 1.562500e-02 : f32
        %mul3A_795 = arith.mulf %reduce_sum3A_793, %mul3A_794 : f32
        %reduce_sum3A_796 = arith.constant true
        %reduce_sum3A_797 = vector.broadcast %reduce_sum3A_796 : i1 to vector<16xi1>
        %reduce_sum3A_798 = tpu.scan <sum>, %add3A_789 masked %reduce_sum3A_797 : vector<16xf32>, vector<16xi1> -> vector<16xf32>
        %reduce_sum3A_799 = vector.extract %reduce_sum3A_798[15] : f32 from vector<16xf32>
        %mul3A_800 = arith.constant 1.562500e-02 : f32
        %mul3A_801 = arith.mulf %reduce_sum3A_799, %mul3A_800 : f32
        %mul3A_802 = arith.mulf %mul3A_795, %mul3A_795 : f32
        %sub3A_803 = arith.subf %mul3A_801, %mul3A_802 : f32
        %add3A_804 = arith.constant 9.99999974E-6 : f32
        %add3A_805 = arith.addf %sub3A_803, %add3A_804 : f32
        %broadcast_in_dim3A_806 = vector.broadcast %add3A_805 : f32 to vector<16xf32>
        %bitcast_convert_type3A_807 = tpu.bitcast %broadcast_in_dim3A_806 : vector<16xf32> -> vector<16xi32>
        %shift_right_arithmetic3A_808 = arith.constant 1 : i32
        %shift_right_arithmetic3A_809 = vector.broadcast %shift_right_arithmetic3A_808 : i32 to vector<16xi32>
        %shift_right_arithmetic3A_810 = arith.shrsi %bitcast_convert_type3A_807, %shift_right_arithmetic3A_809 : vector<16xi32>
        %sub3A_811 = arith.constant 1597463007 : i32
        %sub3A_812 = vector.broadcast %sub3A_811 : i32 to vector<16xi32>
        %sub3A_813 = arith.subi %sub3A_812, %shift_right_arithmetic3A_810 : vector<16xi32>
        %bitcast_convert_type3A_814 = tpu.bitcast %sub3A_813 : vector<16xi32> -> vector<16xf32>
        %mul3A_815 = arith.constant 5.000000e-01 : f32
        %mul3A_816 = vector.broadcast %mul3A_815 : f32 to vector<16xf32>
        %mul3A_817 = arith.mulf %broadcast_in_dim3A_806, %mul3A_816 : vector<16xf32>
        %mul3A_818 = arith.mulf %mul3A_817, %bitcast_convert_type3A_814 : vector<16xf32>
        %mul3A_819 = arith.mulf %mul3A_818, %bitcast_convert_type3A_814 : vector<16xf32>
        %sub3A_820 = arith.constant 1.500000e+00 : f32
        %sub3A_821 = vector.broadcast %sub3A_820 : f32 to vector<16xf32>
        %sub3A_822 = arith.subf %sub3A_821, %mul3A_819 : vector<16xf32>
        %mul3A_823 = arith.mulf %bitcast_convert_type3A_814, %sub3A_822 : vector<16xf32>
        %mul3A_824 = arith.mulf %mul3A_817, %mul3A_823 : vector<16xf32>
        %mul3A_825 = arith.mulf %mul3A_824, %mul3A_823 : vector<16xf32>
        %sub3A_826 = arith.constant 1.500000e+00 : f32
        %sub3A_827 = vector.broadcast %sub3A_826 : f32 to vector<16xf32>
        %sub3A_828 = arith.subf %sub3A_827, %mul3A_825 : vector<16xf32>
        %mul3A_829 = arith.mulf %mul3A_823, %sub3A_828 : vector<16xf32>
        %broadcast_in_dim3A_830 = vector.broadcast %mul3A_795 : f32 to vector<16xf32>
        %mul3A_831 = arith.constant 128 : i32
        %mul3A_832 = arith.muli %add3A_419, %mul3A_831 : i32
        %add3A_833 = arith.addi %mul3A_832, %add3A_751 : i32
        %broadcast_in_dim3A_834 = vector.broadcast %add3A_833 : i32 to vector<16xi32>
        %gather3A_835 = tpu.vector_load_idx %arg10[%broadcast_in_dim3A_834] : memref<13312xi32, #tpu.memory_space<vmem>>[vector<16xi32>], vector<16xi32>,
        %eq3A_836 = arith.constant 0 : i32
        %eq3A_837 = vector.broadcast %eq3A_836 : i32 to vector<16xi32>
        %eq3A_838 = arith.cmpi eq, %gather3A_835, %eq3A_837 : vector<16xi32>
        %jit3A_839 = arith.constant 0.000000e+00 : f32
        %broadcast_in_dim3A_840 = vector.broadcast %jit3A_839 : f32 to vector<16xf32>
        %select_n3A_841 = arith.select %eq3A_838, %mul3A_829, %broadcast_in_dim3A_840 : vector<16xi1>, vector<16xf32>
        %select_n3A_842 = arith.select %eq3A_838, %get3A_23, %add3A_101 : vector<16xi1>, vector<16xf32>
        %sub3A_843 = arith.subf %get3A_758, %broadcast_in_dim3A_830 : vector<16xf32>
        %mul3A_844 = arith.mulf %select_n3A_841, %get3A_7 : vector<16xf32>
        %mul3A_845 = arith.mulf %sub3A_843, %mul3A_844 : vector<16xf32>
        %add3A_846 = arith.addf %mul3A_845, %select_n3A_842 : vector<16xf32>
        %swap3A_847 = arith.constant 0 : i32
        %swap3A_848 = arith.constant 0 : i32
        %swap3A_849 = tpu.memref_slice %arg12[%scan3A_440, %swap3A_847, %swap3A_848] : memref<4x128x64xf32, #tpu.memory_space<vmem>> -> memref<1x128x64xf32, #tpu.memory_space<vmem>>
        %swap3A_850 = tpu.memref_squeeze %swap3A_849 : memref<1x128x64xf32, #tpu.memory_space<vmem>> -> memref<128x64xf32, #tpu.memory_space<vmem>>
        %swap3A_851 = arith.index_cast %add3A_751 : i32 to index
        %swap3A_852 = arith.constant 0 : index
        %swap3A_853 = tpu.vector_load %swap3A_850[%swap3A_851, %swap3A_852] {strides = array<i32>} : memref<128x64xf32, #tpu.memory_space<vmem>>, vector<16xf32>,
        tpu.vector_store %swap3A_850[%swap3A_851, %swap3A_852], %add3A_846 {strides = array<i32>} : memref<128x64xf32, #tpu.memory_space<vmem>>, vector<16xf32>,
        %select_n3A_854 = arith.select %eq3A_838, %get3A_27, %add3A_105 : vector<16xi1>, vector<16xf32>
        %sub3A_855 = arith.subf %get3A_765, %broadcast_in_dim3A_830 : vector<16xf32>
        %mul3A_856 = arith.mulf %select_n3A_841, %get3A_11 : vector<16xf32>
        %mul3A_857 = arith.mulf %sub3A_855, %mul3A_856 : vector<16xf32>
        %add3A_858 = arith.addf %mul3A_857, %select_n3A_854 : vector<16xf32>
        %swap3A_859 = arith.constant 0 : i32
        %swap3A_860 = arith.constant 0 : i32
        %swap3A_861 = tpu.memref_slice %arg12[%scan3A_440, %swap3A_859, %swap3A_860] : memref<4x128x64xf32, #tpu.memory_space<vmem>> -> memref<1x128x64xf32, #tpu.memory_space<vmem>>
        %swap3A_862 = tpu.memref_squeeze %swap3A_861 : memref<1x128x64xf32, #tpu.memory_space<vmem>> -> memref<128x64xf32, #tpu.memory_space<vmem>>
        %swap3A_863 = arith.index_cast %add3A_751 : i32 to index
        %swap3A_864 = arith.constant 16 : index
        %swap3A_865 = tpu.vector_load %swap3A_862[%swap3A_863, %swap3A_864] {strides = array<i32>} : memref<128x64xf32, #tpu.memory_space<vmem>>, vector<16xf32>,
        tpu.vector_store %swap3A_862[%swap3A_863, %swap3A_864], %add3A_858 {strides = array<i32>} : memref<128x64xf32, #tpu.memory_space<vmem>>, vector<16xf32>,
        %select_n3A_866 = arith.select %eq3A_838, %get3A_31, %add3A_109 : vector<16xi1>, vector<16xf32>
        %sub3A_867 = arith.subf %get3A_772, %broadcast_in_dim3A_830 : vector<16xf32>
        %mul3A_868 = arith.mulf %select_n3A_841, %get3A_15 : vector<16xf32>
        %mul3A_869 = arith.mulf %sub3A_867, %mul3A_868 : vector<16xf32>
        %add3A_870 = arith.addf %mul3A_869, %select_n3A_866 : vector<16xf32>
        %swap3A_871 = arith.constant 0 : i32
        %swap3A_872 = arith.constant 0 : i32
        %swap3A_873 = tpu.memref_slice %arg12[%scan3A_440, %swap3A_871, %swap3A_872] : memref<4x128x64xf32, #tpu.memory_space<vmem>> -> memref<1x128x64xf32, #tpu.memory_space<vmem>>
        %swap3A_874 = tpu.memref_squeeze %swap3A_873 : memref<1x128x64xf32, #tpu.memory_space<vmem>> -> memref<128x64xf32, #tpu.memory_space<vmem>>
        %swap3A_875 = arith.index_cast %add3A_751 : i32 to index
        %swap3A_876 = arith.constant 32 : index
        %swap3A_877 = tpu.vector_load %swap3A_874[%swap3A_875, %swap3A_876] {strides = array<i32>} : memref<128x64xf32, #tpu.memory_space<vmem>>, vector<16xf32>,
        tpu.vector_store %swap3A_874[%swap3A_875, %swap3A_876], %add3A_870 {strides = array<i32>} : memref<128x64xf32, #tpu.memory_space<vmem>>, vector<16xf32>,
        %select_n3A_878 = arith.select %eq3A_838, %get3A_35, %add3A_113 : vector<16xi1>, vector<16xf32>
        %sub3A_879 = arith.subf %get3A_779, %broadcast_in_dim3A_830 : vector<16xf32>
        %mul3A_880 = arith.mulf %select_n3A_841, %get3A_19 : vector<16xf32>
        %mul3A_881 = arith.mulf %sub3A_879, %mul3A_880 : vector<16xf32>
        %add3A_882 = arith.addf %mul3A_881, %select_n3A_878 : vector<16xf32>
        %swap3A_883 = arith.constant 0 : i32
        %swap3A_884 = arith.constant 0 : i32
        %swap3A_885 = tpu.memref_slice %arg12[%scan3A_440, %swap3A_883, %swap3A_884] : memref<4x128x64xf32, #tpu.memory_space<vmem>> -> memref<1x128x64xf32, #tpu.memory_space<vmem>>
        %swap3A_886 = tpu.memref_squeeze %swap3A_885 : memref<1x128x64xf32, #tpu.memory_space<vmem>> -> memref<128x64xf32, #tpu.memory_space<vmem>>
        %swap3A_887 = arith.index_cast %add3A_751 : i32 to index
        %swap3A_888 = arith.constant 48 : index
        %swap3A_889 = tpu.vector_load %swap3A_886[%swap3A_887, %swap3A_888] {strides = array<i32>} : memref<128x64xf32, #tpu.memory_space<vmem>>, vector<16xf32>,
        tpu.vector_store %swap3A_886[%swap3A_887, %swap3A_888], %add3A_882 {strides = array<i32>} : memref<128x64xf32, #tpu.memory_space<vmem>>, vector<16xf32>,
        %add3A_890 = arith.constant 3 : i32
        %add3A_891 = arith.addi %add3A_474, %add3A_890 : i32
        %get3A_892 = arith.constant 0 : i32
        %get3A_893 = arith.constant 0 : i32
        %get3A_894 = tpu.memref_slice %arg11[%scan3A_439, %get3A_892, %get3A_893] : memref<4x128x64xf32, #tpu.memory_space<vmem>> -> memref<1x128x64xf32, #tpu.memory_space<vmem>>
        %get3A_895 = tpu.memref_squeeze %get3A_894 : memref<1x128x64xf32, #tpu.memory_space<vmem>> -> memref<128x64xf32, #tpu.memory_space<vmem>>
        %get3A_896 = arith.index_cast %add3A_891 : i32 to index
        %get3A_897 = arith.constant 0 : index
        %get3A_898 = tpu.vector_load %get3A_895[%get3A_896, %get3A_897] {strides = array<i32>} : memref<128x64xf32, #tpu.memory_space<vmem>>, vector<16xf32>,
        %get3A_899 = arith.constant 0 : i32
        %get3A_900 = arith.constant 0 : i32
        %get3A_901 = tpu.memref_slice %arg11[%scan3A_439, %get3A_899, %get3A_900] : memref<4x128x64xf32, #tpu.memory_space<vmem>> -> memref<1x128x64xf32, #tpu.memory_space<vmem>>
        %get3A_902 = tpu.memref_squeeze %get3A_901 : memref<1x128x64xf32, #tpu.memory_space<vmem>> -> memref<128x64xf32, #tpu.memory_space<vmem>>
        %get3A_903 = arith.index_cast %add3A_891 : i32 to index
        %get3A_904 = arith.constant 16 : index
        %get3A_905 = tpu.vector_load %get3A_902[%get3A_903, %get3A_904] {strides = array<i32>} : memref<128x64xf32, #tpu.memory_space<vmem>>, vector<16xf32>,
        %get3A_906 = arith.constant 0 : i32
        %get3A_907 = arith.constant 0 : i32
        %get3A_908 = tpu.memref_slice %arg11[%scan3A_439, %get3A_906, %get3A_907] : memref<4x128x64xf32, #tpu.memory_space<vmem>> -> memref<1x128x64xf32, #tpu.memory_space<vmem>>
        %get3A_909 = tpu.memref_squeeze %get3A_908 : memref<1x128x64xf32, #tpu.memory_space<vmem>> -> memref<128x64xf32, #tpu.memory_space<vmem>>
        %get3A_910 = arith.index_cast %add3A_891 : i32 to index
        %get3A_911 = arith.constant 32 : index
        %get3A_912 = tpu.vector_load %get3A_909[%get3A_910, %get3A_911] {strides = array<i32>} : memref<128x64xf32, #tpu.memory_space<vmem>>, vector<16xf32>,
        %get3A_913 = arith.constant 0 : i32
        %get3A_914 = arith.constant 0 : i32
        %get3A_915 = tpu.memref_slice %arg11[%scan3A_439, %get3A_913, %get3A_914] : memref<4x128x64xf32, #tpu.memory_space<vmem>> -> memref<1x128x64xf32, #tpu.memory_space<vmem>>
        %get3A_916 = tpu.memref_squeeze %get3A_915 : memref<1x128x64xf32, #tpu.memory_space<vmem>> -> memref<128x64xf32, #tpu.memory_space<vmem>>
        %get3A_917 = arith.index_cast %add3A_891 : i32 to index
        %get3A_918 = arith.constant 48 : index
        %get3A_919 = tpu.vector_load %get3A_916[%get3A_917, %get3A_918] {strides = array<i32>} : memref<128x64xf32, #tpu.memory_space<vmem>>, vector<16xf32>,
        %add3A_920 = arith.addf %get3A_898, %get3A_905 : vector<16xf32>
        %add3A_921 = arith.addf %get3A_912, %get3A_919 : vector<16xf32>
        %add3A_922 = arith.addf %add3A_920, %add3A_921 : vector<16xf32>
        %mul3A_923 = arith.mulf %get3A_898, %get3A_898 : vector<16xf32>
        %mul3A_924 = arith.mulf %get3A_905, %get3A_905 : vector<16xf32>
        %add3A_925 = arith.addf %mul3A_923, %mul3A_924 : vector<16xf32>
        %mul3A_926 = arith.mulf %get3A_912, %get3A_912 : vector<16xf32>
        %mul3A_927 = arith.mulf %get3A_919, %get3A_919 : vector<16xf32>
        %add3A_928 = arith.addf %mul3A_926, %mul3A_927 : vector<16xf32>
        %add3A_929 = arith.addf %add3A_925, %add3A_928 : vector<16xf32>
        %reduce_sum3A_930 = arith.constant true
        %reduce_sum3A_931 = vector.broadcast %reduce_sum3A_930 : i1 to vector<16xi1>
        %reduce_sum3A_932 = tpu.scan <sum>, %add3A_922 masked %reduce_sum3A_931 : vector<16xf32>, vector<16xi1> -> vector<16xf32>
        %reduce_sum3A_933 = vector.extract %reduce_sum3A_932[15] : f32 from vector<16xf32>
        %mul3A_934 = arith.constant 1.562500e-02 : f32
        %mul3A_935 = arith.mulf %reduce_sum3A_933, %mul3A_934 : f32
        %reduce_sum3A_936 = arith.constant true
        %reduce_sum3A_937 = vector.broadcast %reduce_sum3A_936 : i1 to vector<16xi1>
        %reduce_sum3A_938 = tpu.scan <sum>, %add3A_929 masked %reduce_sum3A_937 : vector<16xf32>, vector<16xi1> -> vector<16xf32>
        %reduce_sum3A_939 = vector.extract %reduce_sum3A_938[15] : f32 from vector<16xf32>
        %mul3A_940 = arith.constant 1.562500e-02 : f32
        %mul3A_941 = arith.mulf %reduce_sum3A_939, %mul3A_940 : f32
        %mul3A_942 = arith.mulf %mul3A_935, %mul3A_935 : f32
        %sub3A_943 = arith.subf %mul3A_941, %mul3A_942 : f32
        %add3A_944 = arith.constant 9.99999974E-6 : f32
        %add3A_945 = arith.addf %sub3A_943, %add3A_944 : f32
        %broadcast_in_dim3A_946 = vector.broadcast %add3A_945 : f32 to vector<16xf32>
        %bitcast_convert_type3A_947 = tpu.bitcast %broadcast_in_dim3A_946 : vector<16xf32> -> vector<16xi32>
        %shift_right_arithmetic3A_948 = arith.constant 1 : i32
        %shift_right_arithmetic3A_949 = vector.broadcast %shift_right_arithmetic3A_948 : i32 to vector<16xi32>
        %shift_right_arithmetic3A_950 = arith.shrsi %bitcast_convert_type3A_947, %shift_right_arithmetic3A_949 : vector<16xi32>
        %sub3A_951 = arith.constant 1597463007 : i32
        %sub3A_952 = vector.broadcast %sub3A_951 : i32 to vector<16xi32>
        %sub3A_953 = arith.subi %sub3A_952, %shift_right_arithmetic3A_950 : vector<16xi32>
        %bitcast_convert_type3A_954 = tpu.bitcast %sub3A_953 : vector<16xi32> -> vector<16xf32>
        %mul3A_955 = arith.constant 5.000000e-01 : f32
        %mul3A_956 = vector.broadcast %mul3A_955 : f32 to vector<16xf32>
        %mul3A_957 = arith.mulf %broadcast_in_dim3A_946, %mul3A_956 : vector<16xf32>
        %mul3A_958 = arith.mulf %mul3A_957, %bitcast_convert_type3A_954 : vector<16xf32>
        %mul3A_959 = arith.mulf %mul3A_958, %bitcast_convert_type3A_954 : vector<16xf32>
        %sub3A_960 = arith.constant 1.500000e+00 : f32
        %sub3A_961 = vector.broadcast %sub3A_960 : f32 to vector<16xf32>
        %sub3A_962 = arith.subf %sub3A_961, %mul3A_959 : vector<16xf32>
        %mul3A_963 = arith.mulf %bitcast_convert_type3A_954, %sub3A_962 : vector<16xf32>
        %mul3A_964 = arith.mulf %mul3A_957, %mul3A_963 : vector<16xf32>
        %mul3A_965 = arith.mulf %mul3A_964, %mul3A_963 : vector<16xf32>
        %sub3A_966 = arith.constant 1.500000e+00 : f32
        %sub3A_967 = vector.broadcast %sub3A_966 : f32 to vector<16xf32>
        %sub3A_968 = arith.subf %sub3A_967, %mul3A_965 : vector<16xf32>
        %mul3A_969 = arith.mulf %mul3A_963, %sub3A_968 : vector<16xf32>
        %broadcast_in_dim3A_970 = vector.broadcast %mul3A_935 : f32 to vector<16xf32>
        %mul3A_971 = arith.constant 128 : i32
        %mul3A_972 = arith.muli %add3A_419, %mul3A_971 : i32
        %add3A_973 = arith.addi %mul3A_972, %add3A_891 : i32
        %broadcast_in_dim3A_974 = vector.broadcast %add3A_973 : i32 to vector<16xi32>
        %gather3A_975 = tpu.vector_load_idx %arg10[%broadcast_in_dim3A_974] : memref<13312xi32, #tpu.memory_space<vmem>>[vector<16xi32>], vector<16xi32>,
        %eq3A_976 = arith.constant 0 : i32
        %eq3A_977 = vector.broadcast %eq3A_976 : i32 to vector<16xi32>
        %eq3A_978 = arith.cmpi eq, %gather3A_975, %eq3A_977 : vector<16xi32>
        %jit3A_979 = arith.constant 0.000000e+00 : f32
        %broadcast_in_dim3A_980 = vector.broadcast %jit3A_979 : f32 to vector<16xf32>
        %select_n3A_981 = arith.select %eq3A_978, %mul3A_969, %broadcast_in_dim3A_980 : vector<16xi1>, vector<16xf32>
        %select_n3A_982 = arith.select %eq3A_978, %get3A_23, %add3A_101 : vector<16xi1>, vector<16xf32>
        %sub3A_983 = arith.subf %get3A_898, %broadcast_in_dim3A_970 : vector<16xf32>
        %mul3A_984 = arith.mulf %select_n3A_981, %get3A_7 : vector<16xf32>
        %mul3A_985 = arith.mulf %sub3A_983, %mul3A_984 : vector<16xf32>
        %add3A_986 = arith.addf %mul3A_985, %select_n3A_982 : vector<16xf32>
        %swap3A_987 = arith.constant 0 : i32
        %swap3A_988 = arith.constant 0 : i32
        %swap3A_989 = tpu.memref_slice %arg12[%scan3A_440, %swap3A_987, %swap3A_988] : memref<4x128x64xf32, #tpu.memory_space<vmem>> -> memref<1x128x64xf32, #tpu.memory_space<vmem>>
        %swap3A_990 = tpu.memref_squeeze %swap3A_989 : memref<1x128x64xf32, #tpu.memory_space<vmem>> -> memref<128x64xf32, #tpu.memory_space<vmem>>
        %swap3A_991 = arith.index_cast %add3A_891 : i32 to index
        %swap3A_992 = arith.constant 0 : index
        %swap3A_993 = tpu.vector_load %swap3A_990[%swap3A_991, %swap3A_992] {strides = array<i32>} : memref<128x64xf32, #tpu.memory_space<vmem>>, vector<16xf32>,
        tpu.vector_store %swap3A_990[%swap3A_991, %swap3A_992], %add3A_986 {strides = array<i32>} : memref<128x64xf32, #tpu.memory_space<vmem>>, vector<16xf32>,
        %select_n3A_994 = arith.select %eq3A_978, %get3A_27, %add3A_105 : vector<16xi1>, vector<16xf32>
        %sub3A_995 = arith.subf %get3A_905, %broadcast_in_dim3A_970 : vector<16xf32>
        %mul3A_996 = arith.mulf %select_n3A_981, %get3A_11 : vector<16xf32>
        %mul3A_997 = arith.mulf %sub3A_995, %mul3A_996 : vector<16xf32>
        %add3A_998 = arith.addf %mul3A_997, %select_n3A_994 : vector<16xf32>
        %swap3A_999 = arith.constant 0 : i32
        %swap3A_1000 = arith.constant 0 : i32
        %swap3A_1001 = tpu.memref_slice %arg12[%scan3A_440, %swap3A_999, %swap3A_1000] : memref<4x128x64xf32, #tpu.memory_space<vmem>> -> memref<1x128x64xf32, #tpu.memory_space<vmem>>
        %swap3A_1002 = tpu.memref_squeeze %swap3A_1001 : memref<1x128x64xf32, #tpu.memory_space<vmem>> -> memref<128x64xf32, #tpu.memory_space<vmem>>
        %swap3A_1003 = arith.index_cast %add3A_891 : i32 to index
        %swap3A_1004 = arith.constant 16 : index
        %swap3A_1005 = tpu.vector_load %swap3A_1002[%swap3A_1003, %swap3A_1004] {strides = array<i32>} : memref<128x64xf32, #tpu.memory_space<vmem>>, vector<16xf32>,
        tpu.vector_store %swap3A_1002[%swap3A_1003, %swap3A_1004], %add3A_998 {strides = array<i32>} : memref<128x64xf32, #tpu.memory_space<vmem>>, vector<16xf32>,
        %select_n3A_1006 = arith.select %eq3A_978, %get3A_31, %add3A_109 : vector<16xi1>, vector<16xf32>
        %sub3A_1007 = arith.subf %get3A_912, %broadcast_in_dim3A_970 : vector<16xf32>
        %mul3A_1008 = arith.mulf %select_n3A_981, %get3A_15 : vector<16xf32>
        %mul3A_1009 = arith.mulf %sub3A_1007, %mul3A_1008 : vector<16xf32>
        %add3A_1010 = arith.addf %mul3A_1009, %select_n3A_1006 : vector<16xf32>
        %swap3A_1011 = arith.constant 0 : i32
        %swap3A_1012 = arith.constant 0 : i32
        %swap3A_1013 = tpu.memref_slice %arg12[%scan3A_440, %swap3A_1011, %swap3A_1012] : memref<4x128x64xf32, #tpu.memory_space<vmem>> -> memref<1x128x64xf32, #tpu.memory_space<vmem>>
        %swap3A_1014 = tpu.memref_squeeze %swap3A_1013 : memref<1x128x64xf32, #tpu.memory_space<vmem>> -> memref<128x64xf32, #tpu.memory_space<vmem>>
        %swap3A_1015 = arith.index_cast %add3A_891 : i32 to index
        %swap3A_1016 = arith.constant 32 : index
        %swap3A_1017 = tpu.vector_load %swap3A_1014[%swap3A_1015, %swap3A_1016] {strides = array<i32>} : memref<128x64xf32, #tpu.memory_space<vmem>>, vector<16xf32>,
        tpu.vector_store %swap3A_1014[%swap3A_1015, %swap3A_1016], %add3A_1010 {strides = array<i32>} : memref<128x64xf32, #tpu.memory_space<vmem>>, vector<16xf32>,
        %select_n3A_1018 = arith.select %eq3A_978, %get3A_35, %add3A_113 : vector<16xi1>, vector<16xf32>
        %sub3A_1019 = arith.subf %get3A_919, %broadcast_in_dim3A_970 : vector<16xf32>
        %mul3A_1020 = arith.mulf %select_n3A_981, %get3A_19 : vector<16xf32>
        %mul3A_1021 = arith.mulf %sub3A_1019, %mul3A_1020 : vector<16xf32>
        %add3A_1022 = arith.addf %mul3A_1021, %select_n3A_1018 : vector<16xf32>
        %swap3A_1023 = arith.constant 0 : i32
        %swap3A_1024 = arith.constant 0 : i32
        %swap3A_1025 = tpu.memref_slice %arg12[%scan3A_440, %swap3A_1023, %swap3A_1024] : memref<4x128x64xf32, #tpu.memory_space<vmem>> -> memref<1x128x64xf32, #tpu.memory_space<vmem>>
        %swap3A_1026 = tpu.memref_squeeze %swap3A_1025 : memref<1x128x64xf32, #tpu.memory_space<vmem>> -> memref<128x64xf32, #tpu.memory_space<vmem>>
        %swap3A_1027 = arith.index_cast %add3A_891 : i32 to index
        %swap3A_1028 = arith.constant 48 : index
        %swap3A_1029 = tpu.vector_load %swap3A_1026[%swap3A_1027, %swap3A_1028] {strides = array<i32>} : memref<128x64xf32, #tpu.memory_space<vmem>>, vector<16xf32>,
        tpu.vector_store %swap3A_1026[%swap3A_1027, %swap3A_1028], %add3A_1022 {strides = array<i32>} : memref<128x64xf32, #tpu.memory_space<vmem>>, vector<16xf32>,
      }
      %scan3A_445 = arith.constant 32 : i32
      %mul3A_446 = arith.constant 128 : i32
      %mul3A_447 = arith.muli %add3A_419, %mul3A_446 : i32
      %add3A_448 = arith.addi %mul3A_4, %mul3A_447 : i32
      %dma_start3A_449 = arith.constant 3 : i32
      %dma_start3A_450 = arith.constant 3 : i32
      %dma_start3A_451 = arith.constant 0 : i32
      %dma_start3A_452 = arith.constant 0 : i32
      %dma_start3A_453 = tpu.memref_slice %arg12[%dma_start3A_449, %dma_start3A_451, %dma_start3A_452] : memref<4x128x64xf32, #tpu.memory_space<vmem>> -> memref<1x128x64xf32, #tpu.memory_space<vmem>>
      %dma_start3A_454 = tpu.memref_squeeze %dma_start3A_453 : memref<1x128x64xf32, #tpu.memory_space<vmem>> -> memref<128x64xf32, #tpu.memory_space<vmem>>
      %dma_start3A_455 = arith.constant 0 : i32
      %dma_start3A_456 = tpu.memref_slice %arg6[%add3A_448, %dma_start3A_455] : memref<425984x64xf32, #tpu.memory_space<hbm>> -> memref<128x64xf32, #tpu.memory_space<hbm>>
      %dma_start3A_457 = tpu.memref_slice %arg16[%dma_start3A_450] : memref<4x!tpu.dma_semaphore, #tpu.memory_space<semaphore_mem>> -> memref<1x!tpu.dma_semaphore, #tpu.memory_space<semaphore_mem>>
      %dma_start3A_458 = tpu.memref_squeeze %dma_start3A_457 : memref<1x!tpu.dma_semaphore, #tpu.memory_space<semaphore_mem>> -> memref<!tpu.dma_semaphore, #tpu.memory_space<semaphore_mem>>
      %dma_start3A_459 = arith.constant 0 : i32
      %dma_start3A_460 = tpu.memref_slice %arg6[%add3A_448, %dma_start3A_459] : memref<425984x64xf32, #tpu.memory_space<hbm>> -> memref<128x64xf32, #tpu.memory_space<hbm>>
      %dma_start3A_461 = arith.constant 0 : i32
      %dma_start3A_462 = arith.constant 0 : i32
      %dma_start3A_463 = tpu.memref_slice %arg12[%dma_start3A_449, %dma_start3A_461, %dma_start3A_462] : memref<4x128x64xf32, #tpu.memory_space<vmem>> -> memref<1x128x64xf32, #tpu.memory_space<vmem>>
      %dma_start3A_464 = tpu.memref_squeeze %dma_start3A_463 : memref<1x128x64xf32, #tpu.memory_space<vmem>> -> memref<128x64xf32, #tpu.memory_space<vmem>>
      tpu.enqueue_dma source(%dma_start3A_464 : memref<128x64xf32, #tpu.memory_space<vmem>>) target(%dma_start3A_460 : memref<128x64xf32, #tpu.memory_space<hbm>>) target_semaphore(%dma_start3A_458 : memref<!tpu.dma_semaphore, #tpu.memory_space<semaphore_mem>>)
      %lt3A_465 = arith.constant 25 : i32
      %lt3A_466 = arith.cmpi slt, %add3A_257, %lt3A_465 : i32
      %convert_element_type3A_467 = arith.extui %lt3A_466 : i1 to i32
      %cond3A_468 = arith.constant 0 : i32
      %cond3A_469 = arith.cmpi ne, %convert_element_type3A_467, %cond3A_468 : i32
      scf.if %cond3A_469 {
        %add3A_470 = arith.constant 4 : i32
        %add3A_471 = arith.addi %add3A_419, %add3A_470 : i32
        %dma_start3A_472 = arith.constant 3 : i32
        %dma_start3A_473 = arith.constant 3 : i32
        %dma_start3A_474 = arith.constant 0 : i32
        %dma_start3A_475 = arith.constant 0 : i32
        %dma_start3A_476 = tpu.memref_slice %arg11[%dma_start3A_472, %dma_start3A_474, %dma_start3A_475] : memref<4x128x64xf32, #tpu.memory_space<vmem>> -> memref<1x128x64xf32, #tpu.memory_space<vmem>>
        %dma_start3A_477 = tpu.memref_squeeze %dma_start3A_476 : memref<1x128x64xf32, #tpu.memory_space<vmem>> -> memref<128x64xf32, #tpu.memory_space<vmem>>
        %dma_start3A_478 = arith.constant 0 : i32
        %dma_start3A_479 = tpu.memref_slice %arg9[%add3A_471, %dma_start3A_478] : memref<104x128xi32, #tpu.memory_space<vmem>> -> memref<1x128xi32, #tpu.memory_space<vmem>>
        %dma_start3A_480 = tpu.memref_squeeze %dma_start3A_479 : memref<1x128xi32, #tpu.memory_space<vmem>> -> memref<128xi32, #tpu.memory_space<vmem>>
        %dma_start3A_481 = arith.constant 0 : i32
        %dma_start3A_482 = arith.constant 0 : i32
        %dma_start3A_483 = tpu.memref_slice %arg4[%dma_start3A_481, %dma_start3A_482] : memref<1000001x64xf32, #tpu.memory_space<hbm>> -> memref<1000001x64xf32, #tpu.memory_space<hbm>>
        %dma_start3A_484 = tpu.memref_slice %arg15[%dma_start3A_473] : memref<4x!tpu.dma_semaphore, #tpu.memory_space<semaphore_mem>> -> memref<1x!tpu.dma_semaphore, #tpu.memory_space<semaphore_mem>>
        %dma_start3A_485 = tpu.memref_squeeze %dma_start3A_484 : memref<1x!tpu.dma_semaphore, #tpu.memory_space<semaphore_mem>> -> memref<!tpu.dma_semaphore, #tpu.memory_space<semaphore_mem>>
        tpu.enqueue_indirect_dma source(%dma_start3A_483 : memref<1000001x64xf32, #tpu.memory_space<hbm>>) target(%dma_start3A_477 : memref<128x64xf32, #tpu.memory_space<vmem>>) offsets(%dma_start3A_480 : memref<128xi32, #tpu.memory_space<vmem>>) semaphore(%dma_start3A_485 : memref<!tpu.dma_semaphore, #tpu.memory_space<semaphore_mem>>)
      } else {
      }
    }
    %scan3A_181 = arith.constant 26 : i32
    %add3A_182 = arith.constant 12800 : i32
    %add3A_183 = arith.addi %mul3A_4, %add3A_182 : i32
    %dma_wait3A = arith.constant 0 : i32
    %dma_wait3A_184 = arith.constant 0 : i32
    %dma_wait3A_185 = arith.constant 0 : i32
    %dma_wait3A_186 = arith.constant 0 : i32
    %dma_wait3A_187 = tpu.memref_slice %arg12[%dma_wait3A, %dma_wait3A_185, %dma_wait3A_186] : memref<4x128x64xf32, #tpu.memory_space<vmem>> -> memref<1x128x64xf32, #tpu.memory_space<vmem>>
    %dma_wait3A_188 = tpu.memref_squeeze %dma_wait3A_187 : memref<1x128x64xf32, #tpu.memory_space<vmem>> -> memref<128x64xf32, #tpu.memory_space<vmem>>
    %dma_wait3A_189 = arith.constant 0 : i32
    %dma_wait3A_190 = tpu.memref_slice %arg6[%add3A_183, %dma_wait3A_189] : memref<425984x64xf32, #tpu.memory_space<hbm>> -> memref<128x64xf32, #tpu.memory_space<hbm>>
    %dma_wait3A_191 = tpu.memref_slice %arg16[%dma_wait3A_184] : memref<4x!tpu.dma_semaphore, #tpu.memory_space<semaphore_mem>> -> memref<1x!tpu.dma_semaphore, #tpu.memory_space<semaphore_mem>>
    %dma_wait3A_192 = tpu.memref_squeeze %dma_wait3A_191 : memref<1x!tpu.dma_semaphore, #tpu.memory_space<semaphore_mem>> -> memref<!tpu.dma_semaphore, #tpu.memory_space<semaphore_mem>>
    %dma_wait3A_193 = arith.constant 0 : i32
    %dma_wait3A_194 = tpu.memref_slice %arg6[%add3A_183, %dma_wait3A_193] : memref<425984x64xf32, #tpu.memory_space<hbm>> -> memref<128x64xf32, #tpu.memory_space<hbm>>
    %dma_wait3A_195 = arith.constant 0 : i32
    %dma_wait3A_196 = arith.constant 0 : i32
    %dma_wait3A_197 = tpu.memref_slice %arg12[%dma_wait3A, %dma_wait3A_195, %dma_wait3A_196] : memref<4x128x64xf32, #tpu.memory_space<vmem>> -> memref<1x128x64xf32, #tpu.memory_space<vmem>>
    %dma_wait3A_198 = tpu.memref_squeeze %dma_wait3A_197 : memref<1x128x64xf32, #tpu.memory_space<vmem>> -> memref<128x64xf32, #tpu.memory_space<vmem>>
    tpu.wait_dma2 semaphore(%dma_wait3A_192 : memref<!tpu.dma_semaphore, #tpu.memory_space<semaphore_mem>>) src(%dma_wait3A_198 : memref<128x64xf32, #tpu.memory_space<vmem>>) dst(%dma_wait3A_194 : memref<128x64xf32, #tpu.memory_space<hbm>>)
    %add3A_199 = arith.constant 12928 : i32
    %add3A_200 = arith.addi %mul3A_4, %add3A_199 : i32
    %dma_wait3A_201 = arith.constant 1 : i32
    %dma_wait3A_202 = arith.constant 1 : i32
    %dma_wait3A_203 = arith.constant 0 : i32
    %dma_wait3A_204 = arith.constant 0 : i32
    %dma_wait3A_205 = tpu.memref_slice %arg12[%dma_wait3A_201, %dma_wait3A_203, %dma_wait3A_204] : memref<4x128x64xf32, #tpu.memory_space<vmem>> -> memref<1x128x64xf32, #tpu.memory_space<vmem>>
    %dma_wait3A_206 = tpu.memref_squeeze %dma_wait3A_205 : memref<1x128x64xf32, #tpu.memory_space<vmem>> -> memref<128x64xf32, #tpu.memory_space<vmem>>
    %dma_wait3A_207 = arith.constant 0 : i32
    %dma_wait3A_208 = tpu.memref_slice %arg6[%add3A_200, %dma_wait3A_207] : memref<425984x64xf32, #tpu.memory_space<hbm>> -> memref<128x64xf32, #tpu.memory_space<hbm>>
    %dma_wait3A_209 = tpu.memref_slice %arg16[%dma_wait3A_202] : memref<4x!tpu.dma_semaphore, #tpu.memory_space<semaphore_mem>> -> memref<1x!tpu.dma_semaphore, #tpu.memory_space<semaphore_mem>>
    %dma_wait3A_210 = tpu.memref_squeeze %dma_wait3A_209 : memref<1x!tpu.dma_semaphore, #tpu.memory_space<semaphore_mem>> -> memref<!tpu.dma_semaphore, #tpu.memory_space<semaphore_mem>>
    %dma_wait3A_211 = arith.constant 0 : i32
    %dma_wait3A_212 = tpu.memref_slice %arg6[%add3A_200, %dma_wait3A_211] : memref<425984x64xf32, #tpu.memory_space<hbm>> -> memref<128x64xf32, #tpu.memory_space<hbm>>
    %dma_wait3A_213 = arith.constant 0 : i32
    %dma_wait3A_214 = arith.constant 0 : i32
    %dma_wait3A_215 = tpu.memref_slice %arg12[%dma_wait3A_201, %dma_wait3A_213, %dma_wait3A_214] : memref<4x128x64xf32, #tpu.memory_space<vmem>> -> memref<1x128x64xf32, #tpu.memory_space<vmem>>
    %dma_wait3A_216 = tpu.memref_squeeze %dma_wait3A_215 : memref<1x128x64xf32, #tpu.memory_space<vmem>> -> memref<128x64xf32, #tpu.memory_space<vmem>>
    tpu.wait_dma2 semaphore(%dma_wait3A_210 : memref<!tpu.dma_semaphore, #tpu.memory_space<semaphore_mem>>) src(%dma_wait3A_216 : memref<128x64xf32, #tpu.memory_space<vmem>>) dst(%dma_wait3A_212 : memref<128x64xf32, #tpu.memory_space<hbm>>)
    %add3A_217 = arith.constant 13056 : i32
    %add3A_218 = arith.addi %mul3A_4, %add3A_217 : i32
    %dma_wait3A_219 = arith.constant 2 : i32
    %dma_wait3A_220 = arith.constant 2 : i32
    %dma_wait3A_221 = arith.constant 0 : i32
    %dma_wait3A_222 = arith.constant 0 : i32
    %dma_wait3A_223 = tpu.memref_slice %arg12[%dma_wait3A_219, %dma_wait3A_221, %dma_wait3A_222] : memref<4x128x64xf32, #tpu.memory_space<vmem>> -> memref<1x128x64xf32, #tpu.memory_space<vmem>>
    %dma_wait3A_224 = tpu.memref_squeeze %dma_wait3A_223 : memref<1x128x64xf32, #tpu.memory_space<vmem>> -> memref<128x64xf32, #tpu.memory_space<vmem>>
    %dma_wait3A_225 = arith.constant 0 : i32
    %dma_wait3A_226 = tpu.memref_slice %arg6[%add3A_218, %dma_wait3A_225] : memref<425984x64xf32, #tpu.memory_space<hbm>> -> memref<128x64xf32, #tpu.memory_space<hbm>>
    %dma_wait3A_227 = tpu.memref_slice %arg16[%dma_wait3A_220] : memref<4x!tpu.dma_semaphore, #tpu.memory_space<semaphore_mem>> -> memref<1x!tpu.dma_semaphore, #tpu.memory_space<semaphore_mem>>
    %dma_wait3A_228 = tpu.memref_squeeze %dma_wait3A_227 : memref<1x!tpu.dma_semaphore, #tpu.memory_space<semaphore_mem>> -> memref<!tpu.dma_semaphore, #tpu.memory_space<semaphore_mem>>
    %dma_wait3A_229 = arith.constant 0 : i32
    %dma_wait3A_230 = tpu.memref_slice %arg6[%add3A_218, %dma_wait3A_229] : memref<425984x64xf32, #tpu.memory_space<hbm>> -> memref<128x64xf32, #tpu.memory_space<hbm>>
    %dma_wait3A_231 = arith.constant 0 : i32
    %dma_wait3A_232 = arith.constant 0 : i32
    %dma_wait3A_233 = tpu.memref_slice %arg12[%dma_wait3A_219, %dma_wait3A_231, %dma_wait3A_232] : memref<4x128x64xf32, #tpu.memory_space<vmem>> -> memref<1x128x64xf32, #tpu.memory_space<vmem>>
    %dma_wait3A_234 = tpu.memref_squeeze %dma_wait3A_233 : memref<1x128x64xf32, #tpu.memory_space<vmem>> -> memref<128x64xf32, #tpu.memory_space<vmem>>
    tpu.wait_dma2 semaphore(%dma_wait3A_228 : memref<!tpu.dma_semaphore, #tpu.memory_space<semaphore_mem>>) src(%dma_wait3A_234 : memref<128x64xf32, #tpu.memory_space<vmem>>) dst(%dma_wait3A_230 : memref<128x64xf32, #tpu.memory_space<hbm>>)
    %add3A_235 = arith.constant 13184 : i32
    %add3A_236 = arith.addi %mul3A_4, %add3A_235 : i32
    %dma_wait3A_237 = arith.constant 3 : i32
    %dma_wait3A_238 = arith.constant 3 : i32
    %dma_wait3A_239 = arith.constant 0 : i32
    %dma_wait3A_240 = arith.constant 0 : i32
    %dma_wait3A_241 = tpu.memref_slice %arg12[%dma_wait3A_237, %dma_wait3A_239, %dma_wait3A_240] : memref<4x128x64xf32, #tpu.memory_space<vmem>> -> memref<1x128x64xf32, #tpu.memory_space<vmem>>
    %dma_wait3A_242 = tpu.memref_squeeze %dma_wait3A_241 : memref<1x128x64xf32, #tpu.memory_space<vmem>> -> memref<128x64xf32, #tpu.memory_space<vmem>>
    %dma_wait3A_243 = arith.constant 0 : i32
    %dma_wait3A_244 = tpu.memref_slice %arg6[%add3A_236, %dma_wait3A_243] : memref<425984x64xf32, #tpu.memory_space<hbm>> -> memref<128x64xf32, #tpu.memory_space<hbm>>
    %dma_wait3A_245 = tpu.memref_slice %arg16[%dma_wait3A_238] : memref<4x!tpu.dma_semaphore, #tpu.memory_space<semaphore_mem>> -> memref<1x!tpu.dma_semaphore, #tpu.memory_space<semaphore_mem>>
    %dma_wait3A_246 = tpu.memref_squeeze %dma_wait3A_245 : memref<1x!tpu.dma_semaphore, #tpu.memory_space<semaphore_mem>> -> memref<!tpu.dma_semaphore, #tpu.memory_space<semaphore_mem>>
    %dma_wait3A_247 = arith.constant 0 : i32
    %dma_wait3A_248 = tpu.memref_slice %arg6[%add3A_236, %dma_wait3A_247] : memref<425984x64xf32, #tpu.memory_space<hbm>> -> memref<128x64xf32, #tpu.memory_space<hbm>>
    %dma_wait3A_249 = arith.constant 0 : i32
    %dma_wait3A_250 = arith.constant 0 : i32
    %dma_wait3A_251 = tpu.memref_slice %arg12[%dma_wait3A_237, %dma_wait3A_249, %dma_wait3A_250] : memref<4x128x64xf32, #tpu.memory_space<vmem>> -> memref<1x128x64xf32, #tpu.memory_space<vmem>>
    %dma_wait3A_252 = tpu.memref_squeeze %dma_wait3A_251 : memref<1x128x64xf32, #tpu.memory_space<vmem>> -> memref<128x64xf32, #tpu.memory_space<vmem>>
    tpu.wait_dma2 semaphore(%dma_wait3A_246 : memref<!tpu.dma_semaphore, #tpu.memory_space<semaphore_mem>>) src(%dma_wait3A_252 : memref<128x64xf32, #tpu.memory_space<vmem>>) dst(%dma_wait3A_248 : memref<128x64xf32, #tpu.memory_space<hbm>>)
    return
  }
}

</mosaic_0001>

<sc_bundles>
// kernel: kernel.3.cloned.1.call-start
scs
__scs_entry_jumppad:
0x0: {  	(pc) =	sbr.rel $0x88, $3  }
0x1: {  	(tag) =	ssettag $0x0;
	lr =	simm.s32 $0x1  }
0x2: {  	[smem:$0x3F9C] =	sst lr;
	_ =	strace $0xD0000000  }
0x3: {  	_ = 	snop  }
0x4: {  	_ = 	snop  }
0x5: {  	_ = 	snop  }
0x6: {  	_ = 	snop  }
0x7: {  	_ = 	snop  }
__scs_overlays_trampoline_lowered:
0x8: {  	[smem:$0x3FAB] =	sst s0  }
0x9: {  	[smem:$0x3FAC] =	sst s1  }
0xa: {  	[smem:$0x3FAD] =	sst s2  }
0xb: {  	[smem:$0x3FAE] =	sst s3  }
0xc: {  	[smem:$0x3FAF] =	sst s4  }
0xd: {  	[smem:$0x3FB0] =	sst s5  }
0xe: {  	[smem:$0x3FB1] =	sst s6  }
0xf: {  	[smem:$0x3FB2] =	sst s7  }
0x10: {  	[smem:$0x3FB3] =	sst s8  }
0x11: {  	[smem:$0x3FB4] =	sst s9;
	s0 =	simm.s32 @!p0 $0x0  }
0x12: {  	s1 =	sld [smem:$0x3F9A];
	s0 =	simm.s32 @p0 $0x1  }
0x13: {  	[smem:$0x3FB5] =	sst s0;
	s0 =	simm.s32 @!p1 $0x0  }
0x14: {  	s2 =	sld [smem:$0x3F99];
	s0 =	simm.s32 @p1 $0x1  }
0x15: {  	[smem:$0x3FB6] =	sst s0;
	s0 =	simm.s32 @!p2 $0x0  }
0x16: {  	s3 =	sld [smem:$0x3FDB];
	s0 =	simm.s32 @p2 $0x1  }
0x17: {  	s4 =	simm.s32 $0x1BF5;
	[smem:$0x3FB8] =	sst s0  }
0x18: {  	s0 =	sld [smem:$0x3F9B];
	_ =	swait.ge [sflag:s4], $0x0  }
0x19: {  	s7 =	sld [smem:$0x3F9C]  }
0x1a: {  	s8 =	sadd.s32 $0xFFFFE003, lr  }
0x1b: {  	s9 =	sadd.s32 $0xFFFFFEF7, lr;
	s5 =	simm.s32 $0xFFFFFFFF;
	p2 =	slt.u32 s8, $0xFFFFF086  }
0x1c: {  	p1 =	slt.u32 s9, $0xF7A;
	s5 =	simm.s32 @!p2 $0x0  }
0x1d: {  	s5 =	simm.s32 @p1 $0x1;
	p0 =	seq.s32 s7, s2  }
0x1e: {  	s7 =	smul.u32 @!p0 $0xF7A, s2;
	p2 =	seq.s32 @!p0 s5, $0x0  }
0x1f: {  	s9 =	smul.u32 $0xF7A, s1;
	s8 =	simm.s32 @!p0 $0x1BF5;
	p2 =	por !p2, p0  }
0x20: {  	[sflag:s8] =	ssyncset.s32 @!p0 $0xFFFFF086;
	s6 =	sadd.s32 @!p0 s3, s7;
	s7 =	simm.s32 @!p0 $0x108  }
0x21: {  	s3 =	sadd.s32 s3, s9;
	s6 =	sadd.s32 @!p0 $0x88, s6;
	s7 =	simm.s32 @p2 $0x1082  }
0x22: {  	[simem:s7], [sflag:s8] =	dma.local @!p0 [hbm:s6], $0xF7A  }
0x23: {  	s9 =	sor.u32 $0xD0000000, s2;
	s6 =	simm.s32 $0x108;
	_ =	swait.ge @!p0 [sflag:s8], $0x0  }
0x24: {  	s3 =	sadd.s32 $0x88, s3;
	s6 =	simm.s32 @!p1 $0x1082;
	[sflag:s4] =	ssyncset.s32 $0xFFFFF086  }
0x25: {  	[simem:s6], [sflag:s4] =	dma.local [hbm:s3], $0xF7A  }
0x26: {  	[smem:$0x3F9C] =	sst s1;
	(tag) =	ssettag s2;
	_ =	strace s9  }
0x27: {  	s1 =	sld [smem:$0x3FAC]  }
0x28: {  	s2 =	sld [smem:$0x3FAD]  }
0x29: {  	s4 =	sld [smem:$0x3FAF]  }
0x2a: {  	p0 =	seq.s32 s5, $0x0;
	s5 =	sld [smem:$0x3FB0]  }
0x2b: {  	s6 =	sld [smem:$0x3FB1]  }
0x2c: {  	s7 =	sld [smem:$0x3FB2]  }
0x2d: {  	s3 =	simm.s32 $0x108;
	s8 =	sld [smem:$0x3FB3]  }
0x2e: {  	s3 =	simm.s32 @!p0 $0x1082;
	s9 =	sld [smem:$0x3FB4]  }
0x2f: {  	lr =	sadd.s32 s0, s3;
	s0 =	sld [smem:$0x3FAB]  }
0x30: {  	s3 =	sld [smem:$0x3FAE]  }
0x31: {  	[smem:$0x3FB7] =	sst s10  }
0x32: {  	s10 =	sld [smem:$0x3FB5];
	_ =	sdelay $0x3  }
0x33: {  	p0 =	seq.s32 s10, $0x1;
	s10 =	sld [smem:$0x3FB7];
	_ =	sdelay $0x3  }
0x34: {  	[smem:$0x3FB7] =	sst s10  }
0x35: {  	s10 =	sld [smem:$0x3FB6];
	_ =	sdelay $0x3  }
0x36: {  	p1 =	seq.s32 s10, $0x1;
	s10 =	sld [smem:$0x3FB7];
	_ =	sdelay $0x3  }
0x37: {  	[smem:$0x3FB7] =	sst s10  }
0x38: {  	s10 =	sld [smem:$0x3FB8]  }
0x39: {  	_ = 	snop;
	(pc) =	sbr.ind lr, $3  }
0x3a: {  	_ = 	snop  }
0x3b: {  	_ = 	snop  }
0x3c: {  	p2 =	seq.s32 s10, $0x1;
	s10 =	sld [smem:$0x3FB7]  }
0x3d: {  	_ =	shalt  }
0x3e: {  	_ =	shalt  }
0x3f: {  	_ =	shalt  }
0x40: {  	_ =	shalt  }
0x41: {  	_ =	shalt  }
0x42: {  	_ =	shalt  }
0x43: {  	_ =	shalt  }
0x44: {  	_ =	shalt  }
0x45: {  	_ =	shalt  }
0x46: {  	_ =	shalt  }
0x47: {  	_ =	shalt  }
0x48: {  	_ =	shalt  }
0x49: {  	_ =	shalt  }
0x4a: {  	_ =	shalt  }
0x4b: {  	_ =	shalt  }
0x4c: {  	_ =	shalt  }
0x4d: {  	_ =	shalt  }
0x4e: {  	_ =	shalt  }
0x4f: {  	_ =	shalt  }
0x50: {  	_ =	shalt  }
0x51: {  	_ =	shalt  }
0x52: {  	_ =	shalt  }
0x53: {  	_ =	shalt  }
0x54: {  	_ =	shalt  }
0x55: {  	_ =	shalt  }
0x56: {  	_ =	shalt  }
0x57: {  	_ =	shalt  }
0x58: {  	_ =	shalt  }
0x59: {  	_ =	shalt  }
0x5a: {  	_ =	shalt  }
0x5b: {  	_ =	shalt  }
0x5c: {  	_ =	shalt  }
0x5d: {  	_ =	shalt  }
0x5e: {  	_ =	shalt  }
0x5f: {  	_ =	shalt  }
0x60: {  	_ =	shalt  }
0x61: {  	_ =	shalt  }
0x62: {  	_ =	shalt  }
0x63: {  	_ =	shalt  }
0x64: {  	_ =	shalt  }
0x65: {  	_ =	shalt  }
0x66: {  	_ =	shalt  }
0x67: {  	_ =	shalt  }
0x68: {  	_ =	shalt  }
0x69: {  	_ =	shalt  }
0x6a: {  	_ =	shalt  }
0x6b: {  	_ =	shalt  }
0x6c: {  	_ =	shalt  }
0x6d: {  	_ =	shalt  }
0x6e: {  	_ =	shalt  }
0x6f: {  	_ =	shalt  }
0x70: {  	_ =	shalt  }
0x71: {  	_ =	shalt  }
0x72: {  	_ =	shalt  }
0x73: {  	_ =	shalt  }
0x74: {  	_ =	shalt  }
0x75: {  	_ =	shalt  }
0x76: {  	_ =	shalt  }
0x77: {  	_ =	shalt  }
0x78: {  	_ =	shalt  }
0x79: {  	_ =	shalt  }
0x7a: {  	_ =	shalt  }
0x7b: {  	_ =	shalt  }
0x7c: {  	_ =	shalt  }
0x7d: {  	_ =	shalt  }
0x7e: {  	_ =	shalt  }
0x7f: {  	_ =	shalt  }
0x80: {  	_ =	shalt  }
0x81: {  	_ =	shalt  }
0x82: {  	_ =	shalt  }
0x83: {  	_ =	shalt  }
0x84: {  	_ =	shalt  }
0x85: {  	_ =	shalt  }
0x86: {  	_ =	shalt  }
0x87: {  	_ =	shalt  }
.Lfunc_end0:
.L_simem_size_0:
called_computation.1_lowered:
.L_overlay_start_0:
0x88: {  	s2 =	sld [smem:$0x3FD9]  }
0x89: {  	s3 =	sld [smem:$0x3FFE];
	_ =	sdelay $0x1  }
0x8a: {  	s1 =	srdreg.scid  }
0x8b: {  	s0 =	sand.u32 $0x1, s1  }
0x8c: {  	s17 =	sshll.u32 s0, $0xA;
	s2 =	sadd.s32 s3, s2  }
0x8d: {  	s2 =	sadd.s32 s2, s17  }
0x8e: {  	[smem:$0x3FC3] =	sst s2  }
0x8f: {  	_ = 	snop  }
0x90: {  	s2 =	sld [smem:$0x3FD0];
	(tm) =	ssettm $0x1  }
0x91: {  	s18 =	sld [smem:$0x3FFB];
	_ =	sdelay $0x3  }
0x92: {  	_ =	strace s18  }
0x93: {  	s3 =	sld [smem:$0x3FFC];
	_ =	sdelay $0x3  }
0x94: {  	_ =	strace s3  }
0x95: {  	s3 =	sld [smem:$0x3FFD];
	_ =	sdelay $0x3  }
0x96: {  	_ =	strace s3  }
0x97: {  	_ =	strace $0x8FFFFFFF  }
0x98: {  	s19 =	sld [smem:$0x3FDB];
	_ =	sdelay $0x1  }
0x99: {  	s4 =	simm.s32 $_scs_section_size  }
0x9a: {  	s5 =	simm.s32 $_size__tile_overlayer_lowered;
	s6 =	simm.s32 $_tile_overlayer_lowered  }
0x9b: {  	s22 =	simm.s32 $0x1BFF;
	s21 =	sshll.u32 s6, $0x1;
	s3 =	sadd.s32 s4, s19  }
0x9c: {  	s7 =	simm.s32 $0x0;
	s20 =	sshll.u32 s5, $0x1;
	s5 =	sadd.s32 s21, s3  }
0x9d: {  	[timem:s7], [sflag:s22] =	dma.local [hbm:s5], s20  }
0x9e: {  	_ =	swait.ge [sflag:s22], s20  }
0x9f: {  	s4 =	ssub.s32 $0x0, s20;
	[sflag:s22] =	ssyncset.done $0x0  }
0xa0: {  	[sflag:s22] =	ssyncadd.s32 s4;
	_ =	sdelay $0x1  }
0xa1: {  	s23 =	simm.s32 $0x1B8B  }
0xa2: {  	_ =	swait.ge [sflag:s23], $0x1  }
0xa3: {  	[sflag:s23] =	ssyncset.done $0x0  }
0xa4: {  	s25 =	simm.s32 $0x1B8E;
	s24 =	sld [smem:$0x3FFE];
	[sflag:s23] =	ssyncadd.s32 $0xFFFFFFFF  }
0xa5: {  	s26 =	simm.s32 $execute0_lowered;
	[smem:$0x3FD2] =	sst s25  }
0xa6: {  	s5 =	sshll.u32 s26, $0x1;
	_ =	strace $0x80000046;
	[dreg:$0x1] =	wrdreg $0xFFFFFFFF  }
0xa7: {  	s28 =	simm.s32 $_size_execute0_lowered;
	s3 =	sadd.s32 s3, s5;
	[dreg:$0x0] =	wrdreg $0x0  }
0xa8: {  	s5 =	sshll.u32 s28, $0x1;
	[dreg:$0x2] =	wrdreg s3  }
0xa9: {  	[dreg:$0x3] =	wrdreg s5  }
0xaa: {  	[dreg:$0x4] =	wrdreg $0xC0  }
0xab: {  	_ =	task [dreg:s7], $0x5FFFF  }
0xac: {  	[dreg:$0x1] =	wrdreg $0xFFFFFFFF  }
0xad: {  	[dreg:$0x0] =	wrdreg $0x60  }
0xae: {  	[dreg:$0x2] =	wrdreg s24  }
0xaf: {  	[dreg:$0x3] =	wrdreg s2  }
0xb0: {  	[dreg:$0x4] =	wrdreg $0x9  }
0xb1: {  	_ =	task.clear_ibuf [dreg:s7], $0x5FFFF;
	_ =	strace $0x90000046  }
0xb2: {  	s29 =	simm.s32 $0x9;
	_ =	strace $0x80000048  }
0xb3: {  	_ =	swait.ge [sflag:s29], $0x1  }
0xb4: {  	[sflag:s29] =	ssyncadd.s32 $0xFFFFFFFF  }
0xb5: {  	_ =	strace $0x90000048  }
0xb6: {  	_ =	sfence  }
0xb7: {  	s30 =	sld [smem:$0x0];
	_ =	sdelay $0x2  }
0xb8: {  	s31 =	sshll.u32 s1, $0xD;
	s1 =	sshrl.u32 s1, $0x2  }
0xb9: {  	s3 =	sand.u32 $0x4000, s31;
	s1 =	sadd.s32 s1, s30  }
0xba: {  	s0 =	sor.u32 s3, s0;
	s1 =	sshll.u32 s1, $0x11  }
0xbb: {  	s0 =	sor.u32 s1, s0  }
0xbc: {  	s0 =	sadd.s32 $0x8F2B, s0  }
0xbd: {  	[sflag:s0] =	ssyncadd.remote.s32 $0x1  }
0xbe: {  	_ =	sfence.sel $0xFFFF  }
0xbf: {  	[dreg:$0x0] =	wrdreg $0xFFFFFFFF;
	(pc) =	sbr.abs _section_cstart, $3  }
0xc0: {  	[dreg:$0x1] =	wrdreg $0xFFFFFFFF  }
0xc1: {  	_ =	task.clear_ibuf [dreg:s7], $0x2FFFF;
	_ =	strace $0x9FFFFFFF  }
0xc2: {  	(tm) =	ssettm $0x7FFFFFFF  }
0xc3: {  	_ =	shalt  }
tec
execute0_lowered:
.L_overlay_start_1:
0x0: {  	(tag) =	ssettag $0x1  }
0x1: {  	s0 =	rddreg [dreg:$0x0];
	s1 =	srdreg.scid  }
0x2: {  	s3 =	stileid.u32;
	s2 =	rddreg [dreg:$0x1]  }
0x3: {  	s16 =	simm.s32 $0x6800;
	s17 =	simm.s32 $0x9C00;
	s18 =	simm.s32 $0x80  }
0x4: {  	s26 =	simm.s32 $0x1;
	s29 =	simm.s32 $0x2;
	s31 =	simm.s32 $0x3  }
0x5: {  	s11 =	simm.s32 $0x1B000;
	s1 =	sand.u32 $0x1, s1;
	s4 =	sshll.u32 s3, $0x1  }
0x6: {  	s3 =	simm.s32 $0x0;
	s8 =	sadd.s32 $0x1B000, s0;
	s5 =	sor.u32 s1, s4  }
0x7: {  	[smem:$0x7FF] =	sst s3;
	s1 =	ssub.s32 $0x2, s1;
	s4 =	sshll.u32 s5, $0x6  }
0x8: {  	_ =	strace $0x80000047;
	s6 =	sadd.s32 s4, s0;
	s4 =	sadd.s32 $0xF43600, s0  }
.Ltmp0:
0x9: {  	[dreg:$0x3] =	wrdreg s8;
	s0 =	sadd.s32 $0x16E4800, s0;
	(pc) =	sbr.rel .LBB2_1-.Ltmp0, $4  }
0xa: {  	s7 =	sshrl.u32 s1, $0x1;
	s28 =	sadd.s32 $0xE000, s6;
	[dreg:$0x6] =	wrdreg s0  }
0xb: {  	s1 =	ssub.s32 s1, s7;
	s6 =	sadd.s32 $0x1000, s6;
	[dreg:$0x4] =	wrdreg s28  }
0xc: {  	v0 =	vlaneseq.u32;
	s9 =	smul.u32 $0xD0000, s5;
	s30 =	smax.u32 s1, $0x1;
	[dreg:$0x5] =	wrdreg s6  }
0xd: {  	v0 =	vmul.u32 $0x1A, v0;
	s0 =	simm.s32 $0x4;
	[dreg:$0x7] =	wrdreg s30;
	s6 =	simm.s32 $0x0  }
.LBB2_16:
0xe: {  	s1 =	simm.s32 $0x5  }
0xf: {  	_ =	swait.ge [sflag:s1], $0x2000  }
0x10: {  	[sflag:s1] =	ssyncset.done $0x0  }
0x11: {  	s25 =	simm.s32 $0x6;
	[sflag:s1] =	ssyncadd.s32 $0xFFFFE000  }
0x12: {  	_ =	swait.ge [sflag:s25], $0x2000  }
0x13: {  	[sflag:s25] =	ssyncset.done $0x0  }
0x14: {  	s28 =	simm.s32 $0x7;
	[sflag:s25] =	ssyncadd.s32 $0xFFFFE000  }
0x15: {  	_ =	swait.ge [sflag:s28], $0x2000  }
0x16: {  	[sflag:s28] =	ssyncset.done $0x0  }
0x17: {  	s5 =	simm.s32 $0x8;
	[sflag:s28] =	ssyncadd.s32 $0xFFFFE000  }
0x18: {  	_ =	swait.ge [sflag:s5], $0x2000  }
0x19: {  	s6 =	rddreg [dreg:$0x8]  }
0x1a: {  	s30 =	rddreg [dreg:$0x7];
	s6 =	sadd.s32 $0x1, s6  }
0x1b: {  	p0 =	sne.s32 s6, s30  }
.Ltmp1:
0x1c: {  	_ = 	snop;
	(pc) =	sbr.rel @!p0 .LBB2_17-.Ltmp1, $3  }
0x1d: {  	_ =	sdelay $0x1  }
0x1e: {  	[sflag:s5] =	ssyncset.done $0x0  }
0x1f: {  	[sflag:s5] =	ssyncadd.s32 $0xFFFFE000  }
.LBB2_1:
0x20: {  	[dreg:$0x8] =	wrdreg s6  }
0x21: {  	s1 =	rddreg [dreg:$0x3];
	s5 =	simm.s32 $0x1D000;
	s23 =	simm.s32 $0x9  }
0x22: {  	[tilespmem:s5], [sflag:$0x9] =	stream.linear.gather [hbm4b:s1+s3], $0x80, $0x38;
	[tilespmem:$0x1D0C0] =	vst v63  }
0x23: {  	_ =	swait.ge [sflag:s23], $0x80  }
0x24: {  	s7 =	simm.s32 $0x200;
	[sflag:s23] =	ssyncset.done $0x0  }
0x25: {  	s8 =	simm.s32 $0x4000;
	s24 =	rddreg [dreg:$0x4];
	[sflag:s23] =	ssyncadd.s32 $0xFFFFFF80  }
0x26: {  	[tilespmem:s3], [sflag:$0x9] =	stream.strided.gather [hbm4b:s24+s7], $0x3400, s8, s7, $0x38;
	[tilespmem:$0x1D0C0] =	vst v63  }
0x27: {  	_ =	swait.ge [sflag:s23], $0x3400  }
0x28: {  	[sflag:s23] =	ssyncset.done $0x0  }
0x29: {  	s5 =	simm.s32 $0x3400;
	s25 =	rddreg [dreg:$0x5];
	[sflag:s23] =	ssyncadd.s32 $0xFFFFCC00  }
0x2a: {  	[tilespmem:s5], [sflag:$0x9] =	stream.strided.gather [hbm4b:s25+s7], $0x3400, s8, s7, $0x38;
	[tilespmem:$0x1D0C0] =	vst v63  }
0x2b: {  	_ =	swait.ge [sflag:s23], $0x3400  }
0x2c: {  	[sflag:s23] =	ssyncset.done $0x0  }
0x2d: {  	s30 =	simm.s32 $0x1D080;
	s28 =	rddreg [dreg:$0x6];
	[sflag:s23] =	ssyncadd.s32 $0xFFFFCC00  }
0x2e: {  	[tilespmem:s30], [sflag:$0x9] =	stream.linear.gather [hbm4b:s28+s3], $0x40, $0x38;
	[tilespmem:$0x1D0C0] =	vst v63  }
0x2f: {  	_ =	swait.ge [sflag:s23], $0x40  }
0x30: {  	[sflag:s23] =	ssyncset.done $0x0  }
0x31: {  	[sflag:s23] =	ssyncadd.s32 $0xFFFFFFC0  }
0x32: {  	v1 =	vld [tilespmem:$0x1D000]  }
0x33: {  	v2 =	vld [tilespmem:$0x1D010]  }
0x34: {  	v3 =	vld [tilespmem:$0x1D020]  }
0x35: {  	v4 =	vld [tilespmem:$0x1D030]  }
0x36: {  	v5 =	vld [tilespmem:$0x1D040]  }
0x37: {  	v6 =	vld [tilespmem:$0x1D050]  }
0x38: {  	v7 =	vld [tilespmem:$0x1D060]  }
0x39: {  	v8 =	vld [tilespmem:$0x1D070]  }
0x3a: {  	v9 =	vld [tilespmem:$0x1D080]  }
0x3b: {  	v10 =	vld [tilespmem:$0x1D090]  }
0x3c: {  	v11 =	vld [tilespmem:$0x1D0A0]  }
0x3d: {  	s6 =	simm.s32 $0x0;
	s7 =	simm.s32 $0x0;
	v12 =	vld [tilespmem:$0x1D0B0]  }
.LBB2_2:
0x3e: {  	s8 =	simm.s32 $0x0  }
0x3f: {  	v13 =	vmov s8  }
0x40: {  	v14 =	vmul.u32 $0x1A, v13  }
0x41: {  	v13 =	vmov s7  }
0x42: {  	v14 =	vadd.s32 v13, v14  }
0x43: {  	v14 =	vbroadcast v14, $0x0;
	_ =	sdelay $0x1  }
0x44: {  	v15 =	vld [tilespmem:s6+$0x0];
	v14 =	vadd.s32 v0, v14;
	_ =	sdelay $0x4  }
0x45: {  	s30 =	simm.s32 $0x10;
	[tilespmem:v14+s16+$0x0] =	vst.idx.msk $0xffff, v15  }
0x46: {  	s12 =	simm.s32 $0x20;
	s10 =	smov.u32 s6;
	v16 =	vmov s30;
	s8 =	smov.u32 s5;
	v15 =	vld [tilespmem:s5+$0x0]  }
.LBB2_3:
0x47: {  	p0 =	sne.s32 s12, $0x1F0;
	v16 =	vmul.u32 $0x1A, v16;
	_ =	sdelay $0x1  }
0x48: {  	v16 =	vadd.s32 v13, v16  }
0x49: {  	v16 =	vbroadcast v16, $0x0  }
0x4a: {  	s10 =	sadd.s32 $0x10, s10;
	[tilespmem:v14+s17+$0x0] =	vst.idx.msk $0xffff, v15  }
0x4b: {  	v14 =	vadd.s32 v0, v16;
	v15 =	vld [tilespmem:s10+$0x0];
	_ =	sdelay $0x1  }
.Ltmp2:
0x4c: {  	(pc) =	sbr.rel @p0 .LBB2_3-.Ltmp2, $3  }
0x4d: {  	_ =	sdelay $0x1  }
0x4e: {  	s8 =	sadd.s32 $0x10, s8;
	[tilespmem:v14+s16+$0x0] =	vst.idx.msk $0xffff, v15  }
0x4f: {  	v16 =	vmov s12;
	s12 =	sadd.s32 $0x10, s12;
	v15 =	vld [tilespmem:s8+$0x0]  }
0x50: {  	v16 =	vmul.u32 $0x1A, v16;
	_ =	sdelay $0x1  }
0x51: {  	v13 =	vadd.s32 v13, v16  }
0x52: {  	v13 =	vbroadcast v13, $0x0  }
0x53: {  	s10 =	sadd.s32 $0x10, s10;
	[tilespmem:v14+s17+$0x0] =	vst.idx.msk $0xffff, v15  }
0x54: {  	v13 =	vadd.s32 v0, v13;
	v14 =	vld [tilespmem:s10+$0x0];
	_ =	sdelay $0x4  }
0x55: {  	s8 =	sadd.s32 $0x10, s8;
	s7 =	sadd.s32 $0x1, s7;
	[tilespmem:v13+s16+$0x0] =	vst.idx.msk $0xffff, v14  }
0x56: {  	p0 =	sne.s32 s7, $0x1A;
	v14 =	vld [tilespmem:s8+$0x0]  }
.Ltmp3:
0x57: {  	_ = 	snop;
	(pc) =	sbr.rel @p0 .LBB2_2-.Ltmp3, $2  }
0x58: {  	_ =	sdelay $0x2  }
0x59: {  	s6 =	sadd.s32 $0x200, s6;
	s5 =	sadd.s32 $0x200, s5;
	[tilespmem:v13+s17+$0x0] =	vst.idx.msk $0xffff, v14  }
0x5a: {  	v13 =	vmul.f32 v9, v9;
	v14 =	vmul.f32 v10, v10  }
0x5b: {  	v15 =	vmul.f32 v11, v11;
	v16 =	vmul.f32 v12, v12  }
0x5c: {  	v17 =	vadd.f32 v10, v9;
	v18 =	vadd.f32 v12, v11  }
0x5d: {  	v13 =	vadd.f32 v14, v13;
	v14 =	vadd.f32 v16, v15  }
0x5e: {  	v15 =	vadd.f32 v18, v17  }
0x5f: {  	v13 =	vadd.f32 v14, v13  }
0x60: {  	(xrf2) =	vadd.scan.msk.f32 $0xffff, v15  }
0x61: {  	(xrf2) =	vadd.scan.msk.f32 $0xffff, v13;
	_ =	sdelay $0x8  }
0x62: {  	v13, _, _ =	vpop (xrf2)  }
0x63: {  	(v2sf) =	vpush v13, $0xF;
	v13, _, _ =	vpop (xrf2)  }
0x64: {  	(v2sf) =	vpush v13, $0xF;
	_ =	sdelay $0xd  }
0x65: {  	s5 =	spop (v2sf)  }
0x66: {  	s5 =	smul.f32 $1.562500000e-02, s5;
	s6 =	spop (v2sf)  }
0x67: {  	s6 =	smul.f32 $1.562500000e-02, s6  }
0x68: {  	s7 =	smul.f32 s5, s5;
	_ =	sdelay $0x1  }
0x69: {  	s6 =	ssub.f32 s6, s7;
	_ =	sdelay $0x1  }
0x6a: {  	s6 =	sadd.f32 $9.999999740e-06, s6;
	_ =	sdelay $0x1  }
0x6b: {  	v13 =	vmov s6  }
0x6c: {  	v14 =	vshra.s32 v13, $0x1;
	v13 =	vmul.f32 $5.000000000e-01, v13  }
0x6d: {  	v14 =	vsub.s32 $0x5F3759DF, v14  }
0x6e: {  	v15 =	vmul.f32 v14, v13;
	_ =	sdelay $0x1  }
0x6f: {  	v15 =	vmul.f32 v14, v15;
	_ =	sdelay $0x1  }
0x70: {  	v15 =	vsub.f32 $1.500000000e+00, v15;
	_ =	sdelay $0x1  }
0x71: {  	v14 =	vmul.f32 v14, v15;
	_ =	sdelay $0x1  }
0x72: {  	v13 =	vmul.f32 v14, v13;
	_ =	sdelay $0x1  }
0x73: {  	v13 =	vmul.f32 v13, v14;
	_ =	sdelay $0x1  }
0x74: {  	v13 =	vsub.f32 $1.500000000e+00, v13  }
0x75: {  	v15 =	vmov s5  }
0x76: {  	s1 =	simm.s32 $0xD000;
	s22 =	simm.s32 $0x6880;
	v9 =	vsub.f32 v9, v15;
	v10 =	vsub.f32 v10, v15;
	v13 =	vmul.f32 v13, v14  }
0x77: {  	[tilespmem:s1], [sflag:$0x1] =	stream.indirect.gather [hbm4b:s4+s18], $0x40, s16, s18, $0xb8;
	v11 =	vsub.f32 v11, v15;
	v12 =	vsub.f32 v12, v15;
	[tilespmem:$0x1D0C0] =	vst v63  }
0x78: {  	s23 =	simm.s32 $0xF000;
	s24 =	simm.s32 $0x6900;
	s25 =	simm.s32 $0x11000;
	v9 =	vmul.f32 v13, v9;
	v10 =	vmul.f32 v13, v10  }
0x79: {  	[tilespmem:s23], [sflag:$0x2] =	stream.indirect.gather [hbm4b:s4+s18], $0x40, s22, s18, $0xb8;
	v11 =	vmul.f32 v13, v11;
	v12 =	vmul.f32 v13, v12;
	[tilespmem:$0x1D0C0] =	vst v63  }
0x7a: {  	s28 =	simm.s32 $0x6980;
	s30 =	simm.s32 $0x13000;
	s13 =	simm.s32 $0x180;
	v9 =	vmul.f32 v9, v1;
	v10 =	vmul.f32 v10, v2  }
0x7b: {  	[tilespmem:s25], [sflag:$0x3] =	stream.indirect.gather [hbm4b:s4+s18], $0x40, s24, s18, $0xb8;
	v11 =	vmul.f32 v11, v3;
	v12 =	vmul.f32 v12, v4;
	[tilespmem:$0x1D0C0] =	vst v63  }
0x7c: {  	s14 =	simm.s32 $0x0;
	s23 =	simm.s32 $0x0;
	s24 =	simm.s32 $0x100;
	v9 =	vadd.f32 v9, v5;
	v10 =	vadd.f32 v10, v6  }
0x7d: {  	[tilespmem:s30], [sflag:$0x4] =	stream.indirect.gather [hbm4b:s4+s18], $0x40, s28, s18, $0xb8;
	v11 =	vadd.f32 v11, v7;
	v12 =	vadd.f32 v12, v8;
	[tilespmem:$0x1D0C0] =	vst v63  }
.LBB2_6:
0x7e: {  	_ =	swait.ge [sflag:s26], $0x2000  }
0x7f: {  	p1 =	seq.s32 s14, $0x0;
	[sflag:s26] =	ssyncset.done $0x0  }
0x80: {  	s5 =	simm.s32 @!p1 $0x5;
	[sflag:s26] =	ssyncadd.s32 $0xFFFFE000  }
0x81: {  	_ =	swait.ge @!p1 [sflag:s5], $0x2000  }
0x82: {  	[sflag:s5] =	ssyncset.done @!p1 $0x0  }
0x83: {  	s6 =	simm.s32 $0xD080;
	[sflag:s5] =	ssyncadd.s32 @!p1 $0xFFFFE000  }
0x84: {  	v13 =	vld [tilespmem:s6+$0xFFFFFF80]  }
0x85: {  	v14 =	vld [tilespmem:s6+$0xFFFFFFB0]  }
0x86: {  	v15 =	vld [tilespmem:s6+$0xFFFFFFA0]  }
0x87: {  	v16 =	vld [tilespmem:s6+$0xFFFFFF90];
	_ =	sdelay $0x3  }
0x88: {  	v17 =	vmul.f32 v14, v14  }
0x89: {  	v18 =	vadd.f32 v14, v15;
	v19 =	vmul.f32 v15, v15;
	v20 =	vadd.f32 v16, v13  }
0x8a: {  	v21 =	vmul.f32 v13, v13;
	v22 =	vmul.f32 v16, v16  }
0x8b: {  	v18 =	vadd.f32 v18, v20  }
0x8c: {  	v17 =	vadd.f32 v17, v19;
	v19 =	vadd.f32 v22, v21  }
0x8d: {  	(xrf2) =	vadd.scan.msk.f32 $0xffff, v18  }
0x8e: {  	v17 =	vadd.f32 v17, v19;
	_ =	sdelay $0x1  }
0x8f: {  	(xrf2) =	vadd.scan.msk.f32 $0xffff, v17;
	_ =	sdelay $0x6  }
0x90: {  	v17, _, _ =	vpop (xrf2)  }
0x91: {  	(v2sf) =	vpush v17, $0xF;
	_ =	sdelay $0x1  }
0x92: {  	v17, _, _ =	vpop (xrf2)  }
0x93: {  	(v2sf) =	vpush v17, $0xF;
	_ =	sdelay $0xb  }
0x94: {  	s30 =	spop (v2sf)  }
0x95: {  	s7 =	smul.f32 $1.562500000e-02, s30;
	_ =	sdelay $0x1  }
0x96: {  	s8 =	spop (v2sf);
	s5 =	smul.f32 s7, s7  }
0x97: {  	s8 =	smul.f32 $1.562500000e-02, s8;
	_ =	sdelay $0x1  }
0x98: {  	s5 =	ssub.f32 s8, s5;
	_ =	sdelay $0x1  }
0x99: {  	s5 =	sadd.f32 $9.999999740e-06, s5;
	_ =	sdelay $0x1  }
0x9a: {  	v17 =	vmov s5  }
0x9b: {  	v18 =	vshra.s32 v17, $0x1;
	v17 =	vmul.f32 $5.000000000e-01, v17  }
0x9c: {  	v18 =	vsub.s32 $0x5F3759DF, v18  }
0x9d: {  	v19 =	vmul.f32 v18, v17  }
0x9e: {  	s1 =	sadd.s32 $0x0, s23  }
0x9f: {  	v20 =	vmov s1;
	v19 =	vmul.f32 v18, v19  }
0xa0: {  	v20 =	vand.u32 $0xFFFFFFFC, v20  }
0xa1: {  	v20 =	vbroadcast v20, $0x0;
	v19 =	vsub.f32 $1.500000000e+00, v19;
	_ =	sdelay $0x1  }
0xa2: {  	v18 =	vmul.f32 v18, v19;
	_ =	sdelay $0x1  }
0xa3: {  	v17 =	vmul.f32 v18, v17;
	_ =	sdelay $0x1  }
0xa4: {  	v19 =	vld.idx.msk [tilespmem:v20+s17+$0x0], $0xffff;
	v17 =	vmul.f32 v17, v18;
	_ =	sdelay $0x1  }
0xa5: {  	v17 =	vsub.f32 $1.500000000e+00, v17;
	_ =	sdelay $0x1  }
0xa6: {  	v17 =	vmul.f32 v17, v18  }
0xa7: {  	vm0 =	veq.s32 v19, $0x0  }
0xa8: {  	v18 =	vmov s7;
	v17 =	vnsel vm0, $0x0, v17  }
0xa9: {  	v13 =	vsub.f32 v13, v18;
	v19 =	vmul.f32 v17, v1  }
0xaa: {  	v15 =	vsub.f32 v15, v18;
	v16 =	vsub.f32 v16, v18;
	v20 =	vmul.f32 v17, v2  }
0xab: {  	v14 =	vsub.f32 v14, v18;
	v57 =	vmul.f32 v17, v4;
	v13 =	vmul.f32 v19, v13  }
0xac: {  	v18 =	vsel vm0, v5, v9;
	v17 =	vmul.f32 v17, v3;
	v16 =	vmul.f32 v20, v16  }
0xad: {  	v14 =	vmul.f32 v57, v14;
	v13 =	vadd.f32 v13, v18;
	v18 =	vsel vm0, v6, v10  }
0xae: {  	s7 =	simm.s32 $0x15080;
	v15 =	vmul.f32 v17, v15;
	v17 =	vsel vm0, v8, v12;
	v16 =	vadd.f32 v16, v18  }
0xaf: {  	v18 =	vsel vm0, v7, v11;
	[tilespmem:s7+$0xFFFFFF80] =	vst v13;
	v13 =	vadd.f32 v14, v17  }
0xb0: {  	v14 =	vadd.f32 v15, v18;
	[tilespmem:s7+$0xFFFFFF90] =	vst v16  }
0xb1: {  	[tilespmem:s7+$0xFFFFFFB0] =	vst v13  }
0xb2: {  	[tilespmem:s7+$0xFFFFFFA0] =	vst v14  }
0xb3: {  	v13 =	vld [tilespmem:s6+$0xFFFFFFC0]  }
0xb4: {  	v14 =	vld [tilespmem:s6+$0xFFFFFFF0]  }
0xb5: {  	v15 =	vld [tilespmem:s6+$0xFFFFFFE0]  }
0xb6: {  	v16 =	vld [tilespmem:s6+$0xFFFFFFD0];
	_ =	sdelay $0x3  }
0xb7: {  	v17 =	vmul.f32 v14, v14  }
0xb8: {  	v18 =	vadd.f32 v14, v15;
	v19 =	vmul.f32 v15, v15;
	v20 =	vadd.f32 v16, v13  }
0xb9: {  	v58 =	vmul.f32 v13, v13;
	v59 =	vmul.f32 v16, v16  }
0xba: {  	v18 =	vadd.f32 v18, v20  }
0xbb: {  	v17 =	vadd.f32 v17, v19;
	v19 =	vadd.f32 v59, v58  }
0xbc: {  	(xrf2) =	vadd.scan.msk.f32 $0xffff, v18  }
0xbd: {  	v17 =	vadd.f32 v17, v19;
	_ =	sdelay $0x1  }
0xbe: {  	(xrf2) =	vadd.scan.msk.f32 $0xffff, v17;
	_ =	sdelay $0x6  }
0xbf: {  	v17, _, _ =	vpop (xrf2)  }
0xc0: {  	(v2sf) =	vpush v17, $0xF;
	_ =	sdelay $0x1  }
0xc1: {  	v17, _, _ =	vpop (xrf2)  }
0xc2: {  	(v2sf) =	vpush v17, $0xF;
	_ =	sdelay $0xb  }
0xc3: {  	s10 =	spop (v2sf)  }
0xc4: {  	s8 =	smul.f32 $1.562500000e-02, s10;
	_ =	sdelay $0x1  }
0xc5: {  	s12 =	spop (v2sf);
	s10 =	smul.f32 s8, s8  }
0xc6: {  	s12 =	smul.f32 $1.562500000e-02, s12;
	_ =	sdelay $0x1  }
0xc7: {  	s10 =	ssub.f32 s12, s10;
	_ =	sdelay $0x1  }
0xc8: {  	s10 =	sadd.f32 $9.999999740e-06, s10;
	_ =	sdelay $0x1  }
0xc9: {  	v17 =	vmov s10  }
0xca: {  	v18 =	vshra.s32 v17, $0x1;
	v17 =	vmul.f32 $5.000000000e-01, v17  }
0xcb: {  	v18 =	vsub.s32 $0x5F3759DF, v18  }
0xcc: {  	v19 =	vmul.f32 v18, v17  }
0xcd: {  	s12 =	sadd.s32 $0x1, s1  }
0xce: {  	v20 =	vmov s12;
	v19 =	vmul.f32 v18, v19  }
0xcf: {  	v20 =	vand.u32 $0xFFFFFFFD, v20  }
0xd0: {  	v20 =	vbroadcast v20, $0x0;
	v19 =	vsub.f32 $1.500000000e+00, v19;
	_ =	sdelay $0x1  }
0xd1: {  	v18 =	vmul.f32 v18, v19;
	_ =	sdelay $0x1  }
0xd2: {  	v17 =	vmul.f32 v18, v17;
	_ =	sdelay $0x1  }
0xd3: {  	v19 =	vld.idx.msk [tilespmem:v20+s17+$0x0], $0xffff;
	v17 =	vmul.f32 v17, v18;
	_ =	sdelay $0x1  }
0xd4: {  	v17 =	vsub.f32 $1.500000000e+00, v17;
	_ =	sdelay $0x1  }
0xd5: {  	v17 =	vmul.f32 v17, v18  }
0xd6: {  	vm14 =	veq.s32 v19, $0x0  }
0xd7: {  	v18 =	vmov s8;
	v17 =	vnsel vm14, $0x0, v17  }
0xd8: {  	v13 =	vsub.f32 v13, v18;
	v19 =	vmul.f32 v17, v1  }
0xd9: {  	v16 =	vsub.f32 v16, v18;
	v15 =	vsub.f32 v15, v18;
	v20 =	vmul.f32 v17, v2  }
0xda: {  	v14 =	vsub.f32 v14, v18;
	v18 =	vmul.f32 v17, v4;
	v13 =	vmul.f32 v19, v13  }
0xdb: {  	v17 =	vmul.f32 v17, v3;
	v19 =	vsel vm14, v5, v9;
	v16 =	vmul.f32 v20, v16  }
0xdc: {  	v20 =	vsel vm14, v6, v10;
	v14 =	vmul.f32 v18, v14;
	v13 =	vadd.f32 v13, v19  }
0xdd: {  	v18 =	vsel vm14, v8, v12;
	v15 =	vmul.f32 v17, v15;
	v16 =	vadd.f32 v16, v20  }
0xde: {  	v17 =	vsel vm14, v7, v11;
	v14 =	vadd.f32 v14, v18;
	[tilespmem:s7+$0xFFFFFFC0] =	vst v13  }
0xdf: {  	v13 =	vadd.f32 v15, v17;
	[tilespmem:s7+$0xFFFFFFD0] =	vst v16  }
0xe0: {  	[tilespmem:s7+$0xFFFFFFF0] =	vst v14  }
0xe1: {  	[tilespmem:s7+$0xFFFFFFE0] =	vst v13  }
0xe2: {  	v13 =	vld [tilespmem:s6+$0x20]  }
0xe3: {  	v14 =	vld [tilespmem:s6+$0x10]  }
0xe4: {  	v15 =	vld [tilespmem:s6+$0x0]  }
0xe5: {  	v16 =	vld [tilespmem:s6+$0x30];
	_ =	sdelay $0x3  }
0xe6: {  	v17 =	vmul.f32 v14, v14  }
0xe7: {  	v18 =	vadd.f32 v14, v15;
	v19 =	vmul.f32 v15, v15;
	v20 =	vadd.f32 v16, v13  }
0xe8: {  	v60 =	vmul.f32 v13, v13;
	v61 =	vmul.f32 v16, v16  }
0xe9: {  	v18 =	vadd.f32 v20, v18  }
0xea: {  	v17 =	vadd.f32 v17, v19;
	v19 =	vadd.f32 v61, v60  }
0xeb: {  	(xrf2) =	vadd.scan.msk.f32 $0xffff, v18  }
0xec: {  	v17 =	vadd.f32 v19, v17;
	_ =	sdelay $0x1  }
0xed: {  	(xrf2) =	vadd.scan.msk.f32 $0xffff, v17;
	_ =	sdelay $0x6  }
0xee: {  	v17, _, _ =	vpop (xrf2)  }
0xef: {  	(v2sf) =	vpush v17, $0xF;
	_ =	sdelay $0x1  }
0xf0: {  	v17, _, _ =	vpop (xrf2)  }
0xf1: {  	(v2sf) =	vpush v17, $0xF;
	_ =	sdelay $0xb  }
0xf2: {  	s15 =	spop (v2sf)  }
0xf3: {  	s8 =	smul.f32 $1.562500000e-02, s15;
	_ =	sdelay $0x1  }
0xf4: {  	s20 =	spop (v2sf);
	s19 =	smul.f32 s8, s8  }
0xf5: {  	s12 =	smul.f32 $1.562500000e-02, s20;
	_ =	sdelay $0x1  }
0xf6: {  	s10 =	ssub.f32 s12, s19;
	_ =	sdelay $0x1  }
0xf7: {  	s10 =	sadd.f32 $9.999999740e-06, s10;
	_ =	sdelay $0x1  }
0xf8: {  	v17 =	vmov s10  }
0xf9: {  	v18 =	vshra.s32 v17, $0x1;
	v17 =	vmul.f32 $5.000000000e-01, v17  }
0xfa: {  	v18 =	vsub.s32 $0x5F3759DF, v18  }
0xfb: {  	v19 =	vmul.f32 v18, v17  }
0xfc: {  	s21 =	sadd.s32 $0x2, s1  }
0xfd: {  	v20 =	vmov s21;
	v19 =	vmul.f32 v18, v19  }
0xfe: {  	v20 =	vand.u32 $0xFFFFFFFE, v20  }
0xff: {  	v20 =	vbroadcast v20, $0x0;
	v19 =	vsub.f32 $1.500000000e+00, v19;
	_ =	sdelay $0x1  }
0x100: {  	v18 =	vmul.f32 v18, v19;
	_ =	sdelay $0x1  }
0x101: {  	v17 =	vmul.f32 v18, v17;
	_ =	sdelay $0x1  }
0x102: {  	v19 =	vld.idx.msk [tilespmem:v20+s17+$0x0], $0xffff;
	v17 =	vmul.f32 v17, v18;
	_ =	sdelay $0x1  }
0x103: {  	v17 =	vsub.f32 $1.500000000e+00, v17;
	_ =	sdelay $0x1  }
0x104: {  	v17 =	vmul.f32 v17, v18  }
0x105: {  	vm15 =	veq.s32 v19, $0x0  }
0x106: {  	v18 =	vmov s8;
	v17 =	vnsel vm15, $0x0, v17  }
0x107: {  	v15 =	vsub.f32 v15, v18;
	v19 =	vmul.f32 v17, v1  }
0x108: {  	v14 =	vsub.f32 v14, v18;
	v16 =	vsub.f32 v16, v18;
	v20 =	vmul.f32 v17, v4  }
0x109: {  	v13 =	vsub.f32 v13, v18;
	v18 =	vmul.f32 v17, v2;
	v15 =	vmul.f32 v19, v15  }
0x10a: {  	v17 =	vmul.f32 v17, v3;
	v19 =	vsel vm15, v5, v9;
	v16 =	vmul.f32 v20, v16  }
0x10b: {  	v20 =	vsel vm15, v8, v12;
	v14 =	vmul.f32 v18, v14;
	v15 =	vadd.f32 v15, v19  }
0x10c: {  	v18 =	vsel vm15, v6, v10;
	v13 =	vmul.f32 v17, v13;
	v16 =	vadd.f32 v16, v20  }
0x10d: {  	v17 =	vsel vm15, v7, v11;
	v14 =	vadd.f32 v14, v18;
	[tilespmem:s7+$0x0] =	vst v15  }
0x10e: {  	v13 =	vadd.f32 v13, v17;
	[tilespmem:s7+$0x30] =	vst v16  }
0x10f: {  	[tilespmem:s7+$0x10] =	vst v14  }
0x110: {  	[tilespmem:s7+$0x20] =	vst v13  }
0x111: {  	v13 =	vld [tilespmem:s6+$0x50]  }
0x112: {  	v14 =	vld [tilespmem:s6+$0x60]  }
0x113: {  	v17 =	vld [tilespmem:s6+$0x70]  }
0x114: {  	v15 =	vld [tilespmem:s6+$0x40];
	_ =	sdelay $0x3  }
0x115: {  	v16 =	vmul.f32 v14, v14  }
0x116: {  	v18 =	vadd.f32 v17, v14;
	v19 =	vmul.f32 v17, v17;
	v20 =	vadd.f32 v13, v15  }
0x117: {  	v62 =	vmul.f32 v15, v15;
	v63 =	vmul.f32 v13, v13  }
0x118: {  	v18 =	vadd.f32 v18, v20  }
0x119: {  	v16 =	vadd.f32 v19, v16;
	v19 =	vadd.f32 v63, v62  }
0x11a: {  	(xrf2) =	vadd.scan.msk.f32 $0xffff, v18  }
0x11b: {  	v16 =	vadd.f32 v16, v19;
	_ =	sdelay $0x1  }
0x11c: {  	(xrf2) =	vadd.scan.msk.f32 $0xffff, v16;
	_ =	sdelay $0x6  }
0x11d: {  	v16, _, _ =	vpop (xrf2)  }
0x11e: {  	(v2sf) =	vpush v16, $0xF;
	_ =	sdelay $0x1  }
0x11f: {  	v16, _, _ =	vpop (xrf2)  }
0x120: {  	(v2sf) =	vpush v16, $0xF;
	_ =	sdelay $0xb  }
0x121: {  	s22 =	spop (v2sf)  }
0x122: {  	s8 =	smul.f32 $1.562500000e-02, s22;
	_ =	sdelay $0x1  }
0x123: {  	s28 =	spop (v2sf);
	s25 =	smul.f32 s8, s8  }
0x124: {  	s12 =	smul.f32 $1.562500000e-02, s28  }
0x125: {  	s5 =	sadd.s32 $0x3, s1  }
0x126: {  	v18 =	vmov s5;
	s30 =	ssub.f32 s12, s25;
	_ =	sdelay $0x1  }
0x127: {  	v19 =	vmov s8;
	s5 =	sadd.f32 $9.999999740e-06, s30  }
0x128: {  	v16 =	vsub.f32 v15, v19  }
0x129: {  	v14 =	vsub.f32 v14, v19;
	v15 =	vsub.f32 v13, v19;
	v20 =	vmov s5  }
0x12a: {  	s10 =	simm.s32 $0x4;
	s8 =	simm.s32 $0x15080;
	v13 =	vld.idx.msk [tilespmem:v18+s17+$0x0], $0xffff;
	v17 =	vsub.f32 v17, v19;
	s5 =	sshll.u32 s14, $0x2;
	v19 =	vshra.s32 v20, $0x1;
	v18 =	vmul.f32 $5.000000000e-01, v20  }
.LBB2_7:
0x12b: {  	p0 =	sne.s32 s10, $0x7C;
	s6 =	sadd.s32 $0x100, s6;
	s7 =	sadd.s32 $0x100, s7  }
0x12c: {  	s12 =	smov.u32 s10;
	s10 =	sadd.s32 $0x4, s10;
	_ =	sdelay $0x1  }
0x12d: {  	v19 =	vsub.s32 $0x5F3759DF, v19  }
0x12e: {  	v20 =	vmul.f32 v19, v18;
	_ =	sdelay $0x1  }
0x12f: {  	v20 =	vmul.f32 v19, v20;
	_ =	sdelay $0x1  }
0x130: {  	v20 =	vsub.f32 $1.500000000e+00, v20;
	_ =	sdelay $0x1  }
0x131: {  	v19 =	vmul.f32 v19, v20;
	_ =	sdelay $0x1  }
0x132: {  	v18 =	vmul.f32 v19, v18;
	_ =	sdelay $0x1  }
0x133: {  	v18 =	vmul.f32 v18, v19;
	_ =	sdelay $0x1  }
0x134: {  	v18 =	vsub.f32 $1.500000000e+00, v18;
	_ =	sdelay $0x1  }
0x135: {  	v18 =	vmul.f32 v18, v19  }
0x136: {  	vm0 =	veq.s32 v13, $0x0  }
0x137: {  	v13 =	vnsel vm0, $0x0, v18  }
0x138: {  	v18 =	vmul.f32 v13, v1;
	v19 =	vmul.f32 v13, v4  }
0x139: {  	v21 =	vsel vm0, v7, v11;
	v20 =	vmul.f32 v13, v2;
	v13 =	vmul.f32 v13, v3  }
0x13a: {  	v22 =	vsel vm0, v5, v9;
	v16 =	vmul.f32 v18, v16;
	v17 =	vmul.f32 v19, v17  }
0x13b: {  	v15 =	vmul.f32 v20, v15;
	v13 =	vmul.f32 v13, v14;
	v14 =	vsel vm0, v8, v12  }
0x13c: {  	v18 =	vsel vm0, v6, v10;
	v16 =	vadd.f32 v16, v22;
	v14 =	vadd.f32 v17, v14  }
0x13d: {  	v15 =	vadd.f32 v15, v18;
	v13 =	vadd.f32 v13, v21  }
0x13e: {  	[tilespmem:s8+$0x70] =	vst v14  }
0x13f: {  	[tilespmem:s8+$0x40] =	vst v16  }
0x140: {  	[tilespmem:s8+$0x50] =	vst v15  }
0x141: {  	[tilespmem:s8+$0x60] =	vst v13;
	s8 =	smov.u32 s7  }
0x142: {  	v15 =	vld [tilespmem:s6+$0xFFFFFF80]  }
0x143: {  	v16 =	vld [tilespmem:s6+$0xFFFFFFB0]  }
0x144: {  	v17 =	vld [tilespmem:s6+$0xFFFFFFA0]  }
0x145: {  	v18 =	vld [tilespmem:s6+$0xFFFFFF90];
	_ =	sdelay $0x2  }
0x146: {  	v13 =	vmul.f32 v16, v16  }
0x147: {  	v14 =	vadd.f32 v16, v17;
	v19 =	vmul.f32 v17, v17  }
0x148: {  	v21 =	vmul.f32 v15, v15;
	v20 =	vadd.f32 v18, v15;
	v22 =	vmul.f32 v18, v18  }
0x149: {  	v13 =	vadd.f32 v13, v19  }
0x14a: {  	v14 =	vadd.f32 v14, v20;
	v19 =	vadd.f32 v22, v21;
	_ =	sdelay $0x1  }
0x14b: {  	v13 =	vadd.f32 v13, v19;
	(xrf2) =	vadd.scan.msk.f32 $0xffff, v14;
	_ =	sdelay $0x2  }
0x14c: {  	(xrf2) =	vadd.scan.msk.f32 $0xffff, v13;
	_ =	sdelay $0x6  }
0x14d: {  	v13, _, _ =	vpop (xrf2)  }
0x14e: {  	(v2sf) =	vpush v13, $0xF;
	_ =	sdelay $0x1  }
0x14f: {  	v13, _, _ =	vpop (xrf2)  }
0x150: {  	(v2sf) =	vpush v13, $0xF;
	_ =	sdelay $0xb  }
0x151: {  	s15 =	spop (v2sf)  }
0x152: {  	s19 =	smul.f32 $1.562500000e-02, s15;
	_ =	sdelay $0x1  }
0x153: {  	s15 =	smul.f32 s19, s19;
	s20 =	spop (v2sf)  }
0x154: {  	s20 =	smul.f32 $1.562500000e-02, s20;
	_ =	sdelay $0x1  }
0x155: {  	s15 =	ssub.f32 s20, s15;
	_ =	sdelay $0x1  }
0x156: {  	s15 =	sadd.f32 $9.999999740e-06, s15;
	_ =	sdelay $0x1  }
0x157: {  	v13 =	vmov s15  }
0x158: {  	v14 =	vshra.s32 v13, $0x1;
	v19 =	vmul.f32 $5.000000000e-01, v13  }
0x159: {  	v20 =	vsub.s32 $0x5F3759DF, v14  }
0x15a: {  	s12 =	sadd.s32 s12, s23;
	v13 =	vmul.f32 v20, v19  }
0x15b: {  	s21 =	sadd.s32 $0x2, s12;
	s20 =	sadd.s32 $0x1, s12;
	s15 =	sadd.s32 $0x3, s12;
	v14 =	vmov s12  }
0x15c: {  	v21 =	vmov s20;
	v14 =	vand.u32 $0xFFFFFFFC, v14;
	v13 =	vmul.f32 v20, v13  }
0x15d: {  	v22 =	vbroadcast v14, $0x0;
	v14 =	vand.u32 $0xFFFFFFFD, v21;
	v21 =	vmov s21  }
0x15e: {  	v23 =	vsub.f32 $1.500000000e+00, v13;
	v13 =	vand.u32 $0xFFFFFFFE, v21;
	_ =	sdelay $0x1  }
0x15f: {  	v20 =	vmul.f32 v20, v23;
	_ =	sdelay $0x1  }
0x160: {  	v19 =	vmul.f32 v20, v19  }
0x161: {  	v21 =	vld.idx.msk [tilespmem:v22+s17+$0x0], $0xffff  }
0x162: {  	v19 =	vmul.f32 v19, v20;
	_ =	sdelay $0x1  }
0x163: {  	v19 =	vsub.f32 $1.500000000e+00, v19;
	_ =	sdelay $0x1  }
0x164: {  	v19 =	vmul.f32 v19, v20  }
0x165: {  	v20 =	vmov s19;
	vm0 =	veq.s32 v21, $0x0  }
0x166: {  	v15 =	vsub.f32 v15, v20;
	v17 =	vsub.f32 v17, v20;
	v19 =	vnsel vm0, $0x0, v19  }
0x167: {  	v18 =	vsub.f32 v18, v20;
	v21 =	vmul.f32 v19, v1;
	v22 =	vmul.f32 v19, v4  }
0x168: {  	v16 =	vsub.f32 v16, v20;
	v23 =	vmul.f32 v19, v2;
	v19 =	vmul.f32 v19, v3  }
0x169: {  	v20 =	vsel vm0, v5, v9;
	v15 =	vmul.f32 v21, v15  }
0x16a: {  	v18 =	vmul.f32 v23, v18;
	v17 =	vmul.f32 v19, v17  }
0x16b: {  	v19 =	vsel vm0, v6, v10;
	v15 =	vadd.f32 v15, v20;
	v20 =	vsel vm0, v7, v11  }
0x16c: {  	v16 =	vmul.f32 v22, v16;
	v18 =	vadd.f32 v18, v19;
	v17 =	vadd.f32 v17, v20  }
0x16d: {  	v19 =	vsel vm0, v8, v12  }
0x16e: {  	[tilespmem:s7+$0xFFFFFF80] =	vst v15;
	v15 =	vadd.f32 v16, v19  }
0x16f: {  	[tilespmem:s7+$0xFFFFFF90] =	vst v18  }
0x170: {  	[tilespmem:s7+$0xFFFFFFB0] =	vst v15  }
0x171: {  	[tilespmem:s7+$0xFFFFFFA0] =	vst v17  }
0x172: {  	v15 =	vld [tilespmem:s6+$0xFFFFFFC0]  }
0x173: {  	v16 =	vld [tilespmem:s6+$0xFFFFFFF0]  }
0x174: {  	v17 =	vld [tilespmem:s6+$0xFFFFFFE0]  }
0x175: {  	v18 =	vld [tilespmem:s6+$0xFFFFFFD0];
	_ =	sdelay $0x2  }
0x176: {  	v19 =	vmul.f32 v16, v16  }
0x177: {  	v20 =	vadd.f32 v16, v17;
	v21 =	vmul.f32 v17, v17  }
0x178: {  	v23 =	vmul.f32 v15, v15;
	v22 =	vadd.f32 v18, v15;
	v24 =	vmul.f32 v18, v18  }
0x179: {  	v19 =	vadd.f32 v19, v21  }
0x17a: {  	v20 =	vadd.f32 v20, v22;
	v21 =	vadd.f32 v24, v23;
	_ =	sdelay $0x1  }
0x17b: {  	v19 =	vadd.f32 v19, v21;
	(xrf2) =	vadd.scan.msk.f32 $0xffff, v20;
	_ =	sdelay $0x2  }
0x17c: {  	(xrf2) =	vadd.scan.msk.f32 $0xffff, v19;
	_ =	sdelay $0x6  }
0x17d: {  	v19, _, _ =	vpop (xrf2)  }
0x17e: {  	(v2sf) =	vpush v19, $0xF;
	_ =	sdelay $0x1  }
0x17f: {  	v19, _, _ =	vpop (xrf2)  }
0x180: {  	(v2sf) =	vpush v19, $0xF;
	_ =	sdelay $0xb  }
0x181: {  	s12 =	spop (v2sf)  }
0x182: {  	s12 =	smul.f32 $1.562500000e-02, s12;
	_ =	sdelay $0x1  }
0x183: {  	s19 =	smul.f32 s12, s12;
	v19 =	vmov s12;
	s12 =	spop (v2sf)  }
0x184: {  	s12 =	smul.f32 $1.562500000e-02, s12;
	v15 =	vsub.f32 v15, v19;
	v18 =	vsub.f32 v18, v19  }
0x185: {  	v17 =	vsub.f32 v17, v19;
	v16 =	vsub.f32 v16, v19  }
0x186: {  	s12 =	ssub.f32 s12, s19;
	_ =	sdelay $0x1  }
0x187: {  	s12 =	sadd.f32 $9.999999740e-06, s12;
	_ =	sdelay $0x1  }
0x188: {  	v19 =	vmov s12  }
0x189: {  	v20 =	vshra.s32 v19, $0x1;
	v19 =	vmul.f32 $5.000000000e-01, v19  }
0x18a: {  	v20 =	vsub.s32 $0x5F3759DF, v20  }
0x18b: {  	v21 =	vmul.f32 v20, v19;
	_ =	sdelay $0x1  }
0x18c: {  	v21 =	vmul.f32 v20, v21  }
0x18d: {  	v14 =	vbroadcast v14, $0x0  }
0x18e: {  	v21 =	vsub.f32 $1.500000000e+00, v21;
	_ =	sdelay $0x1  }
0x18f: {  	v20 =	vmul.f32 v20, v21;
	_ =	sdelay $0x1  }
0x190: {  	v19 =	vmul.f32 v20, v19  }
0x191: {  	v14 =	vld.idx.msk [tilespmem:v14+s17+$0x0], $0xffff  }
0x192: {  	v19 =	vmul.f32 v19, v20;
	_ =	sdelay $0x1  }
0x193: {  	v19 =	vsub.f32 $1.500000000e+00, v19;
	_ =	sdelay $0x1  }
0x194: {  	v19 =	vmul.f32 v19, v20  }
0x195: {  	vm0 =	veq.s32 v14, $0x0  }
0x196: {  	v14 =	vnsel vm0, $0x0, v19  }
0x197: {  	v19 =	vmul.f32 v14, v1;
	v20 =	vmul.f32 v14, v2  }
0x198: {  	v22 =	vsel vm0, v8, v12;
	v21 =	vmul.f32 v14, v3;
	v14 =	vmul.f32 v14, v4  }
0x199: {  	v23 =	vsel vm0, v5, v9;
	v15 =	vmul.f32 v19, v15;
	v18 =	vmul.f32 v20, v18  }
0x19a: {  	v19 =	vsel vm0, v6, v10;
	v17 =	vmul.f32 v21, v17;
	v14 =	vmul.f32 v14, v16  }
0x19b: {  	v15 =	vadd.f32 v15, v23;
	v16 =	vadd.f32 v18, v19;
	v18 =	vsel vm0, v7, v11  }
0x19c: {  	v14 =	vadd.f32 v14, v22;
	v17 =	vadd.f32 v17, v18  }
0x19d: {  	[tilespmem:s7+$0xFFFFFFC0] =	vst v15  }
0x19e: {  	[tilespmem:s7+$0xFFFFFFD0] =	vst v16  }
0x19f: {  	[tilespmem:s7+$0xFFFFFFF0] =	vst v14  }
0x1a0: {  	[tilespmem:s7+$0xFFFFFFE0] =	vst v17  }
0x1a1: {  	v14 =	vld [tilespmem:s6+$0x20]  }
0x1a2: {  	v15 =	vld [tilespmem:s6+$0x10]  }
0x1a3: {  	v16 =	vld [tilespmem:s6+$0x0];
	_ =	sdelay $0x1  }
0x1a4: {  	v17 =	vld [tilespmem:s6+$0x30];
	_ =	sdelay $0x1  }
0x1a5: {  	v18 =	vmul.f32 v15, v15  }
0x1a6: {  	v19 =	vadd.f32 v15, v16;
	v20 =	vmul.f32 v16, v16  }
0x1a7: {  	v21 =	vmul.f32 v14, v14  }
0x1a8: {  	v22 =	vadd.f32 v17, v14;
	v18 =	vadd.f32 v18, v20;
	v20 =	vmul.f32 v17, v17;
	_ =	sdelay $0x1  }
0x1a9: {  	v19 =	vadd.f32 v22, v19;
	v20 =	vadd.f32 v20, v21;
	_ =	sdelay $0x1  }
0x1aa: {  	v18 =	vadd.f32 v20, v18;
	(xrf2) =	vadd.scan.msk.f32 $0xffff, v19;
	_ =	sdelay $0x2  }
0x1ab: {  	(xrf2) =	vadd.scan.msk.f32 $0xffff, v18;
	_ =	sdelay $0x6  }
0x1ac: {  	v18, _, _ =	vpop (xrf2)  }
0x1ad: {  	(v2sf) =	vpush v18, $0xF;
	_ =	sdelay $0x1  }
0x1ae: {  	v18, _, _ =	vpop (xrf2)  }
0x1af: {  	(v2sf) =	vpush v18, $0xF;
	_ =	sdelay $0xb  }
0x1b0: {  	s12 =	spop (v2sf)  }
0x1b1: {  	s12 =	smul.f32 $1.562500000e-02, s12;
	_ =	sdelay $0x1  }
0x1b2: {  	s19 =	smul.f32 s12, s12;
	v18 =	vmov s12;
	s12 =	spop (v2sf)  }
0x1b3: {  	s12 =	smul.f32 $1.562500000e-02, s12;
	v16 =	vsub.f32 v16, v18;
	v15 =	vsub.f32 v15, v18  }
0x1b4: {  	v14 =	vsub.f32 v14, v18;
	v17 =	vsub.f32 v17, v18  }
0x1b5: {  	s12 =	ssub.f32 s12, s19;
	_ =	sdelay $0x1  }
0x1b6: {  	s12 =	sadd.f32 $9.999999740e-06, s12;
	_ =	sdelay $0x1  }
0x1b7: {  	v18 =	vmov s12  }
0x1b8: {  	v19 =	vshra.s32 v18, $0x1;
	v18 =	vmul.f32 $5.000000000e-01, v18  }
0x1b9: {  	v19 =	vsub.s32 $0x5F3759DF, v19  }
0x1ba: {  	v20 =	vmul.f32 v19, v18;
	_ =	sdelay $0x1  }
0x1bb: {  	v20 =	vmul.f32 v19, v20  }
0x1bc: {  	v13 =	vbroadcast v13, $0x0  }
0x1bd: {  	v20 =	vsub.f32 $1.500000000e+00, v20;
	_ =	sdelay $0x1  }
0x1be: {  	v19 =	vmul.f32 v19, v20;
	_ =	sdelay $0x1  }
0x1bf: {  	v18 =	vmul.f32 v19, v18  }
0x1c0: {  	v13 =	vld.idx.msk [tilespmem:v13+s17+$0x0], $0xffff  }
0x1c1: {  	v18 =	vmul.f32 v18, v19;
	_ =	sdelay $0x1  }
0x1c2: {  	v18 =	vsub.f32 $1.500000000e+00, v18;
	_ =	sdelay $0x1  }
0x1c3: {  	v18 =	vmul.f32 v18, v19  }
0x1c4: {  	vm0 =	veq.s32 v13, $0x0  }
0x1c5: {  	v13 =	vnsel vm0, $0x0, v18  }
0x1c6: {  	v18 =	vmul.f32 v13, v1;
	v19 =	vmul.f32 v13, v2  }
0x1c7: {  	v21 =	vsel vm0, v8, v12;
	v20 =	vmul.f32 v13, v3;
	v13 =	vmul.f32 v13, v4  }
0x1c8: {  	v16 =	vmul.f32 v18, v16;
	v18 =	vsel vm0, v6, v10;
	v15 =	vmul.f32 v19, v15  }
0x1c9: {  	v19 =	vsel vm0, v5, v9;
	v14 =	vmul.f32 v20, v14;
	v13 =	vmul.f32 v13, v17  }
0x1ca: {  	v17 =	vsel vm0, v7, v11;
	v16 =	vadd.f32 v16, v19;
	v15 =	vadd.f32 v15, v18  }
0x1cb: {  	v14 =	vadd.f32 v14, v17;
	v13 =	vadd.f32 v13, v21  }
0x1cc: {  	[tilespmem:s7+$0x0] =	vst v16  }
0x1cd: {  	[tilespmem:s7+$0x30] =	vst v13  }
0x1ce: {  	[tilespmem:s7+$0x10] =	vst v15  }
0x1cf: {  	v13 =	vmov s15;
	[tilespmem:s7+$0x20] =	vst v14  }
0x1d0: {  	v15 =	vld [tilespmem:s6+$0x50]  }
0x1d1: {  	v14 =	vld [tilespmem:s6+$0x60]  }
0x1d2: {  	v17 =	vld [tilespmem:s6+$0x70]  }
0x1d3: {  	v16 =	vld [tilespmem:s6+$0x40]  }
0x1d4: {  	v13 =	vld.idx.msk [tilespmem:v13+s17+$0x0], $0xffff;
	_ =	sdelay $0x1  }
0x1d5: {  	v18 =	vmul.f32 v14, v14  }
0x1d6: {  	v19 =	vadd.f32 v17, v14;
	v20 =	vmul.f32 v17, v17  }
0x1d7: {  	v23 =	vmul.f32 v15, v15;
	v21 =	vadd.f32 v15, v16;
	v22 =	vmul.f32 v16, v16  }
0x1d8: {  	v18 =	vadd.f32 v20, v18  }
0x1d9: {  	v19 =	vadd.f32 v19, v21;
	v20 =	vadd.f32 v23, v22;
	_ =	sdelay $0x1  }
0x1da: {  	v18 =	vadd.f32 v18, v20;
	(xrf2) =	vadd.scan.msk.f32 $0xffff, v19;
	_ =	sdelay $0x2  }
0x1db: {  	(xrf2) =	vadd.scan.msk.f32 $0xffff, v18;
	_ =	sdelay $0x6  }
0x1dc: {  	v18, _, _ =	vpop (xrf2)  }
0x1dd: {  	(v2sf) =	vpush v18, $0xF;
	_ =	sdelay $0x1  }
0x1de: {  	v18, _, _ =	vpop (xrf2)  }
0x1df: {  	(v2sf) =	vpush v18, $0xF;
	_ =	sdelay $0xb  }
0x1e0: {  	s12 =	spop (v2sf)  }
0x1e1: {  	s12 =	smul.f32 $1.562500000e-02, s12;
	_ =	sdelay $0x1  }
0x1e2: {  	s15 =	smul.f32 s12, s12;
	v18 =	vmov s12;
	s12 =	spop (v2sf)  }
0x1e3: {  	s12 =	smul.f32 $1.562500000e-02, s12;
	v16 =	vsub.f32 v16, v18;
	v14 =	vsub.f32 v14, v18  }
0x1e4: {  	v15 =	vsub.f32 v15, v18;
	v17 =	vsub.f32 v17, v18  }
0x1e5: {  	s12 =	ssub.f32 s12, s15  }
.Ltmp4:
0x1e6: {  	(pc) =	sbr.rel @p0 .LBB2_7-.Ltmp4, $3  }
0x1e7: {  	s12 =	sadd.f32 $9.999999740e-06, s12;
	_ =	sdelay $0x1  }
0x1e8: {  	v18 =	vmov s12  }
0x1e9: {  	v19 =	vshra.s32 v18, $0x1;
	v18 =	vmul.f32 $5.000000000e-01, v18  }
0x1ea: {  	v19 =	vsub.s32 $0x5F3759DF, v19  }
0x1eb: {  	v20 =	vmul.f32 v19, v18;
	_ =	sdelay $0x1  }
0x1ec: {  	v20 =	vmul.f32 v19, v20;
	_ =	sdelay $0x1  }
0x1ed: {  	v20 =	vsub.f32 $1.500000000e+00, v20;
	_ =	sdelay $0x1  }
0x1ee: {  	v19 =	vmul.f32 v19, v20;
	_ =	sdelay $0x1  }
0x1ef: {  	v18 =	vmul.f32 v19, v18;
	_ =	sdelay $0x1  }
0x1f0: {  	v18 =	vmul.f32 v18, v19;
	_ =	sdelay $0x1  }
0x1f1: {  	v18 =	vsub.f32 $1.500000000e+00, v18;
	_ =	sdelay $0x1  }
0x1f2: {  	v18 =	vmul.f32 v18, v19  }
0x1f3: {  	vm0 =	veq.s32 v13, $0x0  }
0x1f4: {  	v13 =	vnsel vm0, $0x0, v18  }
0x1f5: {  	v18 =	vmul.f32 v13, v4  }
0x1f6: {  	v19 =	vmul.f32 v13, v1  }
0x1f7: {  	v20 =	vmul.f32 v13, v2;
	v17 =	vmul.f32 v18, v17  }
0x1f8: {  	v13 =	vmul.f32 v13, v3;
	v16 =	vmul.f32 v19, v16;
	v18 =	vsel vm0, v8, v12  }
0x1f9: {  	v19 =	vsel vm0, v5, v9;
	v15 =	vmul.f32 v20, v15;
	v17 =	vadd.f32 v17, v18  }
0x1fa: {  	v13 =	vmul.f32 v13, v14;
	v14 =	vadd.f32 v16, v19;
	v16 =	vsel vm0, v6, v10  }
0x1fb: {  	s6 =	sshll.u32 s14, $0xF;
	v18 =	vsel vm0, v7, v11;
	v15 =	vadd.f32 v15, v16;
	[tilespmem:s8+$0x70] =	vst v17  }
0x1fc: {  	s6 =	sadd.s32 s9, s6;
	v13 =	vadd.f32 v13, v18;
	[tilespmem:s8+$0x40] =	vst v14  }
0x1fd: {  	s6 =	sshrl.u32 s6, $0x3;
	[tilespmem:s8+$0x50] =	vst v15  }
0x1fe: {  	s1 =	simm.s32 $0x15000;
	p0 =	seq.s32 s14, $0x19;
	s6 =	sadd.s32 s2, s6;
	[tilespmem:s8+$0x60] =	vst v13  }
0x1ff: {  	[hbm4b:s6+s3] =	stream.linear.scatter [tilespmem:s1], [sflag:$0x5], $0x2000, $0x38;
	[tilespmem:$0x1D0C0] =	vst v63  }
0x200: {  	s6 =	sshll.u32 @!p0 s14, $0x9  }
0x201: {  	s6 =	sand.u32 @!p0 $0x3FFFFE00, s6  }
0x202: {  	s10 =	simm.s32 @!p0 $0xD000;
	s8 =	simm.s32 @!p0 $0x80;
	s7 =	sadd.s32 @!p0 $0x6A00, s6  }
0x203: {  	[tilespmem:s10], [sflag:$0x1] =	stream.indirect.gather @!p0 [hbm4b:s4+s8], $0x40, s7, s8, $0xb8;
	[tilespmem:$0x1D0C0] =	vst v63  }
0x204: {  	_ =	swait.ge [sflag:s29], $0x2000  }
0x205: {  	[sflag:s29] =	ssyncset.done $0x0  }
0x206: {  	s7 =	simm.s32 @!p1 $0x6;
	[sflag:s29] =	ssyncadd.s32 $0xFFFFE000  }
0x207: {  	_ =	swait.ge @!p1 [sflag:s7], $0x2000  }
0x208: {  	[sflag:s7] =	ssyncset.done @!p1 $0x0  }
0x209: {  	[sflag:s7] =	ssyncadd.s32 @!p1 $0xFFFFE000;
	s7 =	simm.s32 $0xF0F0  }
0x20a: {  	v13 =	vld [tilespmem:s7+$0xFFFFFF10]  }
0x20b: {  	v14 =	vld [tilespmem:s7+$0xFFFFFF40]  }
0x20c: {  	v15 =	vld [tilespmem:s7+$0xFFFFFF30]  }
0x20d: {  	v16 =	vld [tilespmem:s7+$0xFFFFFF20];
	_ =	sdelay $0x3  }
0x20e: {  	v17 =	vmul.f32 v14, v14  }
0x20f: {  	v18 =	vadd.f32 v14, v15;
	v19 =	vmul.f32 v15, v15;
	v20 =	vadd.f32 v16, v13  }
0x210: {  	v21 =	vmul.f32 v13, v13;
	v22 =	vmul.f32 v16, v16  }
0x211: {  	v18 =	vadd.f32 v18, v20  }
0x212: {  	v17 =	vadd.f32 v17, v19;
	v19 =	vadd.f32 v22, v21  }
0x213: {  	(xrf2) =	vadd.scan.msk.f32 $0xffff, v18  }
0x214: {  	v17 =	vadd.f32 v17, v19;
	_ =	sdelay $0x1  }
0x215: {  	(xrf2) =	vadd.scan.msk.f32 $0xffff, v17;
	_ =	sdelay $0x6  }
0x216: {  	v17, _, _ =	vpop (xrf2)  }
0x217: {  	(v2sf) =	vpush v17, $0xF;
	_ =	sdelay $0x1  }
0x218: {  	v17, _, _ =	vpop (xrf2)  }
0x219: {  	(v2sf) =	vpush v17, $0xF;
	_ =	sdelay $0xb  }
0x21a: {  	s20 =	spop (v2sf)  }
0x21b: {  	s8 =	smul.f32 $1.562500000e-02, s20;
	_ =	sdelay $0x1  }
0x21c: {  	s12 =	spop (v2sf);
	s21 =	smul.f32 s8, s8  }
0x21d: {  	s12 =	smul.f32 $1.562500000e-02, s12;
	_ =	sdelay $0x1  }
0x21e: {  	s10 =	ssub.f32 s12, s21;
	_ =	sdelay $0x1  }
0x21f: {  	s10 =	sadd.f32 $9.999999740e-06, s10;
	_ =	sdelay $0x1  }
0x220: {  	v17 =	vmov s10  }
0x221: {  	v18 =	vshra.s32 v17, $0x1;
	v17 =	vmul.f32 $5.000000000e-01, v17  }
0x222: {  	v18 =	vsub.s32 $0x5F3759DF, v18  }
0x223: {  	s10 =	sadd.s32 $0x0, s23;
	v19 =	vmul.f32 v18, v17  }
0x224: {  	s22 =	sadd.s32 $0x80, s10  }
0x225: {  	v20 =	vmov s22;
	v19 =	vmul.f32 v18, v19  }
0x226: {  	v20 =	vand.u32 $0xFFFFFFFC, v20  }
0x227: {  	v20 =	vbroadcast v20, $0x0;
	v19 =	vsub.f32 $1.500000000e+00, v19;
	_ =	sdelay $0x1  }
0x228: {  	v18 =	vmul.f32 v18, v19;
	_ =	sdelay $0x1  }
0x229: {  	v17 =	vmul.f32 v18, v17;
	_ =	sdelay $0x1  }
0x22a: {  	v19 =	vld.idx.msk [tilespmem:v20+s17+$0x0], $0xffff;
	v17 =	vmul.f32 v17, v18;
	_ =	sdelay $0x1  }
0x22b: {  	v17 =	vsub.f32 $1.500000000e+00, v17;
	_ =	sdelay $0x1  }
0x22c: {  	v17 =	vmul.f32 v17, v18  }
0x22d: {  	vm13 =	veq.s32 v19, $0x0  }
0x22e: {  	v18 =	vmov s8;
	v17 =	vnsel vm13, $0x0, v17  }
0x22f: {  	v13 =	vsub.f32 v13, v18;
	v19 =	vmul.f32 v17, v1  }
0x230: {  	v15 =	vsub.f32 v15, v18;
	v16 =	vsub.f32 v16, v18;
	v20 =	vmul.f32 v17, v2  }
0x231: {  	v14 =	vsub.f32 v14, v18;
	v55 =	vmul.f32 v17, v4;
	v13 =	vmul.f32 v19, v13  }
0x232: {  	v18 =	vsel vm13, v5, v9;
	v17 =	vmul.f32 v17, v3;
	v16 =	vmul.f32 v20, v16  }
0x233: {  	v14 =	vmul.f32 v55, v14;
	v13 =	vadd.f32 v13, v18;
	v18 =	vsel vm13, v6, v10  }
0x234: {  	s8 =	simm.s32 $0x170F0;
	v15 =	vmul.f32 v17, v15;
	v17 =	vsel vm13, v8, v12;
	v16 =	vadd.f32 v16, v18  }
0x235: {  	v18 =	vsel vm13, v7, v11;
	[tilespmem:s8+$0xFFFFFF10] =	vst v13;
	v13 =	vadd.f32 v14, v17  }
0x236: {  	v14 =	vadd.f32 v15, v18;
	[tilespmem:s8+$0xFFFFFF20] =	vst v16  }
0x237: {  	[tilespmem:s8+$0xFFFFFF40] =	vst v13  }
0x238: {  	[tilespmem:s8+$0xFFFFFF30] =	vst v14  }
0x239: {  	v13 =	vld [tilespmem:s7+$0xFFFFFF80]  }
0x23a: {  	v14 =	vld [tilespmem:s7+$0xFFFFFF60]  }
0x23b: {  	v15 =	vld [tilespmem:s7+$0xFFFFFF70]  }
0x23c: {  	v16 =	vld [tilespmem:s7+$0xFFFFFF50];
	_ =	sdelay $0x3  }
0x23d: {  	v17 =	vadd.f32 v13, v15  }
0x23e: {  	v18 =	vmul.f32 v15, v15;
	v19 =	vmul.f32 v13, v13;
	v20 =	vadd.f32 v14, v16  }
0x23f: {  	v56 =	vmul.f32 v16, v16;
	v57 =	vmul.f32 v14, v14  }
0x240: {  	v17 =	vadd.f32 v17, v20  }
0x241: {  	v18 =	vadd.f32 v19, v18;
	v19 =	vadd.f32 v57, v56  }
0x242: {  	(xrf2) =	vadd.scan.msk.f32 $0xffff, v17  }
0x243: {  	v17 =	vadd.f32 v18, v19;
	_ =	sdelay $0x1  }
0x244: {  	(xrf2) =	vadd.scan.msk.f32 $0xffff, v17;
	_ =	sdelay $0x6  }
0x245: {  	v17, _, _ =	vpop (xrf2)  }
0x246: {  	(v2sf) =	vpush v17, $0xF;
	_ =	sdelay $0x1  }
0x247: {  	v17, _, _ =	vpop (xrf2)  }
0x248: {  	(v2sf) =	vpush v17, $0xF;
	_ =	sdelay $0xb  }
0x249: {  	s25 =	spop (v2sf)  }
0x24a: {  	s12 =	smul.f32 $1.562500000e-02, s25;
	_ =	sdelay $0x1  }
0x24b: {  	s19 =	spop (v2sf);
	s15 =	smul.f32 s12, s12  }
0x24c: {  	s19 =	smul.f32 $1.562500000e-02, s19;
	_ =	sdelay $0x1  }
0x24d: {  	s15 =	ssub.f32 s19, s15;
	_ =	sdelay $0x1  }
0x24e: {  	s15 =	sadd.f32 $9.999999740e-06, s15;
	_ =	sdelay $0x1  }
0x24f: {  	v17 =	vmov s15  }
0x250: {  	v18 =	vshra.s32 v17, $0x1;
	v17 =	vmul.f32 $5.000000000e-01, v17  }
0x251: {  	v18 =	vsub.s32 $0x5F3759DF, v18  }
0x252: {  	v19 =	vmul.f32 v18, v17  }
0x253: {  	s28 =	sadd.s32 $0x81, s10  }
0x254: {  	v20 =	vmov s28;
	v19 =	vmul.f32 v18, v19  }
0x255: {  	v20 =	vand.u32 $0xFFFFFFFD, v20  }
0x256: {  	v20 =	vbroadcast v20, $0x0;
	v19 =	vsub.f32 $1.500000000e+00, v19;
	_ =	sdelay $0x1  }
0x257: {  	v18 =	vmul.f32 v18, v19;
	_ =	sdelay $0x1  }
0x258: {  	v17 =	vmul.f32 v18, v17;
	_ =	sdelay $0x1  }
0x259: {  	v19 =	vld.idx.msk [tilespmem:v20+s17+$0x0], $0xffff;
	v17 =	vmul.f32 v17, v18;
	_ =	sdelay $0x1  }
0x25a: {  	v17 =	vsub.f32 $1.500000000e+00, v17;
	_ =	sdelay $0x1  }
0x25b: {  	v17 =	vmul.f32 v17, v18  }
0x25c: {  	vm14 =	veq.s32 v19, $0x0  }
0x25d: {  	v18 =	vmov s12;
	v17 =	vnsel vm14, $0x0, v17  }
0x25e: {  	v16 =	vsub.f32 v16, v18;
	v19 =	vmul.f32 v17, v1  }
0x25f: {  	v14 =	vsub.f32 v14, v18;
	v15 =	vsub.f32 v15, v18;
	v20 =	vmul.f32 v17, v2  }
0x260: {  	v13 =	vsub.f32 v13, v18;
	v18 =	vmul.f32 v17, v4;
	v16 =	vmul.f32 v19, v16  }
0x261: {  	v17 =	vmul.f32 v17, v3;
	v19 =	vsel vm14, v5, v9;
	v14 =	vmul.f32 v20, v14  }
0x262: {  	v20 =	vsel vm14, v6, v10;
	v13 =	vmul.f32 v18, v13;
	v16 =	vadd.f32 v16, v19  }
0x263: {  	v18 =	vsel vm14, v8, v12;
	v15 =	vmul.f32 v17, v15;
	v14 =	vadd.f32 v14, v20  }
0x264: {  	v17 =	vsel vm14, v7, v11;
	v13 =	vadd.f32 v13, v18;
	[tilespmem:s8+$0xFFFFFF50] =	vst v16  }
0x265: {  	v15 =	vadd.f32 v15, v17;
	[tilespmem:s8+$0xFFFFFF60] =	vst v14  }
0x266: {  	[tilespmem:s8+$0xFFFFFF80] =	vst v13  }
0x267: {  	[tilespmem:s8+$0xFFFFFF70] =	vst v15  }
0x268: {  	v13 =	vld [tilespmem:s7+$0xFFFFFF90]  }
0x269: {  	v14 =	vld [tilespmem:s7+$0xFFFFFFC0]  }
0x26a: {  	v15 =	vld [tilespmem:s7+$0xFFFFFFA0]  }
0x26b: {  	v16 =	vld [tilespmem:s7+$0xFFFFFFB0];
	_ =	sdelay $0x3  }
0x26c: {  	v17 =	vmul.f32 v14, v14  }
0x26d: {  	v18 =	vadd.f32 v15, v13;
	v19 =	vmul.f32 v13, v13;
	v20 =	vadd.f32 v14, v16  }
0x26e: {  	v58 =	vmul.f32 v15, v15;
	v59 =	vmul.f32 v16, v16  }
0x26f: {  	v18 =	vadd.f32 v20, v18  }
0x270: {  	v19 =	vadd.f32 v58, v19;
	v17 =	vadd.f32 v17, v59  }
0x271: {  	(xrf2) =	vadd.scan.msk.f32 $0xffff, v18  }
0x272: {  	v17 =	vadd.f32 v17, v19;
	_ =	sdelay $0x1  }
0x273: {  	(xrf2) =	vadd.scan.msk.f32 $0xffff, v17;
	_ =	sdelay $0x6  }
0x274: {  	v17, _, _ =	vpop (xrf2)  }
0x275: {  	(v2sf) =	vpush v17, $0xF;
	_ =	sdelay $0x1  }
0x276: {  	v17, _, _ =	vpop (xrf2)  }
0x277: {  	(v2sf) =	vpush v17, $0xF;
	_ =	sdelay $0xb  }
0x278: {  	s30 =	spop (v2sf)  }
0x279: {  	s12 =	smul.f32 $1.562500000e-02, s30;
	_ =	sdelay $0x1  }
0x27a: {  	s20 =	spop (v2sf);
	s1 =	smul.f32 s12, s12  }
0x27b: {  	s19 =	smul.f32 $1.562500000e-02, s20;
	_ =	sdelay $0x1  }
0x27c: {  	s15 =	ssub.f32 s19, s1;
	_ =	sdelay $0x1  }
0x27d: {  	s15 =	sadd.f32 $9.999999740e-06, s15;
	_ =	sdelay $0x1  }
0x27e: {  	v17 =	vmov s15  }
0x27f: {  	v18 =	vshra.s32 v17, $0x1;
	v17 =	vmul.f32 $5.000000000e-01, v17  }
0x280: {  	v18 =	vsub.s32 $0x5F3759DF, v18  }
0x281: {  	v19 =	vmul.f32 v18, v17  }
0x282: {  	s21 =	sadd.s32 $0x82, s10  }
0x283: {  	v20 =	vmov s21;
	v19 =	vmul.f32 v18, v19  }
0x284: {  	v20 =	vand.u32 $0xFFFFFFFE, v20  }
0x285: {  	v20 =	vbroadcast v20, $0x0;
	v19 =	vsub.f32 $1.500000000e+00, v19;
	_ =	sdelay $0x1  }
0x286: {  	v18 =	vmul.f32 v18, v19;
	_ =	sdelay $0x1  }
0x287: {  	v17 =	vmul.f32 v18, v17;
	_ =	sdelay $0x1  }
0x288: {  	v19 =	vld.idx.msk [tilespmem:v20+s17+$0x0], $0xffff;
	v17 =	vmul.f32 v17, v18;
	_ =	sdelay $0x1  }
0x289: {  	v17 =	vsub.f32 $1.500000000e+00, v17;
	_ =	sdelay $0x1  }
0x28a: {  	v17 =	vmul.f32 v17, v18  }
0x28b: {  	vm15 =	veq.s32 v19, $0x0  }
0x28c: {  	v18 =	vmov s12;
	v17 =	vnsel vm15, $0x0, v17  }
0x28d: {  	v13 =	vsub.f32 v13, v18;
	v19 =	vmul.f32 v17, v1  }
0x28e: {  	v15 =	vsub.f32 v15, v18;
	v14 =	vsub.f32 v14, v18;
	v20 =	vmul.f32 v17, v4  }
0x28f: {  	v16 =	vsub.f32 v16, v18;
	v18 =	vmul.f32 v17, v2;
	v13 =	vmul.f32 v19, v13  }
0x290: {  	v17 =	vmul.f32 v17, v3;
	v19 =	vsel vm15, v5, v9;
	v14 =	vmul.f32 v20, v14  }
0x291: {  	v20 =	vsel vm15, v8, v12;
	v15 =	vmul.f32 v18, v15;
	v13 =	vadd.f32 v13, v19  }
0x292: {  	v18 =	vsel vm15, v6, v10;
	v16 =	vmul.f32 v17, v16;
	v14 =	vadd.f32 v14, v20  }
0x293: {  	v17 =	vsel vm15, v7, v11;
	v15 =	vadd.f32 v15, v18;
	[tilespmem:s8+$0xFFFFFF90] =	vst v13  }
0x294: {  	v13 =	vadd.f32 v16, v17;
	[tilespmem:s8+$0xFFFFFFC0] =	vst v14  }
0x295: {  	[tilespmem:s8+$0xFFFFFFA0] =	vst v15  }
0x296: {  	[tilespmem:s8+$0xFFFFFFB0] =	vst v13  }
0x297: {  	v17 =	vld [tilespmem:s7+$0x0]  }
0x298: {  	v13 =	vld [tilespmem:s7+$0xFFFFFFD0]  }
0x299: {  	v14 =	vld [tilespmem:s7+$0xFFFFFFE0]  }
0x29a: {  	v18 =	vld [tilespmem:s7+$0xFFFFFFF0];
	_ =	sdelay $0x3  }
0x29b: {  	v15 =	vmul.f32 v13, v13  }
0x29c: {  	v16 =	vadd.f32 v14, v13;
	v19 =	vmul.f32 v14, v14;
	v20 =	vadd.f32 v17, v18  }
0x29d: {  	v60 =	vmul.f32 v18, v18;
	v61 =	vmul.f32 v17, v17  }
0x29e: {  	v16 =	vadd.f32 v20, v16  }
0x29f: {  	v15 =	vadd.f32 v19, v15;
	v19 =	vadd.f32 v61, v60  }
0x2a0: {  	(xrf2) =	vadd.scan.msk.f32 $0xffff, v16  }
0x2a1: {  	v15 =	vadd.f32 v19, v15;
	_ =	sdelay $0x1  }
0x2a2: {  	(xrf2) =	vadd.scan.msk.f32 $0xffff, v15;
	_ =	sdelay $0x6  }
0x2a3: {  	v15, _, _ =	vpop (xrf2)  }
0x2a4: {  	(v2sf) =	vpush v15, $0xF;
	_ =	sdelay $0x1  }
0x2a5: {  	v15, _, _ =	vpop (xrf2)  }
0x2a6: {  	(v2sf) =	vpush v15, $0xF;
	_ =	sdelay $0xb  }
0x2a7: {  	s22 =	spop (v2sf)  }
0x2a8: {  	s12 =	smul.f32 $1.562500000e-02, s22;
	_ =	sdelay $0x1  }
0x2a9: {  	s28 =	spop (v2sf);
	s25 =	smul.f32 s12, s12  }
0x2aa: {  	s19 =	smul.f32 $1.562500000e-02, s28;
	_ =	sdelay $0x1  }
0x2ab: {  	s10 =	sadd.s32 $0x83, s10;
	s15 =	ssub.f32 s19, s25  }
0x2ac: {  	v19 =	vmov s10  }
0x2ad: {  	s30 =	sadd.f32 $9.999999740e-06, s15  }
0x2ae: {  	v20 =	vmov s12  }
0x2af: {  	v15 =	vsub.f32 v14, v20;
	v62 =	vmov s30  }
0x2b0: {  	v14 =	vsub.f32 v18, v20;
	v63 =	vshra.s32 v62, $0x1;
	v18 =	vmul.f32 $5.000000000e-01, v62  }
0x2b1: {  	s10 =	sor.u32 $0x1, s5;
	v16 =	vsub.f32 v13, v20;
	v13 =	vld.idx.msk [tilespmem:v19+s17+$0x0], $0xffff;
	v17 =	vsub.f32 v17, v20;
	s19 =	simm.s32 $0x4;
	s15 =	simm.s32 $0x170F0;
	v19 =	vsub.s32 $0x5F3759DF, v63  }
.LBB2_9:
0x2b2: {  	p2 =	sne.s32 s19, $0x7C;
	v20 =	vmul.f32 v19, v18;
	s7 =	sadd.s32 $0x100, s7;
	s8 =	sadd.s32 $0x100, s8  }
0x2b3: {  	s12 =	smov.u32 s19;
	s19 =	sadd.s32 $0x4, s19  }
0x2b4: {  	v20 =	vmul.f32 v19, v20;
	_ =	sdelay $0x1  }
0x2b5: {  	v20 =	vsub.f32 $1.500000000e+00, v20;
	_ =	sdelay $0x1  }
0x2b6: {  	v19 =	vmul.f32 v19, v20;
	_ =	sdelay $0x1  }
0x2b7: {  	v18 =	vmul.f32 v19, v18;
	_ =	sdelay $0x1  }
0x2b8: {  	v18 =	vmul.f32 v18, v19;
	_ =	sdelay $0x1  }
0x2b9: {  	v18 =	vsub.f32 $1.500000000e+00, v18;
	_ =	sdelay $0x1  }
0x2ba: {  	v18 =	vmul.f32 v18, v19  }
0x2bb: {  	vm0 =	veq.s32 v13, $0x0  }
0x2bc: {  	v13 =	vnsel vm0, $0x0, v18  }
0x2bd: {  	v18 =	vmul.f32 v13, v1;
	v19 =	vmul.f32 v13, v2  }
0x2be: {  	v21 =	vsel vm0, v8, v12;
	v20 =	vmul.f32 v13, v3;
	v13 =	vmul.f32 v13, v4  }
0x2bf: {  	v16 =	vmul.f32 v18, v16;
	v18 =	vsel vm0, v6, v10;
	v15 =	vmul.f32 v19, v15  }
0x2c0: {  	v19 =	vsel vm0, v5, v9;
	v14 =	vmul.f32 v20, v14;
	v13 =	vmul.f32 v13, v17  }
0x2c1: {  	v17 =	vsel vm0, v7, v11;
	v16 =	vadd.f32 v16, v19;
	v15 =	vadd.f32 v15, v18  }
0x2c2: {  	v14 =	vadd.f32 v14, v17;
	v13 =	vadd.f32 v13, v21  }
0x2c3: {  	[tilespmem:s15+$0xFFFFFFD0] =	vst v16  }
0x2c4: {  	[tilespmem:s15+$0xFFFFFFE0] =	vst v15  }
0x2c5: {  	[tilespmem:s15+$0x0] =	vst v13  }
0x2c6: {  	[tilespmem:s15+$0xFFFFFFF0] =	vst v14;
	s15 =	smov.u32 s8  }
0x2c7: {  	v16 =	vld [tilespmem:s7+$0xFFFFFF10]  }
0x2c8: {  	v15 =	vld [tilespmem:s7+$0xFFFFFF40]  }
0x2c9: {  	v17 =	vld [tilespmem:s7+$0xFFFFFF30]  }
0x2ca: {  	v18 =	vld [tilespmem:s7+$0xFFFFFF20];
	_ =	sdelay $0x2  }
0x2cb: {  	v13 =	vmul.f32 v15, v15  }
0x2cc: {  	v14 =	vadd.f32 v15, v17;
	v19 =	vmul.f32 v17, v17  }
0x2cd: {  	v21 =	vmul.f32 v16, v16;
	v20 =	vadd.f32 v18, v16;
	v22 =	vmul.f32 v18, v18  }
0x2ce: {  	v13 =	vadd.f32 v13, v19  }
0x2cf: {  	v14 =	vadd.f32 v14, v20;
	v19 =	vadd.f32 v22, v21;
	_ =	sdelay $0x1  }
0x2d0: {  	v13 =	vadd.f32 v13, v19;
	(xrf2) =	vadd.scan.msk.f32 $0xffff, v14;
	_ =	sdelay $0x2  }
0x2d1: {  	(xrf2) =	vadd.scan.msk.f32 $0xffff, v13;
	_ =	sdelay $0x6  }
0x2d2: {  	v13, _, _ =	vpop (xrf2)  }
0x2d3: {  	(v2sf) =	vpush v13, $0xF;
	_ =	sdelay $0x1  }
0x2d4: {  	v13, _, _ =	vpop (xrf2)  }
0x2d5: {  	(v2sf) =	vpush v13, $0xF;
	_ =	sdelay $0xb  }
0x2d6: {  	s20 =	spop (v2sf)  }
0x2d7: {  	s21 =	smul.f32 $1.562500000e-02, s20;
	_ =	sdelay $0x1  }
0x2d8: {  	s20 =	smul.f32 s21, s21;
	s22 =	spop (v2sf)  }
0x2d9: {  	s22 =	smul.f32 $1.562500000e-02, s22;
	_ =	sdelay $0x1  }
0x2da: {  	s20 =	ssub.f32 s22, s20;
	_ =	sdelay $0x1  }
0x2db: {  	s20 =	sadd.f32 $9.999999740e-06, s20;
	_ =	sdelay $0x1  }
0x2dc: {  	v13 =	vmov s20  }
0x2dd: {  	v14 =	vshra.s32 v13, $0x1;
	v19 =	vmul.f32 $5.000000000e-01, v13  }
0x2de: {  	s12 =	sadd.s32 s12, s23;
	v20 =	vsub.s32 $0x5F3759DF, v14  }
0x2df: {  	s25 =	sadd.s32 $0x82, s12;
	s22 =	sadd.s32 $0x81, s12;
	s20 =	sadd.s32 $0x80, s12;
	v13 =	vmul.f32 v20, v19  }
0x2e0: {  	v22 =	vmov s25;
	v21 =	vmov s22;
	v14 =	vmov s20;
	s20 =	sadd.s32 $0x83, s12  }
0x2e1: {  	v23 =	vmul.f32 v20, v13;
	v13 =	vand.u32 $0xFFFFFFFC, v14;
	v14 =	vand.u32 $0xFFFFFFFD, v21  }
0x2e2: {  	v21 =	vbroadcast v13, $0x0;
	v13 =	vand.u32 $0xFFFFFFFE, v22  }
0x2e3: {  	v22 =	vsub.f32 $1.500000000e+00, v23;
	_ =	sdelay $0x1  }
0x2e4: {  	v20 =	vmul.f32 v20, v22;
	_ =	sdelay $0x1  }
0x2e5: {  	v19 =	vmul.f32 v20, v19  }
0x2e6: {  	v21 =	vld.idx.msk [tilespmem:v21+s17+$0x0], $0xffff  }
0x2e7: {  	v19 =	vmul.f32 v19, v20;
	_ =	sdelay $0x1  }
0x2e8: {  	v19 =	vsub.f32 $1.500000000e+00, v19;
	_ =	sdelay $0x1  }
0x2e9: {  	v19 =	vmul.f32 v19, v20  }
0x2ea: {  	v20 =	vmov s21;
	vm0 =	veq.s32 v21, $0x0  }
0x2eb: {  	v16 =	vsub.f32 v16, v20;
	v17 =	vsub.f32 v17, v20;
	v19 =	vnsel vm0, $0x0, v19  }
0x2ec: {  	v18 =	vsub.f32 v18, v20;
	v21 =	vmul.f32 v19, v1;
	v22 =	vmul.f32 v19, v4  }
0x2ed: {  	v15 =	vsub.f32 v15, v20;
	v23 =	vmul.f32 v19, v2;
	v19 =	vmul.f32 v19, v3  }
0x2ee: {  	v20 =	vsel vm0, v5, v9;
	v16 =	vmul.f32 v21, v16  }
0x2ef: {  	v18 =	vmul.f32 v23, v18;
	v17 =	vmul.f32 v19, v17  }
0x2f0: {  	v19 =	vsel vm0, v6, v10;
	v16 =	vadd.f32 v16, v20;
	v20 =	vsel vm0, v7, v11  }
0x2f1: {  	v15 =	vmul.f32 v22, v15;
	v18 =	vadd.f32 v18, v19;
	v17 =	vadd.f32 v17, v20  }
0x2f2: {  	v19 =	vsel vm0, v8, v12  }
0x2f3: {  	v15 =	vadd.f32 v15, v19;
	[tilespmem:s8+$0xFFFFFF10] =	vst v16  }
0x2f4: {  	[tilespmem:s8+$0xFFFFFF20] =	vst v18  }
0x2f5: {  	[tilespmem:s8+$0xFFFFFF40] =	vst v15  }
0x2f6: {  	[tilespmem:s8+$0xFFFFFF30] =	vst v17  }
0x2f7: {  	v15 =	vld [tilespmem:s7+$0xFFFFFF80]  }
0x2f8: {  	v16 =	vld [tilespmem:s7+$0xFFFFFF60]  }
0x2f9: {  	v17 =	vld [tilespmem:s7+$0xFFFFFF70]  }
0x2fa: {  	v18 =	vld [tilespmem:s7+$0xFFFFFF50];
	_ =	sdelay $0x3  }
0x2fb: {  	v21 =	vmul.f32 v15, v15;
	v19 =	vadd.f32 v15, v17;
	v20 =	vmul.f32 v17, v17  }
0x2fc: {  	v24 =	vmul.f32 v16, v16;
	v22 =	vadd.f32 v16, v18;
	v23 =	vmul.f32 v18, v18  }
0x2fd: {  	v20 =	vadd.f32 v21, v20  }
0x2fe: {  	v19 =	vadd.f32 v19, v22;
	v21 =	vadd.f32 v24, v23;
	_ =	sdelay $0x1  }
0x2ff: {  	v20 =	vadd.f32 v20, v21;
	(xrf2) =	vadd.scan.msk.f32 $0xffff, v19;
	_ =	sdelay $0x2  }
0x300: {  	(xrf2) =	vadd.scan.msk.f32 $0xffff, v20;
	_ =	sdelay $0x6  }
0x301: {  	v19, _, _ =	vpop (xrf2)  }
0x302: {  	(v2sf) =	vpush v19, $0xF;
	_ =	sdelay $0x1  }
0x303: {  	v19, _, _ =	vpop (xrf2)  }
0x304: {  	(v2sf) =	vpush v19, $0xF;
	_ =	sdelay $0xb  }
0x305: {  	s12 =	spop (v2sf)  }
0x306: {  	s12 =	smul.f32 $1.562500000e-02, s12;
	_ =	sdelay $0x1  }
0x307: {  	s21 =	smul.f32 s12, s12;
	v19 =	vmov s12;
	s12 =	spop (v2sf)  }
0x308: {  	s12 =	smul.f32 $1.562500000e-02, s12;
	v18 =	vsub.f32 v18, v19;
	v16 =	vsub.f32 v16, v19  }
0x309: {  	v17 =	vsub.f32 v17, v19;
	v15 =	vsub.f32 v15, v19  }
0x30a: {  	s12 =	ssub.f32 s12, s21;
	_ =	sdelay $0x1  }
0x30b: {  	s12 =	sadd.f32 $9.999999740e-06, s12;
	_ =	sdelay $0x1  }
0x30c: {  	v19 =	vmov s12  }
0x30d: {  	v20 =	vshra.s32 v19, $0x1;
	v19 =	vmul.f32 $5.000000000e-01, v19  }
0x30e: {  	v20 =	vsub.s32 $0x5F3759DF, v20  }
0x30f: {  	v21 =	vmul.f32 v20, v19;
	_ =	sdelay $0x1  }
0x310: {  	v21 =	vmul.f32 v20, v21  }
0x311: {  	v14 =	vbroadcast v14, $0x0  }
0x312: {  	v21 =	vsub.f32 $1.500000000e+00, v21;
	_ =	sdelay $0x1  }
0x313: {  	v20 =	vmul.f32 v20, v21;
	_ =	sdelay $0x1  }
0x314: {  	v19 =	vmul.f32 v20, v19  }
0x315: {  	v14 =	vld.idx.msk [tilespmem:v14+s17+$0x0], $0xffff  }
0x316: {  	v19 =	vmul.f32 v19, v20;
	_ =	sdelay $0x1  }
0x317: {  	v19 =	vsub.f32 $1.500000000e+00, v19;
	_ =	sdelay $0x1  }
0x318: {  	v19 =	vmul.f32 v19, v20  }
0x319: {  	vm0 =	veq.s32 v14, $0x0  }
0x31a: {  	v14 =	vnsel vm0, $0x0, v19  }
0x31b: {  	v19 =	vmul.f32 v14, v1;
	v20 =	vmul.f32 v14, v2  }
0x31c: {  	v22 =	vsel vm0, v8, v12;
	v21 =	vmul.f32 v14, v3;
	v14 =	vmul.f32 v14, v4  }
0x31d: {  	v23 =	vsel vm0, v5, v9;
	v18 =	vmul.f32 v19, v18;
	v16 =	vmul.f32 v20, v16  }
0x31e: {  	v19 =	vsel vm0, v6, v10;
	v17 =	vmul.f32 v21, v17;
	v14 =	vmul.f32 v14, v15  }
0x31f: {  	v15 =	vadd.f32 v18, v23;
	v16 =	vadd.f32 v16, v19;
	v18 =	vsel vm0, v7, v11  }
0x320: {  	v14 =	vadd.f32 v14, v22;
	v17 =	vadd.f32 v17, v18  }
0x321: {  	[tilespmem:s8+$0xFFFFFF50] =	vst v15  }
0x322: {  	[tilespmem:s8+$0xFFFFFF60] =	vst v16  }
0x323: {  	[tilespmem:s8+$0xFFFFFF80] =	vst v14  }
0x324: {  	[tilespmem:s8+$0xFFFFFF70] =	vst v17  }
0x325: {  	v14 =	vld [tilespmem:s7+$0xFFFFFF90]  }
0x326: {  	v15 =	vld [tilespmem:s7+$0xFFFFFFC0]  }
0x327: {  	v16 =	vld [tilespmem:s7+$0xFFFFFFA0]  }
0x328: {  	v17 =	vld [tilespmem:s7+$0xFFFFFFB0];
	_ =	sdelay $0x2  }
0x329: {  	v18 =	vmul.f32 v15, v15  }
0x32a: {  	v20 =	vmul.f32 v14, v14;
	v19 =	vadd.f32 v16, v14;
	v21 =	vmul.f32 v16, v16  }
0x32b: {  	v22 =	vadd.f32 v15, v17;
	v23 =	vmul.f32 v17, v17  }
0x32c: {  	v20 =	vadd.f32 v21, v20  }
0x32d: {  	v19 =	vadd.f32 v22, v19;
	v18 =	vadd.f32 v18, v23;
	_ =	sdelay $0x1  }
0x32e: {  	v18 =	vadd.f32 v18, v20;
	(xrf2) =	vadd.scan.msk.f32 $0xffff, v19;
	_ =	sdelay $0x2  }
0x32f: {  	(xrf2) =	vadd.scan.msk.f32 $0xffff, v18;
	_ =	sdelay $0x6  }
0x330: {  	v18, _, _ =	vpop (xrf2)  }
0x331: {  	(v2sf) =	vpush v18, $0xF;
	_ =	sdelay $0x1  }
0x332: {  	v18, _, _ =	vpop (xrf2)  }
0x333: {  	(v2sf) =	vpush v18, $0xF;
	_ =	sdelay $0xb  }
0x334: {  	s12 =	spop (v2sf)  }
0x335: {  	s12 =	smul.f32 $1.562500000e-02, s12;
	_ =	sdelay $0x1  }
0x336: {  	s21 =	smul.f32 s12, s12;
	v18 =	vmov s12;
	s12 =	spop (v2sf)  }
0x337: {  	s12 =	smul.f32 $1.562500000e-02, s12;
	v14 =	vsub.f32 v14, v18;
	v16 =	vsub.f32 v16, v18  }
0x338: {  	v17 =	vsub.f32 v17, v18;
	v15 =	vsub.f32 v15, v18  }
0x339: {  	s12 =	ssub.f32 s12, s21;
	_ =	sdelay $0x1  }
0x33a: {  	s12 =	sadd.f32 $9.999999740e-06, s12;
	_ =	sdelay $0x1  }
0x33b: {  	v18 =	vmov s12  }
0x33c: {  	v19 =	vshra.s32 v18, $0x1;
	v18 =	vmul.f32 $5.000000000e-01, v18  }
0x33d: {  	v19 =	vsub.s32 $0x5F3759DF, v19  }
0x33e: {  	v20 =	vmul.f32 v19, v18;
	_ =	sdelay $0x1  }
0x33f: {  	v20 =	vmul.f32 v19, v20  }
0x340: {  	v13 =	vbroadcast v13, $0x0  }
0x341: {  	v20 =	vsub.f32 $1.500000000e+00, v20;
	_ =	sdelay $0x1  }
0x342: {  	v19 =	vmul.f32 v19, v20;
	_ =	sdelay $0x1  }
0x343: {  	v18 =	vmul.f32 v19, v18  }
0x344: {  	v13 =	vld.idx.msk [tilespmem:v13+s17+$0x0], $0xffff  }
0x345: {  	v18 =	vmul.f32 v18, v19;
	_ =	sdelay $0x1  }
0x346: {  	v18 =	vsub.f32 $1.500000000e+00, v18;
	_ =	sdelay $0x1  }
0x347: {  	v18 =	vmul.f32 v18, v19  }
0x348: {  	vm0 =	veq.s32 v13, $0x0  }
0x349: {  	v13 =	vnsel vm0, $0x0, v18  }
0x34a: {  	v18 =	vmul.f32 v13, v1;
	v19 =	vmul.f32 v13, v2  }
0x34b: {  	v21 =	vsel vm0, v8, v12;
	v20 =	vmul.f32 v13, v3;
	v13 =	vmul.f32 v13, v4  }
0x34c: {  	v14 =	vmul.f32 v18, v14;
	v18 =	vsel vm0, v6, v10;
	v16 =	vmul.f32 v19, v16  }
0x34d: {  	v19 =	vsel vm0, v5, v9;
	v17 =	vmul.f32 v20, v17;
	v13 =	vmul.f32 v13, v15  }
0x34e: {  	v14 =	vadd.f32 v14, v19;
	v15 =	vadd.f32 v16, v18;
	v16 =	vsel vm0, v7, v11  }
0x34f: {  	v13 =	vadd.f32 v13, v21;
	v16 =	vadd.f32 v17, v16  }
0x350: {  	[tilespmem:s8+$0xFFFFFF90] =	vst v14  }
0x351: {  	[tilespmem:s8+$0xFFFFFFC0] =	vst v13  }
0x352: {  	[tilespmem:s8+$0xFFFFFFA0] =	vst v15  }
0x353: {  	v13 =	vmov s20;
	[tilespmem:s8+$0xFFFFFFB0] =	vst v16  }
0x354: {  	v17 =	vld [tilespmem:s7+$0x0]  }
0x355: {  	v14 =	vld [tilespmem:s7+$0xFFFFFFD0]  }
0x356: {  	v15 =	vld [tilespmem:s7+$0xFFFFFFE0]  }
0x357: {  	v18 =	vld [tilespmem:s7+$0xFFFFFFF0]  }
0x358: {  	v13 =	vld.idx.msk [tilespmem:v13+s17+$0x0], $0xffff;
	_ =	sdelay $0x1  }
0x359: {  	v16 =	vmul.f32 v14, v14  }
0x35a: {  	v19 =	vadd.f32 v15, v14;
	v20 =	vmul.f32 v15, v15  }
0x35b: {  	v23 =	vmul.f32 v17, v17;
	v21 =	vadd.f32 v17, v18;
	v22 =	vmul.f32 v18, v18  }
0x35c: {  	v16 =	vadd.f32 v20, v16  }
0x35d: {  	v19 =	vadd.f32 v21, v19;
	v20 =	vadd.f32 v23, v22;
	_ =	sdelay $0x1  }
0x35e: {  	v16 =	vadd.f32 v20, v16;
	(xrf2) =	vadd.scan.msk.f32 $0xffff, v19;
	_ =	sdelay $0x2  }
0x35f: {  	(xrf2) =	vadd.scan.msk.f32 $0xffff, v16;
	_ =	sdelay $0x6  }
0x360: {  	v16, _, _ =	vpop (xrf2)  }
0x361: {  	(v2sf) =	vpush v16, $0xF;
	_ =	sdelay $0x1  }
0x362: {  	v16, _, _ =	vpop (xrf2)  }
0x363: {  	(v2sf) =	vpush v16, $0xF;
	_ =	sdelay $0xb  }
0x364: {  	s12 =	spop (v2sf)  }
0x365: {  	s12 =	smul.f32 $1.562500000e-02, s12;
	_ =	sdelay $0x1  }
0x366: {  	s20 =	smul.f32 s12, s12;
	v19 =	vmov s12;
	s12 =	spop (v2sf)  }
0x367: {  	s12 =	smul.f32 $1.562500000e-02, s12;
	v16 =	vsub.f32 v14, v19;
	v15 =	vsub.f32 v15, v19  }
0x368: {  	v14 =	vsub.f32 v18, v19;
	v17 =	vsub.f32 v17, v19  }
0x369: {  	s12 =	ssub.f32 s12, s20;
	_ =	sdelay $0x1  }
.Ltmp5:
0x36a: {  	s12 =	sadd.f32 $9.999999740e-06, s12;
	(pc) =	sbr.rel @p2 .LBB2_9-.Ltmp5, $4  }
0x36b: {  	_ = 	snop  }
0x36c: {  	v18 =	vmov s12  }
0x36d: {  	v19 =	vshra.s32 v18, $0x1;
	v18 =	vmul.f32 $5.000000000e-01, v18  }
0x36e: {  	v19 =	vsub.s32 $0x5F3759DF, v19  }
0x36f: {  	v20 =	vmul.f32 v19, v18;
	_ =	sdelay $0x1  }
0x370: {  	v20 =	vmul.f32 v19, v20;
	_ =	sdelay $0x1  }
0x371: {  	v20 =	vsub.f32 $1.500000000e+00, v20;
	_ =	sdelay $0x1  }
0x372: {  	v19 =	vmul.f32 v19, v20;
	_ =	sdelay $0x1  }
0x373: {  	v18 =	vmul.f32 v19, v18;
	_ =	sdelay $0x1  }
0x374: {  	v18 =	vmul.f32 v18, v19;
	_ =	sdelay $0x1  }
0x375: {  	v18 =	vsub.f32 $1.500000000e+00, v18;
	_ =	sdelay $0x1  }
0x376: {  	v18 =	vmul.f32 v18, v19  }
0x377: {  	vm0 =	veq.s32 v13, $0x0  }
0x378: {  	v13 =	vnsel vm0, $0x0, v18  }
0x379: {  	v18 =	vmul.f32 v13, v1  }
0x37a: {  	v19 =	vmul.f32 v13, v2  }
0x37b: {  	v20 =	vmul.f32 v13, v4;
	v16 =	vmul.f32 v18, v16  }
0x37c: {  	v13 =	vmul.f32 v13, v3;
	v15 =	vmul.f32 v19, v15;
	v18 =	vsel vm0, v5, v9  }
0x37d: {  	v19 =	vsel vm0, v6, v10;
	v17 =	vmul.f32 v20, v17;
	v16 =	vadd.f32 v16, v18  }
0x37e: {  	v13 =	vmul.f32 v13, v14;
	v18 =	vsel vm0, v8, v12;
	v14 =	vadd.f32 v15, v19  }
0x37f: {  	s7 =	sshll.u32 s10, $0xD;
	v15 =	vsel vm0, v7, v11;
	v17 =	vadd.f32 v17, v18;
	[tilespmem:s15+$0xFFFFFFD0] =	vst v16  }
0x380: {  	s7 =	sadd.s32 s9, s7;
	v13 =	vadd.f32 v13, v15;
	[tilespmem:s15+$0xFFFFFFE0] =	vst v14  }
0x381: {  	s7 =	sshrl.u32 s7, $0x3;
	[tilespmem:s15+$0x0] =	vst v17  }
0x382: {  	s1 =	simm.s32 $0x17000;
	s7 =	sadd.s32 s2, s7;
	[tilespmem:s15+$0xFFFFFFF0] =	vst v13  }
0x383: {  	[hbm4b:s7+s3] =	stream.linear.scatter [tilespmem:s1], [sflag:$0x6], $0x2000, $0x38;
	[tilespmem:$0x1D0C0] =	vst v63  }
0x384: {  	s8 =	simm.s32 @!p0 $0x80;
	s10 =	simm.s32 @!p0 $0xF000;
	s7 =	sadd.s32 @!p0 $0x6A80, s6  }
0x385: {  	[tilespmem:s10], [sflag:$0x2] =	stream.indirect.gather @!p0 [hbm4b:s4+s8], $0x40, s7, s8, $0xb8;
	[tilespmem:$0x1D0C0] =	vst v63  }
0x386: {  	_ =	swait.ge [sflag:s31], $0x2000  }
0x387: {  	[sflag:s31] =	ssyncset.done $0x0  }
0x388: {  	s7 =	simm.s32 @!p1 $0x7;
	[sflag:s31] =	ssyncadd.s32 $0xFFFFE000  }
0x389: {  	_ =	swait.ge @!p1 [sflag:s7], $0x2000  }
0x38a: {  	[sflag:s7] =	ssyncset.done @!p1 $0x0  }
0x38b: {  	s8 =	simm.s32 $0x0;
	[sflag:s7] =	ssyncadd.s32 @!p1 $0xFFFFE000  }
0x38c: {  	v13 =	vld [tilespmem:s8+$0x11050]  }
0x38d: {  	v14 =	vld [tilespmem:s8+$0x11040]  }
0x38e: {  	v21 =	vld [tilespmem:s8+$0x11070]  }
0x38f: {  	v22 =	vld [tilespmem:s8+$0x11030]  }
0x390: {  	v23 =	vld [tilespmem:s8+$0x11020]  }
0x391: {  	v24 =	vld [tilespmem:s8+$0x11000]  }
0x392: {  	v25 =	vld [tilespmem:s8+$0x11060]  }
0x393: {  	v26 =	vld [tilespmem:s8+$0x11010]  }
0x394: {  	v15 =	vld [tilespmem:s8+$0x110A0]  }
0x395: {  	v17 =	vld [tilespmem:s8+$0x11090]  }
0x396: {  	v16 =	vld [tilespmem:s8+$0x11080]  }
0x397: {  	v29 =	vld [tilespmem:s8+$0x110C0];
	v27 =	vmul.f32 v21, v21;
	v20 =	vmul.f32 v23, v23  }
0x398: {  	v18 =	vld [tilespmem:s8+$0x110B0];
	v28 =	vmul.f32 v22, v22;
	v30 =	vadd.f32 v22, v23;
	v31 =	vmul.f32 v24, v24  }
0x399: {  	v38 =	vld [tilespmem:s8+$0x110E0];
	v32 =	vmul.f32 v13, v13;
	v33 =	vadd.f32 v21, v25;
	v34 =	vmul.f32 v14, v14  }
0x39a: {  	v19 =	vld [tilespmem:s8+$0x110D0];
	v35 =	vadd.f32 v13, v14;
	v36 =	vmul.f32 v25, v25;
	v37 =	vadd.f32 v26, v24  }
0x39b: {  	v39 =	vmul.f32 v26, v26;
	v52 =	vadd.f32 v17, v16;
	v28 =	vadd.f32 v28, v20;
	v20 =	vld [tilespmem:s8+$0x110F0]  }
0x39c: {  	v32 =	vadd.f32 v32, v34;
	v33 =	vadd.f32 v33, v35  }
0x39d: {  	v27 =	vadd.f32 v27, v36;
	v31 =	vadd.f32 v39, v31  }
0x39e: {  	v53 =	vadd.f32 v18, v15;
	v54 =	vmul.f32 v38, v38;
	v30 =	vadd.f32 v30, v37  }
0x39f: {  	v55 =	vmul.f32 v19, v19;
	v27 =	vadd.f32 v27, v32;
	(xrf2) =	vadd.scan.msk.f32 $0xffff, v33;
	v28 =	vadd.f32 v28, v31  }
0x3a0: {  	v31 =	vmul.f32 v29, v29;
	v32 =	vadd.f32 v53, v52;
	(xrf2) =	vadd.scan.msk.f32 $0xffff, v30;
	v30 =	vmul.f32 v20, v20  }
0x3a1: {  	v57 =	vadd.f32 v19, v29;
	v56 =	vadd.f32 v20, v38  }
0x3a2: {  	(xrf2) =	vadd.scan.msk.f32 $0xffff, v32;
	v31 =	vadd.f32 v55, v31;
	v30 =	vadd.f32 v30, v54  }
0x3a3: {  	(xrf2) =	vadd.scan.msk.f32 $0xffff, v27;
	v27 =	vadd.f32 v56, v57  }
0x3a4: {  	(xrf2) =	vadd.scan.msk.f32 $0xffff, v28;
	v28 =	vadd.f32 v30, v31  }
0x3a5: {  	(xrf2) =	vadd.scan.msk.f32 $0xffff, v27  }
0x3a6: {  	(xrf2) =	vadd.scan.msk.f32 $0xffff, v28;
	_ =	sdelay $0x2  }
0x3a7: {  	v27, _, _ =	vpop (xrf2)  }
0x3a8: {  	v28, _, _ =	vpop (xrf2)  }
0x3a9: {  	(v2sf) =	vpush v28, $0xF  }
0x3aa: {  	v28, _, _ =	vpop (xrf2);
	(v2sf) =	vpush v27, $0xF  }
0x3ab: {  	v27, _, _ =	vpop (xrf2)  }
0x3ac: {  	(v2sf) =	vpush v27, $0xF;
	v27, _, _ =	vpop (xrf2)  }
0x3ad: {  	(v2sf) =	vpush v28, $0xF;
	v28, _, _ =	vpop (xrf2)  }
0x3ae: {  	(v2sf) =	vpush v28, $0xF;
	v28, _, _ =	vpop (xrf2)  }
0x3af: {  	(v2sf) =	vpush v28, $0xF;
	_ =	sdelay $0x1  }
0x3b0: {  	(v2sf) =	vpush v27, $0xF;
	_ =	sdelay $0x6  }
0x3b1: {  	s22 =	spop (v2sf)  }
0x3b2: {  	s7 =	smul.f32 $1.562500000e-02, s22;
	s25 =	spop (v2sf)  }
0x3b3: {  	v30 =	vmul.f32 v17, v17;
	v31 =	vmul.f32 v16, v16;
	s10 =	smul.f32 $1.562500000e-02, s25  }
0x3b4: {  	v28 =	vmul.f32 v15, v15;
	v27 =	vmul.f32 v18, v18;
	s28 =	spop (v2sf);
	s12 =	smul.f32 s7, s7  }
0x3b5: {  	s20 =	spop (v2sf);
	s15 =	smul.f32 $1.562500000e-02, s28  }
0x3b6: {  	v27 =	vadd.f32 v27, v28;
	v28 =	vadd.f32 v30, v31;
	s19 =	smul.f32 s10, s10;
	s21 =	spop (v2sf)  }
0x3b7: {  	s21 =	smul.f32 $1.562500000e-02, s21;
	s22 =	spop (v2sf)  }
0x3b8: {  	v27 =	vadd.f32 v27, v28;
	s15 =	ssub.f32 s15, s19;
	s30 =	smul.f32 $1.562500000e-02, s22  }
0x3b9: {  	s1 =	spop (v2sf);
	s25 =	smul.f32 s21, s21  }
0x3ba: {  	(xrf2) =	vadd.scan.msk.f32 $0xffff, v27;
	s15 =	sadd.f32 $9.999999740e-06, s15;
	s22 =	smul.f32 $1.562500000e-02, s1  }
0x3bb: {  	v28 =	vmov s7;
	s19 =	ssub.f32 s30, s25  }
0x3bc: {  	v44 =	vsub.f32 v24, v28;
	v24 =	vmov s10;
	s22 =	ssub.f32 s22, s12  }
0x3bd: {  	v42 =	vsub.f32 v23, v28;
	v34 =	vsub.f32 v14, v24;
	s7 =	sadd.f32 $9.999999740e-06, s19  }
0x3be: {  	v32 =	vsub.f32 v21, v24;
	v35 =	vsub.f32 v25, v24;
	v14 =	vmov s15;
	s10 =	sadd.f32 $9.999999740e-06, s22  }
0x3bf: {  	v21 =	vshra.s32 v14, $0x1;
	v23 =	vmul.f32 $5.000000000e-01, v14;
	v14 =	vmov s7  }
0x3c0: {  	v25 =	vshra.s32 v14, $0x1;
	v58 =	vmul.f32 $5.000000000e-01, v14;
	v14 =	vmov s10  }
0x3c1: {  	s28 =	sadd.s32 $0x2, s24;
	v41 =	vsub.f32 v26, v28;
	v26 =	vshra.s32 v14, $0x1  }
0x3c2: {  	v27 =	vmov s28  }
0x3c3: {  	v46 =	vsub.f32 v22, v28;
	v33 =	vsub.f32 v13, v24;
	v45 =	vmov s21  }
0x3c4: {  	v21 =	vsub.s32 $0x5F3759DF, v21;
	s7 =	simm.s32 $0x100;
	v43 =	vmul.f32 $5.000000000e-01, v14;
	v59 =	vsub.s32 $0x5F3759DF, v26;
	v26, _, _ =	vpop (xrf2)  }
0x3c5: {  	s25 =	smul.f32 $1.562500000e-02, s20;
	v39 =	vld [tilespmem:s7+$0x11030];
	v31 =	vsub.s32 $0x5F3759DF, v25;
	v14 =	vmul.f32 v21, v23;
	(v2sf) =	vpush v26, $0xF  }
0x3c6: {  	v30 =	vand.u32 $0xFFFFFFFE, v27;
	v13 =	vsub.f32 v38, v45;
	v25 =	vmul.f32 v31, v58  }
0x3c7: {  	v60 =	vmov s25;
	v40 =	vld [tilespmem:s7+$0x11020];
	v22 =	vmul.f32 v59, v43;
	v14 =	vmul.f32 v21, v14  }
0x3c8: {  	v36 =	vsub.f32 v18, v60;
	v18 =	vsub.f32 v19, v45;
	v25 =	vmul.f32 v31, v25  }
0x3c9: {  	v19 =	vmov s24;
	v37 =	vld [tilespmem:s7+$0x11060];
	v22 =	vmul.f32 v59, v22;
	v26 =	vsub.f32 $1.500000000e+00, v14  }
0x3ca: {  	v14 =	vsub.f32 v29, v45;
	v29 =	vld [tilespmem:s7+$0x11040];
	v51 =	vmul.f32 v39, v39;
	v27 =	vsub.f32 $1.500000000e+00, v25  }
0x3cb: {  	v25 =	vld [tilespmem:s7+$0x11050];
	v22 =	vsub.f32 $1.500000000e+00, v22;
	v47 =	vmul.f32 v21, v26;
	v21 =	vand.u32 $0xFFFFFFFC, v19  }
0x3cc: {  	v19 =	vsub.f32 v20, v45;
	v45 =	vld [tilespmem:s7+$0x11010];
	v20 =	vmul.f32 v40, v40;
	v48 =	vmul.f32 v31, v27  }
0x3cd: {  	v26 =	vsub.f32 v15, v60;
	v31 =	vld [tilespmem:s7+$0x11070];
	v49 =	vmul.f32 v59, v22;
	v15 =	vmul.f32 v47, v23  }
0x3ce: {  	v28 =	vsub.f32 v16, v60;
	v23 =	vbroadcast v21, $0x0;
	v21 =	vld [tilespmem:s7+$0x11090];
	v16 =	vmul.f32 v48, v58  }
0x3cf: {  	v24 =	vsub.f32 v17, v60;
	v22 =	vld [tilespmem:s7+$0x11080];
	v56 =	vmul.f32 v29, v29;
	v17 =	vmul.f32 v49, v43  }
0x3d0: {  	v52 =	vadd.f32 v39, v40;
	v58 =	vmul.f32 v37, v37;
	v43 =	vld [tilespmem:s7+$0x11000];
	v16 =	vmul.f32 v16, v48  }
0x3d1: {  	v51 =	vadd.f32 v51, v20;
	v20 =	vld [tilespmem:s7+$0x110C0];
	v15 =	vmul.f32 v15, v47;
	v17 =	vmul.f32 v17, v49  }
0x3d2: {  	v54 =	vmul.f32 v25, v25;
	v57 =	vadd.f32 v25, v29;
	v38 =	vsub.f32 $1.500000000e+00, v16;
	v16 =	vld [tilespmem:s7+$0x110A0]  }
0x3d3: {  	v15 =	vsub.f32 $1.500000000e+00, v15;
	v27 =	vmul.f32 v31, v31;
	v50 =	vsub.f32 $1.500000000e+00, v17;
	v17 =	vld [tilespmem:s7+$0x110B0]  }
0x3d4: {  	s10 =	smul.f32 s25, s25;
	v60 =	vmul.f32 v45, v45;
	v55 =	vadd.f32 v31, v37;
	v54 =	vadd.f32 v54, v56;
	v23 =	vld.idx.msk [tilespmem:v23+s17+$0x0], $0xffff;
	s28 =	spop (v2sf)  }
0x3d5: {  	v47 =	vmul.f32 v15, v47;
	v61 =	vadd.f32 v27, v58;
	v27 =	vld [tilespmem:s7+$0x110E0];
	v59 =	vadd.f32 v45, v43;
	s12 =	smul.f32 $1.562500000e-02, s28  }
0x3d6: {  	v55 =	vadd.f32 v55, v57;
	v53 =	vmul.f32 v43, v43;
	v38 =	vmul.f32 v38, v48  }
0x3d7: {  	v48 =	vadd.f32 v21, v22;
	v49 =	vmul.f32 v50, v49;
	v57 =	vadd.f32 v52, v59;
	s10 =	ssub.f32 s12, s10  }
0x3d8: {  	v15 =	vld [tilespmem:s7+$0x110F0];
	(xrf2) =	vadd.scan.msk.f32 $0xffff, v55;
	v52 =	vadd.f32 v60, v53;
	v60 =	vadd.f32 v61, v54;
	v53 =	vmul.f32 v20, v20  }
0x3d9: {  	v59 =	vmul.f32 v16, v16;
	v62 =	vadd.f32 v17, v16;
	v58 =	vmul.f32 v17, v17;
	s10 =	sadd.f32 $9.999999740e-06, s10  }
0x3da: {  	v52 =	vadd.f32 v51, v52;
	vm0 =	veq.s32 v23, $0x0;
	v56 =	vmul.f32 v27, v27  }
0x3db: {  	(xrf2) =	vadd.scan.msk.f32 $0xffff, v57;
	v49 =	vnsel vm0, $0x0, v49;
	v48 =	vadd.f32 v62, v48;
	v23 =	vmov s10  }
0x3dc: {  	v61 =	vmul.f32 v49, v4;
	v63 =	vshra.s32 v23, $0x1;
	v50 =	vmul.f32 $5.000000000e-01, v23;
	v23 =	vld [tilespmem:s7+$0x110D0]  }
0x3dd: {  	v54 =	vadd.f32 v15, v27;
	v55 =	vmul.f32 v49, v3;
	v57 =	vmul.f32 v49, v2  }
0x3de: {  	s30 =	sadd.s32 $0x1, s24;
	v62 =	vsel vm0, v8, v12;
	v61 =	vmul.f32 v61, v46;
	(xrf2) =	vadd.scan.msk.f32 $0xffff, v48;
	v46 =	vadd.f32 v58, v59  }
0x3df: {  	s15 =	smov.u32 s24;
	v58 =	vmul.f32 v15, v15;
	v59 =	vmov s30;
	v48 =	vmul.f32 v21, v21  }
0x3e0: {  	s20 =	simm.s32 $0x800;
	s19 =	sadd.s32 $0x3, s24;
	(xrf2) =	vadd.scan.msk.f32 $0xffff, v60;
	v60 =	vmul.f32 v49, v1;
	v49 =	vadd.f32 v61, v62;
	s10 =	sor.u32 $0x2, s5;
	v51 =	vsub.s32 $0x5F3759DF, v63  }
.LBB2_11:
0x3e1: {  	p2 =	sne.s32 s20, $0x7C00;
	v61 =	vadd.f32 v23, v20  }
0x3e2: {  	v62 =	vmul.f32 v23, v23;
	v63, _, _ =	vpop (xrf2);
	v59 =	vand.u32 $0xFFFFFFFD, v59;
	s15 =	sadd.s32 $0x4, s15;
	s21 =	smov.u32 s20;
	s20 =	sadd.s32 $0x400, s20  }
0x3e3: {  	v56 =	vadd.f32 v58, v56;
	v58 =	vmul.f32 v51, v50;
	s12 =	sadd.s32 $0x3, s15;
	v44 =	vmul.f32 v60, v44  }
0x3e4: {  	v60 =	vsel vm0, v5, v9;
	v54 =	vadd.f32 v54, v61;
	v53 =	vadd.f32 v62, v53  }
0x3e5: {  	v42 =	vmul.f32 v55, v42;
	s22 =	sadd.s32 $0x2, s15;
	v44 =	vadd.f32 v44, v60;
	v61, _, _ =	vpop (xrf2);
	(xrf2) =	vadd.scan.msk.f32 $0xffff, v52;
	v52 =	vbroadcast v59, $0x0  }
0x3e6: {  	v41 =	vmul.f32 v57, v41;
	v55 =	vmov s22;
	v53 =	vadd.f32 v56, v53;
	[tilespmem:s8+$0x19030] =	vst v49  }
0x3e7: {  	v49 =	vsel vm0, v7, v11;
	(v2sf) =	vpush v61, $0xF;
	[tilespmem:s8+$0x19000] =	vst v44;
	v44 =	vsel vm0, v6, v10  }
0x3e8: {  	v55 =	vand.u32 $0xFFFFFFFE, v55;
	v42 =	vadd.f32 v42, v49;
	v56, _, _ =	vpop (xrf2);
	(xrf2) =	vadd.scan.msk.f32 $0xffff, v54;
	v41 =	vadd.f32 v41, v44;
	_ =	sdelay $0x1  }
0x3e9: {  	(v2sf) =	vpush v63, $0xF;
	[tilespmem:s8+$0x19010] =	vst v41;
	v41 =	vmul.f32 v51, v58  }
0x3ea: {  	v44, _, _ =	vpop (xrf2);
	(xrf2) =	vadd.scan.msk.f32 $0xffff, v53;
	[tilespmem:s8+$0x19020] =	vst v42  }
0x3eb: {  	(v2sf) =	vpush v44, $0xF;
	v42 =	vld.idx.msk [tilespmem:v52+s17+$0x0], $0xffff;
	v41 =	vsub.f32 $1.500000000e+00, v41;
	_ =	sdelay $0x1  }
0x3ec: {  	v41 =	vmul.f32 v51, v41  }
0x3ed: {  	v44, _, _ =	vpop (xrf2)  }
0x3ee: {  	(v2sf) =	vpush v56, $0xF;
	v49 =	vmul.f32 v41, v50;
	_ =	sdelay $0x1  }
0x3ef: {  	vm0 =	veq.s32 v42, $0x0;
	v50, _, _ =	vpop (xrf2);
	v42 =	vmul.f32 v49, v41  }
0x3f0: {  	v47 =	vnsel vm0, $0x0, v47;
	v49 =	vsel vm0, v5, v9;
	v51 =	vsel vm0, v8, v12  }
0x3f1: {  	v52 =	vmul.f32 v47, v1;
	v53 =	vmul.f32 v47, v2;
	v42 =	vsub.f32 $1.500000000e+00, v42  }
0x3f2: {  	v54 =	vmul.f32 v47, v3;
	v47 =	vmul.f32 v47, v4;
	(v2sf) =	vpush v50, $0xF;
	v50, _, _ =	vpop (xrf2)  }
0x3f3: {  	v34 =	vmul.f32 v52, v34;
	s22 =	spop (v2sf);
	(v2sf) =	vpush v50, $0xF;
	v50 =	vmul.f32 v42, v41  }
0x3f4: {  	v35 =	vmul.f32 v54, v35;
	v32 =	vmul.f32 v47, v32;
	s25 =	smul.f32 $1.562500000e-02, s22;
	(v2sf) =	vpush v44, $0xF  }
0x3f5: {  	v41 =	vsel vm0, v7, v11;
	v34 =	vadd.f32 v34, v49  }
0x3f6: {  	v35 =	vadd.f32 v35, v41;
	v32 =	vadd.f32 v32, v51;
	s22 =	smul.f32 s25, s25;
	v47 =	vmov s25;
	s25 =	spop (v2sf)  }
0x3f7: {  	v44 =	vsub.f32 v43, v47;
	v41 =	vsub.f32 v45, v47;
	s25 =	smul.f32 $1.562500000e-02, s25;
	[tilespmem:s8+$0x19040] =	vst v34  }
0x3f8: {  	v42 =	vsub.f32 v40, v47;
	v40 =	vbroadcast v30, $0x0;
	v30 =	vmov v55;
	s28 =	spop (v2sf);
	[tilespmem:s8+$0x19060] =	vst v35  }
0x3f9: {  	v33 =	vmul.f32 v53, v33;
	s30 =	smul.f32 s25, s25;
	v43 =	vmov s25;
	[tilespmem:s8+$0x19070] =	vst v32  }
0x3fa: {  	s25 =	smul.f32 $1.562500000e-02, s28;
	v34 =	vsub.f32 v29, v43;
	v32 =	vsub.f32 v31, v43;
	v29 =	vsel vm0, v6, v10  }
0x3fb: {  	v35 =	vsub.f32 v37, v43;
	v29 =	vadd.f32 v33, v29  }
0x3fc: {  	v49 =	vsub.f32 v39, v47;
	s25 =	ssub.f32 s25, s30;
	v33 =	vsub.f32 v25, v43;
	s28 =	spop (v2sf)  }
0x3fd: {  	[tilespmem:s8+$0x19050] =	vst v29  }
0x3fe: {  	v25 =	vmul.f32 v22, v22;
	s25 =	sadd.f32 $9.999999740e-06, s25;
	v29 =	vld.idx.msk [tilespmem:v40+s17+$0x0], $0xffff;
	_ =	sdelay $0x1  }
0x3ff: {  	v31 =	vmov s25  }
0x400: {  	v37 =	vshra.s32 v31, $0x1;
	v31 =	vmul.f32 $5.000000000e-01, v31;
	s25 =	spop (v2sf)  }
0x401: {  	v37 =	vsub.s32 $0x5F3759DF, v37;
	s25 =	smul.f32 $1.562500000e-02, s25;
	s30 =	spop (v2sf)  }
0x402: {  	v39 =	vmul.f32 v37, v31;
	s30 =	smul.f32 $1.562500000e-02, s30;
	s1 =	spop (v2sf)  }
0x403: {  	vm0 =	veq.s32 v29, $0x0;
	v29 =	vmov s19;
	s19 =	smov.u32 s12;
	s1 =	smul.f32 $1.562500000e-02, s1;
	v40 =	vmov s25  }
0x404: {  	s25 =	smul.f32 s25, s25;
	v43 =	vnsel vm0, $0x0, v50;
	v45 =	vsel vm0, v5, v9;
	v47 =	vsel vm0, v7, v11  }
0x405: {  	s12 =	smul.f32 $1.562500000e-02, s28;
	v27 =	vsub.f32 v27, v40;
	v50 =	vmul.f32 v43, v1;
	v51 =	vmul.f32 v43, v2;
	s1 =	ssub.f32 s1, s22  }
0x406: {  	v20 =	vsub.f32 v20, v40;
	v52 =	vmul.f32 v43, v3;
	v43 =	vmul.f32 v43, v4;
	s22 =	ssub.f32 s30, s25  }
0x407: {  	v25 =	vadd.f32 v48, v25;
	v48 =	vmov s12;
	v50 =	vmul.f32 v50, v28;
	s1 =	sadd.f32 $9.999999740e-06, s1  }
0x408: {  	v51 =	vmul.f32 v51, v24;
	v24 =	vsub.f32 v21, v48;
	v21 =	vmul.f32 v43, v36  }
0x409: {  	v36 =	vmul.f32 v37, v39;
	v28 =	vsub.f32 v22, v48;
	v22 =	vmul.f32 v52, v26;
	s22 =	sadd.f32 $9.999999740e-06, s22  }
0x40a: {  	v25 =	vadd.f32 v46, v25;
	v43 =	vsel vm0, v8, v12;
	v39 =	vadd.f32 v50, v45  }
0x40b: {  	v26 =	vsub.f32 v16, v48;
	v21 =	vadd.f32 v21, v43;
	v16 =	vmov s22  }
0x40c: {  	v36 =	vsub.f32 $1.500000000e+00, v36;
	v22 =	vadd.f32 v22, v47;
	(xrf2) =	vadd.scan.msk.f32 $0xffff, v25;
	[tilespmem:s8+$0x19080] =	vst v39  }
0x40d: {  	v25 =	vshra.s32 v16, $0x1;
	v16 =	vmul.f32 $5.000000000e-01, v16;
	v39 =	vsel vm0, v6, v10;
	[tilespmem:s8+$0x190B0] =	vst v21  }
0x40e: {  	v37 =	vmul.f32 v37, v36;
	v21 =	vmov s1;
	v36 =	vadd.f32 v51, v39;
	[tilespmem:s8+$0x190A0] =	vst v22  }
0x40f: {  	v25 =	vsub.s32 $0x5F3759DF, v25;
	v22 =	vshra.s32 v21, $0x1;
	v21 =	vmul.f32 $5.000000000e-01, v21  }
0x410: {  	v31 =	vmul.f32 v37, v31;
	v39 =	vmul.f32 v25, v16;
	v22 =	vsub.s32 $0x5F3759DF, v22;
	[tilespmem:s8+$0x19090] =	vst v36  }
0x411: {  	v43 =	vmul.f32 v22, v21;
	v36 =	vsub.f32 v17, v48;
	v17 =	vsub.f32 v23, v40;
	v23 =	vld.idx.msk [tilespmem:v29+s17+$0x0], $0xffff  }
0x412: {  	v15 =	vsub.f32 v15, v40;
	v29 =	vmul.f32 v31, v37;
	v31 =	vmul.f32 v25, v39  }
0x413: {  	v39 =	vmul.f32 v22, v43  }
0x414: {  	v29 =	vsub.f32 $1.500000000e+00, v29;
	v31 =	vsub.f32 $1.500000000e+00, v31  }
0x415: {  	v39 =	vsub.f32 $1.500000000e+00, v39  }
0x416: {  	v47 =	vmul.f32 v29, v37;
	v45 =	vmul.f32 v25, v31;
	v25, _, _ =	vpop (xrf2)  }
0x417: {  	v22 =	vmul.f32 v22, v39;
	vm0 =	veq.s32 v23, $0x0  }
0x418: {  	v23 =	vnsel vm0, $0x0, v38;
	(v2sf) =	vpush v25, $0xF  }
0x419: {  	v21 =	vmul.f32 v22, v21;
	v25 =	vmul.f32 v23, v1  }
0x41a: {  	v31 =	vsel vm0, v6, v10;
	v29 =	vmul.f32 v23, v2;
	v37 =	vmul.f32 v23, v3  }
0x41b: {  	v38 =	vmov s15;
	v23 =	vmul.f32 v23, v4;
	v39 =	vmul.f32 v25, v14;
	v14 =	vmovc v20  }
0x41c: {  	s1 =	sshra.s32 s21, $0x2;
	v20 =	vand.u32 $0xFFFFFFFC, v38;
	v38 =	vmul.f32 v29, v18;
	v37 =	vmul.f32 v37, v13;
	v13 =	vmovc v27;
	v18 =	vmovc v17  }
0x41d: {  	v16 =	vmul.f32 v45, v16;
	v17 =	vsel vm0, v7, v11;
	v23 =	vmul.f32 v23, v19;
	v19 =	vmovc v15;
	v25 =	vld [tilespmem:s1+$0x11050]  }
0x41e: {  	v15 =	vsel vm0, v5, v9;
	v27 =	vadd.f32 v38, v31;
	v17 =	vadd.f32 v37, v17;
	v29 =	vld [tilespmem:s1+$0x11040]  }
0x41f: {  	v16 =	vmul.f32 v16, v45;
	v15 =	vadd.f32 v39, v15;
	v37 =	vsel vm0, v8, v12;
	v31 =	vld [tilespmem:s1+$0x11070]  }
0x420: {  	v21 =	vmul.f32 v21, v22;
	v23 =	vadd.f32 v23, v37;
	v39 =	vld [tilespmem:s1+$0x11030];
	[tilespmem:s8+$0x190D0] =	vst v27  }
0x421: {  	v16 =	vsub.f32 $1.500000000e+00, v16;
	v40 =	vld [tilespmem:s1+$0x11020];
	[tilespmem:s8+$0x190E0] =	vst v17  }
0x422: {  	v27 =	vbroadcast v20, $0x0;
	v17 =	vsub.f32 $1.500000000e+00, v21;
	v43 =	vld [tilespmem:s1+$0x11000];
	[tilespmem:s8+$0x190F0] =	vst v23  }
0x423: {  	v38 =	vmul.f32 v16, v45;
	v37 =	vld [tilespmem:s1+$0x11060];
	[tilespmem:s8+$0x190C0] =	vst v15;
	s8 =	smov.u32 s7;
	s7 =	smov.u32 s1  }
0x424: {  	v46 =	vmul.f32 v17, v22;
	v45 =	vld [tilespmem:s7+$0x11010]  }
0x425: {  	v15 =	vmul.f32 v31, v31;
	v16 =	vld [tilespmem:s7+$0x110A0]  }
0x426: {  	v20 =	vmul.f32 v39, v39;
	v17 =	vmul.f32 v40, v40;
	v21 =	vld [tilespmem:s7+$0x11090]  }
0x427: {  	v23 =	vmul.f32 v25, v25;
	s1 =	smul.f32 s12, s12;
	v48 =	vadd.f32 v39, v40;
	v50 =	vmul.f32 v43, v43;
	v22 =	vld [tilespmem:s7+$0x11080];
	s12 =	spop (v2sf)  }
0x428: {  	v53 =	vmul.f32 v29, v29;
	v51 =	vadd.f32 v20, v17;
	v52 =	vadd.f32 v31, v37;
	v20 =	vld [tilespmem:s7+$0x110C0];
	s12 =	smul.f32 $1.562500000e-02, s12  }
0x429: {  	v55 =	vadd.f32 v25, v29;
	v56 =	vmul.f32 v37, v37;
	v54 =	vmul.f32 v45, v45;
	v17 =	vld [tilespmem:s7+$0x110B0]  }
0x42a: {  	v53 =	vadd.f32 v23, v53;
	v57 =	vadd.f32 v45, v43;
	v58 =	vld.idx.msk [tilespmem:v27+s17+$0x0], $0xffff;
	s1 =	ssub.f32 s12, s1  }
0x42b: {  	v52 =	vadd.f32 v52, v55;
	v15 =	vadd.f32 v15, v56;
	v23 =	vld [tilespmem:s7+$0x110D0]  }
0x42c: {  	v48 =	vadd.f32 v48, v57;
	v55 =	vadd.f32 v21, v22;
	v27 =	vld [tilespmem:s7+$0x110E0];
	s1 =	sadd.f32 $9.999999740e-06, s1  }
0x42d: {  	v50 =	vadd.f32 v54, v50;
	v60 =	vadd.f32 v15, v53;
	v15 =	vld [tilespmem:s7+$0x110F0];
	(xrf2) =	vadd.scan.msk.f32 $0xffff, v52  }
0x42e: {  	v53 =	vadd.f32 v17, v16;
	v59 =	vmul.f32 v17, v17  }
0x42f: {  	v61 =	vmul.f32 v16, v16;
	v52 =	vadd.f32 v51, v50  }
0x430: {  	vm0 =	veq.s32 v58, $0x0;
	v50 =	vadd.f32 v53, v55;
	v53 =	vmul.f32 v20, v20;
	(xrf2) =	vadd.scan.msk.f32 $0xffff, v48  }
0x431: {  	v62 =	vnsel vm0, $0x0, v46;
	v46 =	vmov s1;
	v56 =	vmul.f32 v27, v27  }
.Ltmp6:
0x432: {  	v48 =	vmul.f32 v62, v4;
	v51 =	vshra.s32 v46, $0x1;
	v54 =	vadd.f32 v15, v27;
	(pc) =	sbr.rel @p2 .LBB2_11-.Ltmp6, $4  }
0x433: {  	v55 =	vmul.f32 v62, v3;
	v51 =	vsub.s32 $0x5F3759DF, v51;
	(xrf2) =	vadd.scan.msk.f32 $0xffff, v50;
	v50 =	vmul.f32 $5.000000000e-01, v46  }
0x434: {  	v63 =	vsel vm0, v8, v12;
	s1 =	sadd.s32 $0x1, s15;
	v57 =	vmul.f32 v62, v2;
	v49 =	vmul.f32 v48, v49  }
0x435: {  	v58 =	vmul.f32 v15, v15;
	v46 =	vadd.f32 v59, v61;
	v59 =	vmov s1  }
0x436: {  	v48 =	vmul.f32 v21, v21;
	v49 =	vadd.f32 v49, v63;
	(xrf2) =	vadd.scan.msk.f32 $0xffff, v60;
	v60 =	vmul.f32 v62, v1  }
0x437: {  	v61 =	vmul.f32 v23, v23  }
0x438: {  	v62 =	vadd.f32 v23, v20;
	v59 =	vand.u32 $0xFFFFFFFD, v59;
	v42 =	vmul.f32 v55, v42  }
0x439: {  	v63 =	vsel vm0, v7, v11;
	v44 =	vmul.f32 v60, v44;
	v59 =	vbroadcast v59, $0x0  }
0x43a: {  	v41 =	vmul.f32 v57, v41;
	v60 =	vsel vm0, v5, v9;
	v42 =	vadd.f32 v42, v63  }
0x43b: {  	[tilespmem:s8+$0x19030] =	vst v49;
	v53 =	vadd.f32 v61, v53;
	v61 =	vsel vm0, v6, v10;
	v44 =	vadd.f32 v44, v60  }
0x43c: {  	v56 =	vadd.f32 v58, v56;
	v41 =	vadd.f32 v41, v61;
	[tilespmem:s8+$0x19020] =	vst v42  }
0x43d: {  	v54 =	vadd.f32 v54, v62;
	[tilespmem:s8+$0x19000] =	vst v44  }
0x43e: {  	(xrf2) =	vadd.scan.msk.f32 $0xffff, v52;
	v57 =	vadd.f32 v56, v53;
	[tilespmem:s8+$0x19010] =	vst v41  }
0x43f: {  	(xrf2) =	vadd.scan.msk.f32 $0xffff, v54;
	v41 =	vld.idx.msk [tilespmem:v59+s17+$0x0], $0xffff  }
0x440: {  	(xrf2) =	vadd.scan.msk.f32 $0xffff, v57  }
0x441: {  	v58, _, _ =	vpop (xrf2)  }
0x442: {  	v60, _, _ =	vpop (xrf2);
	v59 =	vmul.f32 v51, v50  }
0x443: {  	(v2sf) =	vpush v60, $0xF;
	v61, _, _ =	vpop (xrf2)  }
0x444: {  	(v2sf) =	vpush v58, $0xF;
	v44 =	vmul.f32 v51, v59;
	v62, _, _ =	vpop (xrf2);
	vm0 =	veq.s32 v41, $0x0  }
0x445: {  	v30 =	vbroadcast v30, $0x0;
	(v2sf) =	vpush v62, $0xF;
	v63 =	vnsel vm0, $0x0, v47  }
0x446: {  	(v2sf) =	vpush v61, $0xF;
	v41 =	vsub.f32 $1.500000000e+00, v44;
	v58 =	vmul.f32 v63, v1  }
0x447: {  	v57 =	vsel vm0, v5, v9;
	v60 =	vsel vm0, v8, v12;
	v61 =	vmul.f32 v63, v3  }
0x448: {  	v44, _, _ =	vpop (xrf2);
	v54 =	vsel vm0, v7, v11;
	v62 =	vmul.f32 v63, v4;
	v34 =	vmul.f32 v58, v34  }
0x449: {  	v55 =	vsel vm0, v6, v10;
	v59, _, _ =	vpop (xrf2);
	v42 =	vmul.f32 v63, v2;
	v35 =	vmul.f32 v61, v35  }
0x44a: {  	(v2sf) =	vpush v59, $0xF;
	v63, _, _ =	vpop (xrf2);
	v32 =	vmul.f32 v62, v32;
	v34 =	vadd.f32 v34, v57  }
0x44b: {  	v33 =	vmul.f32 v42, v33;
	(v2sf) =	vpush v63, $0xF;
	v35 =	vadd.f32 v35, v54  }
0x44c: {  	v41 =	vmul.f32 v51, v41;
	(v2sf) =	vpush v44, $0xF;
	v32 =	vadd.f32 v32, v60;
	[tilespmem:s8+$0x19040] =	vst v34  }
0x44d: {  	v33 =	vadd.f32 v33, v55;
	[tilespmem:s8+$0x19060] =	vst v35  }
0x44e: {  	v56 =	vmul.f32 v41, v50;
	[tilespmem:s8+$0x19070] =	vst v32  }
0x44f: {  	[tilespmem:s8+$0x19050] =	vst v33  }
0x450: {  	v57 =	vmul.f32 v56, v41;
	v30 =	vld.idx.msk [tilespmem:v30+s17+$0x0], $0xffff;
	_ =	sdelay $0x1  }
0x451: {  	v32 =	vsub.f32 $1.500000000e+00, v57;
	_ =	sdelay $0x1  }
0x452: {  	v32 =	vmul.f32 v32, v41  }
0x453: {  	s1 =	spop (v2sf);
	vm0 =	veq.s32 v30, $0x0  }
0x454: {  	s28 =	spop (v2sf);
	v30 =	vnsel vm0, $0x0, v32  }
0x455: {  	s25 =	spop (v2sf);
	v32 =	vmul.f32 v30, v1  }
0x456: {  	s21 =	spop (v2sf);
	v58 =	vmul.f32 v30, v4  }
0x457: {  	v59 =	vmov s19;
	s22 =	smul.f32 $1.562500000e-02, s1;
	v60 =	vmul.f32 v30, v3;
	s12 =	spop (v2sf);
	v28 =	vmul.f32 v32, v28  }
0x458: {  	v61 =	vsel vm0, v5, v9;
	v30 =	vmul.f32 v30, v2;
	v33 =	vmul.f32 v58, v36;
	s20 =	spop (v2sf)  }
0x459: {  	s1 =	smul.f32 s22, s22;
	v62 =	vsel vm0, v8, v12;
	v26 =	vmul.f32 v60, v26;
	v28 =	vadd.f32 v28, v61;
	s30 =	spop (v2sf)  }
0x45a: {  	v63 =	vsel vm0, v7, v11;
	v24 =	vmul.f32 v30, v24;
	v30 =	vadd.f32 v33, v62;
	s19 =	smul.f32 $1.562500000e-02, s30  }
0x45b: {  	v26 =	vadd.f32 v26, v63;
	[tilespmem:s8+$0x19080] =	vst v28;
	v28 =	vsel vm0, v6, v10  }
0x45c: {  	[tilespmem:s8+$0x190B0] =	vst v30;
	v24 =	vadd.f32 v24, v28;
	s1 =	ssub.f32 s19, s1  }
0x45d: {  	[tilespmem:s8+$0x190A0] =	vst v26;
	v28 =	vmul.f32 v22, v22  }
0x45e: {  	[tilespmem:s8+$0x19090] =	vst v24;
	s1 =	sadd.f32 $9.999999740e-06, s1  }
0x45f: {  	v24 =	vadd.f32 v48, v28;
	v28 =	vld.idx.msk [tilespmem:v59+s17+$0x0], $0xffff  }
0x460: {  	v26 =	vmov s1  }
0x461: {  	v24 =	vadd.f32 v46, v24;
	v30 =	vshra.s32 v26, $0x1;
	v26 =	vmul.f32 $5.000000000e-01, v26  }
0x462: {  	v30 =	vsub.s32 $0x5F3759DF, v30  }
0x463: {  	(xrf2) =	vadd.scan.msk.f32 $0xffff, v24;
	v36 =	vmul.f32 v30, v26  }
0x464: {  	vm0 =	veq.s32 v28, $0x0  }
0x465: {  	s15 =	sadd.s32 $0x4, s15;
	v28 =	vnsel vm0, $0x0, v38;
	v24 =	vmul.f32 v30, v36  }
0x466: {  	v47 =	vmov s15;
	v41 =	vmul.f32 v28, v2;
	v42 =	vmul.f32 v28, v1  }
0x467: {  	v48 =	vand.u32 $0xFFFFFFFC, v47;
	v46 =	vmul.f32 v28, v3;
	v28 =	vmul.f32 v28, v4  }
0x468: {  	v44 =	vsel vm0, v6, v10;
	v49 =	vsel vm0, v7, v11;
	v18 =	vmul.f32 v41, v18  }
0x469: {  	v24 =	vsub.f32 $1.500000000e+00, v24;
	v13 =	vmul.f32 v46, v13;
	v19 =	vmul.f32 v28, v19  }
0x46a: {  	v28 =	vbroadcast v48, $0x0;
	v14 =	vmul.f32 v42, v14;
	v18 =	vadd.f32 v18, v44  }
0x46b: {  	s19 =	smul.f32 $1.562500000e-02, s28;
	v13 =	vadd.f32 v13, v49;
	v24 =	vmul.f32 v30, v24;
	v30 =	vsel vm0, v5, v9  }
0x46c: {  	s25 =	smul.f32 $1.562500000e-02, s25;
	v50 =	vsel vm0, v8, v12;
	v14 =	vadd.f32 v14, v30;
	[tilespmem:s8+$0x190D0] =	vst v18  }
0x46d: {  	s30 =	smul.f32 s19, s19;
	v18 =	vadd.f32 v19, v50;
	v19, _, _ =	vpop (xrf2);
	[tilespmem:s8+$0x190E0] =	vst v13  }
0x46e: {  	v13 =	vmul.f32 v24, v26;
	(v2sf) =	vpush v19, $0xF;
	[tilespmem:s8+$0x190C0] =	vst v14  }
0x46f: {  	s1 =	ssub.f32 s25, s30;
	[tilespmem:s8+$0x190F0] =	vst v18  }
0x470: {  	v13 =	vmul.f32 v13, v24;
	v14 =	vld.idx.msk [tilespmem:v28+s17+$0x0], $0xffff  }
0x471: {  	s1 =	sadd.f32 $9.999999740e-06, s1  }
0x472: {  	v13 =	vsub.f32 $1.500000000e+00, v13  }
0x473: {  	v18 =	vmov s1  }
0x474: {  	s28 =	sadd.s32 $0x1, s15;
	v19 =	vshra.s32 v18, $0x1;
	v18 =	vmul.f32 $5.000000000e-01, v18;
	v13 =	vmul.f32 v13, v24  }
0x475: {  	v54 =	vmov s28;
	v19 =	vsub.s32 $0x5F3759DF, v19;
	vm0 =	veq.s32 v14, $0x0  }
0x476: {  	v26 =	vmul.f32 v19, v18;
	v24 =	vmov s22;
	v13 =	vnsel vm0, $0x0, v13  }
0x477: {  	v55 =	vand.u32 $0xFFFFFFFD, v54;
	v28 =	vsub.f32 v39, v24;
	v30 =	vmul.f32 v13, v4  }
0x478: {  	v34 =	vbroadcast v55, $0x0;
	v26 =	vmul.f32 v19, v26;
	v51 =	vsub.f32 v45, v24  }
0x479: {  	v14 =	vsub.f32 v43, v24;
	v28 =	vmul.f32 v30, v28;
	v30 =	vmul.f32 v13, v1  }
0x47a: {  	v24 =	vsub.f32 v40, v24;
	v52 =	vmul.f32 v13, v3;
	v13 =	vmul.f32 v13, v2  }
0x47b: {  	s8 =	smul.f32 $1.562500000e-02, s21;
	v26 =	vsub.f32 $1.500000000e+00, v26;
	v53 =	vsel vm0, v8, v12;
	v14 =	vmul.f32 v30, v14  }
0x47c: {  	v28 =	vadd.f32 v28, v53;
	v30 =	vsel vm0, v5, v9;
	v13 =	vmul.f32 v13, v51  }
0x47d: {  	s30 =	smul.f32 s8, s8;
	v24 =	vmul.f32 v52, v24;
	s22 =	spop (v2sf);
	v14 =	vadd.f32 v14, v30;
	v30 =	vsel vm0, v6, v10  }
0x47e: {  	v19 =	vmul.f32 v19, v26;
	v26 =	vsel vm0, v7, v11;
	[tilespmem:s7+$0x19030] =	vst v28;
	s21 =	smul.f32 $1.562500000e-02, s22;
	v13 =	vadd.f32 v13, v30  }
0x47f: {  	[tilespmem:s7+$0x19000] =	vst v14;
	v14 =	vadd.f32 v24, v26  }
0x480: {  	v18 =	vmul.f32 v19, v18;
	s1 =	ssub.f32 s21, s30;
	[tilespmem:s7+$0x19010] =	vst v13  }
0x481: {  	[tilespmem:s7+$0x19020] =	vst v14  }
0x482: {  	v13 =	vmul.f32 v18, v19;
	s1 =	sadd.f32 $9.999999740e-06, s1;
	v14 =	vld.idx.msk [tilespmem:v34+s17+$0x0], $0xffff  }
0x483: {  	s25 =	sadd.s32 $0x2, s15  }
0x484: {  	v24 =	vmov s25;
	v13 =	vsub.f32 $1.500000000e+00, v13;
	v18 =	vmov s1  }
0x485: {  	v24 =	vand.u32 $0xFFFFFFFE, v24;
	v26 =	vshra.s32 v18, $0x1;
	v18 =	vmul.f32 $5.000000000e-01, v18  }
0x486: {  	v24 =	vbroadcast v24, $0x0;
	v13 =	vmul.f32 v13, v19;
	v19 =	vsub.s32 $0x5F3759DF, v26  }
0x487: {  	v26 =	vmov s19;
	v28 =	vmul.f32 v19, v18;
	vm0 =	veq.s32 v14, $0x0  }
0x488: {  	v14 =	vsub.f32 v29, v26;
	v29 =	vsub.f32 v31, v26;
	v13 =	vnsel vm0, $0x0, v13  }
0x489: {  	v30 =	vsub.f32 v37, v26;
	v28 =	vmul.f32 v19, v28;
	v31 =	vmul.f32 v13, v1  }
0x48a: {  	v25 =	vsub.f32 v25, v26;
	v26 =	vmul.f32 v13, v3;
	v56 =	vmul.f32 v13, v4  }
0x48b: {  	v13 =	vmul.f32 v13, v2;
	v14 =	vmul.f32 v31, v14  }
0x48c: {  	s12 =	smul.f32 $1.562500000e-02, s12;
	v28 =	vsub.f32 $1.500000000e+00, v28;
	v31 =	vsel vm0, v5, v9;
	v26 =	vmul.f32 v26, v30  }
0x48d: {  	s28 =	smul.f32 $1.562500000e-02, s20;
	v29 =	vmul.f32 v56, v29;
	v30 =	vsel vm0, v7, v11;
	v14 =	vadd.f32 v14, v31  }
0x48e: {  	s30 =	smul.f32 s12, s12;
	v13 =	vmul.f32 v13, v25;
	v31 =	vsel vm0, v8, v12;
	v26 =	vadd.f32 v26, v30  }
0x48f: {  	v19 =	vmul.f32 v19, v28;
	v25 =	vadd.f32 v29, v31;
	[tilespmem:s7+$0x19040] =	vst v14;
	v14 =	vsel vm0, v6, v10  }
0x490: {  	s1 =	ssub.f32 s28, s30;
	[tilespmem:s7+$0x19060] =	vst v26;
	v13 =	vadd.f32 v13, v14  }
0x491: {  	v14 =	vmul.f32 v19, v18;
	[tilespmem:s7+$0x19070] =	vst v25  }
0x492: {  	s1 =	sadd.f32 $9.999999740e-06, s1;
	[tilespmem:s7+$0x19050] =	vst v13  }
0x493: {  	v13 =	vmul.f32 v14, v19;
	v14 =	vld.idx.msk [tilespmem:v24+s17+$0x0], $0xffff  }
0x494: {  	v18 =	vmov s1  }
0x495: {  	v24 =	vshra.s32 v18, $0x1;
	v18 =	vmul.f32 $5.000000000e-01, v18;
	v13 =	vsub.f32 $1.500000000e+00, v13  }
0x496: {  	v24 =	vsub.s32 $0x5F3759DF, v24  }
0x497: {  	v25 =	vmul.f32 v24, v18;
	v13 =	vmul.f32 v13, v19  }
0x498: {  	v19 =	vmov s8;
	vm0 =	veq.s32 v14, $0x0  }
0x499: {  	v14 =	vsub.f32 v21, v19;
	v21 =	vmul.f32 v24, v25;
	v13 =	vnsel vm0, $0x0, v13  }
0x49a: {  	v22 =	vsub.f32 v22, v19;
	v16 =	vsub.f32 v16, v19;
	v25 =	vmul.f32 v13, v1  }
0x49b: {  	s8 =	sadd.s32 $0x3, s15;
	v17 =	vsub.f32 v17, v19;
	v19 =	vsub.f32 $1.500000000e+00, v21;
	v21 =	vmul.f32 v13, v4  }
0x49c: {  	v26 =	vmov s8;
	v28 =	vmul.f32 v13, v3;
	v22 =	vmul.f32 v25, v22  }
0x49d: {  	v13 =	vmul.f32 v13, v2;
	v25 =	vsel vm0, v5, v9;
	v17 =	vmul.f32 v21, v17  }
0x49e: {  	v16 =	vmul.f32 v28, v16;
	v21 =	vadd.f32 v22, v25;
	v22 =	vsel vm0, v8, v12  }
0x49f: {  	v13 =	vmul.f32 v13, v14;
	v25 =	vsel vm0, v7, v11;
	v14 =	vadd.f32 v17, v22  }
0x4a0: {  	v17 =	vmul.f32 v24, v19;
	v16 =	vadd.f32 v16, v25;
	v19 =	vsel vm0, v6, v10;
	[tilespmem:s7+$0x19080] =	vst v21  }
0x4a1: {  	v13 =	vadd.f32 v13, v19;
	[tilespmem:s7+$0x190B0] =	vst v14  }
0x4a2: {  	v14 =	vmul.f32 v17, v18;
	[tilespmem:s7+$0x190A0] =	vst v16  }
0x4a3: {  	[tilespmem:s7+$0x19090] =	vst v13  }
0x4a4: {  	v13 =	vmul.f32 v14, v17;
	v14 =	vld.idx.msk [tilespmem:v26+s17+$0x0], $0xffff;
	_ =	sdelay $0x1  }
0x4a5: {  	v13 =	vsub.f32 $1.500000000e+00, v13;
	_ =	sdelay $0x1  }
0x4a6: {  	v13 =	vmul.f32 v13, v17  }
0x4a7: {  	vm0 =	veq.s32 v14, $0x0  }
0x4a8: {  	v14 =	vmov s12;
	v13 =	vnsel vm0, $0x0, v13  }
0x4a9: {  	v16 =	vsub.f32 v23, v14;
	v17 =	vmul.f32 v13, v2  }
0x4aa: {  	v18 =	vsub.f32 v27, v14;
	v19 =	vsub.f32 v20, v14;
	v20 =	vmul.f32 v13, v3  }
0x4ab: {  	v14 =	vsub.f32 v15, v14;
	v15 =	vmul.f32 v13, v4;
	v16 =	vmul.f32 v17, v16  }
0x4ac: {  	v13 =	vmul.f32 v13, v1;
	v17 =	vsel vm0, v6, v10;
	v18 =	vmul.f32 v20, v18  }
0x4ad: {  	v20 =	vsel vm0, v7, v11;
	v14 =	vmul.f32 v15, v14;
	v15 =	vadd.f32 v16, v17  }
0x4ae: {  	v13 =	vmul.f32 v13, v19;
	v16 =	vadd.f32 v18, v20;
	v17 =	vsel vm0, v8, v12  }
0x4af: {  	s15 =	sshll.u32 s10, $0xD;
	v18 =	vsel vm0, v5, v9;
	v14 =	vadd.f32 v14, v17;
	[tilespmem:s7+$0x190D0] =	vst v15  }
0x4b0: {  	s1 =	sadd.s32 s9, s15;
	v13 =	vadd.f32 v13, v18;
	[tilespmem:s7+$0x190E0] =	vst v16  }
0x4b1: {  	s1 =	sshrl.u32 s1, $0x3;
	[tilespmem:s7+$0x190F0] =	vst v14  }
0x4b2: {  	s19 =	simm.s32 $0x19000;
	s1 =	sadd.s32 s2, s1;
	[tilespmem:s7+$0x190C0] =	vst v13  }
0x4b3: {  	[hbm4b:s1+s3] =	stream.linear.scatter [tilespmem:s19], [sflag:$0x7], $0x2000, $0x38;
	[tilespmem:$0x1D0C0] =	vst v63  }
0x4b4: {  	s7 =	simm.s32 @!p0 $0x11000;
	s1 =	sadd.s32 @!p0 $0x6B00, s6;
	s6 =	simm.s32 @!p0 $0x80  }
0x4b5: {  	[tilespmem:s7], [sflag:$0x3] =	stream.indirect.gather @!p0 [hbm4b:s4+s6], $0x40, s1, s6, $0xb8;
	[tilespmem:$0x1D0C0] =	vst v63  }
0x4b6: {  	_ =	swait.ge [sflag:s0], $0x2000  }
0x4b7: {  	[sflag:s0] =	ssyncset.done $0x0  }
0x4b8: {  	s1 =	simm.s32 @!p1 $0x8;
	[sflag:s0] =	ssyncadd.s32 $0xFFFFE000  }
0x4b9: {  	_ =	swait.ge @!p1 [sflag:s1], $0x2000  }
0x4ba: {  	[sflag:s1] =	ssyncset.done @!p1 $0x0  }
0x4bb: {  	s7 =	simm.s32 $0x0;
	[sflag:s1] =	ssyncadd.s32 @!p1 $0xFFFFE000  }
0x4bc: {  	v13 =	vld [tilespmem:s7+$0x13050]  }
0x4bd: {  	v14 =	vld [tilespmem:s7+$0x13040]  }
0x4be: {  	v21 =	vld [tilespmem:s7+$0x13070]  }
0x4bf: {  	v22 =	vld [tilespmem:s7+$0x13030]  }
0x4c0: {  	v23 =	vld [tilespmem:s7+$0x13020]  }
0x4c1: {  	v24 =	vld [tilespmem:s7+$0x13000]  }
0x4c2: {  	v25 =	vld [tilespmem:s7+$0x13060]  }
0x4c3: {  	v26 =	vld [tilespmem:s7+$0x13010]  }
0x4c4: {  	v15 =	vld [tilespmem:s7+$0x130A0]  }
0x4c5: {  	v17 =	vld [tilespmem:s7+$0x13090]  }
0x4c6: {  	v16 =	vld [tilespmem:s7+$0x13080]  }
0x4c7: {  	v29 =	vld [tilespmem:s7+$0x130C0];
	v27 =	vmul.f32 v21, v21;
	v20 =	vmul.f32 v23, v23  }
0x4c8: {  	v18 =	vld [tilespmem:s7+$0x130B0];
	v28 =	vmul.f32 v22, v22;
	v30 =	vadd.f32 v22, v23;
	v31 =	vmul.f32 v24, v24  }
0x4c9: {  	v63 =	vld [tilespmem:s7+$0x130E0];
	v57 =	vmul.f32 v13, v13;
	v58 =	vadd.f32 v21, v25;
	v59 =	vmul.f32 v14, v14  }
0x4ca: {  	v19 =	vld [tilespmem:s7+$0x130D0];
	v60 =	vadd.f32 v13, v14;
	v61 =	vmul.f32 v25, v25;
	v62 =	vadd.f32 v26, v24  }
0x4cb: {  	v48 =	vmul.f32 v26, v26;
	v49 =	vadd.f32 v17, v16;
	v28 =	vadd.f32 v28, v20;
	v20 =	vld [tilespmem:s7+$0x130F0]  }
0x4cc: {  	v32 =	vadd.f32 v57, v59;
	v33 =	vadd.f32 v58, v60  }
0x4cd: {  	v27 =	vadd.f32 v27, v61;
	v31 =	vadd.f32 v48, v31  }
0x4ce: {  	v50 =	vadd.f32 v18, v15;
	v51 =	vmul.f32 v63, v63;
	v30 =	vadd.f32 v30, v62  }
0x4cf: {  	v52 =	vmul.f32 v19, v19;
	v27 =	vadd.f32 v27, v32;
	(xrf2) =	vadd.scan.msk.f32 $0xffff, v33;
	v28 =	vadd.f32 v28, v31  }
0x4d0: {  	v31 =	vmul.f32 v29, v29;
	v32 =	vadd.f32 v50, v49;
	(xrf2) =	vadd.scan.msk.f32 $0xffff, v30;
	v30 =	vmul.f32 v20, v20  }
0x4d1: {  	v54 =	vadd.f32 v19, v29;
	v53 =	vadd.f32 v20, v63  }
0x4d2: {  	(xrf2) =	vadd.scan.msk.f32 $0xffff, v32;
	v31 =	vadd.f32 v52, v31;
	v30 =	vadd.f32 v30, v51  }
0x4d3: {  	(xrf2) =	vadd.scan.msk.f32 $0xffff, v27;
	v27 =	vadd.f32 v53, v54  }
0x4d4: {  	(xrf2) =	vadd.scan.msk.f32 $0xffff, v28;
	v28 =	vadd.f32 v30, v31  }
0x4d5: {  	(xrf2) =	vadd.scan.msk.f32 $0xffff, v27  }
0x4d6: {  	(xrf2) =	vadd.scan.msk.f32 $0xffff, v28;
	_ =	sdelay $0x2  }
0x4d7: {  	v27, _, _ =	vpop (xrf2)  }
0x4d8: {  	v28, _, _ =	vpop (xrf2)  }
0x4d9: {  	(v2sf) =	vpush v28, $0xF  }
0x4da: {  	v28, _, _ =	vpop (xrf2);
	(v2sf) =	vpush v27, $0xF  }
0x4db: {  	v27, _, _ =	vpop (xrf2)  }
0x4dc: {  	(v2sf) =	vpush v27, $0xF;
	v27, _, _ =	vpop (xrf2)  }
0x4dd: {  	(v2sf) =	vpush v28, $0xF;
	v28, _, _ =	vpop (xrf2)  }
0x4de: {  	(v2sf) =	vpush v28, $0xF;
	v28, _, _ =	vpop (xrf2)  }
0x4df: {  	(v2sf) =	vpush v28, $0xF;
	_ =	sdelay $0x1  }
0x4e0: {  	(v2sf) =	vpush v27, $0xF;
	_ =	sdelay $0x6  }
0x4e1: {  	s20 =	spop (v2sf)  }
0x4e2: {  	s1 =	smul.f32 $1.562500000e-02, s20;
	s21 =	spop (v2sf)  }
0x4e3: {  	v30 =	vmul.f32 v17, v17;
	v31 =	vmul.f32 v16, v16;
	s6 =	smul.f32 $1.562500000e-02, s21  }
0x4e4: {  	v28 =	vmul.f32 v15, v15;
	v27 =	vmul.f32 v18, v18;
	s22 =	spop (v2sf);
	s8 =	smul.f32 s1, s1  }
0x4e5: {  	s15 =	spop (v2sf);
	s10 =	smul.f32 $1.562500000e-02, s22  }
0x4e6: {  	v27 =	vadd.f32 v27, v28;
	v28 =	vadd.f32 v30, v31;
	s25 =	smul.f32 s6, s6;
	s28 =	spop (v2sf)  }
0x4e7: {  	s19 =	smul.f32 $1.562500000e-02, s28;
	s30 =	spop (v2sf)  }
0x4e8: {  	v27 =	vadd.f32 v27, v28;
	s10 =	ssub.f32 s10, s25;
	s21 =	smul.f32 $1.562500000e-02, s30  }
0x4e9: {  	s25 =	spop (v2sf);
	s28 =	smul.f32 s19, s19  }
0x4ea: {  	(xrf2) =	vadd.scan.msk.f32 $0xffff, v27;
	s10 =	sadd.f32 $9.999999740e-06, s10;
	s20 =	smul.f32 $1.562500000e-02, s25  }
0x4eb: {  	v28 =	vmov s1;
	s21 =	ssub.f32 s21, s28  }
0x4ec: {  	v44 =	vsub.f32 v24, v28;
	v24 =	vmov s6;
	s22 =	ssub.f32 s20, s8  }
0x4ed: {  	v42 =	vsub.f32 v23, v28;
	v34 =	vsub.f32 v14, v24;
	s1 =	sadd.f32 $9.999999740e-06, s21  }
0x4ee: {  	v32 =	vsub.f32 v21, v24;
	v35 =	vsub.f32 v25, v24;
	v14 =	vmov s10;
	s6 =	sadd.f32 $9.999999740e-06, s22  }
0x4ef: {  	v21 =	vshra.s32 v14, $0x1;
	v23 =	vmul.f32 $5.000000000e-01, v14;
	v14 =	vmov s1  }
0x4f0: {  	v25 =	vshra.s32 v14, $0x1;
	v55 =	vmul.f32 $5.000000000e-01, v14;
	v14 =	vmov s6  }
0x4f1: {  	v41 =	vsub.f32 v26, v28;
	v26 =	vshra.s32 v14, $0x1  }
0x4f2: {  	v46 =	vsub.f32 v22, v28;
	s30 =	sadd.s32 $0x2, s13  }
0x4f3: {  	v33 =	vsub.f32 v13, v24;
	v58 =	vmov s19;
	v27 =	vmov s30  }
0x4f4: {  	v21 =	vsub.s32 $0x5F3759DF, v21;
	v56 =	vmul.f32 $5.000000000e-01, v14;
	v57 =	vsub.s32 $0x5F3759DF, v26;
	v26, _, _ =	vpop (xrf2)  }
0x4f5: {  	s25 =	smul.f32 $1.562500000e-02, s15;
	v31 =	vsub.s32 $0x5F3759DF, v25;
	v14 =	vmul.f32 v21, v23;
	(v2sf) =	vpush v26, $0xF  }
0x4f6: {  	v13 =	vsub.f32 v63, v58;
	v30 =	vand.u32 $0xFFFFFFFE, v27;
	s6 =	simm.s32 $0x100;
	v25 =	vmul.f32 v31, v55  }
0x4f7: {  	v59 =	vmov s25;
	v39 =	vld [tilespmem:s6+$0x13030];
	v22 =	vmul.f32 v57, v56;
	v14 =	vmul.f32 v21, v14  }
0x4f8: {  	v24 =	vsub.f32 v17, v59;
	v28 =	vsub.f32 v16, v59;
	v40 =	vld [tilespmem:s6+$0x13020];
	v25 =	vmul.f32 v31, v25  }
0x4f9: {  	v36 =	vsub.f32 v18, v59;
	v43 =	vld [tilespmem:s6+$0x13000];
	v22 =	vmul.f32 v57, v22;
	v26 =	vsub.f32 $1.500000000e+00, v14  }
0x4fa: {  	v18 =	vsub.f32 v19, v58;
	v19 =	vmov s13;
	v37 =	vld [tilespmem:s6+$0x13060];
	v27 =	vsub.f32 $1.500000000e+00, v25  }
0x4fb: {  	v45 =	vld [tilespmem:s6+$0x13010];
	v14 =	vsub.f32 v29, v58;
	v22 =	vsub.f32 $1.500000000e+00, v22;
	v47 =	vmul.f32 v21, v26  }
0x4fc: {  	v29 =	vld [tilespmem:s6+$0x13040];
	v60 =	vmul.f32 v39, v39;
	v26 =	vsub.f32 v15, v59;
	v48 =	vmul.f32 v31, v27  }
0x4fd: {  	v25 =	vld [tilespmem:s6+$0x13050];
	v21 =	vand.u32 $0xFFFFFFFC, v19;
	v49 =	vmul.f32 v57, v22;
	v15 =	vmul.f32 v47, v23  }
0x4fe: {  	v52 =	vadd.f32 v39, v40;
	v31 =	vld [tilespmem:s6+$0x13070];
	v23 =	vbroadcast v21, $0x0;
	v16 =	vmul.f32 v48, v55  }
0x4ff: {  	v19 =	vsub.f32 v20, v58;
	v20 =	vmul.f32 v40, v40;
	v21 =	vld [tilespmem:s6+$0x13090];
	v17 =	vmul.f32 v49, v56  }
0x500: {  	v58 =	vmul.f32 v37, v37;
	v59 =	vadd.f32 v45, v43;
	v22 =	vld [tilespmem:s6+$0x13080];
	v16 =	vmul.f32 v16, v48  }
0x501: {  	v51 =	vadd.f32 v60, v20;
	v20 =	vld [tilespmem:s6+$0x130C0];
	v15 =	vmul.f32 v15, v47;
	v17 =	vmul.f32 v17, v49  }
0x502: {  	v54 =	vmul.f32 v25, v25;
	v56 =	vmul.f32 v29, v29;
	v38 =	vsub.f32 $1.500000000e+00, v16;
	v16 =	vld [tilespmem:s6+$0x130A0]  }
0x503: {  	v57 =	vadd.f32 v25, v29;
	v27 =	vmul.f32 v31, v31;
	v50 =	vsub.f32 $1.500000000e+00, v17;
	v17 =	vld [tilespmem:s6+$0x130B0]  }
0x504: {  	s1 =	smul.f32 s25, s25;
	v53 =	vmul.f32 v43, v43;
	v15 =	vsub.f32 $1.500000000e+00, v15;
	v55 =	vadd.f32 v31, v37;
	v23 =	vld.idx.msk [tilespmem:v23+s17+$0x0], $0xffff;
	s28 =	spop (v2sf)  }
0x505: {  	v60 =	vmul.f32 v45, v45;
	v54 =	vadd.f32 v54, v56;
	v61 =	vadd.f32 v27, v58;
	v27 =	vld [tilespmem:s6+$0x130E0];
	s8 =	smul.f32 $1.562500000e-02, s28  }
0x506: {  	v55 =	vadd.f32 v55, v57;
	v47 =	vmul.f32 v15, v47;
	v57 =	vadd.f32 v52, v59  }
0x507: {  	v52 =	vadd.f32 v60, v53;
	v53 =	vmul.f32 v20, v20;
	v38 =	vmul.f32 v38, v48;
	s1 =	ssub.f32 s8, s1  }
0x508: {  	v15 =	vld [tilespmem:s6+$0x130F0];
	v48 =	vadd.f32 v21, v22;
	v49 =	vmul.f32 v50, v49;
	v60 =	vadd.f32 v61, v54;
	(xrf2) =	vadd.scan.msk.f32 $0xffff, v55  }
0x509: {  	v52 =	vadd.f32 v51, v52;
	v59 =	vmul.f32 v16, v16;
	v62 =	vadd.f32 v17, v16;
	s1 =	sadd.f32 $9.999999740e-06, s1  }
0x50a: {  	v58 =	vmul.f32 v17, v17;
	vm0 =	veq.s32 v23, $0x0;
	v56 =	vmul.f32 v27, v27  }
0x50b: {  	(xrf2) =	vadd.scan.msk.f32 $0xffff, v57;
	v49 =	vnsel vm0, $0x0, v49;
	v48 =	vadd.f32 v62, v48;
	v23 =	vmov s1  }
0x50c: {  	v61 =	vmul.f32 v49, v4;
	v63 =	vshra.s32 v23, $0x1;
	v50 =	vmul.f32 $5.000000000e-01, v23;
	v23 =	vld [tilespmem:s6+$0x130D0]  }
0x50d: {  	v54 =	vadd.f32 v15, v27;
	v55 =	vmul.f32 v49, v3;
	v57 =	vmul.f32 v49, v2  }
0x50e: {  	s30 =	sadd.s32 $0x1, s13;
	v62 =	vsel vm0, v8, v12;
	v61 =	vmul.f32 v61, v46;
	(xrf2) =	vadd.scan.msk.f32 $0xffff, v48;
	v46 =	vadd.f32 v58, v59  }
0x50f: {  	s5 =	sor.u32 $0x3, s5;
	v58 =	vmul.f32 v15, v15;
	v59 =	vmov s30;
	v48 =	vmul.f32 v21, v21  }
0x510: {  	s15 =	simm.s32 $0x800;
	s10 =	sadd.s32 $0x3, s13;
	s8 =	smov.u32 s13;
	(xrf2) =	vadd.scan.msk.f32 $0xffff, v60;
	v60 =	vmul.f32 v49, v1;
	v49 =	vadd.f32 v61, v62;
	v51 =	vsub.s32 $0x5F3759DF, v63  }
.LBB2_13:
0x511: {  	p1 =	sne.s32 s15, $0x7C00;
	v61 =	vadd.f32 v23, v20  }
0x512: {  	v62 =	vmul.f32 v23, v23;
	v63, _, _ =	vpop (xrf2);
	v59 =	vand.u32 $0xFFFFFFFD, v59;
	s8 =	sadd.s32 $0x4, s8;
	s19 =	smov.u32 s15;
	s15 =	sadd.s32 $0x400, s15  }
0x513: {  	v56 =	vadd.f32 v58, v56;
	v58 =	vmul.f32 v51, v50;
	s12 =	sadd.s32 $0x3, s8;
	v44 =	vmul.f32 v60, v44  }
0x514: {  	v60 =	vsel vm0, v5, v9;
	v54 =	vadd.f32 v54, v61;
	v53 =	vadd.f32 v62, v53  }
0x515: {  	v42 =	vmul.f32 v55, v42;
	s1 =	sadd.s32 $0x2, s8;
	v44 =	vadd.f32 v44, v60;
	v61, _, _ =	vpop (xrf2);
	(xrf2) =	vadd.scan.msk.f32 $0xffff, v52;
	v52 =	vbroadcast v59, $0x0  }
0x516: {  	v41 =	vmul.f32 v57, v41;
	v55 =	vmov s1;
	v53 =	vadd.f32 v56, v53;
	[tilespmem:s7+$0x1B030] =	vst v49  }
0x517: {  	v49 =	vsel vm0, v7, v11;
	(v2sf) =	vpush v61, $0xF;
	[tilespmem:s7+$0x1B000] =	vst v44;
	v44 =	vsel vm0, v6, v10  }
0x518: {  	v55 =	vand.u32 $0xFFFFFFFE, v55;
	v42 =	vadd.f32 v42, v49;
	v56, _, _ =	vpop (xrf2);
	(xrf2) =	vadd.scan.msk.f32 $0xffff, v54;
	v41 =	vadd.f32 v41, v44;
	_ =	sdelay $0x1  }
0x519: {  	(v2sf) =	vpush v63, $0xF;
	[tilespmem:s7+$0x1B010] =	vst v41;
	v41 =	vmul.f32 v51, v58  }
0x51a: {  	v44, _, _ =	vpop (xrf2);
	(xrf2) =	vadd.scan.msk.f32 $0xffff, v53;
	[tilespmem:s7+$0x1B020] =	vst v42  }
0x51b: {  	(v2sf) =	vpush v44, $0xF;
	v42 =	vld.idx.msk [tilespmem:v52+s17+$0x0], $0xffff;
	v41 =	vsub.f32 $1.500000000e+00, v41;
	_ =	sdelay $0x1  }
0x51c: {  	v41 =	vmul.f32 v51, v41  }
0x51d: {  	v44, _, _ =	vpop (xrf2)  }
0x51e: {  	(v2sf) =	vpush v56, $0xF;
	v49 =	vmul.f32 v41, v50;
	_ =	sdelay $0x1  }
0x51f: {  	vm0 =	veq.s32 v42, $0x0;
	v50, _, _ =	vpop (xrf2);
	v42 =	vmul.f32 v49, v41  }
0x520: {  	v47 =	vnsel vm0, $0x0, v47;
	v49 =	vsel vm0, v5, v9;
	v51 =	vsel vm0, v8, v12  }
0x521: {  	v52 =	vmul.f32 v47, v1;
	v53 =	vmul.f32 v47, v2;
	v42 =	vsub.f32 $1.500000000e+00, v42  }
0x522: {  	v54 =	vmul.f32 v47, v3;
	v47 =	vmul.f32 v47, v4;
	(v2sf) =	vpush v50, $0xF;
	v50, _, _ =	vpop (xrf2)  }
0x523: {  	v34 =	vmul.f32 v52, v34;
	s1 =	spop (v2sf);
	(v2sf) =	vpush v50, $0xF;
	v50 =	vmul.f32 v42, v41  }
0x524: {  	v35 =	vmul.f32 v54, v35;
	v32 =	vmul.f32 v47, v32;
	s1 =	smul.f32 $1.562500000e-02, s1;
	(v2sf) =	vpush v44, $0xF  }
0x525: {  	v41 =	vsel vm0, v7, v11;
	v34 =	vadd.f32 v34, v49  }
0x526: {  	v35 =	vadd.f32 v35, v41;
	v32 =	vadd.f32 v32, v51;
	s20 =	smul.f32 s1, s1;
	v47 =	vmov s1;
	s1 =	spop (v2sf)  }
0x527: {  	v44 =	vsub.f32 v43, v47;
	v41 =	vsub.f32 v45, v47;
	s1 =	smul.f32 $1.562500000e-02, s1;
	[tilespmem:s7+$0x1B040] =	vst v34  }
0x528: {  	v42 =	vsub.f32 v40, v47;
	v40 =	vbroadcast v30, $0x0;
	v30 =	vmov v55;
	s21 =	spop (v2sf);
	[tilespmem:s7+$0x1B060] =	vst v35  }
0x529: {  	v33 =	vmul.f32 v53, v33;
	s22 =	smul.f32 s1, s1;
	v43 =	vmov s1;
	[tilespmem:s7+$0x1B070] =	vst v32  }
0x52a: {  	s1 =	smul.f32 $1.562500000e-02, s21;
	v34 =	vsub.f32 v29, v43;
	v32 =	vsub.f32 v31, v43;
	v29 =	vsel vm0, v6, v10  }
0x52b: {  	v35 =	vsub.f32 v37, v43;
	v29 =	vadd.f32 v33, v29  }
0x52c: {  	v49 =	vsub.f32 v39, v47;
	s1 =	ssub.f32 s1, s22;
	v33 =	vsub.f32 v25, v43;
	s21 =	spop (v2sf)  }
0x52d: {  	[tilespmem:s7+$0x1B050] =	vst v29  }
0x52e: {  	v25 =	vmul.f32 v22, v22;
	s1 =	sadd.f32 $9.999999740e-06, s1;
	v29 =	vld.idx.msk [tilespmem:v40+s17+$0x0], $0xffff;
	_ =	sdelay $0x1  }
0x52f: {  	v31 =	vmov s1  }
0x530: {  	v37 =	vshra.s32 v31, $0x1;
	v31 =	vmul.f32 $5.000000000e-01, v31;
	s1 =	spop (v2sf)  }
0x531: {  	v37 =	vsub.s32 $0x5F3759DF, v37;
	s1 =	smul.f32 $1.562500000e-02, s1;
	s22 =	spop (v2sf)  }
0x532: {  	v39 =	vmul.f32 v37, v31;
	s22 =	smul.f32 $1.562500000e-02, s22;
	s25 =	spop (v2sf)  }
0x533: {  	vm0 =	veq.s32 v29, $0x0;
	v29 =	vmov s10;
	s10 =	smov.u32 s12;
	s25 =	smul.f32 $1.562500000e-02, s25;
	v40 =	vmov s1  }
0x534: {  	s1 =	smul.f32 s1, s1;
	v43 =	vnsel vm0, $0x0, v50;
	v45 =	vsel vm0, v5, v9;
	v47 =	vsel vm0, v7, v11  }
0x535: {  	s12 =	smul.f32 $1.562500000e-02, s21;
	v27 =	vsub.f32 v27, v40;
	v50 =	vmul.f32 v43, v1;
	v51 =	vmul.f32 v43, v2;
	s20 =	ssub.f32 s25, s20  }
0x536: {  	v20 =	vsub.f32 v20, v40;
	v52 =	vmul.f32 v43, v3;
	v43 =	vmul.f32 v43, v4;
	s1 =	ssub.f32 s22, s1  }
0x537: {  	v25 =	vadd.f32 v48, v25;
	v48 =	vmov s12;
	v50 =	vmul.f32 v50, v28;
	s20 =	sadd.f32 $9.999999740e-06, s20  }
0x538: {  	v51 =	vmul.f32 v51, v24;
	v24 =	vsub.f32 v21, v48;
	v21 =	vmul.f32 v43, v36  }
0x539: {  	v36 =	vmul.f32 v37, v39;
	v28 =	vsub.f32 v22, v48;
	v22 =	vmul.f32 v52, v26;
	s1 =	sadd.f32 $9.999999740e-06, s1  }
0x53a: {  	v25 =	vadd.f32 v46, v25;
	v43 =	vsel vm0, v8, v12;
	v39 =	vadd.f32 v50, v45  }
0x53b: {  	v26 =	vsub.f32 v16, v48;
	v21 =	vadd.f32 v21, v43;
	v16 =	vmov s1  }
0x53c: {  	v36 =	vsub.f32 $1.500000000e+00, v36;
	v22 =	vadd.f32 v22, v47;
	(xrf2) =	vadd.scan.msk.f32 $0xffff, v25;
	[tilespmem:s7+$0x1B080] =	vst v39  }
0x53d: {  	v25 =	vshra.s32 v16, $0x1;
	v16 =	vmul.f32 $5.000000000e-01, v16;
	v39 =	vsel vm0, v6, v10;
	[tilespmem:s7+$0x1B0B0] =	vst v21  }
0x53e: {  	v37 =	vmul.f32 v37, v36;
	v21 =	vmov s20;
	v36 =	vadd.f32 v51, v39;
	[tilespmem:s7+$0x1B0A0] =	vst v22  }
0x53f: {  	v25 =	vsub.s32 $0x5F3759DF, v25;
	v22 =	vshra.s32 v21, $0x1;
	v21 =	vmul.f32 $5.000000000e-01, v21  }
0x540: {  	v31 =	vmul.f32 v37, v31;
	v39 =	vmul.f32 v25, v16;
	v22 =	vsub.s32 $0x5F3759DF, v22;
	[tilespmem:s7+$0x1B090] =	vst v36  }
0x541: {  	v43 =	vmul.f32 v22, v21;
	v36 =	vsub.f32 v17, v48;
	v17 =	vsub.f32 v23, v40;
	v23 =	vld.idx.msk [tilespmem:v29+s17+$0x0], $0xffff  }
0x542: {  	v15 =	vsub.f32 v15, v40;
	v29 =	vmul.f32 v31, v37;
	v31 =	vmul.f32 v25, v39  }
0x543: {  	v39 =	vmul.f32 v22, v43  }
0x544: {  	v29 =	vsub.f32 $1.500000000e+00, v29;
	v31 =	vsub.f32 $1.500000000e+00, v31  }
0x545: {  	v39 =	vsub.f32 $1.500000000e+00, v39  }
0x546: {  	v47 =	vmul.f32 v29, v37;
	v45 =	vmul.f32 v25, v31;
	v25, _, _ =	vpop (xrf2)  }
0x547: {  	v22 =	vmul.f32 v22, v39;
	vm0 =	veq.s32 v23, $0x0  }
0x548: {  	v23 =	vnsel vm0, $0x0, v38;
	(v2sf) =	vpush v25, $0xF  }
0x549: {  	v21 =	vmul.f32 v22, v21;
	v25 =	vmul.f32 v23, v1  }
0x54a: {  	v31 =	vsel vm0, v6, v10;
	v29 =	vmul.f32 v23, v2;
	v37 =	vmul.f32 v23, v3  }
0x54b: {  	v38 =	vmov s8;
	v23 =	vmul.f32 v23, v4;
	v39 =	vmul.f32 v25, v14;
	v14 =	vmovc v20  }
0x54c: {  	s1 =	sshra.s32 s19, $0x2;
	v20 =	vand.u32 $0xFFFFFFFC, v38;
	v38 =	vmul.f32 v29, v18;
	v37 =	vmul.f32 v37, v13;
	v13 =	vmovc v27;
	v18 =	vmovc v17  }
0x54d: {  	v16 =	vmul.f32 v45, v16;
	v17 =	vsel vm0, v7, v11;
	v23 =	vmul.f32 v23, v19;
	v19 =	vmovc v15;
	v25 =	vld [tilespmem:s1+$0x13050]  }
0x54e: {  	v15 =	vsel vm0, v5, v9;
	v27 =	vadd.f32 v38, v31;
	v17 =	vadd.f32 v37, v17;
	v29 =	vld [tilespmem:s1+$0x13040]  }
0x54f: {  	v16 =	vmul.f32 v16, v45;
	v15 =	vadd.f32 v39, v15;
	v37 =	vsel vm0, v8, v12;
	v31 =	vld [tilespmem:s1+$0x13070]  }
0x550: {  	v21 =	vmul.f32 v21, v22;
	v23 =	vadd.f32 v23, v37;
	v39 =	vld [tilespmem:s1+$0x13030];
	[tilespmem:s7+$0x1B0D0] =	vst v27  }
0x551: {  	v16 =	vsub.f32 $1.500000000e+00, v16;
	v40 =	vld [tilespmem:s1+$0x13020];
	[tilespmem:s7+$0x1B0E0] =	vst v17  }
0x552: {  	v27 =	vbroadcast v20, $0x0;
	v17 =	vsub.f32 $1.500000000e+00, v21;
	v43 =	vld [tilespmem:s1+$0x13000];
	[tilespmem:s7+$0x1B0F0] =	vst v23  }
0x553: {  	v38 =	vmul.f32 v16, v45;
	v37 =	vld [tilespmem:s1+$0x13060];
	[tilespmem:s7+$0x1B0C0] =	vst v15;
	s7 =	smov.u32 s6;
	s6 =	smov.u32 s1  }
0x554: {  	v46 =	vmul.f32 v17, v22;
	v45 =	vld [tilespmem:s6+$0x13010]  }
0x555: {  	v15 =	vmul.f32 v31, v31;
	v16 =	vld [tilespmem:s6+$0x130A0]  }
0x556: {  	v20 =	vmul.f32 v39, v39;
	v17 =	vmul.f32 v40, v40;
	v21 =	vld [tilespmem:s6+$0x13090]  }
0x557: {  	v23 =	vmul.f32 v25, v25;
	s1 =	smul.f32 s12, s12;
	v48 =	vadd.f32 v39, v40;
	v50 =	vmul.f32 v43, v43;
	v22 =	vld [tilespmem:s6+$0x13080];
	s12 =	spop (v2sf)  }
0x558: {  	v53 =	vmul.f32 v29, v29;
	v51 =	vadd.f32 v20, v17;
	v52 =	vadd.f32 v31, v37;
	v20 =	vld [tilespmem:s6+$0x130C0];
	s12 =	smul.f32 $1.562500000e-02, s12  }
0x559: {  	v55 =	vadd.f32 v25, v29;
	v56 =	vmul.f32 v37, v37;
	v54 =	vmul.f32 v45, v45;
	v17 =	vld [tilespmem:s6+$0x130B0]  }
0x55a: {  	v53 =	vadd.f32 v23, v53;
	v57 =	vadd.f32 v45, v43;
	v58 =	vld.idx.msk [tilespmem:v27+s17+$0x0], $0xffff;
	s1 =	ssub.f32 s12, s1  }
0x55b: {  	v52 =	vadd.f32 v52, v55;
	v15 =	vadd.f32 v15, v56;
	v23 =	vld [tilespmem:s6+$0x130D0]  }
0x55c: {  	v48 =	vadd.f32 v48, v57;
	v55 =	vadd.f32 v21, v22;
	v27 =	vld [tilespmem:s6+$0x130E0];
	s1 =	sadd.f32 $9.999999740e-06, s1  }
0x55d: {  	v50 =	vadd.f32 v54, v50;
	v60 =	vadd.f32 v15, v53;
	v15 =	vld [tilespmem:s6+$0x130F0];
	(xrf2) =	vadd.scan.msk.f32 $0xffff, v52  }
0x55e: {  	v53 =	vadd.f32 v17, v16;
	v59 =	vmul.f32 v17, v17  }
0x55f: {  	v61 =	vmul.f32 v16, v16;
	v52 =	vadd.f32 v51, v50  }
0x560: {  	vm0 =	veq.s32 v58, $0x0;
	v50 =	vadd.f32 v53, v55;
	v53 =	vmul.f32 v20, v20;
	(xrf2) =	vadd.scan.msk.f32 $0xffff, v48  }
0x561: {  	v62 =	vnsel vm0, $0x0, v46;
	v46 =	vmov s1;
	v56 =	vmul.f32 v27, v27  }
.Ltmp7:
0x562: {  	v48 =	vmul.f32 v62, v4;
	v51 =	vshra.s32 v46, $0x1;
	v54 =	vadd.f32 v15, v27;
	(pc) =	sbr.rel @p1 .LBB2_13-.Ltmp7, $4  }
0x563: {  	v55 =	vmul.f32 v62, v3;
	v51 =	vsub.s32 $0x5F3759DF, v51;
	(xrf2) =	vadd.scan.msk.f32 $0xffff, v50;
	v50 =	vmul.f32 $5.000000000e-01, v46  }
0x564: {  	v63 =	vsel vm0, v8, v12;
	s1 =	sadd.s32 $0x1, s8;
	v57 =	vmul.f32 v62, v2;
	v49 =	vmul.f32 v48, v49  }
0x565: {  	v58 =	vmul.f32 v15, v15;
	v46 =	vadd.f32 v59, v61;
	v59 =	vmov s1  }
0x566: {  	v48 =	vmul.f32 v21, v21;
	v49 =	vadd.f32 v49, v63;
	(xrf2) =	vadd.scan.msk.f32 $0xffff, v60;
	v60 =	vmul.f32 v62, v1  }
0x567: {  	v61 =	vmul.f32 v23, v23;
	v59 =	vand.u32 $0xFFFFFFFD, v59;
	v42 =	vmul.f32 v55, v42  }
0x568: {  	v63 =	vsel vm0, v7, v11;
	v44 =	vmul.f32 v60, v44;
	v59 =	vbroadcast v59, $0x0  }
0x569: {  	v41 =	vmul.f32 v57, v41;
	v60 =	vsel vm0, v5, v9;
	v42 =	vadd.f32 v42, v63  }
0x56a: {  	[tilespmem:s7+$0x1B030] =	vst v49;
	v53 =	vadd.f32 v61, v53;
	v61 =	vsel vm0, v6, v10;
	v44 =	vadd.f32 v44, v60  }
0x56b: {  	v41 =	vadd.f32 v41, v61;
	[tilespmem:s7+$0x1B020] =	vst v42  }
0x56c: {  	v62 =	vadd.f32 v23, v20;
	[tilespmem:s7+$0x1B000] =	vst v44  }
0x56d: {  	v56 =	vadd.f32 v58, v56;
	[tilespmem:s7+$0x1B010] =	vst v41  }
0x56e: {  	v54 =	vadd.f32 v54, v62;
	v41 =	vld.idx.msk [tilespmem:v59+s17+$0x0], $0xffff  }
0x56f: {  	(xrf2) =	vadd.scan.msk.f32 $0xffff, v52;
	v57 =	vadd.f32 v56, v53  }
0x570: {  	(xrf2) =	vadd.scan.msk.f32 $0xffff, v54  }
0x571: {  	v58, _, _ =	vpop (xrf2);
	(xrf2) =	vadd.scan.msk.f32 $0xffff, v57  }
0x572: {  	v60, _, _ =	vpop (xrf2);
	v59 =	vmul.f32 v51, v50  }
0x573: {  	(v2sf) =	vpush v60, $0xF;
	v61, _, _ =	vpop (xrf2);
	vm9 =	veq.s32 v41, $0x0  }
0x574: {  	(v2sf) =	vpush v58, $0xF;
	v44 =	vmul.f32 v51, v59;
	v62, _, _ =	vpop (xrf2);
	v63 =	vnsel vm9, $0x0, v47  }
0x575: {  	v30 =	vbroadcast v30, $0x0;
	(v2sf) =	vpush v62, $0xF;
	v58 =	vmul.f32 v63, v1  }
0x576: {  	(v2sf) =	vpush v61, $0xF;
	v41 =	vsub.f32 $1.500000000e+00, v44;
	v61 =	vmul.f32 v63, v3  }
0x577: {  	v57 =	vsel vm9, v5, v9;
	v62 =	vmul.f32 v63, v4;
	v34 =	vmul.f32 v58, v34  }
0x578: {  	v60 =	vsel vm9, v8, v12;
	v42 =	vmul.f32 v63, v2;
	v35 =	vmul.f32 v61, v35  }
0x579: {  	v44, _, _ =	vpop (xrf2);
	v56 =	vsel vm9, v7, v11;
	v32 =	vmul.f32 v62, v32;
	v34 =	vadd.f32 v34, v57  }
0x57a: {  	v59, _, _ =	vpop (xrf2);
	v41 =	vmul.f32 v51, v41;
	v33 =	vmul.f32 v42, v33;
	v35 =	vadd.f32 v35, v56  }
0x57b: {  	(v2sf) =	vpush v59, $0xF;
	v63, _, _ =	vpop (xrf2);
	v32 =	vadd.f32 v32, v60;
	v57 =	vsel vm9, v6, v10;
	[tilespmem:s7+$0x1B040] =	vst v34  }
0x57c: {  	(v2sf) =	vpush v63, $0xF;
	v33 =	vadd.f32 v33, v57;
	[tilespmem:s7+$0x1B060] =	vst v35  }
0x57d: {  	v58 =	vmul.f32 v41, v50;
	(v2sf) =	vpush v44, $0xF;
	[tilespmem:s7+$0x1B070] =	vst v32  }
0x57e: {  	[tilespmem:s7+$0x1B050] =	vst v33  }
0x57f: {  	v59 =	vmul.f32 v58, v41;
	v30 =	vld.idx.msk [tilespmem:v30+s17+$0x0], $0xffff;
	_ =	sdelay $0x1  }
0x580: {  	v32 =	vsub.f32 $1.500000000e+00, v59;
	_ =	sdelay $0x1  }
0x581: {  	v32 =	vmul.f32 v32, v41  }
0x582: {  	vm10 =	veq.s32 v30, $0x0  }
0x583: {  	v30 =	vnsel vm10, $0x0, v32  }
0x584: {  	s1 =	spop (v2sf);
	v32 =	vmul.f32 v30, v1  }
0x585: {  	s22 =	spop (v2sf);
	v60 =	vmul.f32 v30, v4  }
0x586: {  	v61 =	vmov s10;
	s21 =	spop (v2sf);
	v62 =	vmul.f32 v30, v3;
	v28 =	vmul.f32 v32, v28  }
0x587: {  	s19 =	spop (v2sf);
	v63 =	vsel vm10, v5, v9;
	v30 =	vmul.f32 v30, v2;
	v33 =	vmul.f32 v60, v36  }
0x588: {  	s20 =	smul.f32 $1.562500000e-02, s1;
	s12 =	spop (v2sf);
	v26 =	vmul.f32 v62, v26;
	v36 =	vsel vm10, v8, v12;
	v28 =	vadd.f32 v28, v63  }
0x589: {  	v41 =	vsel vm10, v7, v11;
	v24 =	vmul.f32 v30, v24;
	s15 =	spop (v2sf);
	v42 =	vadd.f32 v33, v36  }
0x58a: {  	s1 =	smul.f32 s20, s20;
	v44 =	vsel vm10, v6, v10;
	s30 =	spop (v2sf);
	v26 =	vadd.f32 v26, v41;
	[tilespmem:s7+$0x1B080] =	vst v28  }
0x58b: {  	v24 =	vadd.f32 v24, v44;
	s10 =	smul.f32 $1.562500000e-02, s30;
	[tilespmem:s7+$0x1B0B0] =	vst v42  }
0x58c: {  	v47 =	vmul.f32 v22, v22;
	[tilespmem:s7+$0x1B0A0] =	vst v26  }
0x58d: {  	[tilespmem:s7+$0x1B090] =	vst v24;
	s1 =	ssub.f32 s10, s1  }
0x58e: {  	v48 =	vadd.f32 v48, v47;
	v50 =	vld.idx.msk [tilespmem:v61+s17+$0x0], $0xffff  }
0x58f: {  	s1 =	sadd.f32 $9.999999740e-06, s1  }
0x590: {  	v24 =	vadd.f32 v46, v48  }
0x591: {  	s8 =	sadd.s32 $0x4, s8;
	v49 =	vmov s1  }
0x592: {  	v58 =	vmov s8;
	(xrf2) =	vadd.scan.msk.f32 $0xffff, v24;
	v51 =	vshra.s32 v49, $0x1;
	v26 =	vmul.f32 $5.000000000e-01, v49  }
0x593: {  	v59 =	vand.u32 $0xFFFFFFFC, v58;
	vm11 =	veq.s32 v50, $0x0;
	v30 =	vsub.s32 $0x5F3759DF, v51  }
0x594: {  	v61 =	vbroadcast v59, $0x0;
	v28 =	vnsel vm11, $0x0, v38;
	v52 =	vmul.f32 v30, v26  }
0x595: {  	v54 =	vmul.f32 v28, v2;
	v55 =	vmul.f32 v28, v1  }
0x596: {  	v57 =	vmul.f32 v28, v3;
	v28 =	vmul.f32 v28, v4  }
0x597: {  	v53 =	vmul.f32 v30, v52;
	v18 =	vmul.f32 v54, v18  }
0x598: {  	v56 =	vsel vm11, v6, v10;
	v60 =	vsel vm11, v7, v11;
	v13 =	vmul.f32 v57, v13  }
0x599: {  	s10 =	smul.f32 $1.562500000e-02, s22;
	v19 =	vmul.f32 v28, v19;
	v24 =	vsub.f32 $1.500000000e+00, v53;
	v18 =	vadd.f32 v18, v56  }
0x59a: {  	s21 =	smul.f32 $1.562500000e-02, s21;
	v62 =	vsel vm11, v8, v12;
	v14 =	vmul.f32 v55, v14;
	v13 =	vadd.f32 v13, v60  }
0x59b: {  	s22 =	smul.f32 s10, s10;
	v63 =	vsel vm11, v5, v9;
	v33 =	vadd.f32 v19, v62;
	v24 =	vmul.f32 v30, v24;
	[tilespmem:s7+$0x1B0D0] =	vst v18  }
0x59c: {  	v34, _, _ =	vpop (xrf2);
	v14 =	vadd.f32 v14, v63;
	[tilespmem:s7+$0x1B0E0] =	vst v13  }
0x59d: {  	s1 =	ssub.f32 s21, s22;
	(v2sf) =	vpush v34, $0xF;
	[tilespmem:s7+$0x1B0F0] =	vst v33;
	v13 =	vmul.f32 v24, v26  }
0x59e: {  	[tilespmem:s7+$0x1B0C0] =	vst v14  }
0x59f: {  	s1 =	sadd.f32 $9.999999740e-06, s1;
	v14 =	vld.idx.msk [tilespmem:v61+s17+$0x0], $0xffff;
	v13 =	vmul.f32 v13, v24;
	_ =	sdelay $0x1  }
0x5a0: {  	s25 =	sadd.s32 $0x1, s8;
	v35 =	vmov s1;
	v13 =	vsub.f32 $1.500000000e+00, v13  }
0x5a1: {  	v48 =	vmov s25;
	v36 =	vshra.s32 v35, $0x1;
	v18 =	vmul.f32 $5.000000000e-01, v35  }
0x5a2: {  	v49 =	vand.u32 $0xFFFFFFFD, v48;
	v19 =	vsub.s32 $0x5F3759DF, v36;
	v13 =	vmul.f32 v13, v24  }
0x5a3: {  	v38 =	vmov s20;
	v41 =	vmul.f32 v19, v18;
	vm12 =	veq.s32 v14, $0x0  }
0x5a4: {  	v42 =	vsub.f32 v39, v38;
	v34 =	vbroadcast v49, $0x0;
	v13 =	vnsel vm12, $0x0, v13  }
0x5a5: {  	v26 =	vmul.f32 v19, v41;
	v14 =	vsub.f32 v43, v38;
	v43 =	vmul.f32 v13, v4  }
0x5a6: {  	v44 =	vsub.f32 v45, v38;
	v45 =	vmul.f32 v13, v3;
	v46 =	vmul.f32 v13, v1  }
0x5a7: {  	v26 =	vsub.f32 $1.500000000e+00, v26;
	v13 =	vmul.f32 v13, v2;
	v28 =	vmul.f32 v43, v42  }
0x5a8: {  	v47 =	vsel vm12, v8, v12;
	v24 =	vsub.f32 v40, v38;
	v14 =	vmul.f32 v46, v14  }
0x5a9: {  	s28 =	smul.f32 $1.562500000e-02, s19;
	v50 =	vsel vm12, v5, v9;
	v13 =	vmul.f32 v13, v44;
	v28 =	vadd.f32 v28, v47  }
0x5aa: {  	v51 =	vsel vm12, v6, v10;
	v24 =	vmul.f32 v45, v24;
	v14 =	vadd.f32 v14, v50  }
0x5ab: {  	s30 =	smul.f32 s28, s28;
	v52 =	vsel vm12, v7, v11;
	v19 =	vmul.f32 v19, v26;
	s20 =	spop (v2sf);
	v13 =	vadd.f32 v13, v51;
	[tilespmem:s6+$0x1B030] =	vst v28  }
0x5ac: {  	s19 =	smul.f32 $1.562500000e-02, s20;
	[tilespmem:s6+$0x1B000] =	vst v14;
	v14 =	vadd.f32 v24, v52  }
0x5ad: {  	v18 =	vmul.f32 v19, v18;
	[tilespmem:s6+$0x1B010] =	vst v13  }
0x5ae: {  	s1 =	ssub.f32 s19, s30;
	[tilespmem:s6+$0x1B020] =	vst v14  }
0x5af: {  	v13 =	vmul.f32 v18, v19;
	v14 =	vld.idx.msk [tilespmem:v34+s17+$0x0], $0xffff  }
0x5b0: {  	s1 =	sadd.f32 $9.999999740e-06, s1  }
0x5b1: {  	s21 =	sadd.s32 $0x2, s8;
	v57 =	vmov s10;
	v13 =	vsub.f32 $1.500000000e+00, v13  }
0x5b2: {  	v54 =	vmov s21;
	v59 =	vsub.f32 v31, v57;
	v53 =	vmov s1  }
0x5b3: {  	v13 =	vmul.f32 v13, v19;
	v55 =	vshra.s32 v53, $0x1;
	v18 =	vmul.f32 $5.000000000e-01, v53  }
0x5b4: {  	v25 =	vsub.f32 v25, v57;
	v56 =	vsub.s32 $0x5F3759DF, v55;
	vm13 =	veq.s32 v14, $0x0  }
0x5b5: {  	v24 =	vand.u32 $0xFFFFFFFE, v54;
	v58 =	vmul.f32 v56, v18;
	v13 =	vnsel vm13, $0x0, v13  }
0x5b6: {  	v24 =	vbroadcast v24, $0x0;
	v14 =	vsub.f32 v29, v57;
	v61 =	vmul.f32 v13, v1  }
0x5b7: {  	v60 =	vsub.f32 v37, v57;
	v28 =	vmul.f32 v56, v58;
	v62 =	vmul.f32 v13, v3  }
0x5b8: {  	v33 =	vsel vm13, v5, v9;
	v63 =	vmul.f32 v13, v4;
	v14 =	vmul.f32 v61, v14  }
0x5b9: {  	v34 =	vsel vm13, v7, v11;
	v13 =	vmul.f32 v13, v2;
	v26 =	vmul.f32 v62, v60  }
0x5ba: {  	s22 =	smul.f32 $1.562500000e-02, s12;
	v28 =	vsub.f32 $1.500000000e+00, v28;
	v29 =	vmul.f32 v63, v59;
	v14 =	vadd.f32 v14, v33  }
0x5bb: {  	s25 =	smul.f32 $1.562500000e-02, s15;
	v35 =	vsel vm13, v8, v12;
	v13 =	vmul.f32 v13, v25;
	v26 =	vadd.f32 v26, v34  }
0x5bc: {  	s12 =	smul.f32 s22, s22;
	v19 =	vmul.f32 v56, v28;
	v36 =	vadd.f32 v29, v35;
	[tilespmem:s6+$0x1B040] =	vst v14;
	v14 =	vsel vm13, v6, v10  }
0x5bd: {  	[tilespmem:s6+$0x1B060] =	vst v26;
	v13 =	vadd.f32 v13, v14  }
0x5be: {  	s1 =	ssub.f32 s25, s12;
	[tilespmem:s6+$0x1B070] =	vst v36;
	v14 =	vmul.f32 v19, v18  }
0x5bf: {  	[tilespmem:s6+$0x1B050] =	vst v13  }
0x5c0: {  	s1 =	sadd.f32 $9.999999740e-06, s1;
	v13 =	vmul.f32 v14, v19;
	v14 =	vld.idx.msk [tilespmem:v24+s17+$0x0], $0xffff;
	_ =	sdelay $0x1  }
0x5c1: {  	v37 =	vmov s1;
	v13 =	vsub.f32 $1.500000000e+00, v13  }
0x5c2: {  	v38 =	vshra.s32 v37, $0x1;
	v18 =	vmul.f32 $5.000000000e-01, v37  }
0x5c3: {  	v24 =	vsub.s32 $0x5F3759DF, v38;
	v13 =	vmul.f32 v13, v19  }
0x5c4: {  	v40 =	vmov s28;
	v39 =	vmul.f32 v24, v18;
	vm14 =	veq.s32 v14, $0x0  }
0x5c5: {  	v16 =	vsub.f32 v16, v40;
	v17 =	vsub.f32 v17, v40;
	v13 =	vnsel vm14, $0x0, v13  }
0x5c6: {  	s28 =	sadd.s32 $0x3, s8;
	v42 =	vsub.f32 v22, v40;
	v41 =	vmul.f32 v24, v39;
	v43 =	vmul.f32 v13, v1  }
0x5c7: {  	v46 =	vmov s28;
	v14 =	vsub.f32 v21, v40;
	v45 =	vmul.f32 v13, v4  }
0x5c8: {  	v44 =	vsub.f32 $1.500000000e+00, v41;
	v47 =	vmul.f32 v13, v3;
	v22 =	vmul.f32 v43, v42  }
0x5c9: {  	v48 =	vsel vm14, v5, v9;
	v13 =	vmul.f32 v13, v2;
	v17 =	vmul.f32 v45, v17  }
0x5ca: {  	v50 =	vsel vm14, v8, v12;
	v16 =	vmul.f32 v47, v16;
	v49 =	vadd.f32 v22, v48  }
0x5cb: {  	v51 =	vsel vm14, v7, v11;
	v13 =	vmul.f32 v13, v14;
	v14 =	vadd.f32 v17, v50  }
0x5cc: {  	v53 =	vsel vm14, v6, v10;
	v52 =	vmul.f32 v24, v44;
	v16 =	vadd.f32 v16, v51;
	[tilespmem:s6+$0x1B080] =	vst v49  }
0x5cd: {  	v13 =	vadd.f32 v13, v53;
	[tilespmem:s6+$0x1B0B0] =	vst v14  }
0x5ce: {  	v14 =	vmul.f32 v52, v18;
	[tilespmem:s6+$0x1B0A0] =	vst v16  }
0x5cf: {  	[tilespmem:s6+$0x1B090] =	vst v13  }
0x5d0: {  	v13 =	vmul.f32 v14, v52;
	v14 =	vld.idx.msk [tilespmem:v46+s17+$0x0], $0xffff;
	_ =	sdelay $0x1  }
0x5d1: {  	v13 =	vsub.f32 $1.500000000e+00, v13;
	_ =	sdelay $0x1  }
0x5d2: {  	v13 =	vmul.f32 v13, v52  }
0x5d3: {  	vm15 =	veq.s32 v14, $0x0  }
0x5d4: {  	v14 =	vmov s22;
	v13 =	vnsel vm15, $0x0, v13  }
0x5d5: {  	v54 =	vsub.f32 v23, v14;
	v55 =	vmul.f32 v13, v2  }
0x5d6: {  	v56 =	vsub.f32 v27, v14;
	v57 =	vsub.f32 v20, v14;
	v58 =	vmul.f32 v13, v3  }
0x5d7: {  	v14 =	vsub.f32 v15, v14;
	v15 =	vmul.f32 v13, v4;
	v16 =	vmul.f32 v55, v54  }
0x5d8: {  	v59 =	vsel vm15, v6, v10;
	v13 =	vmul.f32 v13, v1;
	v18 =	vmul.f32 v58, v56  }
0x5d9: {  	v60 =	vsel vm15, v7, v11;
	v14 =	vmul.f32 v15, v14;
	v15 =	vadd.f32 v16, v59  }
0x5da: {  	v62 =	vsel vm15, v8, v12;
	v13 =	vmul.f32 v13, v57;
	v61 =	vadd.f32 v18, v60  }
.Ltmp8:
0x5db: {  	s30 =	sshll.u32 s5, $0xD;
	v63 =	vsel vm15, v5, v9;
	v14 =	vadd.f32 v14, v62;
	[tilespmem:s6+$0x1B0D0] =	vst v15;
	(pc) =	sbr.rel @p0 .LBB2_16-.Ltmp8, $4  }
0x5dc: {  	s1 =	sadd.s32 s9, s30;
	v13 =	vadd.f32 v13, v63;
	[tilespmem:s6+$0x1B0E0] =	vst v61  }
0x5dd: {  	s1 =	sshrl.u32 s1, $0x3;
	[tilespmem:s6+$0x1B0F0] =	vst v14  }
0x5de: {  	s1 =	sadd.s32 s2, s1;
	[tilespmem:s6+$0x1B0C0] =	vst v13  }
0x5df: {  	[hbm4b:s1+s3] =	stream.linear.scatter [tilespmem:s11], [sflag:$0x8], $0x2000, $0x38;
	[tilespmem:$0x1D0C0] =	vst v63  }
.Ltmp9:
0x5e0: {  	(pc) =	sbr.rel .LBB2_6-.Ltmp9, $4  }
0x5e1: {  	s1 =	sshll.u32 s14, $0x9;
	s5 =	simm.s32 $0x13000  }
0x5e2: {  	s14 =	sadd.s32 $0x1, s14;
	s23 =	sadd.s32 $0x200, s23;
	s1 =	sand.u32 $0x3FFFFE00, s1  }
0x5e3: {  	s24 =	sadd.s32 $0x200, s24;
	s13 =	sadd.s32 $0x200, s13;
	s1 =	sadd.s32 $0x6B80, s1  }
0x5e4: {  	[tilespmem:s5], [sflag:$0x4] =	stream.indirect.gather [hbm4b:s4+s18], $0x40, s1, s18, $0xb8;
	[tilespmem:$0x1D0C0] =	vst v63  }
.LBB2_17:
0x5e5: {  	_ =	sfence.sel $0x180000  }
0x5e6: {  	[bflag:$0x0] =	sbarrier.arrive $0xFFFF  }
0x5e7: {  	_ =	strace $0x90000047  }
0x5e8: {  	s0 =	stileid.u32;
	[bflag:$0x2] =	sbarrier.arrive $0xFFFF  }
0x5e9: {  	p0 =	sne.s32 s0, $0x0;
	s0 =	rddreg [dreg:$0x2]  }
0x5ea: {  	s0 =	sadd.s32 @!p0 $0x100000, s0  }
0x5eb: {  	[sflag:s0] =	ssyncadd.tile.s32 @!p0 $0x1;
	_ =	shalt  }
.Lfunc_end2:
_tile_overlayer_lowered:
.L_overlay_start_2:
0x5ec: {  	(tag) =	ssettag $0x2  }
0x5ed: {  	s0 =	rddreg [dreg:$0x0];
	s2 =	stileid.u32  }
0x5ee: {  	s1 =	rddreg [dreg:$0x1];
	p0 =	sne.s32 s2, $0x0  }
0x5ef: {  	s3 =	rddreg [dreg:$0x2];
	[bflag:$0x3] =	sbarrier.arrive $0xFFFF;
	s2 =	simm.s32 @!p0 $0x1C09  }
0x5f0: {  	[timem:s3], [sflag:s2] =	dma.local @!p0 [hbm:s0], s1  }
0x5f1: {  	s0 =	simm.s32 @!p0 $0x9  }
0x5f2: {  	_ =	swait.ge @!p0 [sflag:s0], s1  }
0x5f3: {  	s1 =	ssub.s32 @!p0 $0x0, s1;
	[sflag:s0] =	ssyncset.done @!p0 $0x0  }
0x5f4: {  	[sflag:s0] =	ssyncadd.s32 @!p0 s1  }
0x5f5: {  	[bflag:$0x3] =	sbarrier.arrive $0xFFFF  }
0x5f6: {  	_ =	shalt  }

// kernel: sparse-core-data-format-call.cloned.1.call-start
scs
called_computation_lowered:
.L_overlay_start_0:
0x0: {  	s2 =	sld [smem:$0x3FD9]  }
0x1: {  	s3 =	sld [smem:$0x3FFE];
	_ =	sdelay $0x1  }
0x2: {  	s1 =	srdreg.scid  }
0x3: {  	s0 =	sand.u32 $0x1, s1  }
0x4: {  	s18 =	sshll.u32 s0, $0xA;
	s2 =	sadd.s32 s3, s2  }
0x5: {  	s2 =	sadd.s32 s2, s18  }
0x6: {  	[smem:$0x3FC3] =	sst s2  }
0x7: {  	_ = 	snop  }
0x8: {  	s2 =	sld [smem:$0x3FD0];
	(tm) =	ssettm $0x1  }
0x9: {  	s19 =	sld [smem:$0x3FFB];
	_ =	sdelay $0x3  }
0xa: {  	_ =	strace s19  }
0xb: {  	s3 =	sld [smem:$0x3FFC];
	_ =	sdelay $0x3  }
0xc: {  	_ =	strace s3  }
0xd: {  	s3 =	sld [smem:$0x3FFD];
	_ =	sdelay $0x3  }
0xe: {  	_ =	strace s3  }
0xf: {  	_ =	strace $0x8FFFFFFF  }
0x10: {  	s20 =	sld [smem:$0x3FDB];
	_ =	sdelay $0x1  }
0x11: {  	s4 =	simm.s32 $_scs_section_size  }
0x12: {  	s5 =	simm.s32 $_size__tile_overlayer_lowered;
	s6 =	simm.s32 $_tile_overlayer_lowered  }
0x13: {  	s23 =	simm.s32 $0x1BFF;
	s22 =	sshll.u32 s6, $0x1;
	s3 =	sadd.s32 s4, s20  }
0x14: {  	s7 =	simm.s32 $0x0;
	s21 =	sshll.u32 s5, $0x1;
	s5 =	sadd.s32 s22, s3  }
0x15: {  	[timem:s7], [sflag:s23] =	dma.local [hbm:s5], s21  }
0x16: {  	_ =	swait.ge [sflag:s23], s21  }
0x17: {  	s4 =	ssub.s32 $0x0, s21;
	[sflag:s23] =	ssyncset.done $0x0  }
0x18: {  	[sflag:s23] =	ssyncadd.s32 s4;
	_ =	sdelay $0x1  }
0x19: {  	s24 =	simm.s32 $0x1B8B  }
0x1a: {  	_ =	swait.ge [sflag:s24], $0x1  }
0x1b: {  	[sflag:s24] =	ssyncset.done $0x0  }
0x1c: {  	s26 =	simm.s32 $0x1B8E;
	s25 =	sld [smem:$0x3FFE];
	[sflag:s24] =	ssyncadd.s32 $0xFFFFFFFF  }
0x1d: {  	s27 =	simm.s32 $execute0_lowered;
	[smem:$0x3FD2] =	sst s26  }
0x1e: {  	s5 =	sshll.u32 s27, $0x1;
	_ =	strace $0x80000049;
	[dreg:$0x1] =	wrdreg $0xFFFFFFFF  }
0x1f: {  	s28 =	simm.s32 $_size_execute0_lowered;
	s3 =	sadd.s32 s3, s5;
	[dreg:$0x0] =	wrdreg $0x0  }
0x20: {  	s5 =	sshll.u32 s28, $0x1;
	[dreg:$0x2] =	wrdreg s3  }
0x21: {  	[dreg:$0x3] =	wrdreg s5  }
0x22: {  	[dreg:$0x4] =	wrdreg $0xC0  }
0x23: {  	_ =	task [dreg:s7], $0x5FFFF  }
0x24: {  	[dreg:$0x1] =	wrdreg $0xFFFFFFFF  }
0x25: {  	[dreg:$0x0] =	wrdreg $0x60  }
0x26: {  	[dreg:$0x2] =	wrdreg s25  }
0x27: {  	[dreg:$0x3] =	wrdreg s2  }
0x28: {  	[dreg:$0x4] =	wrdreg $0x9  }
0x29: {  	_ =	task.clear_ibuf [dreg:s7], $0x5FFFF;
	_ =	strace $0x90000049  }
0x2a: {  	s29 =	simm.s32 $0x9;
	_ =	strace $0x8000004B  }
0x2b: {  	_ =	swait.ge [sflag:s29], $0x1  }
0x2c: {  	[sflag:s29] =	ssyncadd.s32 $0xFFFFFFFF  }
0x2d: {  	_ =	strace $0x9000004B  }
0x2e: {  	_ =	sfence  }
0x2f: {  	s30 =	sld [smem:$0x0];
	_ =	sdelay $0x2  }
0x30: {  	s31 =	sshll.u32 s1, $0xD;
	s1 =	sshrl.u32 s1, $0x2  }
0x31: {  	s3 =	sand.u32 $0x4000, s31;
	s1 =	sadd.s32 s1, s30  }
0x32: {  	s0 =	sor.u32 s3, s0;
	s1 =	sshll.u32 s1, $0x11  }
0x33: {  	s0 =	sor.u32 s1, s0  }
0x34: {  	s0 =	sadd.s32 $0x8F2B, s0  }
0x35: {  	[sflag:s0] =	ssyncadd.remote.s32 $0x1  }
0x36: {  	_ =	sfence.sel $0xFFFF  }
0x37: {  	[dreg:$0x0] =	wrdreg $0xFFFFFFFF;
	(pc) =	sbr.abs _section_cstart, $3  }
0x38: {  	[dreg:$0x1] =	wrdreg $0xFFFFFFFF  }
0x39: {  	_ =	task.clear_ibuf [dreg:s7], $0x2FFFF;
	_ =	strace $0x9FFFFFFF  }
0x3a: {  	(tm) =	ssettm $0x7FFFFFFF  }
0x3b: {  	_ =	shalt  }
tec
execute0_lowered:
.L_overlay_start_1:
0x0: {  	(tag) =	ssettag $0x1  }
0x1: {  	s0 =	srdreg.scid  }
0x2: {  	s1 =	sshll.u32 s0, $0x4  }
0x3: {  	s0 =	stileid.u32;
	s1 =	sand.u32 $0x10, s1  }
0x4: {  	s1 =	sor.u32 s0, s1  }
0x5: {  	s6 =	rddreg [dreg:$0x0];
	s4 =	simm.s32 $0x1;
	s2 =	sshll.u32 s1, $0x7  }
0x6: {  	s7 =	simm.s32 $0x2;
	s12 =	simm.s32 $0x0;
	s1 =	ssub.s32 $0x4000, s2  }
0x7: {  	s8 =	simm.s32 $0x20000;
	s13 =	simm.s32 $0x0;
	s3 =	sand.u32 $0xF80, s1  }
0x8: {  	s9 =	simm.s32 $0x0;
	s5 =	sshrl.u32 s1, $0xC;
	p0 =	sne.s32 s3, $0x0  }
.Ltmp0:
0x9: {  	s1 =	rddreg [dreg:$0x2];
	s4 =	simm.s32 @!p0 $0x0;
	(pc) =	sbr.rel .LBB1_1-.Ltmp0, $4  }
0xa: {  	s11 =	simm.s32 $0x0;
	s3 =	rddreg [dreg:$0x1];
	s5 =	sadd.s32 s4, s5  }
0xb: {  	_ =	strace $0x8000004A;
	s4 =	simm.s32 $0x1;
	s5 =	smul.u32 $0x1A, s5  }
0xc: {  	s6 =	sadd.s32 $0x1000, s6;
	s10 =	smov.u32 s2;
	[sflag:s4] =	ssyncpa.u1 $0x0  }
0xd: {  	p0 =	por $0x0, $0x0;
	[sflag:s7] =	ssyncpa.u1 $0x0;
	s7 =	sor.u32 $0x1, s5  }
.LBB1_4:
0xe: {  	s16 =	sshll.u32 s13, $0x3;
	s17 =	sand.u32 $0x78, s13  }
0xf: {  	s30 =	sand.u32 $0x1F800, s13;
	s12 =	sshll.u32 s12, $0x11;
	s16 =	sand.u32 $0x3C00, s16  }
0x10: {  	[tilespmem:s15+$0x810 ss:$0x81] =	vst.msk $0xffff, v2;
	s31 =	sand.u32 $0x7, s13;
	s16 =	sor.u32 s17, s16;
	s17 =	sadd.s32 s3, s30  }
0x11: {  	[tilespmem:s15+$0x1020 ss:$0x81] =	vst.msk $0xffff, v0;
	s13 =	sshll.u32 s31, $0x12;
	s12 =	sadd.s32 s12, s17;
	s16 =	sshrl.u32 s16, $0x3  }
0x12: {  	[tilespmem:s15+$0x0 ss:$0x81] =	vst.msk $0xffff, v1;
	s13 =	sor.u32 $0x400, s13;
	s12 =	sadd.s32 s16, s12  }
0x13: {  	[hbm4b:s12+s13] =	stream.strided.scatter [tilespmem:s14], [sflag:$0x2], $0x2000, s8, s13, $0x20;
	[tilespmem:$0x8080] =	vst v63  }
.LBB1_5:
0x14: {  	s14 =	sadd.s32 $0x1, s9  }
0x15: {  	s12 =	sadd.s32 $0x1000, s10;
	s16 =	smov.u32 s10;
	p2 =	sgt.s32 s14, $0x19  }
0x16: {  	s16 =	smov.u32 @p2 s12  }
0x17: {  	s14 =	simm.s32 @p2 $0x0;
	p2 =	sgt.s32 s16, $0x3FFF  }
0x18: {  	s16 =	smov.u32 @p2 s2;
	p2 =	sne.s32 s11, s7  }
.Ltmp1:
0x19: {  	p1 =	slt.u32 s11, $0x2;
	(pc) =	sbr.rel @!p2 .LBB1_6-.Ltmp1, $4  }
0x1a: {  	s15 =	simm.s32 @!p1 $0x2  }
0x1b: {  	s13 =	smov.u32 s10;
	p0 =	por !p0, !p0;
	_ =	swait.ge @!p1 [sflag:s15], $0x2000  }
0x1c: {  	s12 =	smov.u32 s9;
	[sflag:s15] =	ssyncset.done @!p1 $0x0;
	s9 =	smov.u32 s14  }
0x1d: {  	s11 =	sadd.s32 $0x1, s11;
	[sflag:s15] =	ssyncadd.s32 @!p1 $0xFFFFE000;
	s10 =	smov.u32 s16  }
.LBB1_1:
0x1e: {  	p1 =	sge.u32 s11, s5  }
0x1f: {  	s31 =	sadd.s32 $0xFFFFFFFF, s11;
	s14 =	sxor.u32 @!p1 $0xFFFFFFFF, s11  }
0x20: {  	s15 =	sshll.u32 @!p1 s10, $0x9;
	s16 =	sshll.u32 @!p1 s9, $0x4;
	s17 =	simm.s32 @!p1 $0x1000  }
0x21: {  	s14 =	sshll.u32 @!p1 s14, $0xD;
	s16 =	sand.u32 @!p1 $0x1F0, s16;
	s15 =	sadd.s32 @!p1 s6, s15  }
0x22: {  	s14 =	sand.u32 @!p1 $0x2000, s14;
	s15 =	sadd.s32 @!p1 s16, s15;
	s16 =	simm.s32 @!p1 $0x40  }
0x23: {  	[tilespmem:s14], [sflag:$0x1] =	stream.strided.gather @!p1 [hbm4b:s15+s16], $0x2000, s17, s16, $0x38;
	[tilespmem:$0x8080] =	vst v63  }
0x24: {  	p1 =	sge.u32 s31, s5  }
.Ltmp2:
0x25: {  	_ = 	snop;
	(pc) =	sbr.rel @p1 .LBB1_5-.Ltmp2, $1  }
0x26: {  	_ =	sdelay $0x3  }
0x27: {  	s14 =	simm.s32 $0x1  }
0x28: {  	_ =	swait.ge [sflag:s4], $0x2000;
	s14 =	simm.s32 @!p0 $0x0  }
0x29: {  	[sflag:s4] =	ssyncset.done $0x0;
	s15 =	sshll.u32 s14, $0xD  }
0x2a: {  	[sflag:s4] =	ssyncadd.s32 $0xFFFFE000;
	s18 =	sor.u32 $0x20, s15  }
0x2b: {  	s14 =	smul.u32 $0x8100, s14;
	v3 =	vld [tilespmem:s18+$0x10]  }
0x2c: {  	s30 =	sand.u32 $0x1, s11;
	v2 =	vld [tilespmem:s18+$0xFFFFFFF0]  }
0x2d: {  	s15 =	smul.u32 $0x8100, s30;
	s14 =	sshrl.u32 s14, $0x2;
	v0 =	vld [tilespmem:s18+$0x0]  }
0x2e: {  	v1 =	vld [tilespmem:s18+$0xFFFFFFE0];
	s16 =	sor.u32 $0x4000, s14  }
0x2f: {  	s31 =	sshrl.u32 s15, $0x2;
	s15 =	sadd.s32 $0x0, s16  }
0x30: {  	s17 =	simm.s32 $0x4;
	s18 =	sadd.s32 $0x40, s18;
	s14 =	sor.u32 $0x4000, s31;
	[tilespmem:s15+$0x1830 ss:$0x81] =	vst.msk $0xffff, v3  }
.LBB1_3:
0x31: {  	v3 =	vld [tilespmem:s18+$0x10];
	p1 =	sne.s32 s17, $0x1FC;
	[tilespmem:s15+$0x810 ss:$0x81] =	vst.msk $0xffff, v2;
	s19 =	smov.u32 s17;
	s17 =	sadd.s32 $0x4, s17  }
.Ltmp3:
0x32: {  	v2 =	vld [tilespmem:s18+$0xFFFFFFF0];
	[tilespmem:s15+$0x1020 ss:$0x81] =	vst.msk $0xffff, v0;
	(pc) =	sbr.rel @p1 .LBB1_3-.Ltmp3, $4  }
0x33: {  	v0 =	vld [tilespmem:s18+$0x0];
	[tilespmem:s15+$0x0 ss:$0x81] =	vst.msk $0xffff, v1  }
0x34: {  	s15 =	sshra.s32 s19, $0x2;
	v1 =	vld [tilespmem:s18+$0xFFFFFFE0]  }
0x35: {  	s15 =	sadd.s32 s15, s16  }
0x36: {  	s18 =	sadd.s32 $0x40, s18;
	[tilespmem:s15+$0x1830 ss:$0x81] =	vst.msk $0xffff, v3  }
.Ltmp4:
0x37: {  	_ = 	snop;
	(pc) =	sbr.rel .LBB1_4-.Ltmp4, $1  }
0x38: {  	_ =	sdelay $0x3  }
.LBB1_6:
0x39: {  	_ =	sfence.sel $0x180000  }
0x3a: {  	s2 =	simm.s32 $0x1;
	[bflag:$0x0] =	sbarrier.arrive $0xFFFF  }
0x3b: {  	s31 =	simm.s32 $0x2;
	[sflag:s2] =	ssyncpa.u1 $0x1  }
0x3c: {  	[sflag:s31] =	ssyncpa.u1 $0x1  }
0x3d: {  	p0 =	sne.s32 s0, $0x0;
	_ =	strace $0x9000004A  }
0x3e: {  	s0 =	sadd.s32 @!p0 $0x100000, s1;
	[bflag:$0x2] =	sbarrier.arrive $0xFFFF  }
0x3f: {  	[sflag:s0] =	ssyncadd.tile.s32 @!p0 $0x1;
	_ =	shalt  }
.Lfunc_end1:
_tile_overlayer_lowered:
.L_overlay_start_2:
0x40: {  	(tag) =	ssettag $0x2  }
0x41: {  	s0 =	rddreg [dreg:$0x0];
	s2 =	stileid.u32  }
0x42: {  	s1 =	rddreg [dreg:$0x1];
	p0 =	sne.s32 s2, $0x0  }
0x43: {  	s3 =	rddreg [dreg:$0x2];
	[bflag:$0x3] =	sbarrier.arrive $0xFFFF;
	s2 =	simm.s32 @!p0 $0x1C01  }
0x44: {  	[timem:s3], [sflag:s2] =	dma.local @!p0 [hbm:s0], s1  }
0x45: {  	s0 =	simm.s32 @!p0 $0x1  }
0x46: {  	_ =	swait.ge @!p0 [sflag:s0], s1  }
0x47: {  	s1 =	ssub.s32 @!p0 $0x0, s1;
	[sflag:s0] =	ssyncset.done @!p0 $0x0  }
0x48: {  	[sflag:s0] =	ssyncadd.s32 @!p0 s1  }
0x49: {  	[bflag:$0x3] =	sbarrier.arrive $0xFFFF  }
0x4a: {  	_ =	shalt  }

</sc_bundles>
